<compile_context>
chip_gen: v7x
topology: tpu7x:2x2x1
jax: 0.10.2.dev20260603
libtpu: 0.0.44.dev20260713+nightly
codegen_flags: <defaults>
</compile_context>

<pallas_src>
import functools
import jax
import jax.numpy as jnp
from jax import lax
from jax.experimental import pallas as pl
from jax.experimental.pallas import tpu as pltpu
from jax.experimental.pallas import tpu_sc as plsc

NC = 2
NS = 16
NW = NC * NS



def _affine_relu(x, W, b, block):
    M, Kin = x.shape
    Dout = W.shape[0]
    b2 = b.reshape(1, Dout)

    def body(x_ref, w_ref, b_ref, o_ref):
        o_ref[...] = jax.nn.relu(
            jnp.dot(x_ref[...], w_ref[...].T, preferred_element_type=jnp.float32)
            + b_ref[...])

    return pl.pallas_call(
        body,
        grid=(M // block,),
        in_specs=[pl.BlockSpec((block, Kin), lambda i: (i, 0)),
                  pl.BlockSpec((Dout, Kin), lambda i: (0, 0)),
                  pl.BlockSpec((1, Dout), lambda i: (0, 0))],
        out_specs=pl.BlockSpec((block, Dout), lambda i: (i, 0)),
        out_shape=jax.ShapeDtypeStruct((M, Dout), jnp.float32),
    )(x, W, b2)


def _msg_kernel(xj, he, M2f, B2m, block):
    E, D = xj.shape

    def body(xj_ref, he_ref, m2_ref, b2_ref, o_ref):
        xjv = xj_ref[...]
        hev = he_ref[...]
        acc = jnp.dot(xjv, b2_ref[...], preferred_element_type=jnp.float32)
        Gall = jnp.dot(hev, m2_ref[...], preferred_element_type=jnp.float32)
        for i in range(D):
            acc = acc + xjv[:, i:i + 1] * Gall[:, i * D:(i + 1) * D]
        o_ref[...] = acc

    return pl.pallas_call(
        body,
        grid=(E // block,),
        in_specs=[pl.BlockSpec((block, D), lambda i: (i, 0)),
                  pl.BlockSpec((block, D), lambda i: (i, 0)),
                  pl.BlockSpec((D, D * D), lambda i: (0, 0)),
                  pl.BlockSpec((D, D), lambda i: (0, 0))],
        out_specs=pl.BlockSpec((block, D), lambda i: (i, 0)),
        out_shape=jax.ShapeDtypeStruct((E, D), jnp.float32),
    )(xj, he, M2f, B2m)


def _update_kernel(aggr_p, cnt_p, out, conv_root, conv_bias,
                   gru_Wih, gru_Whh, gru_bih, gru_bhh, block):
    N, D = out.shape

    def body(ap_ref, cp_ref, out_ref, root_ref, cb_ref,
             wih_ref, whh_ref, bih_ref, bhh_ref, o_ref):
        aggr = ap_ref[0] + ap_ref[1]
        cnt = jnp.clip(cp_ref[0] + cp_ref[1], 1.0, None)
        outv = out_ref[...]
        m = jax.nn.relu(
            aggr / cnt
            + jnp.dot(outv, root_ref[...], preferred_element_type=jnp.float32)
            + cb_ref[...])
        gi = jnp.dot(m, wih_ref[...].T, preferred_element_type=jnp.float32) + bih_ref[...]
        gh = jnp.dot(outv, whh_ref[...].T, preferred_element_type=jnp.float32) + bhh_ref[...]
        r = jax.nn.sigmoid(gi[:, :D] + gh[:, :D])
        z = jax.nn.sigmoid(gi[:, D:2 * D] + gh[:, D:2 * D])
        ng = jnp.tanh(gi[:, 2 * D:] + r * gh[:, 2 * D:])
        o_ref[...] = (1.0 - z) * ng + z * outv

    return pl.pallas_call(
        body,
        grid=(N // block,),
        in_specs=[pl.BlockSpec((2, block, D), lambda i: (0, i, 0)),
                  pl.BlockSpec((2, block, D), lambda i: (0, i, 0)),
                  pl.BlockSpec((block, D), lambda i: (i, 0)),
                  pl.BlockSpec((D, D), lambda i: (0, 0)),
                  pl.BlockSpec((1, D), lambda i: (0, 0)),
                  pl.BlockSpec((3 * D, D), lambda i: (0, 0)),
                  pl.BlockSpec((3 * D, D), lambda i: (0, 0)),
                  pl.BlockSpec((1, 3 * D), lambda i: (0, 0)),
                  pl.BlockSpec((1, 3 * D), lambda i: (0, 0))],
        out_specs=pl.BlockSpec((block, D), lambda i: (i, 0)),
        out_shape=jax.ShapeDtypeStruct((N, D), jnp.float32),
    )(aggr_p, cnt_p, out, conv_root, conv_bias.reshape(1, D),
      gru_Wih, gru_Whh, gru_bih.reshape(1, 3 * D), gru_bhh.reshape(1, 3 * D))


def _set2set_kernel(out, s2s_Wih, s2s_Whh, s2s_bih, s2s_bhh,
                    mem_Wih, mem_Whh, mem_bih, mem_bhh):
    N, D = out.shape

    def body(out_ref, swih_ref, swhh_ref, sbih_ref, sbhh_ref,
             mwih_ref, mwhh_ref, mbih_ref, mbhh_ref, hx_ref, cx_ref):
        outv = out_ref[...]
        q_star = jnp.zeros((1, 2 * D), jnp.float32)
        hh = jnp.zeros((1, D), jnp.float32)
        cc = jnp.zeros((1, D), jnp.float32)
        for _ in range(6):
            g = (jnp.dot(q_star, swih_ref[...].T, preferred_element_type=jnp.float32)
                 + sbih_ref[...]
                 + jnp.dot(hh, swhh_ref[...].T, preferred_element_type=jnp.float32)
                 + sbhh_ref[...])
            ig = g[:, :D]
            fg = g[:, D:2 * D]
            gg = g[:, 2 * D:3 * D]
            og = g[:, 3 * D:]
            cc = jax.nn.sigmoid(fg) * cc + jax.nn.sigmoid(ig) * jnp.tanh(gg)
            hh = jax.nn.sigmoid(og) * jnp.tanh(cc)
            q = hh
            e = jnp.sum(outv * q, axis=1, keepdims=True)
            a = jnp.exp(e - jnp.max(e))
            a = a / jnp.sum(a)
            r_t = jnp.sum(a * outv, axis=0, keepdims=True)
            q_star = jnp.concatenate([q, r_t], axis=1)
        g = (jnp.dot(q_star, mwih_ref[...].T, preferred_element_type=jnp.float32)
             + mbih_ref[...] + mbhh_ref[...])
        ig = g[:, :D]
        fg = g[:, D:2 * D]
        gg = g[:, 2 * D:3 * D]
        og = g[:, 3 * D:]
        cx = jax.nn.sigmoid(fg) * 0.0 + jax.nn.sigmoid(ig) * jnp.tanh(gg)
        hx = jax.nn.sigmoid(og) * jnp.tanh(cx)
        hx_ref[...] = hx
        cx_ref[...] = cx

    full = lambda s: pl.BlockSpec(s, lambda: tuple(0 for _ in s))
    return pl.pallas_call(
        body,
        in_specs=[full((N, D)), full((4 * D, 2 * D)), full((4 * D, D)),
                  full((1, 4 * D)), full((1, 4 * D)),
                  full((4 * D, 2 * D)), full((4 * D, D)),
                  full((1, 4 * D)), full((1, 4 * D))],
        out_specs=[full((1, D)), full((1, D))],
        out_shape=[jax.ShapeDtypeStruct((1, D), jnp.float32),
                   jax.ShapeDtypeStruct((1, D), jnp.float32)],
    )(out, s2s_Wih, s2s_Whh, s2s_bih.reshape(1, -1), s2s_bhh.reshape(1, -1),
      mem_Wih, mem_Whh, mem_bih.reshape(1, -1), mem_bhh.reshape(1, -1))


def _head_kernel(zc, lin1_W, lin1_b, lin2_W, lin2_b):
    K, F = zc.shape
    D = lin1_W.shape[0]
    A = lin2_W.shape[0]

    def body(z_ref, w1_ref, b1_ref, w2_ref, b2_ref, o_ref):
        h = jax.nn.relu(
            jnp.dot(z_ref[...], w1_ref[...].T, preferred_element_type=jnp.float32)
            + b1_ref[...])
        o_ref[...] = (jnp.dot(h, w2_ref[...].T, preferred_element_type=jnp.float32)
                      + b2_ref[...])

    full = lambda s: pl.BlockSpec(s, lambda: tuple(0 for _ in s))
    return pl.pallas_call(
        body,
        in_specs=[full((K, F)), full((D, F)), full((1, D)),
                  full((A, D)), full((1, A))],
        out_specs=full((K, A)),
        out_shape=jax.ShapeDtypeStruct((K, A), jnp.float32),
    )(zc, lin1_W, lin1_b.reshape(1, D), lin2_W, lin2_b.reshape(1, A))



def _sc_gather(table, idx):
    B = idx.shape[0]
    V, D = table.shape
    per_w = B // NW
    nfull = per_w // 128
    rem = per_w % 128
    mesh = plsc.VectorSubcoreMesh(core_axis_name="c", subcore_axis_name="s")

    scratch = [pltpu.VMEM((128,), jnp.int32),
               pltpu.VMEM((128, D), jnp.float32)]
    if rem:
        scratch += [pltpu.VMEM((rem,), jnp.int32),
                    pltpu.VMEM((rem, D), jnp.float32)]
    scratch += [pltpu.SemaphoreType.DMA]

    @functools.partial(
        pl.kernel, mesh=mesh,
        out_type=jax.ShapeDtypeStruct((B, D), jnp.float32),
        scratch_types=scratch,
        compiler_params=pltpu.CompilerParams(use_tc_tiling_on_sc=False))
    def k(table_hbm, idx_hbm, out_hbm, *sc):
        if rem:
            idx_v, rows_v, idx_v2, rows_v2, sem = sc
        else:
            idx_v, rows_v, sem = sc
        wid = lax.axis_index("s") * NC + lax.axis_index("c")
        base = wid * per_w

        def step(j, carry):
            off = base + j * 128
            pltpu.sync_copy(idx_hbm.at[pl.ds(off, 128)], idx_v)
            pltpu.async_copy(table_hbm.at[idx_v], rows_v, sem).wait()
            pltpu.sync_copy(rows_v, out_hbm.at[pl.ds(off, 128)])
            return carry

        if nfull:
            lax.fori_loop(0, nfull, step, 0)
        if rem:
            off = base + nfull * 128
            pltpu.sync_copy(idx_hbm.at[pl.ds(off, rem)], idx_v2)
            pltpu.async_copy(table_hbm.at[idx_v2], rows_v2, sem).wait()
            pltpu.sync_copy(rows_v2, out_hbm.at[pl.ds(off, rem)])

    return k(table, idx)


def _sc_scatter_add(msg, dst, zeros_nd):
    E, D = msg.shape
    N = zeros_nd.shape[0]
    E2 = E // NC
    per_w = E2 // NS
    nfull = per_w // 128
    rem = per_w % 128
    mesh = plsc.VectorSubcoreMesh(core_axis_name="c", subcore_axis_name="s")

    scratch = [pltpu.VMEM((128,), jnp.int32),
               pltpu.VMEM((128, D), jnp.float32)]
    if rem:
        scratch += [pltpu.VMEM((rem,), jnp.int32),
                    pltpu.VMEM((rem, D), jnp.float32)]
    scratch += [pltpu.VMEM_SHARED((N, D), jnp.float32)]

    @functools.partial(
        pl.kernel, mesh=mesh,
        out_type=jax.ShapeDtypeStruct((NC, N, D), jnp.float32),
        scratch_types=scratch,
        compiler_params=pltpu.CompilerParams(use_tc_tiling_on_sc=False))
    def k(msg_hbm, dst_hbm, zero_hbm, out_hbm, *sc):
        if rem:
            idx_v, rows_v, idx_v2, rows_v2, shared = sc
        else:
            idx_v, rows_v, shared = sc
        c = lax.axis_index("c")
        s = lax.axis_index("s")

        @pl.when(s == 0)
        def _():
            pltpu.sync_copy(zero_hbm, shared)

        plsc.subcore_barrier()
        base = c * E2 + s * per_w

        def step(j, carry):
            off = base + j * 128
            pltpu.sync_copy(dst_hbm.at[pl.ds(off, 128)], idx_v)
            pltpu.sync_copy(msg_hbm.at[pl.ds(off, 128)], rows_v)
            pltpu.sync_copy(rows_v, shared.at[idx_v], add=True)
            return carry

        if nfull:
            lax.fori_loop(0, nfull, step, 0)
        if rem:
            off = base + nfull * 128
            pltpu.sync_copy(dst_hbm.at[pl.ds(off, rem)], idx_v2)
            pltpu.sync_copy(msg_hbm.at[pl.ds(off, rem)], rows_v2)
            pltpu.sync_copy(rows_v2, shared.at[idx_v2], add=True)

        plsc.subcore_barrier()

        @pl.when(s == 0)
        def _():
            pltpu.sync_copy(shared, out_hbm.at[c])

    return k(msg, dst, zeros_nd)



@jax.jit
def kernel(x, edge_attr, lin0_W, lin0_b, mlp_W1, mlp_b1, mlp_W2, mlp_b2,
           conv_root, conv_bias, gru_Wih, gru_Whh, gru_bih, gru_bhh,
           s2s_Wih, s2s_Whh, s2s_bih, s2s_bhh, mem_Wih, mem_Whh, mem_bih,
           mem_bhh, lin1_W, lin1_b, lin2_W, lin2_b, edge_index, batch, nonring):
    N, _ = x.shape
    E = edge_attr.shape[0]
    D = lin0_W.shape[0]
    src = edge_index[0]
    dst = edge_index[1]

    M2f = mlp_W2.T
    B2m = mlp_b2.reshape(D, D)
    zeros_nd = jnp.zeros((N, D), jnp.float32)
    ones_e = jnp.ones((E, D), jnp.float32)

    out = _affine_relu(x, lin0_W, lin0_b, block=2000)
    he = _affine_relu(edge_attr, mlp_W1, mlp_b1, block=4000)

    cnt_p = _sc_scatter_add(ones_e, dst, zeros_nd)

    for _ in range(6):
        xj = _sc_gather(out, src)
        msg = _msg_kernel(xj, he, M2f, B2m, block=2000)
        aggr_p = _sc_scatter_add(msg, dst, zeros_nd)
        out = _update_kernel(aggr_p, cnt_p, out, conv_root, conv_bias,
                             gru_Wih, gru_Whh, gru_bih, gru_bhh, block=2000)

    hx, cx = _set2set_kernel(out, s2s_Wih, s2s_Whh, s2s_bih, s2s_bhh,
                             mem_Wih, mem_Whh, mem_bih, mem_bhh)

    sel = _sc_gather(out, nonring.reshape(-1))
    sel = sel.reshape(4 * D, -1).T
    rep = jnp.repeat(hx.reshape(-1), sel.shape[0]).reshape(sel.shape[0], -1)
    zc = jnp.concatenate([sel, rep], axis=1)
    zc = _head_kernel(zc, lin1_W, lin1_b, lin2_W, lin2_b)
    return zc, hx, cx

# --- scband reference (transcript-rebuilt; emitter-appended) ---
"""Pipeline reference for scband-actor-net-61229053772334 (READ-ONLY COPY).

The authoritative reference and input builder live on the scoring server;
editing this copy changes nothing except your own understanding.
"""

import jax, jax.numpy as jnp
import numpy as np

N = 10000
E = 160000
DIM = 16
ACTION_DIM = 8
K = 512


def setup_inputs(seed: int = 0):
    key = jax.random.key(seed)
    ks = jax.random.split(key, 40)

    def nrm(k, shape):
        return jax.random.normal(k, shape, dtype=jnp.float32) * 0.1

    inp = {}
    inp["x"] = jax.random.normal(ks[0], (N, 3), dtype=jnp.float32)
    inp["edge_attr"] = jax.random.uniform(ks[1], (E, 7), dtype=jnp.float32)
    inp["lin0_W"] = nrm(ks[2], (DIM, 3))
    inp["lin0_b"] = jnp.zeros((DIM,), dtype=jnp.float32)
    inp["mlp_W1"] = nrm(ks[3], (DIM, 7))
    inp["mlp_b1"] = jnp.zeros((DIM,), dtype=jnp.float32)
    inp["mlp_W2"] = nrm(ks[4], (DIM * DIM, DIM)) * 0.1
    inp["mlp_b2"] = jnp.zeros((DIM * DIM,), dtype=jnp.float32)
    inp["conv_root"] = nrm(ks[5], (DIM, DIM))
    inp["conv_bias"] = jnp.zeros((DIM,), dtype=jnp.float32)
    inp["gru_Wih"] = nrm(ks[6], (3 * DIM, DIM))
    inp["gru_Whh"] = nrm(ks[7], (3 * DIM, DIM))
    inp["gru_bih"] = jnp.zeros((3 * DIM,), dtype=jnp.float32)
    inp["gru_bhh"] = jnp.zeros((3 * DIM,), dtype=jnp.float32)
    inp["s2s_Wih"] = nrm(ks[8], (4 * DIM, 2 * DIM))
    inp["s2s_Whh"] = nrm(ks[9], (4 * DIM, DIM))
    inp["s2s_bih"] = jnp.zeros((4 * DIM,), dtype=jnp.float32)
    inp["s2s_bhh"] = jnp.zeros((4 * DIM,), dtype=jnp.float32)
    inp["mem_Wih"] = nrm(ks[10], (4 * DIM, 2 * DIM))
    inp["mem_Whh"] = nrm(ks[11], (4 * DIM, DIM))
    inp["mem_bih"] = jnp.zeros((4 * DIM,), dtype=jnp.float32)
    inp["mem_bhh"] = jnp.zeros((4 * DIM,), dtype=jnp.float32)
    inp["lin1_W"] = nrm(ks[12], (DIM, 5 * DIM))
    inp["lin1_b"] = jnp.zeros((DIM,), dtype=jnp.float32)
    inp["lin2_W"] = nrm(ks[13], (ACTION_DIM, DIM))
    inp["lin2_b"] = jnp.zeros((ACTION_DIM,), dtype=jnp.float32)
    inp["edge_index"] = jax.random.randint(ks[14], (2, E), 0, N, dtype=jnp.int32)
    inp["batch"] = jnp.zeros((N,), dtype=jnp.int32)
    inp["nonring"] = jax.random.randint(ks[15], (K, 4), 0, N, dtype=jnp.int32)
    return inp


def _forward(x, edge_attr, lin0_W, lin0_b, mlp_W1, mlp_b1, mlp_W2, mlp_b2,
             conv_root, conv_bias, gru_Wih, gru_Whh, gru_bih, gru_bhh,
             s2s_Wih, s2s_Whh, s2s_bih, s2s_bhh, mem_Wih, mem_Whh, mem_bih,
             mem_bhh, lin1_W, lin1_b, lin2_W, lin2_b, edge_index, batch, nonring):
    dim = lin0_W.shape[0]
    n = x.shape[0]
    src = edge_index[0]
    dst = edge_index[1]
    # lin0 + relu
    out = jax.nn.relu(x @ lin0_W.T + lin0_b)
    h = out  # GRU hidden state, [N, dim] (N acts as batch)
    # NNConv edge network: 7 -> dim -> dim*dim (edge_attr is loop-invariant)
    We = jax.nn.relu(edge_attr @ mlp_W1.T + mlp_b1) @ mlp_W2.T + mlp_b2
    We = We.reshape(-1, dim, dim)
    ones_e = jnp.ones((edge_index.shape[1],), dtype=jnp.float32)
    cnt = jnp.clip(jax.ops.segment_sum(ones_e, dst, num_segments=n), 1.0, None)
    for _ in range(6):
        # NNConv with aggr='mean' + root weight + bias
        xj = out[src]
        msg = jnp.einsum('ei,eio->eo', xj, We)
        aggr = jax.ops.segment_sum(msg, dst, num_segments=n) / cnt[:, None]
        m = jax.nn.relu(aggr + out @ conv_root + conv_bias)
        # GRU step (seq_len=1, batch=N)
        gi = m @ gru_Wih.T + gru_bih
        gh = h @ gru_Whh.T + gru_bhh
        i_r, i_z, i_n = jnp.split(gi, 3, axis=1)
        h_r, h_z, h_n = jnp.split(gh, 3, axis=1)
        r = jax.nn.sigmoid(i_r + h_r)
        z = jax.nn.sigmoid(i_z + h_z)
        ng = jnp.tanh(i_n + r * h_n)
        h = (1.0 - z) * ng + z * h
        out = h
    # Set2Set, processing_steps=6, single graph (batch all zero)
    B = 1
    q_star = jnp.zeros((B, 2 * dim), dtype=x.dtype)
    hh = jnp.zeros((B, dim), dtype=x.dtype)
    cc = jnp.zeros((B, dim), dtype=x.dtype)
    for _ in range(6):
        g = q_star @ s2s_Wih.T + s2s_bih + hh @ s2s_Whh.T + s2s_bhh
        ig, fg, gg, og = jnp.split(g, 4, axis=1)
        cc = jax.nn.sigmoid(fg) * cc + jax.nn.sigmoid(ig) * jnp.tanh(gg)
        hh = jax.nn.sigmoid(og) * jnp.tanh(cc)
        q = hh
        e = jnp.sum(out * q[batch], axis=-1)
        e_max = jax.ops.segment_max(e, batch, num_segments=B)
        a = jnp.exp(e - e_max[batch])
        a_sum = jax.ops.segment_sum(a, batch, num_segments=B)
        a = a / a_sum[batch]
        r_t = jax.ops.segment_sum(a[:, None] * out, batch, num_segments=B)
        q_star = jnp.concatenate([q, r_t], axis=-1)
    pool = q_star  # [1, 2*dim]
    # memory LSTM, one step, batch 1, states=None -> zeros
    hx = jnp.zeros((1, dim), dtype=x.dtype)
    cx = jnp.zeros((1, dim), dtype=x.dtype)
    g = pool @ mem_Wih.T + mem_bih + hx @ mem_Whh.T + mem_bhh
    ig, fg, gg, og = jnp.split(g, 4, axis=1)
    cx = jax.nn.sigmoid(fg) * cx + jax.nn.sigmoid(ig) * jnp.tanh(gg)
    hx = jax.nn.sigmoid(og) * jnp.tanh(cx)
    lstm_out = hx  # [1, dim]
    # index_select + view(4*dim, -1) + permute, exactly as torch
    sel = out[nonring.reshape(-1)]        # [4K, dim]
    sel = sel.reshape(4 * dim, -1).T      # [K, 4*dim]
    rep = jnp.repeat(lstm_out.reshape(-1), sel.shape[0]).reshape(sel.shape[0], -1)
    zc = jnp.concatenate([sel, rep], axis=1)  # [K, 5*dim]
    zc = jax.nn.relu(zc @ lin1_W.T + lin1_b)
    zc = zc @ lin2_W.T + lin2_b
    return zc, hx, cx


def reference(x, edge_attr, lin0_W, lin0_b, mlp_W1, mlp_b1, mlp_W2, mlp_b2,
              conv_root, conv_bias, gru_Wih, gru_Whh, gru_bih, gru_bhh,
              s2s_Wih, s2s_Whh, s2s_bih, s2s_bhh, mem_Wih, mem_Whh, mem_bih,
              mem_bhh, lin1_W, lin1_b, lin2_W, lin2_b, edge_index, batch, nonring):
    return _forward(x, edge_attr, lin0_W, lin0_b, mlp_W1, mlp_b1, mlp_W2, mlp_b2,
                    conv_root, conv_bias, gru_Wih, gru_Whh, gru_bih, gru_bhh,
                    s2s_Wih, s2s_Whh, s2s_bih, s2s_bhh, mem_Wih, mem_Whh, mem_bih,
                    mem_bhh, lin1_W, lin1_b, lin2_W, lin2_b, edge_index, batch, nonring)


if False:  # reference __main__ guard neutralized (emitter)
    out = reference(**setup_inputs())
    print(out[0].shape, out[1].shape, out[2].shape)

if __name__ == "__main__":
    import jax
    _d = setup_inputs()
    print(jax.jit(kernel)(*tuple(_d.values())))

</pallas_src>

<mosaic_0001>
#map = affine_map<(d0, d1) -> (0, 0)>
#map1 = affine_map<(d0, d1) -> (0)>
module attributes {stable_mosaic.version = 14 : i64} {
  func.func @k(%arg0: i32, %arg1: i32, %arg2: memref<10000x16xf32, #tpu.memory_space<hbm>>, %arg3: memref<160000xi32, #tpu.memory_space<hbm>>, %arg4: memref<160000x16xf32, #tpu.memory_space<hbm>>, %arg5: memref<128xi32, #tpu.memory_space<vmem>>, %arg6: memref<128x16xf32, #tpu.memory_space<vmem>>, %arg7: memref<8xi32, #tpu.memory_space<vmem>>, %arg8: memref<8x16xf32, #tpu.memory_space<vmem>>, %arg9: memref<!tpu.dma_semaphore, #tpu.memory_space<semaphore_mem>>) attributes {dimension_semantics = [#tpu.dimension_semantics<core_parallel>, #tpu.dimension_semantics<subcore_parallel>], iteration_bounds = array<i64: 2, 16>, scalar_prefetch = 0 : i64, scratch_operands = 5 : i64, tpu.core_type = #tpu.core_type<sc_vector_subcore>, window_params = [{transform_indices = #map}, {transform_indices = #map1}, {transform_indices = #map}]} {
    %mul3A = arith.constant 2 : i32
    %mul3A_0 = arith.muli %arg1, %mul3A : i32
    %add3A = arith.addi %mul3A_0, %arg0 : i32
    %mul3A_1 = arith.constant 5000 : i32
    %mul3A_2 = arith.muli %add3A, %mul3A_1 : i32
    %scan3A = arith.constant 0 : i32
    %scan3A_3 = arith.constant 0 : i32
    %scan3A_4 = arith.constant 39 : i32
    %scan3A_5 = arith.addi %scan3A_3, %scan3A_4 : i32
    %scan3A_6 = arith.constant 1 : i32
    scf.for %scan3A_14 = %scan3A_3 to %scan3A_5 step %scan3A_6  : i32 {
      %mul3A_15 = arith.constant 128 : i32
      %mul3A_16 = arith.muli %scan3A_14, %mul3A_15 : i32
      %add3A_17 = arith.addi %mul3A_2, %mul3A_16 : i32
      "tpu.region"() ({
        %run_scoped3A = tpu.sem_alloc : memref<!tpu.dma_semaphore, #tpu.memory_space<semaphore_mem>>
        %dma_start3A_24 = tpu.memref_slice %arg3[%add3A_17] : memref<160000xi32, #tpu.memory_space<hbm>> -> memref<128xi32, #tpu.memory_space<hbm>>
        %dma_start3A_25 = tpu.memref_slice %arg3[%add3A_17] : memref<160000xi32, #tpu.memory_space<hbm>> -> memref<128xi32, #tpu.memory_space<hbm>>
        tpu.enqueue_dma source(%dma_start3A_25 : memref<128xi32, #tpu.memory_space<hbm>>) target(%arg5 : memref<128xi32, #tpu.memory_space<vmem>>) target_semaphore(%run_scoped3A : memref<!tpu.dma_semaphore, #tpu.memory_space<semaphore_mem>>)
        %dma_wait3A_26 = tpu.memref_slice %arg3[%add3A_17] : memref<160000xi32, #tpu.memory_space<hbm>> -> memref<128xi32, #tpu.memory_space<hbm>>
        %dma_wait3A_27 = tpu.memref_slice %arg3[%add3A_17] : memref<160000xi32, #tpu.memory_space<hbm>> -> memref<128xi32, #tpu.memory_space<hbm>>
        tpu.wait_dma2 semaphore(%run_scoped3A : memref<!tpu.dma_semaphore, #tpu.memory_space<semaphore_mem>>) src(%dma_wait3A_27 : memref<128xi32, #tpu.memory_space<hbm>>) dst(%arg5 : memref<128xi32, #tpu.memory_space<vmem>>)
        tpu.yield
      }) : () -> ()
      %dma_start3A_18 = arith.constant 0 : i32
      %dma_start3A_19 = arith.constant 0 : i32
      %dma_start3A_20 = tpu.memref_slice %arg2[%dma_start3A_18, %dma_start3A_19] : memref<10000x16xf32, #tpu.memory_space<hbm>> -> memref<10000x16xf32, #tpu.memory_space<hbm>>
      tpu.enqueue_indirect_dma source(%dma_start3A_20 : memref<10000x16xf32, #tpu.memory_space<hbm>>) target(%arg6 : memref<128x16xf32, #tpu.memory_space<vmem>>) offsets(%arg5 : memref<128xi32, #tpu.memory_space<vmem>>) semaphore(%arg9 : memref<!tpu.dma_semaphore, #tpu.memory_space<semaphore_mem>>)
      %dma_wait3A_21 = arith.constant 0 : i32
      %dma_wait3A_22 = arith.constant 0 : i32
      %dma_wait3A_23 = tpu.memref_slice %arg2[%dma_wait3A_21, %dma_wait3A_22] : memref<10000x16xf32, #tpu.memory_space<hbm>> -> memref<10000x16xf32, #tpu.memory_space<hbm>>
      tpu.wait_indirect_dma semaphore(%arg9 : memref<!tpu.dma_semaphore, #tpu.memory_space<semaphore_mem>>) src(%dma_wait3A_23 : memref<10000x16xf32, #tpu.memory_space<hbm>>) dst(%arg6 : memref<128x16xf32, #tpu.memory_space<vmem>>)
      "tpu.region"() ({
        %run_scoped3A = tpu.sem_alloc : memref<!tpu.dma_semaphore, #tpu.memory_space<semaphore_mem>>
        %dma_start3A_24 = arith.constant 0 : i32
        %dma_start3A_25 = tpu.memref_slice %arg4[%add3A_17, %dma_start3A_24] : memref<160000x16xf32, #tpu.memory_space<hbm>> -> memref<128x16xf32, #tpu.memory_space<hbm>>
        %dma_start3A_26 = arith.constant 0 : i32
        %dma_start3A_27 = tpu.memref_slice %arg4[%add3A_17, %dma_start3A_26] : memref<160000x16xf32, #tpu.memory_space<hbm>> -> memref<128x16xf32, #tpu.memory_space<hbm>>
        tpu.enqueue_dma source(%arg6 : memref<128x16xf32, #tpu.memory_space<vmem>>) target(%dma_start3A_27 : memref<128x16xf32, #tpu.memory_space<hbm>>) target_semaphore(%run_scoped3A : memref<!tpu.dma_semaphore, #tpu.memory_space<semaphore_mem>>)
        %dma_wait3A_28 = arith.constant 0 : i32
        %dma_wait3A_29 = tpu.memref_slice %arg4[%add3A_17, %dma_wait3A_28] : memref<160000x16xf32, #tpu.memory_space<hbm>> -> memref<128x16xf32, #tpu.memory_space<hbm>>
        %dma_wait3A_30 = arith.constant 0 : i32
        %dma_wait3A_31 = tpu.memref_slice %arg4[%add3A_17, %dma_wait3A_30] : memref<160000x16xf32, #tpu.memory_space<hbm>> -> memref<128x16xf32, #tpu.memory_space<hbm>>
        tpu.wait_dma2 semaphore(%run_scoped3A : memref<!tpu.dma_semaphore, #tpu.memory_space<semaphore_mem>>) src(%arg6 : memref<128x16xf32, #tpu.memory_space<vmem>>) dst(%dma_wait3A_31 : memref<128x16xf32, #tpu.memory_space<hbm>>)
        tpu.yield
      }) : () -> ()
    }
    %scan3A_7 = arith.constant 39 : i32
    %add3A_8 = arith.constant 4992 : i32
    %add3A_9 = arith.addi %mul3A_2, %add3A_8 : i32
    "tpu.region"() ({
      %run_scoped3A = tpu.sem_alloc : memref<!tpu.dma_semaphore, #tpu.memory_space<semaphore_mem>>
      %dma_start3A_14 = tpu.memref_slice %arg3[%add3A_9] : memref<160000xi32, #tpu.memory_space<hbm>> -> memref<8xi32, #tpu.memory_space<hbm>>
      %dma_start3A_15 = tpu.memref_slice %arg3[%add3A_9] : memref<160000xi32, #tpu.memory_space<hbm>> -> memref<8xi32, #tpu.memory_space<hbm>>
      tpu.enqueue_dma source(%dma_start3A_15 : memref<8xi32, #tpu.memory_space<hbm>>) target(%arg7 : memref<8xi32, #tpu.memory_space<vmem>>) target_semaphore(%run_scoped3A : memref<!tpu.dma_semaphore, #tpu.memory_space<semaphore_mem>>)
      %dma_wait3A_16 = tpu.memref_slice %arg3[%add3A_9] : memref<160000xi32, #tpu.memory_space<hbm>> -> memref<8xi32, #tpu.memory_space<hbm>>
      %dma_wait3A_17 = tpu.memref_slice %arg3[%add3A_9] : memref<160000xi32, #tpu.memory_space<hbm>> -> memref<8xi32, #tpu.memory_space<hbm>>
      tpu.wait_dma2 semaphore(%run_scoped3A : memref<!tpu.dma_semaphore, #tpu.memory_space<semaphore_mem>>) src(%dma_wait3A_17 : memref<8xi32, #tpu.memory_space<hbm>>) dst(%arg7 : memref<8xi32, #tpu.memory_space<vmem>>)
      tpu.yield
    }) : () -> ()
    %dma_start3A = arith.constant 0 : i32
    %dma_start3A_10 = arith.constant 0 : i32
    %dma_start3A_11 = tpu.memref_slice %arg2[%dma_start3A, %dma_start3A_10] : memref<10000x16xf32, #tpu.memory_space<hbm>> -> memref<10000x16xf32, #tpu.memory_space<hbm>>
    tpu.enqueue_indirect_dma source(%dma_start3A_11 : memref<10000x16xf32, #tpu.memory_space<hbm>>) target(%arg8 : memref<8x16xf32, #tpu.memory_space<vmem>>) offsets(%arg7 : memref<8xi32, #tpu.memory_space<vmem>>) semaphore(%arg9 : memref<!tpu.dma_semaphore, #tpu.memory_space<semaphore_mem>>)
    %dma_wait3A = arith.constant 0 : i32
    %dma_wait3A_12 = arith.constant 0 : i32
    %dma_wait3A_13 = tpu.memref_slice %arg2[%dma_wait3A, %dma_wait3A_12] : memref<10000x16xf32, #tpu.memory_space<hbm>> -> memref<10000x16xf32, #tpu.memory_space<hbm>>
    tpu.wait_indirect_dma semaphore(%arg9 : memref<!tpu.dma_semaphore, #tpu.memory_space<semaphore_mem>>) src(%dma_wait3A_13 : memref<10000x16xf32, #tpu.memory_space<hbm>>) dst(%arg8 : memref<8x16xf32, #tpu.memory_space<vmem>>)
    "tpu.region"() ({
      %run_scoped3A = tpu.sem_alloc : memref<!tpu.dma_semaphore, #tpu.memory_space<semaphore_mem>>
      %dma_start3A_14 = arith.constant 0 : i32
      %dma_start3A_15 = tpu.memref_slice %arg4[%add3A_9, %dma_start3A_14] : memref<160000x16xf32, #tpu.memory_space<hbm>> -> memref<8x16xf32, #tpu.memory_space<hbm>>
      %dma_start3A_16 = arith.constant 0 : i32
      %dma_start3A_17 = tpu.memref_slice %arg4[%add3A_9, %dma_start3A_16] : memref<160000x16xf32, #tpu.memory_space<hbm>> -> memref<8x16xf32, #tpu.memory_space<hbm>>
      tpu.enqueue_dma source(%arg8 : memref<8x16xf32, #tpu.memory_space<vmem>>) target(%dma_start3A_17 : memref<8x16xf32, #tpu.memory_space<hbm>>) target_semaphore(%run_scoped3A : memref<!tpu.dma_semaphore, #tpu.memory_space<semaphore_mem>>)
      %dma_wait3A_18 = arith.constant 0 : i32
      %dma_wait3A_19 = tpu.memref_slice %arg4[%add3A_9, %dma_wait3A_18] : memref<160000x16xf32, #tpu.memory_space<hbm>> -> memref<8x16xf32, #tpu.memory_space<hbm>>
      %dma_wait3A_20 = arith.constant 0 : i32
      %dma_wait3A_21 = tpu.memref_slice %arg4[%add3A_9, %dma_wait3A_20] : memref<160000x16xf32, #tpu.memory_space<hbm>> -> memref<8x16xf32, #tpu.memory_space<hbm>>
      tpu.wait_dma2 semaphore(%run_scoped3A : memref<!tpu.dma_semaphore, #tpu.memory_space<semaphore_mem>>) src(%arg8 : memref<8x16xf32, #tpu.memory_space<vmem>>) dst(%dma_wait3A_21 : memref<8x16xf32, #tpu.memory_space<hbm>>)
      tpu.yield
    }) : () -> ()
    return
  }
}

#map = affine_map<(d0, d1) -> (0, 0)>
#map1 = affine_map<(d0, d1) -> (0)>
module attributes {stable_mosaic.version = 14 : i64} {
  func.func @k(%arg0: i32, %arg1: i32, %arg2: memref<10000x16xf32, #tpu.memory_space<hbm>>, %arg3: memref<160000xi32, #tpu.memory_space<hbm>>, %arg4: memref<160000x16xf32, #tpu.memory_space<hbm>>, %arg5: memref<128xi32, #tpu.memory_space<vmem>>, %arg6: memref<128x16xf32, #tpu.memory_space<vmem>>, %arg7: memref<8xi32, #tpu.memory_space<vmem>>, %arg8: memref<8x16xf32, #tpu.memory_space<vmem>>, %arg9: memref<!tpu.dma_semaphore, #tpu.memory_space<semaphore_mem>>) attributes {dimension_semantics = [#tpu.dimension_semantics<core_parallel>, #tpu.dimension_semantics<subcore_parallel>], iteration_bounds = array<i64: 2, 16>, scalar_prefetch = 0 : i64, scratch_operands = 5 : i64, tpu.core_type = #tpu.core_type<sc_vector_subcore>, window_params = [{transform_indices = #map}, {transform_indices = #map1}, {transform_indices = #map}]} {
    %mul3A = arith.constant 2 : i32
    %mul3A_0 = arith.muli %arg1, %mul3A : i32
    %add3A = arith.addi %mul3A_0, %arg0 : i32
    %mul3A_1 = arith.constant 5000 : i32
    %mul3A_2 = arith.muli %add3A, %mul3A_1 : i32
    %scan3A = arith.constant 0 : i32
    %scan3A_3 = arith.constant 0 : i32
    %scan3A_4 = arith.constant 39 : i32
    %scan3A_5 = arith.addi %scan3A_3, %scan3A_4 : i32
    %scan3A_6 = arith.constant 1 : i32
    scf.for %scan3A_14 = %scan3A_3 to %scan3A_5 step %scan3A_6  : i32 {
      %mul3A_15 = arith.constant 128 : i32
      %mul3A_16 = arith.muli %scan3A_14, %mul3A_15 : i32
      %add3A_17 = arith.addi %mul3A_2, %mul3A_16 : i32
      "tpu.region"() ({
        %run_scoped3A = tpu.sem_alloc : memref<!tpu.dma_semaphore, #tpu.memory_space<semaphore_mem>>
        %dma_start3A_24 = tpu.memref_slice %arg3[%add3A_17] : memref<160000xi32, #tpu.memory_space<hbm>> -> memref<128xi32, #tpu.memory_space<hbm>>
        %dma_start3A_25 = tpu.memref_slice %arg3[%add3A_17] : memref<160000xi32, #tpu.memory_space<hbm>> -> memref<128xi32, #tpu.memory_space<hbm>>
        tpu.enqueue_dma source(%dma_start3A_25 : memref<128xi32, #tpu.memory_space<hbm>>) target(%arg5 : memref<128xi32, #tpu.memory_space<vmem>>) target_semaphore(%run_scoped3A : memref<!tpu.dma_semaphore, #tpu.memory_space<semaphore_mem>>)
        %dma_wait3A_26 = tpu.memref_slice %arg3[%add3A_17] : memref<160000xi32, #tpu.memory_space<hbm>> -> memref<128xi32, #tpu.memory_space<hbm>>
        %dma_wait3A_27 = tpu.memref_slice %arg3[%add3A_17] : memref<160000xi32, #tpu.memory_space<hbm>> -> memref<128xi32, #tpu.memory_space<hbm>>
        tpu.wait_dma2 semaphore(%run_scoped3A : memref<!tpu.dma_semaphore, #tpu.memory_space<semaphore_mem>>) src(%dma_wait3A_27 : memref<128xi32, #tpu.memory_space<hbm>>) dst(%arg5 : memref<128xi32, #tpu.memory_space<vmem>>)
        tpu.yield
      }) : () -> ()
      %dma_start3A_18 = arith.constant 0 : i32
      %dma_start3A_19 = arith.constant 0 : i32
      %dma_start3A_20 = tpu.memref_slice %arg2[%dma_start3A_18, %dma_start3A_19] : memref<10000x16xf32, #tpu.memory_space<hbm>> -> memref<10000x16xf32, #tpu.memory_space<hbm>>
      tpu.enqueue_indirect_dma source(%dma_start3A_20 : memref<10000x16xf32, #tpu.memory_space<hbm>>) target(%arg6 : memref<128x16xf32, #tpu.memory_space<vmem>>) offsets(%arg5 : memref<128xi32, #tpu.memory_space<vmem>>) semaphore(%arg9 : memref<!tpu.dma_semaphore, #tpu.memory_space<semaphore_mem>>)
      %dma_wait3A_21 = arith.constant 0 : i32
      %dma_wait3A_22 = arith.constant 0 : i32
      %dma_wait3A_23 = tpu.memref_slice %arg2[%dma_wait3A_21, %dma_wait3A_22] : memref<10000x16xf32, #tpu.memory_space<hbm>> -> memref<10000x16xf32, #tpu.memory_space<hbm>>
      tpu.wait_indirect_dma semaphore(%arg9 : memref<!tpu.dma_semaphore, #tpu.memory_space<semaphore_mem>>) src(%dma_wait3A_23 : memref<10000x16xf32, #tpu.memory_space<hbm>>) dst(%arg6 : memref<128x16xf32, #tpu.memory_space<vmem>>)
      "tpu.region"() ({
        %run_scoped3A = tpu.sem_alloc : memref<!tpu.dma_semaphore, #tpu.memory_space<semaphore_mem>>
        %dma_start3A_24 = arith.constant 0 : i32
        %dma_start3A_25 = tpu.memref_slice %arg4[%add3A_17, %dma_start3A_24] : memref<160000x16xf32, #tpu.memory_space<hbm>> -> memref<128x16xf32, #tpu.memory_space<hbm>>
        %dma_start3A_26 = arith.constant 0 : i32
        %dma_start3A_27 = tpu.memref_slice %arg4[%add3A_17, %dma_start3A_26] : memref<160000x16xf32, #tpu.memory_space<hbm>> -> memref<128x16xf32, #tpu.memory_space<hbm>>
        tpu.enqueue_dma source(%arg6 : memref<128x16xf32, #tpu.memory_space<vmem>>) target(%dma_start3A_27 : memref<128x16xf32, #tpu.memory_space<hbm>>) target_semaphore(%run_scoped3A : memref<!tpu.dma_semaphore, #tpu.memory_space<semaphore_mem>>)
        %dma_wait3A_28 = arith.constant 0 : i32
        %dma_wait3A_29 = tpu.memref_slice %arg4[%add3A_17, %dma_wait3A_28] : memref<160000x16xf32, #tpu.memory_space<hbm>> -> memref<128x16xf32, #tpu.memory_space<hbm>>
        %dma_wait3A_30 = arith.constant 0 : i32
        %dma_wait3A_31 = tpu.memref_slice %arg4[%add3A_17, %dma_wait3A_30] : memref<160000x16xf32, #tpu.memory_space<hbm>> -> memref<128x16xf32, #tpu.memory_space<hbm>>
        tpu.wait_dma2 semaphore(%run_scoped3A : memref<!tpu.dma_semaphore, #tpu.memory_space<semaphore_mem>>) src(%arg6 : memref<128x16xf32, #tpu.memory_space<vmem>>) dst(%dma_wait3A_31 : memref<128x16xf32, #tpu.memory_space<hbm>>)
        tpu.yield
      }) : () -> ()
    }
    %scan3A_7 = arith.constant 39 : i32
    %add3A_8 = arith.constant 4992 : i32
    %add3A_9 = arith.addi %mul3A_2, %add3A_8 : i32
    "tpu.region"() ({
      %run_scoped3A = tpu.sem_alloc : memref<!tpu.dma_semaphore, #tpu.memory_space<semaphore_mem>>
      %dma_start3A_14 = tpu.memref_slice %arg3[%add3A_9] : memref<160000xi32, #tpu.memory_space<hbm>> -> memref<8xi32, #tpu.memory_space<hbm>>
      %dma_start3A_15 = tpu.memref_slice %arg3[%add3A_9] : memref<160000xi32, #tpu.memory_space<hbm>> -> memref<8xi32, #tpu.memory_space<hbm>>
      tpu.enqueue_dma source(%dma_start3A_15 : memref<8xi32, #tpu.memory_space<hbm>>) target(%arg7 : memref<8xi32, #tpu.memory_space<vmem>>) target_semaphore(%run_scoped3A : memref<!tpu.dma_semaphore, #tpu.memory_space<semaphore_mem>>)
      %dma_wait3A_16 = tpu.memref_slice %arg3[%add3A_9] : memref<160000xi32, #tpu.memory_space<hbm>> -> memref<8xi32, #tpu.memory_space<hbm>>
      %dma_wait3A_17 = tpu.memref_slice %arg3[%add3A_9] : memref<160000xi32, #tpu.memory_space<hbm>> -> memref<8xi32, #tpu.memory_space<hbm>>
      tpu.wait_dma2 semaphore(%run_scoped3A : memref<!tpu.dma_semaphore, #tpu.memory_space<semaphore_mem>>) src(%dma_wait3A_17 : memref<8xi32, #tpu.memory_space<hbm>>) dst(%arg7 : memref<8xi32, #tpu.memory_space<vmem>>)
      tpu.yield
    }) : () -> ()
    %dma_start3A = arith.constant 0 : i32
    %dma_start3A_10 = arith.constant 0 : i32
    %dma_start3A_11 = tpu.memref_slice %arg2[%dma_start3A, %dma_start3A_10] : memref<10000x16xf32, #tpu.memory_space<hbm>> -> memref<10000x16xf32, #tpu.memory_space<hbm>>
    tpu.enqueue_indirect_dma source(%dma_start3A_11 : memref<10000x16xf32, #tpu.memory_space<hbm>>) target(%arg8 : memref<8x16xf32, #tpu.memory_space<vmem>>) offsets(%arg7 : memref<8xi32, #tpu.memory_space<vmem>>) semaphore(%arg9 : memref<!tpu.dma_semaphore, #tpu.memory_space<semaphore_mem>>)
    %dma_wait3A = arith.constant 0 : i32
    %dma_wait3A_12 = arith.constant 0 : i32
    %dma_wait3A_13 = tpu.memref_slice %arg2[%dma_wait3A, %dma_wait3A_12] : memref<10000x16xf32, #tpu.memory_space<hbm>> -> memref<10000x16xf32, #tpu.memory_space<hbm>>
    tpu.wait_indirect_dma semaphore(%arg9 : memref<!tpu.dma_semaphore, #tpu.memory_space<semaphore_mem>>) src(%dma_wait3A_13 : memref<10000x16xf32, #tpu.memory_space<hbm>>) dst(%arg8 : memref<8x16xf32, #tpu.memory_space<vmem>>)
    "tpu.region"() ({
      %run_scoped3A = tpu.sem_alloc : memref<!tpu.dma_semaphore, #tpu.memory_space<semaphore_mem>>
      %dma_start3A_14 = arith.constant 0 : i32
      %dma_start3A_15 = tpu.memref_slice %arg4[%add3A_9, %dma_start3A_14] : memref<160000x16xf32, #tpu.memory_space<hbm>> -> memref<8x16xf32, #tpu.memory_space<hbm>>
      %dma_start3A_16 = arith.constant 0 : i32
      %dma_start3A_17 = tpu.memref_slice %arg4[%add3A_9, %dma_start3A_16] : memref<160000x16xf32, #tpu.memory_space<hbm>> -> memref<8x16xf32, #tpu.memory_space<hbm>>
      tpu.enqueue_dma source(%arg8 : memref<8x16xf32, #tpu.memory_space<vmem>>) target(%dma_start3A_17 : memref<8x16xf32, #tpu.memory_space<hbm>>) target_semaphore(%run_scoped3A : memref<!tpu.dma_semaphore, #tpu.memory_space<semaphore_mem>>)
      %dma_wait3A_18 = arith.constant 0 : i32
      %dma_wait3A_19 = tpu.memref_slice %arg4[%add3A_9, %dma_wait3A_18] : memref<160000x16xf32, #tpu.memory_space<hbm>> -> memref<8x16xf32, #tpu.memory_space<hbm>>
      %dma_wait3A_20 = arith.constant 0 : i32
      %dma_wait3A_21 = tpu.memref_slice %arg4[%add3A_9, %dma_wait3A_20] : memref<160000x16xf32, #tpu.memory_space<hbm>> -> memref<8x16xf32, #tpu.memory_space<hbm>>
      tpu.wait_dma2 semaphore(%run_scoped3A : memref<!tpu.dma_semaphore, #tpu.memory_space<semaphore_mem>>) src(%arg8 : memref<8x16xf32, #tpu.memory_space<vmem>>) dst(%dma_wait3A_21 : memref<8x16xf32, #tpu.memory_space<hbm>>)
      tpu.yield
    }) : () -> ()
    return
  }
}

#map = affine_map<(d0, d1) -> (0, 0)>
#map1 = affine_map<(d0, d1) -> (0)>
#map2 = affine_map<(d0, d1) -> (0, 0, 0)>
module attributes {stable_mosaic.version = 14 : i64} {
  func.func @k(%arg0: i32, %arg1: i32, %arg2: memref<160000x16xf32, #tpu.memory_space<hbm>>, %arg3: memref<160000xi32, #tpu.memory_space<hbm>>, %arg4: memref<10000x16xf32, #tpu.memory_space<hbm>>, %arg5: memref<2x10000x16xf32, #tpu.memory_space<hbm>>, %arg6: memref<128xi32, #tpu.memory_space<vmem>>, %arg7: memref<128x16xf32, #tpu.memory_space<vmem>>, %arg8: memref<8xi32, #tpu.memory_space<vmem>>, %arg9: memref<8x16xf32, #tpu.memory_space<vmem>>, %arg10: memref<10000x16xf32, #tpu.memory_space<vmem_shared>>) attributes {dimension_semantics = [#tpu.dimension_semantics<core_parallel>, #tpu.dimension_semantics<subcore_parallel>], iteration_bounds = array<i64: 2, 16>, scalar_prefetch = 0 : i64, scratch_operands = 5 : i64, tpu.core_type = #tpu.core_type<sc_vector_subcore>, window_params = [{transform_indices = #map}, {transform_indices = #map1}, {transform_indices = #map}, {transform_indices = #map2}]} {
    %eq3A = arith.constant 0 : i32
    %eq3A_0 = arith.cmpi eq, %arg1, %eq3A : i32
    %convert_element_type3A = arith.extui %eq3A_0 : i1 to i32
    %cond3A = arith.constant 0 : i32
    %cond3A_1 = arith.cmpi ne, %convert_element_type3A, %cond3A : i32
    scf.if %cond3A_1 {
      "tpu.region"() ({
        %run_scoped3A = tpu.sem_alloc : memref<!tpu.dma_semaphore, #tpu.memory_space<semaphore_mem>>
        tpu.enqueue_dma source(%arg4 : memref<10000x16xf32, #tpu.memory_space<hbm>>) target(%arg10 : memref<10000x16xf32, #tpu.memory_space<vmem_shared>>) target_semaphore(%run_scoped3A : memref<!tpu.dma_semaphore, #tpu.memory_space<semaphore_mem>>)
        tpu.wait_dma2 semaphore(%run_scoped3A : memref<!tpu.dma_semaphore, #tpu.memory_space<semaphore_mem>>) src(%arg4 : memref<10000x16xf32, #tpu.memory_space<hbm>>) dst(%arg10 : memref<10000x16xf32, #tpu.memory_space<vmem_shared>>)
        tpu.yield
      }) : () -> ()
    } else {
    }
    %barrier3A = arith.constant 0 : index
    tpu.barrier barrier_id(%barrier3A)
    %mul3A = arith.constant 80000 : i32
    %mul3A_2 = arith.muli %arg0, %mul3A : i32
    %mul3A_3 = arith.constant 5000 : i32
    %mul3A_4 = arith.muli %arg1, %mul3A_3 : i32
    %add3A = arith.addi %mul3A_2, %mul3A_4 : i32
    %scan3A = arith.constant 0 : i32
    %scan3A_5 = arith.constant 0 : i32
    %scan3A_6 = arith.constant 39 : i32
    %scan3A_7 = arith.addi %scan3A_5, %scan3A_6 : i32
    %scan3A_8 = arith.constant 1 : i32
    scf.for %scan3A_18 = %scan3A_5 to %scan3A_7 step %scan3A_8  : i32 {
      %mul3A_19 = arith.constant 128 : i32
      %mul3A_20 = arith.muli %scan3A_18, %mul3A_19 : i32
      %add3A_21 = arith.addi %add3A, %mul3A_20 : i32
      "tpu.region"() ({
        %run_scoped3A = tpu.sem_alloc : memref<!tpu.dma_semaphore, #tpu.memory_space<semaphore_mem>>
        %dma_start3A = tpu.memref_slice %arg3[%add3A_21] : memref<160000xi32, #tpu.memory_space<hbm>> -> memref<128xi32, #tpu.memory_space<hbm>>
        %dma_start3A_22 = tpu.memref_slice %arg3[%add3A_21] : memref<160000xi32, #tpu.memory_space<hbm>> -> memref<128xi32, #tpu.memory_space<hbm>>
        tpu.enqueue_dma source(%dma_start3A_22 : memref<128xi32, #tpu.memory_space<hbm>>) target(%arg6 : memref<128xi32, #tpu.memory_space<vmem>>) target_semaphore(%run_scoped3A : memref<!tpu.dma_semaphore, #tpu.memory_space<semaphore_mem>>)
        %dma_wait3A = tpu.memref_slice %arg3[%add3A_21] : memref<160000xi32, #tpu.memory_space<hbm>> -> memref<128xi32, #tpu.memory_space<hbm>>
        %dma_wait3A_23 = tpu.memref_slice %arg3[%add3A_21] : memref<160000xi32, #tpu.memory_space<hbm>> -> memref<128xi32, #tpu.memory_space<hbm>>
        tpu.wait_dma2 semaphore(%run_scoped3A : memref<!tpu.dma_semaphore, #tpu.memory_space<semaphore_mem>>) src(%dma_wait3A_23 : memref<128xi32, #tpu.memory_space<hbm>>) dst(%arg6 : memref<128xi32, #tpu.memory_space<vmem>>)
        tpu.yield
      }) : () -> ()
      "tpu.region"() ({
        %run_scoped3A = tpu.sem_alloc : memref<!tpu.dma_semaphore, #tpu.memory_space<semaphore_mem>>
        %dma_start3A = arith.constant 0 : i32
        %dma_start3A_22 = tpu.memref_slice %arg2[%add3A_21, %dma_start3A] : memref<160000x16xf32, #tpu.memory_space<hbm>> -> memref<128x16xf32, #tpu.memory_space<hbm>>
        %dma_start3A_23 = arith.constant 0 : i32
        %dma_start3A_24 = tpu.memref_slice %arg2[%add3A_21, %dma_start3A_23] : memref<160000x16xf32, #tpu.memory_space<hbm>> -> memref<128x16xf32, #tpu.memory_space<hbm>>
        tpu.enqueue_dma source(%dma_start3A_24 : memref<128x16xf32, #tpu.memory_space<hbm>>) target(%arg7 : memref<128x16xf32, #tpu.memory_space<vmem>>) target_semaphore(%run_scoped3A : memref<!tpu.dma_semaphore, #tpu.memory_space<semaphore_mem>>)
        %dma_wait3A = arith.constant 0 : i32
        %dma_wait3A_25 = tpu.memref_slice %arg2[%add3A_21, %dma_wait3A] : memref<160000x16xf32, #tpu.memory_space<hbm>> -> memref<128x16xf32, #tpu.memory_space<hbm>>
        %dma_wait3A_26 = arith.constant 0 : i32
        %dma_wait3A_27 = tpu.memref_slice %arg2[%add3A_21, %dma_wait3A_26] : memref<160000x16xf32, #tpu.memory_space<hbm>> -> memref<128x16xf32, #tpu.memory_space<hbm>>
        tpu.wait_dma2 semaphore(%run_scoped3A : memref<!tpu.dma_semaphore, #tpu.memory_space<semaphore_mem>>) src(%dma_wait3A_27 : memref<128x16xf32, #tpu.memory_space<hbm>>) dst(%arg7 : memref<128x16xf32, #tpu.memory_space<vmem>>)
        tpu.yield
      }) : () -> ()
      "tpu.region"() ({
        %run_scoped3A = tpu.sem_alloc : memref<!tpu.dma_semaphore, #tpu.memory_space<semaphore_mem>>
        %dma_start3A = arith.constant 0 : i32
        %dma_start3A_22 = arith.constant 0 : i32
        %dma_start3A_23 = tpu.memref_slice %arg10[%dma_start3A, %dma_start3A_22] : memref<10000x16xf32, #tpu.memory_space<vmem_shared>> -> memref<10000x16xf32, #tpu.memory_space<vmem_shared>>
        tpu.enqueue_indirect_dma source(%arg7 : memref<128x16xf32, #tpu.memory_space<vmem>>) target(%dma_start3A_23 : memref<10000x16xf32, #tpu.memory_space<vmem_shared>>) offsets(%arg6 : memref<128xi32, #tpu.memory_space<vmem>>) semaphore(%run_scoped3A : memref<!tpu.dma_semaphore, #tpu.memory_space<semaphore_mem>>) {add = true}
        %dma_wait3A = arith.constant 0 : i32
        %dma_wait3A_24 = arith.constant 0 : i32
        %dma_wait3A_25 = tpu.memref_slice %arg10[%dma_wait3A, %dma_wait3A_24] : memref<10000x16xf32, #tpu.memory_space<vmem_shared>> -> memref<10000x16xf32, #tpu.memory_space<vmem_shared>>
        tpu.wait_indirect_dma semaphore(%run_scoped3A : memref<!tpu.dma_semaphore, #tpu.memory_space<semaphore_mem>>) src(%arg7 : memref<128x16xf32, #tpu.memory_space<vmem>>) dst(%dma_wait3A_25 : memref<10000x16xf32, #tpu.memory_space<vmem_shared>>)
        tpu.yield
      }) : () -> ()
    }
    %scan3A_9 = arith.constant 39 : i32
    %add3A_10 = arith.constant 4992 : i32
    %add3A_11 = arith.addi %add3A, %add3A_10 : i32
    "tpu.region"() ({
      %run_scoped3A = tpu.sem_alloc : memref<!tpu.dma_semaphore, #tpu.memory_space<semaphore_mem>>
      %dma_start3A = tpu.memref_slice %arg3[%add3A_11] : memref<160000xi32, #tpu.memory_space<hbm>> -> memref<8xi32, #tpu.memory_space<hbm>>
      %dma_start3A_18 = tpu.memref_slice %arg3[%add3A_11] : memref<160000xi32, #tpu.memory_space<hbm>> -> memref<8xi32, #tpu.memory_space<hbm>>
      tpu.enqueue_dma source(%dma_start3A_18 : memref<8xi32, #tpu.memory_space<hbm>>) target(%arg8 : memref<8xi32, #tpu.memory_space<vmem>>) target_semaphore(%run_scoped3A : memref<!tpu.dma_semaphore, #tpu.memory_space<semaphore_mem>>)
      %dma_wait3A = tpu.memref_slice %arg3[%add3A_11] : memref<160000xi32, #tpu.memory_space<hbm>> -> memref<8xi32, #tpu.memory_space<hbm>>
      %dma_wait3A_19 = tpu.memref_slice %arg3[%add3A_11] : memref<160000xi32, #tpu.memory_space<hbm>> -> memref<8xi32, #tpu.memory_space<hbm>>
      tpu.wait_dma2 semaphore(%run_scoped3A : memref<!tpu.dma_semaphore, #tpu.memory_space<semaphore_mem>>) src(%dma_wait3A_19 : memref<8xi32, #tpu.memory_space<hbm>>) dst(%arg8 : memref<8xi32, #tpu.memory_space<vmem>>)
      tpu.yield
    }) : () -> ()
    "tpu.region"() ({
      %run_scoped3A = tpu.sem_alloc : memref<!tpu.dma_semaphore, #tpu.memory_space<semaphore_mem>>
      %dma_start3A = arith.constant 0 : i32
      %dma_start3A_18 = tpu.memref_slice %arg2[%add3A_11, %dma_start3A] : memref<160000x16xf32, #tpu.memory_space<hbm>> -> memref<8x16xf32, #tpu.memory_space<hbm>>
      %dma_start3A_19 = arith.constant 0 : i32
      %dma_start3A_20 = tpu.memref_slice %arg2[%add3A_11, %dma_start3A_19] : memref<160000x16xf32, #tpu.memory_space<hbm>> -> memref<8x16xf32, #tpu.memory_space<hbm>>
      tpu.enqueue_dma source(%dma_start3A_20 : memref<8x16xf32, #tpu.memory_space<hbm>>) target(%arg9 : memref<8x16xf32, #tpu.memory_space<vmem>>) target_semaphore(%run_scoped3A : memref<!tpu.dma_semaphore, #tpu.memory_space<semaphore_mem>>)
      %dma_wait3A = arith.constant 0 : i32
      %dma_wait3A_21 = tpu.memref_slice %arg2[%add3A_11, %dma_wait3A] : memref<160000x16xf32, #tpu.memory_space<hbm>> -> memref<8x16xf32, #tpu.memory_space<hbm>>
      %dma_wait3A_22 = arith.constant 0 : i32
      %dma_wait3A_23 = tpu.memref_slice %arg2[%add3A_11, %dma_wait3A_22] : memref<160000x16xf32, #tpu.memory_space<hbm>> -> memref<8x16xf32, #tpu.memory_space<hbm>>
      tpu.wait_dma2 semaphore(%run_scoped3A : memref<!tpu.dma_semaphore, #tpu.memory_space<semaphore_mem>>) src(%dma_wait3A_23 : memref<8x16xf32, #tpu.memory_space<hbm>>) dst(%arg9 : memref<8x16xf32, #tpu.memory_space<vmem>>)
      tpu.yield
    }) : () -> ()
    "tpu.region"() ({
      %run_scoped3A = tpu.sem_alloc : memref<!tpu.dma_semaphore, #tpu.memory_space<semaphore_mem>>
      %dma_start3A = arith.constant 0 : i32
      %dma_start3A_18 = arith.constant 0 : i32
      %dma_start3A_19 = tpu.memref_slice %arg10[%dma_start3A, %dma_start3A_18] : memref<10000x16xf32, #tpu.memory_space<vmem_shared>> -> memref<10000x16xf32, #tpu.memory_space<vmem_shared>>
      tpu.enqueue_indirect_dma source(%arg9 : memref<8x16xf32, #tpu.memory_space<vmem>>) target(%dma_start3A_19 : memref<10000x16xf32, #tpu.memory_space<vmem_shared>>) offsets(%arg8 : memref<8xi32, #tpu.memory_space<vmem>>) semaphore(%run_scoped3A : memref<!tpu.dma_semaphore, #tpu.memory_space<semaphore_mem>>) {add = true}
      %dma_wait3A = arith.constant 0 : i32
      %dma_wait3A_20 = arith.constant 0 : i32
      %dma_wait3A_21 = tpu.memref_slice %arg10[%dma_wait3A, %dma_wait3A_20] : memref<10000x16xf32, #tpu.memory_space<vmem_shared>> -> memref<10000x16xf32, #tpu.memory_space<vmem_shared>>
      tpu.wait_indirect_dma semaphore(%run_scoped3A : memref<!tpu.dma_semaphore, #tpu.memory_space<semaphore_mem>>) src(%arg9 : memref<8x16xf32, #tpu.memory_space<vmem>>) dst(%dma_wait3A_21 : memref<10000x16xf32, #tpu.memory_space<vmem_shared>>)
      tpu.yield
    }) : () -> ()
    %barrier3A_12 = arith.constant 0 : index
    tpu.barrier barrier_id(%barrier3A_12)
    %eq3A_13 = arith.constant 0 : i32
    %eq3A_14 = arith.cmpi eq, %arg1, %eq3A_13 : i32
    %convert_element_type3A_15 = arith.extui %eq3A_14 : i1 to i32
    %cond3A_16 = arith.constant 0 : i32
    %cond3A_17 = arith.cmpi ne, %convert_element_type3A_15, %cond3A_16 : i32
    scf.if %cond3A_17 {
      "tpu.region"() ({
        %run_scoped3A = tpu.sem_alloc : memref<!tpu.dma_semaphore, #tpu.memory_space<semaphore_mem>>
        %dma_start3A = arith.constant 0 : i32
        %dma_start3A_18 = arith.constant 0 : i32
        %dma_start3A_19 = tpu.memref_slice %arg5[%arg0, %dma_start3A, %dma_start3A_18] : memref<2x10000x16xf32, #tpu.memory_space<hbm>> -> memref<1x10000x16xf32, #tpu.memory_space<hbm>>
        %dma_start3A_20 = tpu.memref_squeeze %dma_start3A_19 : memref<1x10000x16xf32, #tpu.memory_space<hbm>> -> memref<10000x16xf32, #tpu.memory_space<hbm>>
        tpu.enqueue_dma source(%arg10 : memref<10000x16xf32, #tpu.memory_space<vmem_shared>>) target(%dma_start3A_20 : memref<10000x16xf32, #tpu.memory_space<hbm>>) target_semaphore(%run_scoped3A : memref<!tpu.dma_semaphore, #tpu.memory_space<semaphore_mem>>)
        %dma_wait3A = arith.constant 0 : i32
        %dma_wait3A_21 = arith.constant 0 : i32
        %dma_wait3A_22 = tpu.memref_slice %arg5[%arg0, %dma_wait3A, %dma_wait3A_21] : memref<2x10000x16xf32, #tpu.memory_space<hbm>> -> memref<1x10000x16xf32, #tpu.memory_space<hbm>>
        %dma_wait3A_23 = tpu.memref_squeeze %dma_wait3A_22 : memref<1x10000x16xf32, #tpu.memory_space<hbm>> -> memref<10000x16xf32, #tpu.memory_space<hbm>>
        tpu.wait_dma2 semaphore(%run_scoped3A : memref<!tpu.dma_semaphore, #tpu.memory_space<semaphore_mem>>) src(%arg10 : memref<10000x16xf32, #tpu.memory_space<vmem_shared>>) dst(%dma_wait3A_23 : memref<10000x16xf32, #tpu.memory_space<hbm>>)
        tpu.yield
      }) : () -> ()
    } else {
    }
    return
  }
}

#map = affine_map<(d0, d1) -> (0, 0)>
#map1 = affine_map<(d0, d1) -> (0)>
#map2 = affine_map<(d0, d1) -> (0, 0, 0)>
module attributes {stable_mosaic.version = 14 : i64} {
  func.func @k(%arg0: i32, %arg1: i32, %arg2: memref<160000x16xf32, #tpu.memory_space<hbm>>, %arg3: memref<160000xi32, #tpu.memory_space<hbm>>, %arg4: memref<10000x16xf32, #tpu.memory_space<hbm>>, %arg5: memref<2x10000x16xf32, #tpu.memory_space<hbm>>, %arg6: memref<128xi32, #tpu.memory_space<vmem>>, %arg7: memref<128x16xf32, #tpu.memory_space<vmem>>, %arg8: memref<8xi32, #tpu.memory_space<vmem>>, %arg9: memref<8x16xf32, #tpu.memory_space<vmem>>, %arg10: memref<10000x16xf32, #tpu.memory_space<vmem_shared>>) attributes {dimension_semantics = [#tpu.dimension_semantics<core_parallel>, #tpu.dimension_semantics<subcore_parallel>], iteration_bounds = array<i64: 2, 16>, scalar_prefetch = 0 : i64, scratch_operands = 5 : i64, tpu.core_type = #tpu.core_type<sc_vector_subcore>, window_params = [{transform_indices = #map}, {transform_indices = #map1}, {transform_indices = #map}, {transform_indices = #map2}]} {
    %eq3A = arith.constant 0 : i32
    %eq3A_0 = arith.cmpi eq, %arg1, %eq3A : i32
    %convert_element_type3A = arith.extui %eq3A_0 : i1 to i32
    %cond3A = arith.constant 0 : i32
    %cond3A_1 = arith.cmpi ne, %convert_element_type3A, %cond3A : i32
    scf.if %cond3A_1 {
      "tpu.region"() ({
        %run_scoped3A = tpu.sem_alloc : memref<!tpu.dma_semaphore, #tpu.memory_space<semaphore_mem>>
        tpu.enqueue_dma source(%arg4 : memref<10000x16xf32, #tpu.memory_space<hbm>>) target(%arg10 : memref<10000x16xf32, #tpu.memory_space<vmem_shared>>) target_semaphore(%run_scoped3A : memref<!tpu.dma_semaphore, #tpu.memory_space<semaphore_mem>>)
        tpu.wait_dma2 semaphore(%run_scoped3A : memref<!tpu.dma_semaphore, #tpu.memory_space<semaphore_mem>>) src(%arg4 : memref<10000x16xf32, #tpu.memory_space<hbm>>) dst(%arg10 : memref<10000x16xf32, #tpu.memory_space<vmem_shared>>)
        tpu.yield
      }) : () -> ()
    } else {
    }
    %barrier3A = arith.constant 0 : index
    tpu.barrier barrier_id(%barrier3A)
    %mul3A = arith.constant 80000 : i32
    %mul3A_2 = arith.muli %arg0, %mul3A : i32
    %mul3A_3 = arith.constant 5000 : i32
    %mul3A_4 = arith.muli %arg1, %mul3A_3 : i32
    %add3A = arith.addi %mul3A_2, %mul3A_4 : i32
    %scan3A = arith.constant 0 : i32
    %scan3A_5 = arith.constant 0 : i32
    %scan3A_6 = arith.constant 39 : i32
    %scan3A_7 = arith.addi %scan3A_5, %scan3A_6 : i32
    %scan3A_8 = arith.constant 1 : i32
    scf.for %scan3A_18 = %scan3A_5 to %scan3A_7 step %scan3A_8  : i32 {
      %mul3A_19 = arith.constant 128 : i32
      %mul3A_20 = arith.muli %scan3A_18, %mul3A_19 : i32
      %add3A_21 = arith.addi %add3A, %mul3A_20 : i32
      "tpu.region"() ({
        %run_scoped3A = tpu.sem_alloc : memref<!tpu.dma_semaphore, #tpu.memory_space<semaphore_mem>>
        %dma_start3A = tpu.memref_slice %arg3[%add3A_21] : memref<160000xi32, #tpu.memory_space<hbm>> -> memref<128xi32, #tpu.memory_space<hbm>>
        %dma_start3A_22 = tpu.memref_slice %arg3[%add3A_21] : memref<160000xi32, #tpu.memory_space<hbm>> -> memref<128xi32, #tpu.memory_space<hbm>>
        tpu.enqueue_dma source(%dma_start3A_22 : memref<128xi32, #tpu.memory_space<hbm>>) target(%arg6 : memref<128xi32, #tpu.memory_space<vmem>>) target_semaphore(%run_scoped3A : memref<!tpu.dma_semaphore, #tpu.memory_space<semaphore_mem>>)
        %dma_wait3A = tpu.memref_slice %arg3[%add3A_21] : memref<160000xi32, #tpu.memory_space<hbm>> -> memref<128xi32, #tpu.memory_space<hbm>>
        %dma_wait3A_23 = tpu.memref_slice %arg3[%add3A_21] : memref<160000xi32, #tpu.memory_space<hbm>> -> memref<128xi32, #tpu.memory_space<hbm>>
        tpu.wait_dma2 semaphore(%run_scoped3A : memref<!tpu.dma_semaphore, #tpu.memory_space<semaphore_mem>>) src(%dma_wait3A_23 : memref<128xi32, #tpu.memory_space<hbm>>) dst(%arg6 : memref<128xi32, #tpu.memory_space<vmem>>)
        tpu.yield
      }) : () -> ()
      "tpu.region"() ({
        %run_scoped3A = tpu.sem_alloc : memref<!tpu.dma_semaphore, #tpu.memory_space<semaphore_mem>>
        %dma_start3A = arith.constant 0 : i32
        %dma_start3A_22 = tpu.memref_slice %arg2[%add3A_21, %dma_start3A] : memref<160000x16xf32, #tpu.memory_space<hbm>> -> memref<128x16xf32, #tpu.memory_space<hbm>>
        %dma_start3A_23 = arith.constant 0 : i32
        %dma_start3A_24 = tpu.memref_slice %arg2[%add3A_21, %dma_start3A_23] : memref<160000x16xf32, #tpu.memory_space<hbm>> -> memref<128x16xf32, #tpu.memory_space<hbm>>
        tpu.enqueue_dma source(%dma_start3A_24 : memref<128x16xf32, #tpu.memory_space<hbm>>) target(%arg7 : memref<128x16xf32, #tpu.memory_space<vmem>>) target_semaphore(%run_scoped3A : memref<!tpu.dma_semaphore, #tpu.memory_space<semaphore_mem>>)
        %dma_wait3A = arith.constant 0 : i32
        %dma_wait3A_25 = tpu.memref_slice %arg2[%add3A_21, %dma_wait3A] : memref<160000x16xf32, #tpu.memory_space<hbm>> -> memref<128x16xf32, #tpu.memory_space<hbm>>
        %dma_wait3A_26 = arith.constant 0 : i32
        %dma_wait3A_27 = tpu.memref_slice %arg2[%add3A_21, %dma_wait3A_26] : memref<160000x16xf32, #tpu.memory_space<hbm>> -> memref<128x16xf32, #tpu.memory_space<hbm>>
        tpu.wait_dma2 semaphore(%run_scoped3A : memref<!tpu.dma_semaphore, #tpu.memory_space<semaphore_mem>>) src(%dma_wait3A_27 : memref<128x16xf32, #tpu.memory_space<hbm>>) dst(%arg7 : memref<128x16xf32, #tpu.memory_space<vmem>>)
        tpu.yield
      }) : () -> ()
      "tpu.region"() ({
        %run_scoped3A = tpu.sem_alloc : memref<!tpu.dma_semaphore, #tpu.memory_space<semaphore_mem>>
        %dma_start3A = arith.constant 0 : i32
        %dma_start3A_22 = arith.constant 0 : i32
        %dma_start3A_23 = tpu.memref_slice %arg10[%dma_start3A, %dma_start3A_22] : memref<10000x16xf32, #tpu.memory_space<vmem_shared>> -> memref<10000x16xf32, #tpu.memory_space<vmem_shared>>
        tpu.enqueue_indirect_dma source(%arg7 : memref<128x16xf32, #tpu.memory_space<vmem>>) target(%dma_start3A_23 : memref<10000x16xf32, #tpu.memory_space<vmem_shared>>) offsets(%arg6 : memref<128xi32, #tpu.memory_space<vmem>>) semaphore(%run_scoped3A : memref<!tpu.dma_semaphore, #tpu.memory_space<semaphore_mem>>) {add = true}
        %dma_wait3A = arith.constant 0 : i32
        %dma_wait3A_24 = arith.constant 0 : i32
        %dma_wait3A_25 = tpu.memref_slice %arg10[%dma_wait3A, %dma_wait3A_24] : memref<10000x16xf32, #tpu.memory_space<vmem_shared>> -> memref<10000x16xf32, #tpu.memory_space<vmem_shared>>
        tpu.wait_indirect_dma semaphore(%run_scoped3A : memref<!tpu.dma_semaphore, #tpu.memory_space<semaphore_mem>>) src(%arg7 : memref<128x16xf32, #tpu.memory_space<vmem>>) dst(%dma_wait3A_25 : memref<10000x16xf32, #tpu.memory_space<vmem_shared>>)
        tpu.yield
      }) : () -> ()
    }
    %scan3A_9 = arith.constant 39 : i32
    %add3A_10 = arith.constant 4992 : i32
    %add3A_11 = arith.addi %add3A, %add3A_10 : i32
    "tpu.region"() ({
      %run_scoped3A = tpu.sem_alloc : memref<!tpu.dma_semaphore, #tpu.memory_space<semaphore_mem>>
      %dma_start3A = tpu.memref_slice %arg3[%add3A_11] : memref<160000xi32, #tpu.memory_space<hbm>> -> memref<8xi32, #tpu.memory_space<hbm>>
      %dma_start3A_18 = tpu.memref_slice %arg3[%add3A_11] : memref<160000xi32, #tpu.memory_space<hbm>> -> memref<8xi32, #tpu.memory_space<hbm>>
      tpu.enqueue_dma source(%dma_start3A_18 : memref<8xi32, #tpu.memory_space<hbm>>) target(%arg8 : memref<8xi32, #tpu.memory_space<vmem>>) target_semaphore(%run_scoped3A : memref<!tpu.dma_semaphore, #tpu.memory_space<semaphore_mem>>)
      %dma_wait3A = tpu.memref_slice %arg3[%add3A_11] : memref<160000xi32, #tpu.memory_space<hbm>> -> memref<8xi32, #tpu.memory_space<hbm>>
      %dma_wait3A_19 = tpu.memref_slice %arg3[%add3A_11] : memref<160000xi32, #tpu.memory_space<hbm>> -> memref<8xi32, #tpu.memory_space<hbm>>
      tpu.wait_dma2 semaphore(%run_scoped3A : memref<!tpu.dma_semaphore, #tpu.memory_space<semaphore_mem>>) src(%dma_wait3A_19 : memref<8xi32, #tpu.memory_space<hbm>>) dst(%arg8 : memref<8xi32, #tpu.memory_space<vmem>>)
      tpu.yield
    }) : () -> ()
    "tpu.region"() ({
      %run_scoped3A = tpu.sem_alloc : memref<!tpu.dma_semaphore, #tpu.memory_space<semaphore_mem>>
      %dma_start3A = arith.constant 0 : i32
      %dma_start3A_18 = tpu.memref_slice %arg2[%add3A_11, %dma_start3A] : memref<160000x16xf32, #tpu.memory_space<hbm>> -> memref<8x16xf32, #tpu.memory_space<hbm>>
      %dma_start3A_19 = arith.constant 0 : i32
      %dma_start3A_20 = tpu.memref_slice %arg2[%add3A_11, %dma_start3A_19] : memref<160000x16xf32, #tpu.memory_space<hbm>> -> memref<8x16xf32, #tpu.memory_space<hbm>>
      tpu.enqueue_dma source(%dma_start3A_20 : memref<8x16xf32, #tpu.memory_space<hbm>>) target(%arg9 : memref<8x16xf32, #tpu.memory_space<vmem>>) target_semaphore(%run_scoped3A : memref<!tpu.dma_semaphore, #tpu.memory_space<semaphore_mem>>)
      %dma_wait3A = arith.constant 0 : i32
      %dma_wait3A_21 = tpu.memref_slice %arg2[%add3A_11, %dma_wait3A] : memref<160000x16xf32, #tpu.memory_space<hbm>> -> memref<8x16xf32, #tpu.memory_space<hbm>>
      %dma_wait3A_22 = arith.constant 0 : i32
      %dma_wait3A_23 = tpu.memref_slice %arg2[%add3A_11, %dma_wait3A_22] : memref<160000x16xf32, #tpu.memory_space<hbm>> -> memref<8x16xf32, #tpu.memory_space<hbm>>
      tpu.wait_dma2 semaphore(%run_scoped3A : memref<!tpu.dma_semaphore, #tpu.memory_space<semaphore_mem>>) src(%dma_wait3A_23 : memref<8x16xf32, #tpu.memory_space<hbm>>) dst(%arg9 : memref<8x16xf32, #tpu.memory_space<vmem>>)
      tpu.yield
    }) : () -> ()
    "tpu.region"() ({
      %run_scoped3A = tpu.sem_alloc : memref<!tpu.dma_semaphore, #tpu.memory_space<semaphore_mem>>
      %dma_start3A = arith.constant 0 : i32
      %dma_start3A_18 = arith.constant 0 : i32
      %dma_start3A_19 = tpu.memref_slice %arg10[%dma_start3A, %dma_start3A_18] : memref<10000x16xf32, #tpu.memory_space<vmem_shared>> -> memref<10000x16xf32, #tpu.memory_space<vmem_shared>>
      tpu.enqueue_indirect_dma source(%arg9 : memref<8x16xf32, #tpu.memory_space<vmem>>) target(%dma_start3A_19 : memref<10000x16xf32, #tpu.memory_space<vmem_shared>>) offsets(%arg8 : memref<8xi32, #tpu.memory_space<vmem>>) semaphore(%run_scoped3A : memref<!tpu.dma_semaphore, #tpu.memory_space<semaphore_mem>>) {add = true}
      %dma_wait3A = arith.constant 0 : i32
      %dma_wait3A_20 = arith.constant 0 : i32
      %dma_wait3A_21 = tpu.memref_slice %arg10[%dma_wait3A, %dma_wait3A_20] : memref<10000x16xf32, #tpu.memory_space<vmem_shared>> -> memref<10000x16xf32, #tpu.memory_space<vmem_shared>>
      tpu.wait_indirect_dma semaphore(%run_scoped3A : memref<!tpu.dma_semaphore, #tpu.memory_space<semaphore_mem>>) src(%arg9 : memref<8x16xf32, #tpu.memory_space<vmem>>) dst(%dma_wait3A_21 : memref<10000x16xf32, #tpu.memory_space<vmem_shared>>)
      tpu.yield
    }) : () -> ()
    %barrier3A_12 = arith.constant 0 : index
    tpu.barrier barrier_id(%barrier3A_12)
    %eq3A_13 = arith.constant 0 : i32
    %eq3A_14 = arith.cmpi eq, %arg1, %eq3A_13 : i32
    %convert_element_type3A_15 = arith.extui %eq3A_14 : i1 to i32
    %cond3A_16 = arith.constant 0 : i32
    %cond3A_17 = arith.cmpi ne, %convert_element_type3A_15, %cond3A_16 : i32
    scf.if %cond3A_17 {
      "tpu.region"() ({
        %run_scoped3A = tpu.sem_alloc : memref<!tpu.dma_semaphore, #tpu.memory_space<semaphore_mem>>
        %dma_start3A = arith.constant 0 : i32
        %dma_start3A_18 = arith.constant 0 : i32
        %dma_start3A_19 = tpu.memref_slice %arg5[%arg0, %dma_start3A, %dma_start3A_18] : memref<2x10000x16xf32, #tpu.memory_space<hbm>> -> memref<1x10000x16xf32, #tpu.memory_space<hbm>>
        %dma_start3A_20 = tpu.memref_squeeze %dma_start3A_19 : memref<1x10000x16xf32, #tpu.memory_space<hbm>> -> memref<10000x16xf32, #tpu.memory_space<hbm>>
        tpu.enqueue_dma source(%arg10 : memref<10000x16xf32, #tpu.memory_space<vmem_shared>>) target(%dma_start3A_20 : memref<10000x16xf32, #tpu.memory_space<hbm>>) target_semaphore(%run_scoped3A : memref<!tpu.dma_semaphore, #tpu.memory_space<semaphore_mem>>)
        %dma_wait3A = arith.constant 0 : i32
        %dma_wait3A_21 = arith.constant 0 : i32
        %dma_wait3A_22 = tpu.memref_slice %arg5[%arg0, %dma_wait3A, %dma_wait3A_21] : memref<2x10000x16xf32, #tpu.memory_space<hbm>> -> memref<1x10000x16xf32, #tpu.memory_space<hbm>>
        %dma_wait3A_23 = tpu.memref_squeeze %dma_wait3A_22 : memref<1x10000x16xf32, #tpu.memory_space<hbm>> -> memref<10000x16xf32, #tpu.memory_space<hbm>>
        tpu.wait_dma2 semaphore(%run_scoped3A : memref<!tpu.dma_semaphore, #tpu.memory_space<semaphore_mem>>) src(%arg10 : memref<10000x16xf32, #tpu.memory_space<vmem_shared>>) dst(%dma_wait3A_23 : memref<10000x16xf32, #tpu.memory_space<hbm>>)
        tpu.yield
      }) : () -> ()
    } else {
    }
    return
  }
}

#map = affine_map<(d0, d1) -> (0, 0)>
#map1 = affine_map<(d0, d1) -> (0)>
#map2 = affine_map<(d0, d1) -> (0, 0, 0)>
module attributes {stable_mosaic.version = 14 : i64} {
  func.func @k(%arg0: i32, %arg1: i32, %arg2: memref<160000x16xf32, #tpu.memory_space<hbm>>, %arg3: memref<160000xi32, #tpu.memory_space<hbm>>, %arg4: memref<10000x16xf32, #tpu.memory_space<hbm>>, %arg5: memref<2x10000x16xf32, #tpu.memory_space<hbm>>, %arg6: memref<128xi32, #tpu.memory_space<vmem>>, %arg7: memref<128x16xf32, #tpu.memory_space<vmem>>, %arg8: memref<8xi32, #tpu.memory_space<vmem>>, %arg9: memref<8x16xf32, #tpu.memory_space<vmem>>, %arg10: memref<10000x16xf32, #tpu.memory_space<vmem_shared>>) attributes {dimension_semantics = [#tpu.dimension_semantics<core_parallel>, #tpu.dimension_semantics<subcore_parallel>], iteration_bounds = array<i64: 2, 16>, scalar_prefetch = 0 : i64, scratch_operands = 5 : i64, tpu.core_type = #tpu.core_type<sc_vector_subcore>, window_params = [{transform_indices = #map}, {transform_indices = #map1}, {transform_indices = #map}, {transform_indices = #map2}]} {
    %eq3A = arith.constant 0 : i32
    %eq3A_0 = arith.cmpi eq, %arg1, %eq3A : i32
    %convert_element_type3A = arith.extui %eq3A_0 : i1 to i32
    %cond3A = arith.constant 0 : i32
    %cond3A_1 = arith.cmpi ne, %convert_element_type3A, %cond3A : i32
    scf.if %cond3A_1 {
      "tpu.region"() ({
        %run_scoped3A = tpu.sem_alloc : memref<!tpu.dma_semaphore, #tpu.memory_space<semaphore_mem>>
        tpu.enqueue_dma source(%arg4 : memref<10000x16xf32, #tpu.memory_space<hbm>>) target(%arg10 : memref<10000x16xf32, #tpu.memory_space<vmem_shared>>) target_semaphore(%run_scoped3A : memref<!tpu.dma_semaphore, #tpu.memory_space<semaphore_mem>>)
        tpu.wait_dma2 semaphore(%run_scoped3A : memref<!tpu.dma_semaphore, #tpu.memory_space<semaphore_mem>>) src(%arg4 : memref<10000x16xf32, #tpu.memory_space<hbm>>) dst(%arg10 : memref<10000x16xf32, #tpu.memory_space<vmem_shared>>)
        tpu.yield
      }) : () -> ()
    } else {
    }
    %barrier3A = arith.constant 0 : index
    tpu.barrier barrier_id(%barrier3A)
    %mul3A = arith.constant 80000 : i32
    %mul3A_2 = arith.muli %arg0, %mul3A : i32
    %mul3A_3 = arith.constant 5000 : i32
    %mul3A_4 = arith.muli %arg1, %mul3A_3 : i32
    %add3A = arith.addi %mul3A_2, %mul3A_4 : i32
    %scan3A = arith.constant 0 : i32
    %scan3A_5 = arith.constant 0 : i32
    %scan3A_6 = arith.constant 39 : i32
    %scan3A_7 = arith.addi %scan3A_5, %scan3A_6 : i32
    %scan3A_8 = arith.constant 1 : i32
    scf.for %scan3A_18 = %scan3A_5 to %scan3A_7 step %scan3A_8  : i32 {
      %mul3A_19 = arith.constant 128 : i32
      %mul3A_20 = arith.muli %scan3A_18, %mul3A_19 : i32
      %add3A_21 = arith.addi %add3A, %mul3A_20 : i32
      "tpu.region"() ({
        %run_scoped3A = tpu.sem_alloc : memref<!tpu.dma_semaphore, #tpu.memory_space<semaphore_mem>>
        %dma_start3A = tpu.memref_slice %arg3[%add3A_21] : memref<160000xi32, #tpu.memory_space<hbm>> -> memref<128xi32, #tpu.memory_space<hbm>>
        %dma_start3A_22 = tpu.memref_slice %arg3[%add3A_21] : memref<160000xi32, #tpu.memory_space<hbm>> -> memref<128xi32, #tpu.memory_space<hbm>>
        tpu.enqueue_dma source(%dma_start3A_22 : memref<128xi32, #tpu.memory_space<hbm>>) target(%arg6 : memref<128xi32, #tpu.memory_space<vmem>>) target_semaphore(%run_scoped3A : memref<!tpu.dma_semaphore, #tpu.memory_space<semaphore_mem>>)
        %dma_wait3A = tpu.memref_slice %arg3[%add3A_21] : memref<160000xi32, #tpu.memory_space<hbm>> -> memref<128xi32, #tpu.memory_space<hbm>>
        %dma_wait3A_23 = tpu.memref_slice %arg3[%add3A_21] : memref<160000xi32, #tpu.memory_space<hbm>> -> memref<128xi32, #tpu.memory_space<hbm>>
        tpu.wait_dma2 semaphore(%run_scoped3A : memref<!tpu.dma_semaphore, #tpu.memory_space<semaphore_mem>>) src(%dma_wait3A_23 : memref<128xi32, #tpu.memory_space<hbm>>) dst(%arg6 : memref<128xi32, #tpu.memory_space<vmem>>)
        tpu.yield
      }) : () -> ()
      "tpu.region"() ({
        %run_scoped3A = tpu.sem_alloc : memref<!tpu.dma_semaphore, #tpu.memory_space<semaphore_mem>>
        %dma_start3A = arith.constant 0 : i32
        %dma_start3A_22 = tpu.memref_slice %arg2[%add3A_21, %dma_start3A] : memref<160000x16xf32, #tpu.memory_space<hbm>> -> memref<128x16xf32, #tpu.memory_space<hbm>>
        %dma_start3A_23 = arith.constant 0 : i32
        %dma_start3A_24 = tpu.memref_slice %arg2[%add3A_21, %dma_start3A_23] : memref<160000x16xf32, #tpu.memory_space<hbm>> -> memref<128x16xf32, #tpu.memory_space<hbm>>
        tpu.enqueue_dma source(%dma_start3A_24 : memref<128x16xf32, #tpu.memory_space<hbm>>) target(%arg7 : memref<128x16xf32, #tpu.memory_space<vmem>>) target_semaphore(%run_scoped3A : memref<!tpu.dma_semaphore, #tpu.memory_space<semaphore_mem>>)
        %dma_wait3A = arith.constant 0 : i32
        %dma_wait3A_25 = tpu.memref_slice %arg2[%add3A_21, %dma_wait3A] : memref<160000x16xf32, #tpu.memory_space<hbm>> -> memref<128x16xf32, #tpu.memory_space<hbm>>
        %dma_wait3A_26 = arith.constant 0 : i32
        %dma_wait3A_27 = tpu.memref_slice %arg2[%add3A_21, %dma_wait3A_26] : memref<160000x16xf32, #tpu.memory_space<hbm>> -> memref<128x16xf32, #tpu.memory_space<hbm>>
        tpu.wait_dma2 semaphore(%run_scoped3A : memref<!tpu.dma_semaphore, #tpu.memory_space<semaphore_mem>>) src(%dma_wait3A_27 : memref<128x16xf32, #tpu.memory_space<hbm>>) dst(%arg7 : memref<128x16xf32, #tpu.memory_space<vmem>>)
        tpu.yield
      }) : () -> ()
      "tpu.region"() ({
        %run_scoped3A = tpu.sem_alloc : memref<!tpu.dma_semaphore, #tpu.memory_space<semaphore_mem>>
        %dma_start3A = arith.constant 0 : i32
        %dma_start3A_22 = arith.constant 0 : i32
        %dma_start3A_23 = tpu.memref_slice %arg10[%dma_start3A, %dma_start3A_22] : memref<10000x16xf32, #tpu.memory_space<vmem_shared>> -> memref<10000x16xf32, #tpu.memory_space<vmem_shared>>
        tpu.enqueue_indirect_dma source(%arg7 : memref<128x16xf32, #tpu.memory_space<vmem>>) target(%dma_start3A_23 : memref<10000x16xf32, #tpu.memory_space<vmem_shared>>) offsets(%arg6 : memref<128xi32, #tpu.memory_space<vmem>>) semaphore(%run_scoped3A : memref<!tpu.dma_semaphore, #tpu.memory_space<semaphore_mem>>) {add = true}
        %dma_wait3A = arith.constant 0 : i32
        %dma_wait3A_24 = arith.constant 0 : i32
        %dma_wait3A_25 = tpu.memref_slice %arg10[%dma_wait3A, %dma_wait3A_24] : memref<10000x16xf32, #tpu.memory_space<vmem_shared>> -> memref<10000x16xf32, #tpu.memory_space<vmem_shared>>
        tpu.wait_indirect_dma semaphore(%run_scoped3A : memref<!tpu.dma_semaphore, #tpu.memory_space<semaphore_mem>>) src(%arg7 : memref<128x16xf32, #tpu.memory_space<vmem>>) dst(%dma_wait3A_25 : memref<10000x16xf32, #tpu.memory_space<vmem_shared>>)
        tpu.yield
      }) : () -> ()
    }
    %scan3A_9 = arith.constant 39 : i32
    %add3A_10 = arith.constant 4992 : i32
    %add3A_11 = arith.addi %add3A, %add3A_10 : i32
    "tpu.region"() ({
      %run_scoped3A = tpu.sem_alloc : memref<!tpu.dma_semaphore, #tpu.memory_space<semaphore_mem>>
      %dma_start3A = tpu.memref_slice %arg3[%add3A_11] : memref<160000xi32, #tpu.memory_space<hbm>> -> memref<8xi32, #tpu.memory_space<hbm>>
      %dma_start3A_18 = tpu.memref_slice %arg3[%add3A_11] : memref<160000xi32, #tpu.memory_space<hbm>> -> memref<8xi32, #tpu.memory_space<hbm>>
      tpu.enqueue_dma source(%dma_start3A_18 : memref<8xi32, #tpu.memory_space<hbm>>) target(%arg8 : memref<8xi32, #tpu.memory_space<vmem>>) target_semaphore(%run_scoped3A : memref<!tpu.dma_semaphore, #tpu.memory_space<semaphore_mem>>)
      %dma_wait3A = tpu.memref_slice %arg3[%add3A_11] : memref<160000xi32, #tpu.memory_space<hbm>> -> memref<8xi32, #tpu.memory_space<hbm>>
      %dma_wait3A_19 = tpu.memref_slice %arg3[%add3A_11] : memref<160000xi32, #tpu.memory_space<hbm>> -> memref<8xi32, #tpu.memory_space<hbm>>
      tpu.wait_dma2 semaphore(%run_scoped3A : memref<!tpu.dma_semaphore, #tpu.memory_space<semaphore_mem>>) src(%dma_wait3A_19 : memref<8xi32, #tpu.memory_space<hbm>>) dst(%arg8 : memref<8xi32, #tpu.memory_space<vmem>>)
      tpu.yield
    }) : () -> ()
    "tpu.region"() ({
      %run_scoped3A = tpu.sem_alloc : memref<!tpu.dma_semaphore, #tpu.memory_space<semaphore_mem>>
      %dma_start3A = arith.constant 0 : i32
      %dma_start3A_18 = tpu.memref_slice %arg2[%add3A_11, %dma_start3A] : memref<160000x16xf32, #tpu.memory_space<hbm>> -> memref<8x16xf32, #tpu.memory_space<hbm>>
      %dma_start3A_19 = arith.constant 0 : i32
      %dma_start3A_20 = tpu.memref_slice %arg2[%add3A_11, %dma_start3A_19] : memref<160000x16xf32, #tpu.memory_space<hbm>> -> memref<8x16xf32, #tpu.memory_space<hbm>>
      tpu.enqueue_dma source(%dma_start3A_20 : memref<8x16xf32, #tpu.memory_space<hbm>>) target(%arg9 : memref<8x16xf32, #tpu.memory_space<vmem>>) target_semaphore(%run_scoped3A : memref<!tpu.dma_semaphore, #tpu.memory_space<semaphore_mem>>)
      %dma_wait3A = arith.constant 0 : i32
      %dma_wait3A_21 = tpu.memref_slice %arg2[%add3A_11, %dma_wait3A] : memref<160000x16xf32, #tpu.memory_space<hbm>> -> memref<8x16xf32, #tpu.memory_space<hbm>>
      %dma_wait3A_22 = arith.constant 0 : i32
      %dma_wait3A_23 = tpu.memref_slice %arg2[%add3A_11, %dma_wait3A_22] : memref<160000x16xf32, #tpu.memory_space<hbm>> -> memref<8x16xf32, #tpu.memory_space<hbm>>
      tpu.wait_dma2 semaphore(%run_scoped3A : memref<!tpu.dma_semaphore, #tpu.memory_space<semaphore_mem>>) src(%dma_wait3A_23 : memref<8x16xf32, #tpu.memory_space<hbm>>) dst(%arg9 : memref<8x16xf32, #tpu.memory_space<vmem>>)
      tpu.yield
    }) : () -> ()
    "tpu.region"() ({
      %run_scoped3A = tpu.sem_alloc : memref<!tpu.dma_semaphore, #tpu.memory_space<semaphore_mem>>
      %dma_start3A = arith.constant 0 : i32
      %dma_start3A_18 = arith.constant 0 : i32
      %dma_start3A_19 = tpu.memref_slice %arg10[%dma_start3A, %dma_start3A_18] : memref<10000x16xf32, #tpu.memory_space<vmem_shared>> -> memref<10000x16xf32, #tpu.memory_space<vmem_shared>>
      tpu.enqueue_indirect_dma source(%arg9 : memref<8x16xf32, #tpu.memory_space<vmem>>) target(%dma_start3A_19 : memref<10000x16xf32, #tpu.memory_space<vmem_shared>>) offsets(%arg8 : memref<8xi32, #tpu.memory_space<vmem>>) semaphore(%run_scoped3A : memref<!tpu.dma_semaphore, #tpu.memory_space<semaphore_mem>>) {add = true}
      %dma_wait3A = arith.constant 0 : i32
      %dma_wait3A_20 = arith.constant 0 : i32
      %dma_wait3A_21 = tpu.memref_slice %arg10[%dma_wait3A, %dma_wait3A_20] : memref<10000x16xf32, #tpu.memory_space<vmem_shared>> -> memref<10000x16xf32, #tpu.memory_space<vmem_shared>>
      tpu.wait_indirect_dma semaphore(%run_scoped3A : memref<!tpu.dma_semaphore, #tpu.memory_space<semaphore_mem>>) src(%arg9 : memref<8x16xf32, #tpu.memory_space<vmem>>) dst(%dma_wait3A_21 : memref<10000x16xf32, #tpu.memory_space<vmem_shared>>)
      tpu.yield
    }) : () -> ()
    %barrier3A_12 = arith.constant 0 : index
    tpu.barrier barrier_id(%barrier3A_12)
    %eq3A_13 = arith.constant 0 : i32
    %eq3A_14 = arith.cmpi eq, %arg1, %eq3A_13 : i32
    %convert_element_type3A_15 = arith.extui %eq3A_14 : i1 to i32
    %cond3A_16 = arith.constant 0 : i32
    %cond3A_17 = arith.cmpi ne, %convert_element_type3A_15, %cond3A_16 : i32
    scf.if %cond3A_17 {
      "tpu.region"() ({
        %run_scoped3A = tpu.sem_alloc : memref<!tpu.dma_semaphore, #tpu.memory_space<semaphore_mem>>
        %dma_start3A = arith.constant 0 : i32
        %dma_start3A_18 = arith.constant 0 : i32
        %dma_start3A_19 = tpu.memref_slice %arg5[%arg0, %dma_start3A, %dma_start3A_18] : memref<2x10000x16xf32, #tpu.memory_space<hbm>> -> memref<1x10000x16xf32, #tpu.memory_space<hbm>>
        %dma_start3A_20 = tpu.memref_squeeze %dma_start3A_19 : memref<1x10000x16xf32, #tpu.memory_space<hbm>> -> memref<10000x16xf32, #tpu.memory_space<hbm>>
        tpu.enqueue_dma source(%arg10 : memref<10000x16xf32, #tpu.memory_space<vmem_shared>>) target(%dma_start3A_20 : memref<10000x16xf32, #tpu.memory_space<hbm>>) target_semaphore(%run_scoped3A : memref<!tpu.dma_semaphore, #tpu.memory_space<semaphore_mem>>)
        %dma_wait3A = arith.constant 0 : i32
        %dma_wait3A_21 = arith.constant 0 : i32
        %dma_wait3A_22 = tpu.memref_slice %arg5[%arg0, %dma_wait3A, %dma_wait3A_21] : memref<2x10000x16xf32, #tpu.memory_space<hbm>> -> memref<1x10000x16xf32, #tpu.memory_space<hbm>>
        %dma_wait3A_23 = tpu.memref_squeeze %dma_wait3A_22 : memref<1x10000x16xf32, #tpu.memory_space<hbm>> -> memref<10000x16xf32, #tpu.memory_space<hbm>>
        tpu.wait_dma2 semaphore(%run_scoped3A : memref<!tpu.dma_semaphore, #tpu.memory_space<semaphore_mem>>) src(%arg10 : memref<10000x16xf32, #tpu.memory_space<vmem_shared>>) dst(%dma_wait3A_23 : memref<10000x16xf32, #tpu.memory_space<hbm>>)
        tpu.yield
      }) : () -> ()
    } else {
    }
    return
  }
}

#map = affine_map<(d0, d1) -> (0, 0)>
#map1 = affine_map<(d0, d1) -> (0)>
module attributes {stable_mosaic.version = 14 : i64} {
  func.func @k(%arg0: i32, %arg1: i32, %arg2: memref<10000x16xf32, #tpu.memory_space<hbm>>, %arg3: memref<160000xi32, #tpu.memory_space<hbm>>, %arg4: memref<160000x16xf32, #tpu.memory_space<hbm>>, %arg5: memref<128xi32, #tpu.memory_space<vmem>>, %arg6: memref<128x16xf32, #tpu.memory_space<vmem>>, %arg7: memref<8xi32, #tpu.memory_space<vmem>>, %arg8: memref<8x16xf32, #tpu.memory_space<vmem>>, %arg9: memref<!tpu.dma_semaphore, #tpu.memory_space<semaphore_mem>>) attributes {dimension_semantics = [#tpu.dimension_semantics<core_parallel>, #tpu.dimension_semantics<subcore_parallel>], iteration_bounds = array<i64: 2, 16>, scalar_prefetch = 0 : i64, scratch_operands = 5 : i64, tpu.core_type = #tpu.core_type<sc_vector_subcore>, window_params = [{transform_indices = #map}, {transform_indices = #map1}, {transform_indices = #map}]} {
    %mul3A = arith.constant 2 : i32
    %mul3A_0 = arith.muli %arg1, %mul3A : i32
    %add3A = arith.addi %mul3A_0, %arg0 : i32
    %mul3A_1 = arith.constant 5000 : i32
    %mul3A_2 = arith.muli %add3A, %mul3A_1 : i32
    %scan3A = arith.constant 0 : i32
    %scan3A_3 = arith.constant 0 : i32
    %scan3A_4 = arith.constant 39 : i32
    %scan3A_5 = arith.addi %scan3A_3, %scan3A_4 : i32
    %scan3A_6 = arith.constant 1 : i32
    scf.for %scan3A_14 = %scan3A_3 to %scan3A_5 step %scan3A_6  : i32 {
      %mul3A_15 = arith.constant 128 : i32
      %mul3A_16 = arith.muli %scan3A_14, %mul3A_15 : i32
      %add3A_17 = arith.addi %mul3A_2, %mul3A_16 : i32
      "tpu.region"() ({
        %run_scoped3A = tpu.sem_alloc : memref<!tpu.dma_semaphore, #tpu.memory_space<semaphore_mem>>
        %dma_start3A_24 = tpu.memref_slice %arg3[%add3A_17] : memref<160000xi32, #tpu.memory_space<hbm>> -> memref<128xi32, #tpu.memory_space<hbm>>
        %dma_start3A_25 = tpu.memref_slice %arg3[%add3A_17] : memref<160000xi32, #tpu.memory_space<hbm>> -> memref<128xi32, #tpu.memory_space<hbm>>
        tpu.enqueue_dma source(%dma_start3A_25 : memref<128xi32, #tpu.memory_space<hbm>>) target(%arg5 : memref<128xi32, #tpu.memory_space<vmem>>) target_semaphore(%run_scoped3A : memref<!tpu.dma_semaphore, #tpu.memory_space<semaphore_mem>>)
        %dma_wait3A_26 = tpu.memref_slice %arg3[%add3A_17] : memref<160000xi32, #tpu.memory_space<hbm>> -> memref<128xi32, #tpu.memory_space<hbm>>
        %dma_wait3A_27 = tpu.memref_slice %arg3[%add3A_17] : memref<160000xi32, #tpu.memory_space<hbm>> -> memref<128xi32, #tpu.memory_space<hbm>>
        tpu.wait_dma2 semaphore(%run_scoped3A : memref<!tpu.dma_semaphore, #tpu.memory_space<semaphore_mem>>) src(%dma_wait3A_27 : memref<128xi32, #tpu.memory_space<hbm>>) dst(%arg5 : memref<128xi32, #tpu.memory_space<vmem>>)
        tpu.yield
      }) : () -> ()
      %dma_start3A_18 = arith.constant 0 : i32
      %dma_start3A_19 = arith.constant 0 : i32
      %dma_start3A_20 = tpu.memref_slice %arg2[%dma_start3A_18, %dma_start3A_19] : memref<10000x16xf32, #tpu.memory_space<hbm>> -> memref<10000x16xf32, #tpu.memory_space<hbm>>
      tpu.enqueue_indirect_dma source(%dma_start3A_20 : memref<10000x16xf32, #tpu.memory_space<hbm>>) target(%arg6 : memref<128x16xf32, #tpu.memory_space<vmem>>) offsets(%arg5 : memref<128xi32, #tpu.memory_space<vmem>>) semaphore(%arg9 : memref<!tpu.dma_semaphore, #tpu.memory_space<semaphore_mem>>)
      %dma_wait3A_21 = arith.constant 0 : i32
      %dma_wait3A_22 = arith.constant 0 : i32
      %dma_wait3A_23 = tpu.memref_slice %arg2[%dma_wait3A_21, %dma_wait3A_22] : memref<10000x16xf32, #tpu.memory_space<hbm>> -> memref<10000x16xf32, #tpu.memory_space<hbm>>
      tpu.wait_indirect_dma semaphore(%arg9 : memref<!tpu.dma_semaphore, #tpu.memory_space<semaphore_mem>>) src(%dma_wait3A_23 : memref<10000x16xf32, #tpu.memory_space<hbm>>) dst(%arg6 : memref<128x16xf32, #tpu.memory_space<vmem>>)
      "tpu.region"() ({
        %run_scoped3A = tpu.sem_alloc : memref<!tpu.dma_semaphore, #tpu.memory_space<semaphore_mem>>
        %dma_start3A_24 = arith.constant 0 : i32
        %dma_start3A_25 = tpu.memref_slice %arg4[%add3A_17, %dma_start3A_24] : memref<160000x16xf32, #tpu.memory_space<hbm>> -> memref<128x16xf32, #tpu.memory_space<hbm>>
        %dma_start3A_26 = arith.constant 0 : i32
        %dma_start3A_27 = tpu.memref_slice %arg4[%add3A_17, %dma_start3A_26] : memref<160000x16xf32, #tpu.memory_space<hbm>> -> memref<128x16xf32, #tpu.memory_space<hbm>>
        tpu.enqueue_dma source(%arg6 : memref<128x16xf32, #tpu.memory_space<vmem>>) target(%dma_start3A_27 : memref<128x16xf32, #tpu.memory_space<hbm>>) target_semaphore(%run_scoped3A : memref<!tpu.dma_semaphore, #tpu.memory_space<semaphore_mem>>)
        %dma_wait3A_28 = arith.constant 0 : i32
        %dma_wait3A_29 = tpu.memref_slice %arg4[%add3A_17, %dma_wait3A_28] : memref<160000x16xf32, #tpu.memory_space<hbm>> -> memref<128x16xf32, #tpu.memory_space<hbm>>
        %dma_wait3A_30 = arith.constant 0 : i32
        %dma_wait3A_31 = tpu.memref_slice %arg4[%add3A_17, %dma_wait3A_30] : memref<160000x16xf32, #tpu.memory_space<hbm>> -> memref<128x16xf32, #tpu.memory_space<hbm>>
        tpu.wait_dma2 semaphore(%run_scoped3A : memref<!tpu.dma_semaphore, #tpu.memory_space<semaphore_mem>>) src(%arg6 : memref<128x16xf32, #tpu.memory_space<vmem>>) dst(%dma_wait3A_31 : memref<128x16xf32, #tpu.memory_space<hbm>>)
        tpu.yield
      }) : () -> ()
    }
    %scan3A_7 = arith.constant 39 : i32
    %add3A_8 = arith.constant 4992 : i32
    %add3A_9 = arith.addi %mul3A_2, %add3A_8 : i32
    "tpu.region"() ({
      %run_scoped3A = tpu.sem_alloc : memref<!tpu.dma_semaphore, #tpu.memory_space<semaphore_mem>>
      %dma_start3A_14 = tpu.memref_slice %arg3[%add3A_9] : memref<160000xi32, #tpu.memory_space<hbm>> -> memref<8xi32, #tpu.memory_space<hbm>>
      %dma_start3A_15 = tpu.memref_slice %arg3[%add3A_9] : memref<160000xi32, #tpu.memory_space<hbm>> -> memref<8xi32, #tpu.memory_space<hbm>>
      tpu.enqueue_dma source(%dma_start3A_15 : memref<8xi32, #tpu.memory_space<hbm>>) target(%arg7 : memref<8xi32, #tpu.memory_space<vmem>>) target_semaphore(%run_scoped3A : memref<!tpu.dma_semaphore, #tpu.memory_space<semaphore_mem>>)
      %dma_wait3A_16 = tpu.memref_slice %arg3[%add3A_9] : memref<160000xi32, #tpu.memory_space<hbm>> -> memref<8xi32, #tpu.memory_space<hbm>>
      %dma_wait3A_17 = tpu.memref_slice %arg3[%add3A_9] : memref<160000xi32, #tpu.memory_space<hbm>> -> memref<8xi32, #tpu.memory_space<hbm>>
      tpu.wait_dma2 semaphore(%run_scoped3A : memref<!tpu.dma_semaphore, #tpu.memory_space<semaphore_mem>>) src(%dma_wait3A_17 : memref<8xi32, #tpu.memory_space<hbm>>) dst(%arg7 : memref<8xi32, #tpu.memory_space<vmem>>)
      tpu.yield
    }) : () -> ()
    %dma_start3A = arith.constant 0 : i32
    %dma_start3A_10 = arith.constant 0 : i32
    %dma_start3A_11 = tpu.memref_slice %arg2[%dma_start3A, %dma_start3A_10] : memref<10000x16xf32, #tpu.memory_space<hbm>> -> memref<10000x16xf32, #tpu.memory_space<hbm>>
    tpu.enqueue_indirect_dma source(%dma_start3A_11 : memref<10000x16xf32, #tpu.memory_space<hbm>>) target(%arg8 : memref<8x16xf32, #tpu.memory_space<vmem>>) offsets(%arg7 : memref<8xi32, #tpu.memory_space<vmem>>) semaphore(%arg9 : memref<!tpu.dma_semaphore, #tpu.memory_space<semaphore_mem>>)
    %dma_wait3A = arith.constant 0 : i32
    %dma_wait3A_12 = arith.constant 0 : i32
    %dma_wait3A_13 = tpu.memref_slice %arg2[%dma_wait3A, %dma_wait3A_12] : memref<10000x16xf32, #tpu.memory_space<hbm>> -> memref<10000x16xf32, #tpu.memory_space<hbm>>
    tpu.wait_indirect_dma semaphore(%arg9 : memref<!tpu.dma_semaphore, #tpu.memory_space<semaphore_mem>>) src(%dma_wait3A_13 : memref<10000x16xf32, #tpu.memory_space<hbm>>) dst(%arg8 : memref<8x16xf32, #tpu.memory_space<vmem>>)
    "tpu.region"() ({
      %run_scoped3A = tpu.sem_alloc : memref<!tpu.dma_semaphore, #tpu.memory_space<semaphore_mem>>
      %dma_start3A_14 = arith.constant 0 : i32
      %dma_start3A_15 = tpu.memref_slice %arg4[%add3A_9, %dma_start3A_14] : memref<160000x16xf32, #tpu.memory_space<hbm>> -> memref<8x16xf32, #tpu.memory_space<hbm>>
      %dma_start3A_16 = arith.constant 0 : i32
      %dma_start3A_17 = tpu.memref_slice %arg4[%add3A_9, %dma_start3A_16] : memref<160000x16xf32, #tpu.memory_space<hbm>> -> memref<8x16xf32, #tpu.memory_space<hbm>>
      tpu.enqueue_dma source(%arg8 : memref<8x16xf32, #tpu.memory_space<vmem>>) target(%dma_start3A_17 : memref<8x16xf32, #tpu.memory_space<hbm>>) target_semaphore(%run_scoped3A : memref<!tpu.dma_semaphore, #tpu.memory_space<semaphore_mem>>)
      %dma_wait3A_18 = arith.constant 0 : i32
      %dma_wait3A_19 = tpu.memref_slice %arg4[%add3A_9, %dma_wait3A_18] : memref<160000x16xf32, #tpu.memory_space<hbm>> -> memref<8x16xf32, #tpu.memory_space<hbm>>
      %dma_wait3A_20 = arith.constant 0 : i32
      %dma_wait3A_21 = tpu.memref_slice %arg4[%add3A_9, %dma_wait3A_20] : memref<160000x16xf32, #tpu.memory_space<hbm>> -> memref<8x16xf32, #tpu.memory_space<hbm>>
      tpu.wait_dma2 semaphore(%run_scoped3A : memref<!tpu.dma_semaphore, #tpu.memory_space<semaphore_mem>>) src(%arg8 : memref<8x16xf32, #tpu.memory_space<vmem>>) dst(%dma_wait3A_21 : memref<8x16xf32, #tpu.memory_space<hbm>>)
      tpu.yield
    }) : () -> ()
    return
  }
}

#map = affine_map<(d0, d1) -> (0, 0)>
#map1 = affine_map<(d0, d1) -> (0)>
#map2 = affine_map<(d0, d1) -> (0, 0, 0)>
module attributes {stable_mosaic.version = 14 : i64} {
  func.func @k(%arg0: i32, %arg1: i32, %arg2: memref<160000x16xf32, #tpu.memory_space<hbm>>, %arg3: memref<160000xi32, #tpu.memory_space<hbm>>, %arg4: memref<10000x16xf32, #tpu.memory_space<hbm>>, %arg5: memref<2x10000x16xf32, #tpu.memory_space<hbm>>, %arg6: memref<128xi32, #tpu.memory_space<vmem>>, %arg7: memref<128x16xf32, #tpu.memory_space<vmem>>, %arg8: memref<8xi32, #tpu.memory_space<vmem>>, %arg9: memref<8x16xf32, #tpu.memory_space<vmem>>, %arg10: memref<10000x16xf32, #tpu.memory_space<vmem_shared>>) attributes {dimension_semantics = [#tpu.dimension_semantics<core_parallel>, #tpu.dimension_semantics<subcore_parallel>], iteration_bounds = array<i64: 2, 16>, scalar_prefetch = 0 : i64, scratch_operands = 5 : i64, tpu.core_type = #tpu.core_type<sc_vector_subcore>, window_params = [{transform_indices = #map}, {transform_indices = #map1}, {transform_indices = #map}, {transform_indices = #map2}]} {
    %eq3A = arith.constant 0 : i32
    %eq3A_0 = arith.cmpi eq, %arg1, %eq3A : i32
    %convert_element_type3A = arith.extui %eq3A_0 : i1 to i32
    %cond3A = arith.constant 0 : i32
    %cond3A_1 = arith.cmpi ne, %convert_element_type3A, %cond3A : i32
    scf.if %cond3A_1 {
      "tpu.region"() ({
        %run_scoped3A = tpu.sem_alloc : memref<!tpu.dma_semaphore, #tpu.memory_space<semaphore_mem>>
        tpu.enqueue_dma source(%arg4 : memref<10000x16xf32, #tpu.memory_space<hbm>>) target(%arg10 : memref<10000x16xf32, #tpu.memory_space<vmem_shared>>) target_semaphore(%run_scoped3A : memref<!tpu.dma_semaphore, #tpu.memory_space<semaphore_mem>>)
        tpu.wait_dma2 semaphore(%run_scoped3A : memref<!tpu.dma_semaphore, #tpu.memory_space<semaphore_mem>>) src(%arg4 : memref<10000x16xf32, #tpu.memory_space<hbm>>) dst(%arg10 : memref<10000x16xf32, #tpu.memory_space<vmem_shared>>)
        tpu.yield
      }) : () -> ()
    } else {
    }
    %barrier3A = arith.constant 0 : index
    tpu.barrier barrier_id(%barrier3A)
    %mul3A = arith.constant 80000 : i32
    %mul3A_2 = arith.muli %arg0, %mul3A : i32
    %mul3A_3 = arith.constant 5000 : i32
    %mul3A_4 = arith.muli %arg1, %mul3A_3 : i32
    %add3A = arith.addi %mul3A_2, %mul3A_4 : i32
    %scan3A = arith.constant 0 : i32
    %scan3A_5 = arith.constant 0 : i32
    %scan3A_6 = arith.constant 39 : i32
    %scan3A_7 = arith.addi %scan3A_5, %scan3A_6 : i32
    %scan3A_8 = arith.constant 1 : i32
    scf.for %scan3A_18 = %scan3A_5 to %scan3A_7 step %scan3A_8  : i32 {
      %mul3A_19 = arith.constant 128 : i32
      %mul3A_20 = arith.muli %scan3A_18, %mul3A_19 : i32
      %add3A_21 = arith.addi %add3A, %mul3A_20 : i32
      "tpu.region"() ({
        %run_scoped3A = tpu.sem_alloc : memref<!tpu.dma_semaphore, #tpu.memory_space<semaphore_mem>>
        %dma_start3A = tpu.memref_slice %arg3[%add3A_21] : memref<160000xi32, #tpu.memory_space<hbm>> -> memref<128xi32, #tpu.memory_space<hbm>>
        %dma_start3A_22 = tpu.memref_slice %arg3[%add3A_21] : memref<160000xi32, #tpu.memory_space<hbm>> -> memref<128xi32, #tpu.memory_space<hbm>>
        tpu.enqueue_dma source(%dma_start3A_22 : memref<128xi32, #tpu.memory_space<hbm>>) target(%arg6 : memref<128xi32, #tpu.memory_space<vmem>>) target_semaphore(%run_scoped3A : memref<!tpu.dma_semaphore, #tpu.memory_space<semaphore_mem>>)
        %dma_wait3A = tpu.memref_slice %arg3[%add3A_21] : memref<160000xi32, #tpu.memory_space<hbm>> -> memref<128xi32, #tpu.memory_space<hbm>>
        %dma_wait3A_23 = tpu.memref_slice %arg3[%add3A_21] : memref<160000xi32, #tpu.memory_space<hbm>> -> memref<128xi32, #tpu.memory_space<hbm>>
        tpu.wait_dma2 semaphore(%run_scoped3A : memref<!tpu.dma_semaphore, #tpu.memory_space<semaphore_mem>>) src(%dma_wait3A_23 : memref<128xi32, #tpu.memory_space<hbm>>) dst(%arg6 : memref<128xi32, #tpu.memory_space<vmem>>)
        tpu.yield
      }) : () -> ()
      "tpu.region"() ({
        %run_scoped3A = tpu.sem_alloc : memref<!tpu.dma_semaphore, #tpu.memory_space<semaphore_mem>>
        %dma_start3A = arith.constant 0 : i32
        %dma_start3A_22 = tpu.memref_slice %arg2[%add3A_21, %dma_start3A] : memref<160000x16xf32, #tpu.memory_space<hbm>> -> memref<128x16xf32, #tpu.memory_space<hbm>>
        %dma_start3A_23 = arith.constant 0 : i32
        %dma_start3A_24 = tpu.memref_slice %arg2[%add3A_21, %dma_start3A_23] : memref<160000x16xf32, #tpu.memory_space<hbm>> -> memref<128x16xf32, #tpu.memory_space<hbm>>
        tpu.enqueue_dma source(%dma_start3A_24 : memref<128x16xf32, #tpu.memory_space<hbm>>) target(%arg7 : memref<128x16xf32, #tpu.memory_space<vmem>>) target_semaphore(%run_scoped3A : memref<!tpu.dma_semaphore, #tpu.memory_space<semaphore_mem>>)
        %dma_wait3A = arith.constant 0 : i32
        %dma_wait3A_25 = tpu.memref_slice %arg2[%add3A_21, %dma_wait3A] : memref<160000x16xf32, #tpu.memory_space<hbm>> -> memref<128x16xf32, #tpu.memory_space<hbm>>
        %dma_wait3A_26 = arith.constant 0 : i32
        %dma_wait3A_27 = tpu.memref_slice %arg2[%add3A_21, %dma_wait3A_26] : memref<160000x16xf32, #tpu.memory_space<hbm>> -> memref<128x16xf32, #tpu.memory_space<hbm>>
        tpu.wait_dma2 semaphore(%run_scoped3A : memref<!tpu.dma_semaphore, #tpu.memory_space<semaphore_mem>>) src(%dma_wait3A_27 : memref<128x16xf32, #tpu.memory_space<hbm>>) dst(%arg7 : memref<128x16xf32, #tpu.memory_space<vmem>>)
        tpu.yield
      }) : () -> ()
      "tpu.region"() ({
        %run_scoped3A = tpu.sem_alloc : memref<!tpu.dma_semaphore, #tpu.memory_space<semaphore_mem>>
        %dma_start3A = arith.constant 0 : i32
        %dma_start3A_22 = arith.constant 0 : i32
        %dma_start3A_23 = tpu.memref_slice %arg10[%dma_start3A, %dma_start3A_22] : memref<10000x16xf32, #tpu.memory_space<vmem_shared>> -> memref<10000x16xf32, #tpu.memory_space<vmem_shared>>
        tpu.enqueue_indirect_dma source(%arg7 : memref<128x16xf32, #tpu.memory_space<vmem>>) target(%dma_start3A_23 : memref<10000x16xf32, #tpu.memory_space<vmem_shared>>) offsets(%arg6 : memref<128xi32, #tpu.memory_space<vmem>>) semaphore(%run_scoped3A : memref<!tpu.dma_semaphore, #tpu.memory_space<semaphore_mem>>) {add = true}
        %dma_wait3A = arith.constant 0 : i32
        %dma_wait3A_24 = arith.constant 0 : i32
        %dma_wait3A_25 = tpu.memref_slice %arg10[%dma_wait3A, %dma_wait3A_24] : memref<10000x16xf32, #tpu.memory_space<vmem_shared>> -> memref<10000x16xf32, #tpu.memory_space<vmem_shared>>
        tpu.wait_indirect_dma semaphore(%run_scoped3A : memref<!tpu.dma_semaphore, #tpu.memory_space<semaphore_mem>>) src(%arg7 : memref<128x16xf32, #tpu.memory_space<vmem>>) dst(%dma_wait3A_25 : memref<10000x16xf32, #tpu.memory_space<vmem_shared>>)
        tpu.yield
      }) : () -> ()
    }
    %scan3A_9 = arith.constant 39 : i32
    %add3A_10 = arith.constant 4992 : i32
    %add3A_11 = arith.addi %add3A, %add3A_10 : i32
    "tpu.region"() ({
      %run_scoped3A = tpu.sem_alloc : memref<!tpu.dma_semaphore, #tpu.memory_space<semaphore_mem>>
      %dma_start3A = tpu.memref_slice %arg3[%add3A_11] : memref<160000xi32, #tpu.memory_space<hbm>> -> memref<8xi32, #tpu.memory_space<hbm>>
      %dma_start3A_18 = tpu.memref_slice %arg3[%add3A_11] : memref<160000xi32, #tpu.memory_space<hbm>> -> memref<8xi32, #tpu.memory_space<hbm>>
      tpu.enqueue_dma source(%dma_start3A_18 : memref<8xi32, #tpu.memory_space<hbm>>) target(%arg8 : memref<8xi32, #tpu.memory_space<vmem>>) target_semaphore(%run_scoped3A : memref<!tpu.dma_semaphore, #tpu.memory_space<semaphore_mem>>)
      %dma_wait3A = tpu.memref_slice %arg3[%add3A_11] : memref<160000xi32, #tpu.memory_space<hbm>> -> memref<8xi32, #tpu.memory_space<hbm>>
      %dma_wait3A_19 = tpu.memref_slice %arg3[%add3A_11] : memref<160000xi32, #tpu.memory_space<hbm>> -> memref<8xi32, #tpu.memory_space<hbm>>
      tpu.wait_dma2 semaphore(%run_scoped3A : memref<!tpu.dma_semaphore, #tpu.memory_space<semaphore_mem>>) src(%dma_wait3A_19 : memref<8xi32, #tpu.memory_space<hbm>>) dst(%arg8 : memref<8xi32, #tpu.memory_space<vmem>>)
      tpu.yield
    }) : () -> ()
    "tpu.region"() ({
      %run_scoped3A = tpu.sem_alloc : memref<!tpu.dma_semaphore, #tpu.memory_space<semaphore_mem>>
      %dma_start3A = arith.constant 0 : i32
      %dma_start3A_18 = tpu.memref_slice %arg2[%add3A_11, %dma_start3A] : memref<160000x16xf32, #tpu.memory_space<hbm>> -> memref<8x16xf32, #tpu.memory_space<hbm>>
      %dma_start3A_19 = arith.constant 0 : i32
      %dma_start3A_20 = tpu.memref_slice %arg2[%add3A_11, %dma_start3A_19] : memref<160000x16xf32, #tpu.memory_space<hbm>> -> memref<8x16xf32, #tpu.memory_space<hbm>>
      tpu.enqueue_dma source(%dma_start3A_20 : memref<8x16xf32, #tpu.memory_space<hbm>>) target(%arg9 : memref<8x16xf32, #tpu.memory_space<vmem>>) target_semaphore(%run_scoped3A : memref<!tpu.dma_semaphore, #tpu.memory_space<semaphore_mem>>)
      %dma_wait3A = arith.constant 0 : i32
      %dma_wait3A_21 = tpu.memref_slice %arg2[%add3A_11, %dma_wait3A] : memref<160000x16xf32, #tpu.memory_space<hbm>> -> memref<8x16xf32, #tpu.memory_space<hbm>>
      %dma_wait3A_22 = arith.constant 0 : i32
      %dma_wait3A_23 = tpu.memref_slice %arg2[%add3A_11, %dma_wait3A_22] : memref<160000x16xf32, #tpu.memory_space<hbm>> -> memref<8x16xf32, #tpu.memory_space<hbm>>
      tpu.wait_dma2 semaphore(%run_scoped3A : memref<!tpu.dma_semaphore, #tpu.memory_space<semaphore_mem>>) src(%dma_wait3A_23 : memref<8x16xf32, #tpu.memory_space<hbm>>) dst(%arg9 : memref<8x16xf32, #tpu.memory_space<vmem>>)
      tpu.yield
    }) : () -> ()
    "tpu.region"() ({
      %run_scoped3A = tpu.sem_alloc : memref<!tpu.dma_semaphore, #tpu.memory_space<semaphore_mem>>
      %dma_start3A = arith.constant 0 : i32
      %dma_start3A_18 = arith.constant 0 : i32
      %dma_start3A_19 = tpu.memref_slice %arg10[%dma_start3A, %dma_start3A_18] : memref<10000x16xf32, #tpu.memory_space<vmem_shared>> -> memref<10000x16xf32, #tpu.memory_space<vmem_shared>>
      tpu.enqueue_indirect_dma source(%arg9 : memref<8x16xf32, #tpu.memory_space<vmem>>) target(%dma_start3A_19 : memref<10000x16xf32, #tpu.memory_space<vmem_shared>>) offsets(%arg8 : memref<8xi32, #tpu.memory_space<vmem>>) semaphore(%run_scoped3A : memref<!tpu.dma_semaphore, #tpu.memory_space<semaphore_mem>>) {add = true}
      %dma_wait3A = arith.constant 0 : i32
      %dma_wait3A_20 = arith.constant 0 : i32
      %dma_wait3A_21 = tpu.memref_slice %arg10[%dma_wait3A, %dma_wait3A_20] : memref<10000x16xf32, #tpu.memory_space<vmem_shared>> -> memref<10000x16xf32, #tpu.memory_space<vmem_shared>>
      tpu.wait_indirect_dma semaphore(%run_scoped3A : memref<!tpu.dma_semaphore, #tpu.memory_space<semaphore_mem>>) src(%arg9 : memref<8x16xf32, #tpu.memory_space<vmem>>) dst(%dma_wait3A_21 : memref<10000x16xf32, #tpu.memory_space<vmem_shared>>)
      tpu.yield
    }) : () -> ()
    %barrier3A_12 = arith.constant 0 : index
    tpu.barrier barrier_id(%barrier3A_12)
    %eq3A_13 = arith.constant 0 : i32
    %eq3A_14 = arith.cmpi eq, %arg1, %eq3A_13 : i32
    %convert_element_type3A_15 = arith.extui %eq3A_14 : i1 to i32
    %cond3A_16 = arith.constant 0 : i32
    %cond3A_17 = arith.cmpi ne, %convert_element_type3A_15, %cond3A_16 : i32
    scf.if %cond3A_17 {
      "tpu.region"() ({
        %run_scoped3A = tpu.sem_alloc : memref<!tpu.dma_semaphore, #tpu.memory_space<semaphore_mem>>
        %dma_start3A = arith.constant 0 : i32
        %dma_start3A_18 = arith.constant 0 : i32
        %dma_start3A_19 = tpu.memref_slice %arg5[%arg0, %dma_start3A, %dma_start3A_18] : memref<2x10000x16xf32, #tpu.memory_space<hbm>> -> memref<1x10000x16xf32, #tpu.memory_space<hbm>>
        %dma_start3A_20 = tpu.memref_squeeze %dma_start3A_19 : memref<1x10000x16xf32, #tpu.memory_space<hbm>> -> memref<10000x16xf32, #tpu.memory_space<hbm>>
        tpu.enqueue_dma source(%arg10 : memref<10000x16xf32, #tpu.memory_space<vmem_shared>>) target(%dma_start3A_20 : memref<10000x16xf32, #tpu.memory_space<hbm>>) target_semaphore(%run_scoped3A : memref<!tpu.dma_semaphore, #tpu.memory_space<semaphore_mem>>)
        %dma_wait3A = arith.constant 0 : i32
        %dma_wait3A_21 = arith.constant 0 : i32
        %dma_wait3A_22 = tpu.memref_slice %arg5[%arg0, %dma_wait3A, %dma_wait3A_21] : memref<2x10000x16xf32, #tpu.memory_space<hbm>> -> memref<1x10000x16xf32, #tpu.memory_space<hbm>>
        %dma_wait3A_23 = tpu.memref_squeeze %dma_wait3A_22 : memref<1x10000x16xf32, #tpu.memory_space<hbm>> -> memref<10000x16xf32, #tpu.memory_space<hbm>>
        tpu.wait_dma2 semaphore(%run_scoped3A : memref<!tpu.dma_semaphore, #tpu.memory_space<semaphore_mem>>) src(%arg10 : memref<10000x16xf32, #tpu.memory_space<vmem_shared>>) dst(%dma_wait3A_23 : memref<10000x16xf32, #tpu.memory_space<hbm>>)
        tpu.yield
      }) : () -> ()
    } else {
    }
    return
  }
}

#map = affine_map<(d0, d1) -> (0, 0)>
#map1 = affine_map<(d0, d1) -> (0)>
#map2 = affine_map<(d0, d1) -> (0, 0, 0)>
module attributes {stable_mosaic.version = 14 : i64} {
  func.func @k(%arg0: i32, %arg1: i32, %arg2: memref<160000x16xf32, #tpu.memory_space<hbm>>, %arg3: memref<160000xi32, #tpu.memory_space<hbm>>, %arg4: memref<10000x16xf32, #tpu.memory_space<hbm>>, %arg5: memref<2x10000x16xf32, #tpu.memory_space<hbm>>, %arg6: memref<128xi32, #tpu.memory_space<vmem>>, %arg7: memref<128x16xf32, #tpu.memory_space<vmem>>, %arg8: memref<8xi32, #tpu.memory_space<vmem>>, %arg9: memref<8x16xf32, #tpu.memory_space<vmem>>, %arg10: memref<10000x16xf32, #tpu.memory_space<vmem_shared>>) attributes {dimension_semantics = [#tpu.dimension_semantics<core_parallel>, #tpu.dimension_semantics<subcore_parallel>], iteration_bounds = array<i64: 2, 16>, scalar_prefetch = 0 : i64, scratch_operands = 5 : i64, tpu.core_type = #tpu.core_type<sc_vector_subcore>, window_params = [{transform_indices = #map}, {transform_indices = #map1}, {transform_indices = #map}, {transform_indices = #map2}]} {
    %eq3A = arith.constant 0 : i32
    %eq3A_0 = arith.cmpi eq, %arg1, %eq3A : i32
    %convert_element_type3A = arith.extui %eq3A_0 : i1 to i32
    %cond3A = arith.constant 0 : i32
    %cond3A_1 = arith.cmpi ne, %convert_element_type3A, %cond3A : i32
    scf.if %cond3A_1 {
      "tpu.region"() ({
        %run_scoped3A = tpu.sem_alloc : memref<!tpu.dma_semaphore, #tpu.memory_space<semaphore_mem>>
        tpu.enqueue_dma source(%arg4 : memref<10000x16xf32, #tpu.memory_space<hbm>>) target(%arg10 : memref<10000x16xf32, #tpu.memory_space<vmem_shared>>) target_semaphore(%run_scoped3A : memref<!tpu.dma_semaphore, #tpu.memory_space<semaphore_mem>>)
        tpu.wait_dma2 semaphore(%run_scoped3A : memref<!tpu.dma_semaphore, #tpu.memory_space<semaphore_mem>>) src(%arg4 : memref<10000x16xf32, #tpu.memory_space<hbm>>) dst(%arg10 : memref<10000x16xf32, #tpu.memory_space<vmem_shared>>)
        tpu.yield
      }) : () -> ()
    } else {
    }
    %barrier3A = arith.constant 0 : index
    tpu.barrier barrier_id(%barrier3A)
    %mul3A = arith.constant 80000 : i32
    %mul3A_2 = arith.muli %arg0, %mul3A : i32
    %mul3A_3 = arith.constant 5000 : i32
    %mul3A_4 = arith.muli %arg1, %mul3A_3 : i32
    %add3A = arith.addi %mul3A_2, %mul3A_4 : i32
    %scan3A = arith.constant 0 : i32
    %scan3A_5 = arith.constant 0 : i32
    %scan3A_6 = arith.constant 39 : i32
    %scan3A_7 = arith.addi %scan3A_5, %scan3A_6 : i32
    %scan3A_8 = arith.constant 1 : i32
    scf.for %scan3A_18 = %scan3A_5 to %scan3A_7 step %scan3A_8  : i32 {
      %mul3A_19 = arith.constant 128 : i32
      %mul3A_20 = arith.muli %scan3A_18, %mul3A_19 : i32
      %add3A_21 = arith.addi %add3A, %mul3A_20 : i32
      "tpu.region"() ({
        %run_scoped3A = tpu.sem_alloc : memref<!tpu.dma_semaphore, #tpu.memory_space<semaphore_mem>>
        %dma_start3A = tpu.memref_slice %arg3[%add3A_21] : memref<160000xi32, #tpu.memory_space<hbm>> -> memref<128xi32, #tpu.memory_space<hbm>>
        %dma_start3A_22 = tpu.memref_slice %arg3[%add3A_21] : memref<160000xi32, #tpu.memory_space<hbm>> -> memref<128xi32, #tpu.memory_space<hbm>>
        tpu.enqueue_dma source(%dma_start3A_22 : memref<128xi32, #tpu.memory_space<hbm>>) target(%arg6 : memref<128xi32, #tpu.memory_space<vmem>>) target_semaphore(%run_scoped3A : memref<!tpu.dma_semaphore, #tpu.memory_space<semaphore_mem>>)
        %dma_wait3A = tpu.memref_slice %arg3[%add3A_21] : memref<160000xi32, #tpu.memory_space<hbm>> -> memref<128xi32, #tpu.memory_space<hbm>>
        %dma_wait3A_23 = tpu.memref_slice %arg3[%add3A_21] : memref<160000xi32, #tpu.memory_space<hbm>> -> memref<128xi32, #tpu.memory_space<hbm>>
        tpu.wait_dma2 semaphore(%run_scoped3A : memref<!tpu.dma_semaphore, #tpu.memory_space<semaphore_mem>>) src(%dma_wait3A_23 : memref<128xi32, #tpu.memory_space<hbm>>) dst(%arg6 : memref<128xi32, #tpu.memory_space<vmem>>)
        tpu.yield
      }) : () -> ()
      "tpu.region"() ({
        %run_scoped3A = tpu.sem_alloc : memref<!tpu.dma_semaphore, #tpu.memory_space<semaphore_mem>>
        %dma_start3A = arith.constant 0 : i32
        %dma_start3A_22 = tpu.memref_slice %arg2[%add3A_21, %dma_start3A] : memref<160000x16xf32, #tpu.memory_space<hbm>> -> memref<128x16xf32, #tpu.memory_space<hbm>>
        %dma_start3A_23 = arith.constant 0 : i32
        %dma_start3A_24 = tpu.memref_slice %arg2[%add3A_21, %dma_start3A_23] : memref<160000x16xf32, #tpu.memory_space<hbm>> -> memref<128x16xf32, #tpu.memory_space<hbm>>
        tpu.enqueue_dma source(%dma_start3A_24 : memref<128x16xf32, #tpu.memory_space<hbm>>) target(%arg7 : memref<128x16xf32, #tpu.memory_space<vmem>>) target_semaphore(%run_scoped3A : memref<!tpu.dma_semaphore, #tpu.memory_space<semaphore_mem>>)
        %dma_wait3A = arith.constant 0 : i32
        %dma_wait3A_25 = tpu.memref_slice %arg2[%add3A_21, %dma_wait3A] : memref<160000x16xf32, #tpu.memory_space<hbm>> -> memref<128x16xf32, #tpu.memory_space<hbm>>
        %dma_wait3A_26 = arith.constant 0 : i32
        %dma_wait3A_27 = tpu.memref_slice %arg2[%add3A_21, %dma_wait3A_26] : memref<160000x16xf32, #tpu.memory_space<hbm>> -> memref<128x16xf32, #tpu.memory_space<hbm>>
        tpu.wait_dma2 semaphore(%run_scoped3A : memref<!tpu.dma_semaphore, #tpu.memory_space<semaphore_mem>>) src(%dma_wait3A_27 : memref<128x16xf32, #tpu.memory_space<hbm>>) dst(%arg7 : memref<128x16xf32, #tpu.memory_space<vmem>>)
        tpu.yield
      }) : () -> ()
      "tpu.region"() ({
        %run_scoped3A = tpu.sem_alloc : memref<!tpu.dma_semaphore, #tpu.memory_space<semaphore_mem>>
        %dma_start3A = arith.constant 0 : i32
        %dma_start3A_22 = arith.constant 0 : i32
        %dma_start3A_23 = tpu.memref_slice %arg10[%dma_start3A, %dma_start3A_22] : memref<10000x16xf32, #tpu.memory_space<vmem_shared>> -> memref<10000x16xf32, #tpu.memory_space<vmem_shared>>
        tpu.enqueue_indirect_dma source(%arg7 : memref<128x16xf32, #tpu.memory_space<vmem>>) target(%dma_start3A_23 : memref<10000x16xf32, #tpu.memory_space<vmem_shared>>) offsets(%arg6 : memref<128xi32, #tpu.memory_space<vmem>>) semaphore(%run_scoped3A : memref<!tpu.dma_semaphore, #tpu.memory_space<semaphore_mem>>) {add = true}
        %dma_wait3A = arith.constant 0 : i32
        %dma_wait3A_24 = arith.constant 0 : i32
        %dma_wait3A_25 = tpu.memref_slice %arg10[%dma_wait3A, %dma_wait3A_24] : memref<10000x16xf32, #tpu.memory_space<vmem_shared>> -> memref<10000x16xf32, #tpu.memory_space<vmem_shared>>
        tpu.wait_indirect_dma semaphore(%run_scoped3A : memref<!tpu.dma_semaphore, #tpu.memory_space<semaphore_mem>>) src(%arg7 : memref<128x16xf32, #tpu.memory_space<vmem>>) dst(%dma_wait3A_25 : memref<10000x16xf32, #tpu.memory_space<vmem_shared>>)
        tpu.yield
      }) : () -> ()
    }
    %scan3A_9 = arith.constant 39 : i32
    %add3A_10 = arith.constant 4992 : i32
    %add3A_11 = arith.addi %add3A, %add3A_10 : i32
    "tpu.region"() ({
      %run_scoped3A = tpu.sem_alloc : memref<!tpu.dma_semaphore, #tpu.memory_space<semaphore_mem>>
      %dma_start3A = tpu.memref_slice %arg3[%add3A_11] : memref<160000xi32, #tpu.memory_space<hbm>> -> memref<8xi32, #tpu.memory_space<hbm>>
      %dma_start3A_18 = tpu.memref_slice %arg3[%add3A_11] : memref<160000xi32, #tpu.memory_space<hbm>> -> memref<8xi32, #tpu.memory_space<hbm>>
      tpu.enqueue_dma source(%dma_start3A_18 : memref<8xi32, #tpu.memory_space<hbm>>) target(%arg8 : memref<8xi32, #tpu.memory_space<vmem>>) target_semaphore(%run_scoped3A : memref<!tpu.dma_semaphore, #tpu.memory_space<semaphore_mem>>)
      %dma_wait3A = tpu.memref_slice %arg3[%add3A_11] : memref<160000xi32, #tpu.memory_space<hbm>> -> memref<8xi32, #tpu.memory_space<hbm>>
      %dma_wait3A_19 = tpu.memref_slice %arg3[%add3A_11] : memref<160000xi32, #tpu.memory_space<hbm>> -> memref<8xi32, #tpu.memory_space<hbm>>
      tpu.wait_dma2 semaphore(%run_scoped3A : memref<!tpu.dma_semaphore, #tpu.memory_space<semaphore_mem>>) src(%dma_wait3A_19 : memref<8xi32, #tpu.memory_space<hbm>>) dst(%arg8 : memref<8xi32, #tpu.memory_space<vmem>>)
      tpu.yield
    }) : () -> ()
    "tpu.region"() ({
      %run_scoped3A = tpu.sem_alloc : memref<!tpu.dma_semaphore, #tpu.memory_space<semaphore_mem>>
      %dma_start3A = arith.constant 0 : i32
      %dma_start3A_18 = tpu.memref_slice %arg2[%add3A_11, %dma_start3A] : memref<160000x16xf32, #tpu.memory_space<hbm>> -> memref<8x16xf32, #tpu.memory_space<hbm>>
      %dma_start3A_19 = arith.constant 0 : i32
      %dma_start3A_20 = tpu.memref_slice %arg2[%add3A_11, %dma_start3A_19] : memref<160000x16xf32, #tpu.memory_space<hbm>> -> memref<8x16xf32, #tpu.memory_space<hbm>>
      tpu.enqueue_dma source(%dma_start3A_20 : memref<8x16xf32, #tpu.memory_space<hbm>>) target(%arg9 : memref<8x16xf32, #tpu.memory_space<vmem>>) target_semaphore(%run_scoped3A : memref<!tpu.dma_semaphore, #tpu.memory_space<semaphore_mem>>)
      %dma_wait3A = arith.constant 0 : i32
      %dma_wait3A_21 = tpu.memref_slice %arg2[%add3A_11, %dma_wait3A] : memref<160000x16xf32, #tpu.memory_space<hbm>> -> memref<8x16xf32, #tpu.memory_space<hbm>>
      %dma_wait3A_22 = arith.constant 0 : i32
      %dma_wait3A_23 = tpu.memref_slice %arg2[%add3A_11, %dma_wait3A_22] : memref<160000x16xf32, #tpu.memory_space<hbm>> -> memref<8x16xf32, #tpu.memory_space<hbm>>
      tpu.wait_dma2 semaphore(%run_scoped3A : memref<!tpu.dma_semaphore, #tpu.memory_space<semaphore_mem>>) src(%dma_wait3A_23 : memref<8x16xf32, #tpu.memory_space<hbm>>) dst(%arg9 : memref<8x16xf32, #tpu.memory_space<vmem>>)
      tpu.yield
    }) : () -> ()
    "tpu.region"() ({
      %run_scoped3A = tpu.sem_alloc : memref<!tpu.dma_semaphore, #tpu.memory_space<semaphore_mem>>
      %dma_start3A = arith.constant 0 : i32
      %dma_start3A_18 = arith.constant 0 : i32
      %dma_start3A_19 = tpu.memref_slice %arg10[%dma_start3A, %dma_start3A_18] : memref<10000x16xf32, #tpu.memory_space<vmem_shared>> -> memref<10000x16xf32, #tpu.memory_space<vmem_shared>>
      tpu.enqueue_indirect_dma source(%arg9 : memref<8x16xf32, #tpu.memory_space<vmem>>) target(%dma_start3A_19 : memref<10000x16xf32, #tpu.memory_space<vmem_shared>>) offsets(%arg8 : memref<8xi32, #tpu.memory_space<vmem>>) semaphore(%run_scoped3A : memref<!tpu.dma_semaphore, #tpu.memory_space<semaphore_mem>>) {add = true}
      %dma_wait3A = arith.constant 0 : i32
      %dma_wait3A_20 = arith.constant 0 : i32
      %dma_wait3A_21 = tpu.memref_slice %arg10[%dma_wait3A, %dma_wait3A_20] : memref<10000x16xf32, #tpu.memory_space<vmem_shared>> -> memref<10000x16xf32, #tpu.memory_space<vmem_shared>>
      tpu.wait_indirect_dma semaphore(%run_scoped3A : memref<!tpu.dma_semaphore, #tpu.memory_space<semaphore_mem>>) src(%arg9 : memref<8x16xf32, #tpu.memory_space<vmem>>) dst(%dma_wait3A_21 : memref<10000x16xf32, #tpu.memory_space<vmem_shared>>)
      tpu.yield
    }) : () -> ()
    %barrier3A_12 = arith.constant 0 : index
    tpu.barrier barrier_id(%barrier3A_12)
    %eq3A_13 = arith.constant 0 : i32
    %eq3A_14 = arith.cmpi eq, %arg1, %eq3A_13 : i32
    %convert_element_type3A_15 = arith.extui %eq3A_14 : i1 to i32
    %cond3A_16 = arith.constant 0 : i32
    %cond3A_17 = arith.cmpi ne, %convert_element_type3A_15, %cond3A_16 : i32
    scf.if %cond3A_17 {
      "tpu.region"() ({
        %run_scoped3A = tpu.sem_alloc : memref<!tpu.dma_semaphore, #tpu.memory_space<semaphore_mem>>
        %dma_start3A = arith.constant 0 : i32
        %dma_start3A_18 = arith.constant 0 : i32
        %dma_start3A_19 = tpu.memref_slice %arg5[%arg0, %dma_start3A, %dma_start3A_18] : memref<2x10000x16xf32, #tpu.memory_space<hbm>> -> memref<1x10000x16xf32, #tpu.memory_space<hbm>>
        %dma_start3A_20 = tpu.memref_squeeze %dma_start3A_19 : memref<1x10000x16xf32, #tpu.memory_space<hbm>> -> memref<10000x16xf32, #tpu.memory_space<hbm>>
        tpu.enqueue_dma source(%arg10 : memref<10000x16xf32, #tpu.memory_space<vmem_shared>>) target(%dma_start3A_20 : memref<10000x16xf32, #tpu.memory_space<hbm>>) target_semaphore(%run_scoped3A : memref<!tpu.dma_semaphore, #tpu.memory_space<semaphore_mem>>)
        %dma_wait3A = arith.constant 0 : i32
        %dma_wait3A_21 = arith.constant 0 : i32
        %dma_wait3A_22 = tpu.memref_slice %arg5[%arg0, %dma_wait3A, %dma_wait3A_21] : memref<2x10000x16xf32, #tpu.memory_space<hbm>> -> memref<1x10000x16xf32, #tpu.memory_space<hbm>>
        %dma_wait3A_23 = tpu.memref_squeeze %dma_wait3A_22 : memref<1x10000x16xf32, #tpu.memory_space<hbm>> -> memref<10000x16xf32, #tpu.memory_space<hbm>>
        tpu.wait_dma2 semaphore(%run_scoped3A : memref<!tpu.dma_semaphore, #tpu.memory_space<semaphore_mem>>) src(%arg10 : memref<10000x16xf32, #tpu.memory_space<vmem_shared>>) dst(%dma_wait3A_23 : memref<10000x16xf32, #tpu.memory_space<hbm>>)
        tpu.yield
      }) : () -> ()
    } else {
    }
    return
  }
}

#map = affine_map<(d0, d1) -> (0, 0)>
#map1 = affine_map<(d0, d1) -> (0)>
module attributes {stable_mosaic.version = 14 : i64} {
  func.func @k(%arg0: i32, %arg1: i32, %arg2: memref<10000x16xf32, #tpu.memory_space<hbm>>, %arg3: memref<160000xi32, #tpu.memory_space<hbm>>, %arg4: memref<160000x16xf32, #tpu.memory_space<hbm>>, %arg5: memref<128xi32, #tpu.memory_space<vmem>>, %arg6: memref<128x16xf32, #tpu.memory_space<vmem>>, %arg7: memref<8xi32, #tpu.memory_space<vmem>>, %arg8: memref<8x16xf32, #tpu.memory_space<vmem>>, %arg9: memref<!tpu.dma_semaphore, #tpu.memory_space<semaphore_mem>>) attributes {dimension_semantics = [#tpu.dimension_semantics<core_parallel>, #tpu.dimension_semantics<subcore_parallel>], iteration_bounds = array<i64: 2, 16>, scalar_prefetch = 0 : i64, scratch_operands = 5 : i64, tpu.core_type = #tpu.core_type<sc_vector_subcore>, window_params = [{transform_indices = #map}, {transform_indices = #map1}, {transform_indices = #map}]} {
    %mul3A = arith.constant 2 : i32
    %mul3A_0 = arith.muli %arg1, %mul3A : i32
    %add3A = arith.addi %mul3A_0, %arg0 : i32
    %mul3A_1 = arith.constant 5000 : i32
    %mul3A_2 = arith.muli %add3A, %mul3A_1 : i32
    %scan3A = arith.constant 0 : i32
    %scan3A_3 = arith.constant 0 : i32
    %scan3A_4 = arith.constant 39 : i32
    %scan3A_5 = arith.addi %scan3A_3, %scan3A_4 : i32
    %scan3A_6 = arith.constant 1 : i32
    scf.for %scan3A_14 = %scan3A_3 to %scan3A_5 step %scan3A_6  : i32 {
      %mul3A_15 = arith.constant 128 : i32
      %mul3A_16 = arith.muli %scan3A_14, %mul3A_15 : i32
      %add3A_17 = arith.addi %mul3A_2, %mul3A_16 : i32
      "tpu.region"() ({
        %run_scoped3A = tpu.sem_alloc : memref<!tpu.dma_semaphore, #tpu.memory_space<semaphore_mem>>
        %dma_start3A_24 = tpu.memref_slice %arg3[%add3A_17] : memref<160000xi32, #tpu.memory_space<hbm>> -> memref<128xi32, #tpu.memory_space<hbm>>
        %dma_start3A_25 = tpu.memref_slice %arg3[%add3A_17] : memref<160000xi32, #tpu.memory_space<hbm>> -> memref<128xi32, #tpu.memory_space<hbm>>
        tpu.enqueue_dma source(%dma_start3A_25 : memref<128xi32, #tpu.memory_space<hbm>>) target(%arg5 : memref<128xi32, #tpu.memory_space<vmem>>) target_semaphore(%run_scoped3A : memref<!tpu.dma_semaphore, #tpu.memory_space<semaphore_mem>>)
        %dma_wait3A_26 = tpu.memref_slice %arg3[%add3A_17] : memref<160000xi32, #tpu.memory_space<hbm>> -> memref<128xi32, #tpu.memory_space<hbm>>
        %dma_wait3A_27 = tpu.memref_slice %arg3[%add3A_17] : memref<160000xi32, #tpu.memory_space<hbm>> -> memref<128xi32, #tpu.memory_space<hbm>>
        tpu.wait_dma2 semaphore(%run_scoped3A : memref<!tpu.dma_semaphore, #tpu.memory_space<semaphore_mem>>) src(%dma_wait3A_27 : memref<128xi32, #tpu.memory_space<hbm>>) dst(%arg5 : memref<128xi32, #tpu.memory_space<vmem>>)
        tpu.yield
      }) : () -> ()
      %dma_start3A_18 = arith.constant 0 : i32
      %dma_start3A_19 = arith.constant 0 : i32
      %dma_start3A_20 = tpu.memref_slice %arg2[%dma_start3A_18, %dma_start3A_19] : memref<10000x16xf32, #tpu.memory_space<hbm>> -> memref<10000x16xf32, #tpu.memory_space<hbm>>
      tpu.enqueue_indirect_dma source(%dma_start3A_20 : memref<10000x16xf32, #tpu.memory_space<hbm>>) target(%arg6 : memref<128x16xf32, #tpu.memory_space<vmem>>) offsets(%arg5 : memref<128xi32, #tpu.memory_space<vmem>>) semaphore(%arg9 : memref<!tpu.dma_semaphore, #tpu.memory_space<semaphore_mem>>)
      %dma_wait3A_21 = arith.constant 0 : i32
      %dma_wait3A_22 = arith.constant 0 : i32
      %dma_wait3A_23 = tpu.memref_slice %arg2[%dma_wait3A_21, %dma_wait3A_22] : memref<10000x16xf32, #tpu.memory_space<hbm>> -> memref<10000x16xf32, #tpu.memory_space<hbm>>
      tpu.wait_indirect_dma semaphore(%arg9 : memref<!tpu.dma_semaphore, #tpu.memory_space<semaphore_mem>>) src(%dma_wait3A_23 : memref<10000x16xf32, #tpu.memory_space<hbm>>) dst(%arg6 : memref<128x16xf32, #tpu.memory_space<vmem>>)
      "tpu.region"() ({
        %run_scoped3A = tpu.sem_alloc : memref<!tpu.dma_semaphore, #tpu.memory_space<semaphore_mem>>
        %dma_start3A_24 = arith.constant 0 : i32
        %dma_start3A_25 = tpu.memref_slice %arg4[%add3A_17, %dma_start3A_24] : memref<160000x16xf32, #tpu.memory_space<hbm>> -> memref<128x16xf32, #tpu.memory_space<hbm>>
        %dma_start3A_26 = arith.constant 0 : i32
        %dma_start3A_27 = tpu.memref_slice %arg4[%add3A_17, %dma_start3A_26] : memref<160000x16xf32, #tpu.memory_space<hbm>> -> memref<128x16xf32, #tpu.memory_space<hbm>>
        tpu.enqueue_dma source(%arg6 : memref<128x16xf32, #tpu.memory_space<vmem>>) target(%dma_start3A_27 : memref<128x16xf32, #tpu.memory_space<hbm>>) target_semaphore(%run_scoped3A : memref<!tpu.dma_semaphore, #tpu.memory_space<semaphore_mem>>)
        %dma_wait3A_28 = arith.constant 0 : i32
        %dma_wait3A_29 = tpu.memref_slice %arg4[%add3A_17, %dma_wait3A_28] : memref<160000x16xf32, #tpu.memory_space<hbm>> -> memref<128x16xf32, #tpu.memory_space<hbm>>
        %dma_wait3A_30 = arith.constant 0 : i32
        %dma_wait3A_31 = tpu.memref_slice %arg4[%add3A_17, %dma_wait3A_30] : memref<160000x16xf32, #tpu.memory_space<hbm>> -> memref<128x16xf32, #tpu.memory_space<hbm>>
        tpu.wait_dma2 semaphore(%run_scoped3A : memref<!tpu.dma_semaphore, #tpu.memory_space<semaphore_mem>>) src(%arg6 : memref<128x16xf32, #tpu.memory_space<vmem>>) dst(%dma_wait3A_31 : memref<128x16xf32, #tpu.memory_space<hbm>>)
        tpu.yield
      }) : () -> ()
    }
    %scan3A_7 = arith.constant 39 : i32
    %add3A_8 = arith.constant 4992 : i32
    %add3A_9 = arith.addi %mul3A_2, %add3A_8 : i32
    "tpu.region"() ({
      %run_scoped3A = tpu.sem_alloc : memref<!tpu.dma_semaphore, #tpu.memory_space<semaphore_mem>>
      %dma_start3A_14 = tpu.memref_slice %arg3[%add3A_9] : memref<160000xi32, #tpu.memory_space<hbm>> -> memref<8xi32, #tpu.memory_space<hbm>>
      %dma_start3A_15 = tpu.memref_slice %arg3[%add3A_9] : memref<160000xi32, #tpu.memory_space<hbm>> -> memref<8xi32, #tpu.memory_space<hbm>>
      tpu.enqueue_dma source(%dma_start3A_15 : memref<8xi32, #tpu.memory_space<hbm>>) target(%arg7 : memref<8xi32, #tpu.memory_space<vmem>>) target_semaphore(%run_scoped3A : memref<!tpu.dma_semaphore, #tpu.memory_space<semaphore_mem>>)
      %dma_wait3A_16 = tpu.memref_slice %arg3[%add3A_9] : memref<160000xi32, #tpu.memory_space<hbm>> -> memref<8xi32, #tpu.memory_space<hbm>>
      %dma_wait3A_17 = tpu.memref_slice %arg3[%add3A_9] : memref<160000xi32, #tpu.memory_space<hbm>> -> memref<8xi32, #tpu.memory_space<hbm>>
      tpu.wait_dma2 semaphore(%run_scoped3A : memref<!tpu.dma_semaphore, #tpu.memory_space<semaphore_mem>>) src(%dma_wait3A_17 : memref<8xi32, #tpu.memory_space<hbm>>) dst(%arg7 : memref<8xi32, #tpu.memory_space<vmem>>)
      tpu.yield
    }) : () -> ()
    %dma_start3A = arith.constant 0 : i32
    %dma_start3A_10 = arith.constant 0 : i32
    %dma_start3A_11 = tpu.memref_slice %arg2[%dma_start3A, %dma_start3A_10] : memref<10000x16xf32, #tpu.memory_space<hbm>> -> memref<10000x16xf32, #tpu.memory_space<hbm>>
    tpu.enqueue_indirect_dma source(%dma_start3A_11 : memref<10000x16xf32, #tpu.memory_space<hbm>>) target(%arg8 : memref<8x16xf32, #tpu.memory_space<vmem>>) offsets(%arg7 : memref<8xi32, #tpu.memory_space<vmem>>) semaphore(%arg9 : memref<!tpu.dma_semaphore, #tpu.memory_space<semaphore_mem>>)
    %dma_wait3A = arith.constant 0 : i32
    %dma_wait3A_12 = arith.constant 0 : i32
    %dma_wait3A_13 = tpu.memref_slice %arg2[%dma_wait3A, %dma_wait3A_12] : memref<10000x16xf32, #tpu.memory_space<hbm>> -> memref<10000x16xf32, #tpu.memory_space<hbm>>
    tpu.wait_indirect_dma semaphore(%arg9 : memref<!tpu.dma_semaphore, #tpu.memory_space<semaphore_mem>>) src(%dma_wait3A_13 : memref<10000x16xf32, #tpu.memory_space<hbm>>) dst(%arg8 : memref<8x16xf32, #tpu.memory_space<vmem>>)
    "tpu.region"() ({
      %run_scoped3A = tpu.sem_alloc : memref<!tpu.dma_semaphore, #tpu.memory_space<semaphore_mem>>
      %dma_start3A_14 = arith.constant 0 : i32
      %dma_start3A_15 = tpu.memref_slice %arg4[%add3A_9, %dma_start3A_14] : memref<160000x16xf32, #tpu.memory_space<hbm>> -> memref<8x16xf32, #tpu.memory_space<hbm>>
      %dma_start3A_16 = arith.constant 0 : i32
      %dma_start3A_17 = tpu.memref_slice %arg4[%add3A_9, %dma_start3A_16] : memref<160000x16xf32, #tpu.memory_space<hbm>> -> memref<8x16xf32, #tpu.memory_space<hbm>>
      tpu.enqueue_dma source(%arg8 : memref<8x16xf32, #tpu.memory_space<vmem>>) target(%dma_start3A_17 : memref<8x16xf32, #tpu.memory_space<hbm>>) target_semaphore(%run_scoped3A : memref<!tpu.dma_semaphore, #tpu.memory_space<semaphore_mem>>)
      %dma_wait3A_18 = arith.constant 0 : i32
      %dma_wait3A_19 = tpu.memref_slice %arg4[%add3A_9, %dma_wait3A_18] : memref<160000x16xf32, #tpu.memory_space<hbm>> -> memref<8x16xf32, #tpu.memory_space<hbm>>
      %dma_wait3A_20 = arith.constant 0 : i32
      %dma_wait3A_21 = tpu.memref_slice %arg4[%add3A_9, %dma_wait3A_20] : memref<160000x16xf32, #tpu.memory_space<hbm>> -> memref<8x16xf32, #tpu.memory_space<hbm>>
      tpu.wait_dma2 semaphore(%run_scoped3A : memref<!tpu.dma_semaphore, #tpu.memory_space<semaphore_mem>>) src(%arg8 : memref<8x16xf32, #tpu.memory_space<vmem>>) dst(%dma_wait3A_21 : memref<8x16xf32, #tpu.memory_space<hbm>>)
      tpu.yield
    }) : () -> ()
    return
  }
}

#map = affine_map<(d0, d1) -> (0, 0)>
#map1 = affine_map<(d0, d1) -> (0)>
module attributes {stable_mosaic.version = 14 : i64} {
  func.func @k(%arg0: i32, %arg1: i32, %arg2: memref<10000x16xf32, #tpu.memory_space<hbm>>, %arg3: memref<160000xi32, #tpu.memory_space<hbm>>, %arg4: memref<160000x16xf32, #tpu.memory_space<hbm>>, %arg5: memref<128xi32, #tpu.memory_space<vmem>>, %arg6: memref<128x16xf32, #tpu.memory_space<vmem>>, %arg7: memref<8xi32, #tpu.memory_space<vmem>>, %arg8: memref<8x16xf32, #tpu.memory_space<vmem>>, %arg9: memref<!tpu.dma_semaphore, #tpu.memory_space<semaphore_mem>>) attributes {dimension_semantics = [#tpu.dimension_semantics<core_parallel>, #tpu.dimension_semantics<subcore_parallel>], iteration_bounds = array<i64: 2, 16>, scalar_prefetch = 0 : i64, scratch_operands = 5 : i64, tpu.core_type = #tpu.core_type<sc_vector_subcore>, window_params = [{transform_indices = #map}, {transform_indices = #map1}, {transform_indices = #map}]} {
    %mul3A = arith.constant 2 : i32
    %mul3A_0 = arith.muli %arg1, %mul3A : i32
    %add3A = arith.addi %mul3A_0, %arg0 : i32
    %mul3A_1 = arith.constant 5000 : i32
    %mul3A_2 = arith.muli %add3A, %mul3A_1 : i32
    %scan3A = arith.constant 0 : i32
    %scan3A_3 = arith.constant 0 : i32
    %scan3A_4 = arith.constant 39 : i32
    %scan3A_5 = arith.addi %scan3A_3, %scan3A_4 : i32
    %scan3A_6 = arith.constant 1 : i32
    scf.for %scan3A_14 = %scan3A_3 to %scan3A_5 step %scan3A_6  : i32 {
      %mul3A_15 = arith.constant 128 : i32
      %mul3A_16 = arith.muli %scan3A_14, %mul3A_15 : i32
      %add3A_17 = arith.addi %mul3A_2, %mul3A_16 : i32
      "tpu.region"() ({
        %run_scoped3A = tpu.sem_alloc : memref<!tpu.dma_semaphore, #tpu.memory_space<semaphore_mem>>
        %dma_start3A_24 = tpu.memref_slice %arg3[%add3A_17] : memref<160000xi32, #tpu.memory_space<hbm>> -> memref<128xi32, #tpu.memory_space<hbm>>
        %dma_start3A_25 = tpu.memref_slice %arg3[%add3A_17] : memref<160000xi32, #tpu.memory_space<hbm>> -> memref<128xi32, #tpu.memory_space<hbm>>
        tpu.enqueue_dma source(%dma_start3A_25 : memref<128xi32, #tpu.memory_space<hbm>>) target(%arg5 : memref<128xi32, #tpu.memory_space<vmem>>) target_semaphore(%run_scoped3A : memref<!tpu.dma_semaphore, #tpu.memory_space<semaphore_mem>>)
        %dma_wait3A_26 = tpu.memref_slice %arg3[%add3A_17] : memref<160000xi32, #tpu.memory_space<hbm>> -> memref<128xi32, #tpu.memory_space<hbm>>
        %dma_wait3A_27 = tpu.memref_slice %arg3[%add3A_17] : memref<160000xi32, #tpu.memory_space<hbm>> -> memref<128xi32, #tpu.memory_space<hbm>>
        tpu.wait_dma2 semaphore(%run_scoped3A : memref<!tpu.dma_semaphore, #tpu.memory_space<semaphore_mem>>) src(%dma_wait3A_27 : memref<128xi32, #tpu.memory_space<hbm>>) dst(%arg5 : memref<128xi32, #tpu.memory_space<vmem>>)
        tpu.yield
      }) : () -> ()
      %dma_start3A_18 = arith.constant 0 : i32
      %dma_start3A_19 = arith.constant 0 : i32
      %dma_start3A_20 = tpu.memref_slice %arg2[%dma_start3A_18, %dma_start3A_19] : memref<10000x16xf32, #tpu.memory_space<hbm>> -> memref<10000x16xf32, #tpu.memory_space<hbm>>
      tpu.enqueue_indirect_dma source(%dma_start3A_20 : memref<10000x16xf32, #tpu.memory_space<hbm>>) target(%arg6 : memref<128x16xf32, #tpu.memory_space<vmem>>) offsets(%arg5 : memref<128xi32, #tpu.memory_space<vmem>>) semaphore(%arg9 : memref<!tpu.dma_semaphore, #tpu.memory_space<semaphore_mem>>)
      %dma_wait3A_21 = arith.constant 0 : i32
      %dma_wait3A_22 = arith.constant 0 : i32
      %dma_wait3A_23 = tpu.memref_slice %arg2[%dma_wait3A_21, %dma_wait3A_22] : memref<10000x16xf32, #tpu.memory_space<hbm>> -> memref<10000x16xf32, #tpu.memory_space<hbm>>
      tpu.wait_indirect_dma semaphore(%arg9 : memref<!tpu.dma_semaphore, #tpu.memory_space<semaphore_mem>>) src(%dma_wait3A_23 : memref<10000x16xf32, #tpu.memory_space<hbm>>) dst(%arg6 : memref<128x16xf32, #tpu.memory_space<vmem>>)
      "tpu.region"() ({
        %run_scoped3A = tpu.sem_alloc : memref<!tpu.dma_semaphore, #tpu.memory_space<semaphore_mem>>
        %dma_start3A_24 = arith.constant 0 : i32
        %dma_start3A_25 = tpu.memref_slice %arg4[%add3A_17, %dma_start3A_24] : memref<160000x16xf32, #tpu.memory_space<hbm>> -> memref<128x16xf32, #tpu.memory_space<hbm>>
        %dma_start3A_26 = arith.constant 0 : i32
        %dma_start3A_27 = tpu.memref_slice %arg4[%add3A_17, %dma_start3A_26] : memref<160000x16xf32, #tpu.memory_space<hbm>> -> memref<128x16xf32, #tpu.memory_space<hbm>>
        tpu.enqueue_dma source(%arg6 : memref<128x16xf32, #tpu.memory_space<vmem>>) target(%dma_start3A_27 : memref<128x16xf32, #tpu.memory_space<hbm>>) target_semaphore(%run_scoped3A : memref<!tpu.dma_semaphore, #tpu.memory_space<semaphore_mem>>)
        %dma_wait3A_28 = arith.constant 0 : i32
        %dma_wait3A_29 = tpu.memref_slice %arg4[%add3A_17, %dma_wait3A_28] : memref<160000x16xf32, #tpu.memory_space<hbm>> -> memref<128x16xf32, #tpu.memory_space<hbm>>
        %dma_wait3A_30 = arith.constant 0 : i32
        %dma_wait3A_31 = tpu.memref_slice %arg4[%add3A_17, %dma_wait3A_30] : memref<160000x16xf32, #tpu.memory_space<hbm>> -> memref<128x16xf32, #tpu.memory_space<hbm>>
        tpu.wait_dma2 semaphore(%run_scoped3A : memref<!tpu.dma_semaphore, #tpu.memory_space<semaphore_mem>>) src(%arg6 : memref<128x16xf32, #tpu.memory_space<vmem>>) dst(%dma_wait3A_31 : memref<128x16xf32, #tpu.memory_space<hbm>>)
        tpu.yield
      }) : () -> ()
    }
    %scan3A_7 = arith.constant 39 : i32
    %add3A_8 = arith.constant 4992 : i32
    %add3A_9 = arith.addi %mul3A_2, %add3A_8 : i32
    "tpu.region"() ({
      %run_scoped3A = tpu.sem_alloc : memref<!tpu.dma_semaphore, #tpu.memory_space<semaphore_mem>>
      %dma_start3A_14 = tpu.memref_slice %arg3[%add3A_9] : memref<160000xi32, #tpu.memory_space<hbm>> -> memref<8xi32, #tpu.memory_space<hbm>>
      %dma_start3A_15 = tpu.memref_slice %arg3[%add3A_9] : memref<160000xi32, #tpu.memory_space<hbm>> -> memref<8xi32, #tpu.memory_space<hbm>>
      tpu.enqueue_dma source(%dma_start3A_15 : memref<8xi32, #tpu.memory_space<hbm>>) target(%arg7 : memref<8xi32, #tpu.memory_space<vmem>>) target_semaphore(%run_scoped3A : memref<!tpu.dma_semaphore, #tpu.memory_space<semaphore_mem>>)
      %dma_wait3A_16 = tpu.memref_slice %arg3[%add3A_9] : memref<160000xi32, #tpu.memory_space<hbm>> -> memref<8xi32, #tpu.memory_space<hbm>>
      %dma_wait3A_17 = tpu.memref_slice %arg3[%add3A_9] : memref<160000xi32, #tpu.memory_space<hbm>> -> memref<8xi32, #tpu.memory_space<hbm>>
      tpu.wait_dma2 semaphore(%run_scoped3A : memref<!tpu.dma_semaphore, #tpu.memory_space<semaphore_mem>>) src(%dma_wait3A_17 : memref<8xi32, #tpu.memory_space<hbm>>) dst(%arg7 : memref<8xi32, #tpu.memory_space<vmem>>)
      tpu.yield
    }) : () -> ()
    %dma_start3A = arith.constant 0 : i32
    %dma_start3A_10 = arith.constant 0 : i32
    %dma_start3A_11 = tpu.memref_slice %arg2[%dma_start3A, %dma_start3A_10] : memref<10000x16xf32, #tpu.memory_space<hbm>> -> memref<10000x16xf32, #tpu.memory_space<hbm>>
    tpu.enqueue_indirect_dma source(%dma_start3A_11 : memref<10000x16xf32, #tpu.memory_space<hbm>>) target(%arg8 : memref<8x16xf32, #tpu.memory_space<vmem>>) offsets(%arg7 : memref<8xi32, #tpu.memory_space<vmem>>) semaphore(%arg9 : memref<!tpu.dma_semaphore, #tpu.memory_space<semaphore_mem>>)
    %dma_wait3A = arith.constant 0 : i32
    %dma_wait3A_12 = arith.constant 0 : i32
    %dma_wait3A_13 = tpu.memref_slice %arg2[%dma_wait3A, %dma_wait3A_12] : memref<10000x16xf32, #tpu.memory_space<hbm>> -> memref<10000x16xf32, #tpu.memory_space<hbm>>
    tpu.wait_indirect_dma semaphore(%arg9 : memref<!tpu.dma_semaphore, #tpu.memory_space<semaphore_mem>>) src(%dma_wait3A_13 : memref<10000x16xf32, #tpu.memory_space<hbm>>) dst(%arg8 : memref<8x16xf32, #tpu.memory_space<vmem>>)
    "tpu.region"() ({
      %run_scoped3A = tpu.sem_alloc : memref<!tpu.dma_semaphore, #tpu.memory_space<semaphore_mem>>
      %dma_start3A_14 = arith.constant 0 : i32
      %dma_start3A_15 = tpu.memref_slice %arg4[%add3A_9, %dma_start3A_14] : memref<160000x16xf32, #tpu.memory_space<hbm>> -> memref<8x16xf32, #tpu.memory_space<hbm>>
      %dma_start3A_16 = arith.constant 0 : i32
      %dma_start3A_17 = tpu.memref_slice %arg4[%add3A_9, %dma_start3A_16] : memref<160000x16xf32, #tpu.memory_space<hbm>> -> memref<8x16xf32, #tpu.memory_space<hbm>>
      tpu.enqueue_dma source(%arg8 : memref<8x16xf32, #tpu.memory_space<vmem>>) target(%dma_start3A_17 : memref<8x16xf32, #tpu.memory_space<hbm>>) target_semaphore(%run_scoped3A : memref<!tpu.dma_semaphore, #tpu.memory_space<semaphore_mem>>)
      %dma_wait3A_18 = arith.constant 0 : i32
      %dma_wait3A_19 = tpu.memref_slice %arg4[%add3A_9, %dma_wait3A_18] : memref<160000x16xf32, #tpu.memory_space<hbm>> -> memref<8x16xf32, #tpu.memory_space<hbm>>
      %dma_wait3A_20 = arith.constant 0 : i32
      %dma_wait3A_21 = tpu.memref_slice %arg4[%add3A_9, %dma_wait3A_20] : memref<160000x16xf32, #tpu.memory_space<hbm>> -> memref<8x16xf32, #tpu.memory_space<hbm>>
      tpu.wait_dma2 semaphore(%run_scoped3A : memref<!tpu.dma_semaphore, #tpu.memory_space<semaphore_mem>>) src(%arg8 : memref<8x16xf32, #tpu.memory_space<vmem>>) dst(%dma_wait3A_21 : memref<8x16xf32, #tpu.memory_space<hbm>>)
      tpu.yield
    }) : () -> ()
    return
  }
}

#map = affine_map<(d0, d1) -> (0, 0)>
#map1 = affine_map<(d0, d1) -> (0)>
#map2 = affine_map<(d0, d1) -> (0, 0, 0)>
module attributes {stable_mosaic.version = 14 : i64} {
  func.func @k(%arg0: i32, %arg1: i32, %arg2: memref<160000x16xf32, #tpu.memory_space<hbm>>, %arg3: memref<160000xi32, #tpu.memory_space<hbm>>, %arg4: memref<10000x16xf32, #tpu.memory_space<hbm>>, %arg5: memref<2x10000x16xf32, #tpu.memory_space<hbm>>, %arg6: memref<128xi32, #tpu.memory_space<vmem>>, %arg7: memref<128x16xf32, #tpu.memory_space<vmem>>, %arg8: memref<8xi32, #tpu.memory_space<vmem>>, %arg9: memref<8x16xf32, #tpu.memory_space<vmem>>, %arg10: memref<10000x16xf32, #tpu.memory_space<vmem_shared>>) attributes {dimension_semantics = [#tpu.dimension_semantics<core_parallel>, #tpu.dimension_semantics<subcore_parallel>], iteration_bounds = array<i64: 2, 16>, scalar_prefetch = 0 : i64, scratch_operands = 5 : i64, tpu.core_type = #tpu.core_type<sc_vector_subcore>, window_params = [{transform_indices = #map}, {transform_indices = #map1}, {transform_indices = #map}, {transform_indices = #map2}]} {
    %eq3A = arith.constant 0 : i32
    %eq3A_0 = arith.cmpi eq, %arg1, %eq3A : i32
    %convert_element_type3A = arith.extui %eq3A_0 : i1 to i32
    %cond3A = arith.constant 0 : i32
    %cond3A_1 = arith.cmpi ne, %convert_element_type3A, %cond3A : i32
    scf.if %cond3A_1 {
      "tpu.region"() ({
        %run_scoped3A = tpu.sem_alloc : memref<!tpu.dma_semaphore, #tpu.memory_space<semaphore_mem>>
        tpu.enqueue_dma source(%arg4 : memref<10000x16xf32, #tpu.memory_space<hbm>>) target(%arg10 : memref<10000x16xf32, #tpu.memory_space<vmem_shared>>) target_semaphore(%run_scoped3A : memref<!tpu.dma_semaphore, #tpu.memory_space<semaphore_mem>>)
        tpu.wait_dma2 semaphore(%run_scoped3A : memref<!tpu.dma_semaphore, #tpu.memory_space<semaphore_mem>>) src(%arg4 : memref<10000x16xf32, #tpu.memory_space<hbm>>) dst(%arg10 : memref<10000x16xf32, #tpu.memory_space<vmem_shared>>)
        tpu.yield
      }) : () -> ()
    } else {
    }
    %barrier3A = arith.constant 0 : index
    tpu.barrier barrier_id(%barrier3A)
    %mul3A = arith.constant 80000 : i32
    %mul3A_2 = arith.muli %arg0, %mul3A : i32
    %mul3A_3 = arith.constant 5000 : i32
    %mul3A_4 = arith.muli %arg1, %mul3A_3 : i32
    %add3A = arith.addi %mul3A_2, %mul3A_4 : i32
    %scan3A = arith.constant 0 : i32
    %scan3A_5 = arith.constant 0 : i32
    %scan3A_6 = arith.constant 39 : i32
    %scan3A_7 = arith.addi %scan3A_5, %scan3A_6 : i32
    %scan3A_8 = arith.constant 1 : i32
    scf.for %scan3A_18 = %scan3A_5 to %scan3A_7 step %scan3A_8  : i32 {
      %mul3A_19 = arith.constant 128 : i32
      %mul3A_20 = arith.muli %scan3A_18, %mul3A_19 : i32
      %add3A_21 = arith.addi %add3A, %mul3A_20 : i32
      "tpu.region"() ({
        %run_scoped3A = tpu.sem_alloc : memref<!tpu.dma_semaphore, #tpu.memory_space<semaphore_mem>>
        %dma_start3A = tpu.memref_slice %arg3[%add3A_21] : memref<160000xi32, #tpu.memory_space<hbm>> -> memref<128xi32, #tpu.memory_space<hbm>>
        %dma_start3A_22 = tpu.memref_slice %arg3[%add3A_21] : memref<160000xi32, #tpu.memory_space<hbm>> -> memref<128xi32, #tpu.memory_space<hbm>>
        tpu.enqueue_dma source(%dma_start3A_22 : memref<128xi32, #tpu.memory_space<hbm>>) target(%arg6 : memref<128xi32, #tpu.memory_space<vmem>>) target_semaphore(%run_scoped3A : memref<!tpu.dma_semaphore, #tpu.memory_space<semaphore_mem>>)
        %dma_wait3A = tpu.memref_slice %arg3[%add3A_21] : memref<160000xi32, #tpu.memory_space<hbm>> -> memref<128xi32, #tpu.memory_space<hbm>>
        %dma_wait3A_23 = tpu.memref_slice %arg3[%add3A_21] : memref<160000xi32, #tpu.memory_space<hbm>> -> memref<128xi32, #tpu.memory_space<hbm>>
        tpu.wait_dma2 semaphore(%run_scoped3A : memref<!tpu.dma_semaphore, #tpu.memory_space<semaphore_mem>>) src(%dma_wait3A_23 : memref<128xi32, #tpu.memory_space<hbm>>) dst(%arg6 : memref<128xi32, #tpu.memory_space<vmem>>)
        tpu.yield
      }) : () -> ()
      "tpu.region"() ({
        %run_scoped3A = tpu.sem_alloc : memref<!tpu.dma_semaphore, #tpu.memory_space<semaphore_mem>>
        %dma_start3A = arith.constant 0 : i32
        %dma_start3A_22 = tpu.memref_slice %arg2[%add3A_21, %dma_start3A] : memref<160000x16xf32, #tpu.memory_space<hbm>> -> memref<128x16xf32, #tpu.memory_space<hbm>>
        %dma_start3A_23 = arith.constant 0 : i32
        %dma_start3A_24 = tpu.memref_slice %arg2[%add3A_21, %dma_start3A_23] : memref<160000x16xf32, #tpu.memory_space<hbm>> -> memref<128x16xf32, #tpu.memory_space<hbm>>
        tpu.enqueue_dma source(%dma_start3A_24 : memref<128x16xf32, #tpu.memory_space<hbm>>) target(%arg7 : memref<128x16xf32, #tpu.memory_space<vmem>>) target_semaphore(%run_scoped3A : memref<!tpu.dma_semaphore, #tpu.memory_space<semaphore_mem>>)
        %dma_wait3A = arith.constant 0 : i32
        %dma_wait3A_25 = tpu.memref_slice %arg2[%add3A_21, %dma_wait3A] : memref<160000x16xf32, #tpu.memory_space<hbm>> -> memref<128x16xf32, #tpu.memory_space<hbm>>
        %dma_wait3A_26 = arith.constant 0 : i32
        %dma_wait3A_27 = tpu.memref_slice %arg2[%add3A_21, %dma_wait3A_26] : memref<160000x16xf32, #tpu.memory_space<hbm>> -> memref<128x16xf32, #tpu.memory_space<hbm>>
        tpu.wait_dma2 semaphore(%run_scoped3A : memref<!tpu.dma_semaphore, #tpu.memory_space<semaphore_mem>>) src(%dma_wait3A_27 : memref<128x16xf32, #tpu.memory_space<hbm>>) dst(%arg7 : memref<128x16xf32, #tpu.memory_space<vmem>>)
        tpu.yield
      }) : () -> ()
      "tpu.region"() ({
        %run_scoped3A = tpu.sem_alloc : memref<!tpu.dma_semaphore, #tpu.memory_space<semaphore_mem>>
        %dma_start3A = arith.constant 0 : i32
        %dma_start3A_22 = arith.constant 0 : i32
        %dma_start3A_23 = tpu.memref_slice %arg10[%dma_start3A, %dma_start3A_22] : memref<10000x16xf32, #tpu.memory_space<vmem_shared>> -> memref<10000x16xf32, #tpu.memory_space<vmem_shared>>
        tpu.enqueue_indirect_dma source(%arg7 : memref<128x16xf32, #tpu.memory_space<vmem>>) target(%dma_start3A_23 : memref<10000x16xf32, #tpu.memory_space<vmem_shared>>) offsets(%arg6 : memref<128xi32, #tpu.memory_space<vmem>>) semaphore(%run_scoped3A : memref<!tpu.dma_semaphore, #tpu.memory_space<semaphore_mem>>) {add = true}
        %dma_wait3A = arith.constant 0 : i32
        %dma_wait3A_24 = arith.constant 0 : i32
        %dma_wait3A_25 = tpu.memref_slice %arg10[%dma_wait3A, %dma_wait3A_24] : memref<10000x16xf32, #tpu.memory_space<vmem_shared>> -> memref<10000x16xf32, #tpu.memory_space<vmem_shared>>
        tpu.wait_indirect_dma semaphore(%run_scoped3A : memref<!tpu.dma_semaphore, #tpu.memory_space<semaphore_mem>>) src(%arg7 : memref<128x16xf32, #tpu.memory_space<vmem>>) dst(%dma_wait3A_25 : memref<10000x16xf32, #tpu.memory_space<vmem_shared>>)
        tpu.yield
      }) : () -> ()
    }
    %scan3A_9 = arith.constant 39 : i32
    %add3A_10 = arith.constant 4992 : i32
    %add3A_11 = arith.addi %add3A, %add3A_10 : i32
    "tpu.region"() ({
      %run_scoped3A = tpu.sem_alloc : memref<!tpu.dma_semaphore, #tpu.memory_space<semaphore_mem>>
      %dma_start3A = tpu.memref_slice %arg3[%add3A_11] : memref<160000xi32, #tpu.memory_space<hbm>> -> memref<8xi32, #tpu.memory_space<hbm>>
      %dma_start3A_18 = tpu.memref_slice %arg3[%add3A_11] : memref<160000xi32, #tpu.memory_space<hbm>> -> memref<8xi32, #tpu.memory_space<hbm>>
      tpu.enqueue_dma source(%dma_start3A_18 : memref<8xi32, #tpu.memory_space<hbm>>) target(%arg8 : memref<8xi32, #tpu.memory_space<vmem>>) target_semaphore(%run_scoped3A : memref<!tpu.dma_semaphore, #tpu.memory_space<semaphore_mem>>)
      %dma_wait3A = tpu.memref_slice %arg3[%add3A_11] : memref<160000xi32, #tpu.memory_space<hbm>> -> memref<8xi32, #tpu.memory_space<hbm>>
      %dma_wait3A_19 = tpu.memref_slice %arg3[%add3A_11] : memref<160000xi32, #tpu.memory_space<hbm>> -> memref<8xi32, #tpu.memory_space<hbm>>
      tpu.wait_dma2 semaphore(%run_scoped3A : memref<!tpu.dma_semaphore, #tpu.memory_space<semaphore_mem>>) src(%dma_wait3A_19 : memref<8xi32, #tpu.memory_space<hbm>>) dst(%arg8 : memref<8xi32, #tpu.memory_space<vmem>>)
      tpu.yield
    }) : () -> ()
    "tpu.region"() ({
      %run_scoped3A = tpu.sem_alloc : memref<!tpu.dma_semaphore, #tpu.memory_space<semaphore_mem>>
      %dma_start3A = arith.constant 0 : i32
      %dma_start3A_18 = tpu.memref_slice %arg2[%add3A_11, %dma_start3A] : memref<160000x16xf32, #tpu.memory_space<hbm>> -> memref<8x16xf32, #tpu.memory_space<hbm>>
      %dma_start3A_19 = arith.constant 0 : i32
      %dma_start3A_20 = tpu.memref_slice %arg2[%add3A_11, %dma_start3A_19] : memref<160000x16xf32, #tpu.memory_space<hbm>> -> memref<8x16xf32, #tpu.memory_space<hbm>>
      tpu.enqueue_dma source(%dma_start3A_20 : memref<8x16xf32, #tpu.memory_space<hbm>>) target(%arg9 : memref<8x16xf32, #tpu.memory_space<vmem>>) target_semaphore(%run_scoped3A : memref<!tpu.dma_semaphore, #tpu.memory_space<semaphore_mem>>)
      %dma_wait3A = arith.constant 0 : i32
      %dma_wait3A_21 = tpu.memref_slice %arg2[%add3A_11, %dma_wait3A] : memref<160000x16xf32, #tpu.memory_space<hbm>> -> memref<8x16xf32, #tpu.memory_space<hbm>>
      %dma_wait3A_22 = arith.constant 0 : i32
      %dma_wait3A_23 = tpu.memref_slice %arg2[%add3A_11, %dma_wait3A_22] : memref<160000x16xf32, #tpu.memory_space<hbm>> -> memref<8x16xf32, #tpu.memory_space<hbm>>
      tpu.wait_dma2 semaphore(%run_scoped3A : memref<!tpu.dma_semaphore, #tpu.memory_space<semaphore_mem>>) src(%dma_wait3A_23 : memref<8x16xf32, #tpu.memory_space<hbm>>) dst(%arg9 : memref<8x16xf32, #tpu.memory_space<vmem>>)
      tpu.yield
    }) : () -> ()
    "tpu.region"() ({
      %run_scoped3A = tpu.sem_alloc : memref<!tpu.dma_semaphore, #tpu.memory_space<semaphore_mem>>
      %dma_start3A = arith.constant 0 : i32
      %dma_start3A_18 = arith.constant 0 : i32
      %dma_start3A_19 = tpu.memref_slice %arg10[%dma_start3A, %dma_start3A_18] : memref<10000x16xf32, #tpu.memory_space<vmem_shared>> -> memref<10000x16xf32, #tpu.memory_space<vmem_shared>>
      tpu.enqueue_indirect_dma source(%arg9 : memref<8x16xf32, #tpu.memory_space<vmem>>) target(%dma_start3A_19 : memref<10000x16xf32, #tpu.memory_space<vmem_shared>>) offsets(%arg8 : memref<8xi32, #tpu.memory_space<vmem>>) semaphore(%run_scoped3A : memref<!tpu.dma_semaphore, #tpu.memory_space<semaphore_mem>>) {add = true}
      %dma_wait3A = arith.constant 0 : i32
      %dma_wait3A_20 = arith.constant 0 : i32
      %dma_wait3A_21 = tpu.memref_slice %arg10[%dma_wait3A, %dma_wait3A_20] : memref<10000x16xf32, #tpu.memory_space<vmem_shared>> -> memref<10000x16xf32, #tpu.memory_space<vmem_shared>>
      tpu.wait_indirect_dma semaphore(%run_scoped3A : memref<!tpu.dma_semaphore, #tpu.memory_space<semaphore_mem>>) src(%arg9 : memref<8x16xf32, #tpu.memory_space<vmem>>) dst(%dma_wait3A_21 : memref<10000x16xf32, #tpu.memory_space<vmem_shared>>)
      tpu.yield
    }) : () -> ()
    %barrier3A_12 = arith.constant 0 : index
    tpu.barrier barrier_id(%barrier3A_12)
    %eq3A_13 = arith.constant 0 : i32
    %eq3A_14 = arith.cmpi eq, %arg1, %eq3A_13 : i32
    %convert_element_type3A_15 = arith.extui %eq3A_14 : i1 to i32
    %cond3A_16 = arith.constant 0 : i32
    %cond3A_17 = arith.cmpi ne, %convert_element_type3A_15, %cond3A_16 : i32
    scf.if %cond3A_17 {
      "tpu.region"() ({
        %run_scoped3A = tpu.sem_alloc : memref<!tpu.dma_semaphore, #tpu.memory_space<semaphore_mem>>
        %dma_start3A = arith.constant 0 : i32
        %dma_start3A_18 = arith.constant 0 : i32
        %dma_start3A_19 = tpu.memref_slice %arg5[%arg0, %dma_start3A, %dma_start3A_18] : memref<2x10000x16xf32, #tpu.memory_space<hbm>> -> memref<1x10000x16xf32, #tpu.memory_space<hbm>>
        %dma_start3A_20 = tpu.memref_squeeze %dma_start3A_19 : memref<1x10000x16xf32, #tpu.memory_space<hbm>> -> memref<10000x16xf32, #tpu.memory_space<hbm>>
        tpu.enqueue_dma source(%arg10 : memref<10000x16xf32, #tpu.memory_space<vmem_shared>>) target(%dma_start3A_20 : memref<10000x16xf32, #tpu.memory_space<hbm>>) target_semaphore(%run_scoped3A : memref<!tpu.dma_semaphore, #tpu.memory_space<semaphore_mem>>)
        %dma_wait3A = arith.constant 0 : i32
        %dma_wait3A_21 = arith.constant 0 : i32
        %dma_wait3A_22 = tpu.memref_slice %arg5[%arg0, %dma_wait3A, %dma_wait3A_21] : memref<2x10000x16xf32, #tpu.memory_space<hbm>> -> memref<1x10000x16xf32, #tpu.memory_space<hbm>>
        %dma_wait3A_23 = tpu.memref_squeeze %dma_wait3A_22 : memref<1x10000x16xf32, #tpu.memory_space<hbm>> -> memref<10000x16xf32, #tpu.memory_space<hbm>>
        tpu.wait_dma2 semaphore(%run_scoped3A : memref<!tpu.dma_semaphore, #tpu.memory_space<semaphore_mem>>) src(%arg10 : memref<10000x16xf32, #tpu.memory_space<vmem_shared>>) dst(%dma_wait3A_23 : memref<10000x16xf32, #tpu.memory_space<hbm>>)
        tpu.yield
      }) : () -> ()
    } else {
    }
    return
  }
}

#map = affine_map<(d0, d1) -> (0, 0)>
#map1 = affine_map<(d0, d1) -> (0)>
module attributes {stable_mosaic.version = 14 : i64} {
  func.func @k(%arg0: i32, %arg1: i32, %arg2: memref<10000x16xf32, #tpu.memory_space<hbm>>, %arg3: memref<160000xi32, #tpu.memory_space<hbm>>, %arg4: memref<160000x16xf32, #tpu.memory_space<hbm>>, %arg5: memref<128xi32, #tpu.memory_space<vmem>>, %arg6: memref<128x16xf32, #tpu.memory_space<vmem>>, %arg7: memref<8xi32, #tpu.memory_space<vmem>>, %arg8: memref<8x16xf32, #tpu.memory_space<vmem>>, %arg9: memref<!tpu.dma_semaphore, #tpu.memory_space<semaphore_mem>>) attributes {dimension_semantics = [#tpu.dimension_semantics<core_parallel>, #tpu.dimension_semantics<subcore_parallel>], iteration_bounds = array<i64: 2, 16>, scalar_prefetch = 0 : i64, scratch_operands = 5 : i64, tpu.core_type = #tpu.core_type<sc_vector_subcore>, window_params = [{transform_indices = #map}, {transform_indices = #map1}, {transform_indices = #map}]} {
    %mul3A = arith.constant 2 : i32
    %mul3A_0 = arith.muli %arg1, %mul3A : i32
    %add3A = arith.addi %mul3A_0, %arg0 : i32
    %mul3A_1 = arith.constant 5000 : i32
    %mul3A_2 = arith.muli %add3A, %mul3A_1 : i32
    %scan3A = arith.constant 0 : i32
    %scan3A_3 = arith.constant 0 : i32
    %scan3A_4 = arith.constant 39 : i32
    %scan3A_5 = arith.addi %scan3A_3, %scan3A_4 : i32
    %scan3A_6 = arith.constant 1 : i32
    scf.for %scan3A_14 = %scan3A_3 to %scan3A_5 step %scan3A_6  : i32 {
      %mul3A_15 = arith.constant 128 : i32
      %mul3A_16 = arith.muli %scan3A_14, %mul3A_15 : i32
      %add3A_17 = arith.addi %mul3A_2, %mul3A_16 : i32
      "tpu.region"() ({
        %run_scoped3A = tpu.sem_alloc : memref<!tpu.dma_semaphore, #tpu.memory_space<semaphore_mem>>
        %dma_start3A_24 = tpu.memref_slice %arg3[%add3A_17] : memref<160000xi32, #tpu.memory_space<hbm>> -> memref<128xi32, #tpu.memory_space<hbm>>
        %dma_start3A_25 = tpu.memref_slice %arg3[%add3A_17] : memref<160000xi32, #tpu.memory_space<hbm>> -> memref<128xi32, #tpu.memory_space<hbm>>
        tpu.enqueue_dma source(%dma_start3A_25 : memref<128xi32, #tpu.memory_space<hbm>>) target(%arg5 : memref<128xi32, #tpu.memory_space<vmem>>) target_semaphore(%run_scoped3A : memref<!tpu.dma_semaphore, #tpu.memory_space<semaphore_mem>>)
        %dma_wait3A_26 = tpu.memref_slice %arg3[%add3A_17] : memref<160000xi32, #tpu.memory_space<hbm>> -> memref<128xi32, #tpu.memory_space<hbm>>
        %dma_wait3A_27 = tpu.memref_slice %arg3[%add3A_17] : memref<160000xi32, #tpu.memory_space<hbm>> -> memref<128xi32, #tpu.memory_space<hbm>>
        tpu.wait_dma2 semaphore(%run_scoped3A : memref<!tpu.dma_semaphore, #tpu.memory_space<semaphore_mem>>) src(%dma_wait3A_27 : memref<128xi32, #tpu.memory_space<hbm>>) dst(%arg5 : memref<128xi32, #tpu.memory_space<vmem>>)
        tpu.yield
      }) : () -> ()
      %dma_start3A_18 = arith.constant 0 : i32
      %dma_start3A_19 = arith.constant 0 : i32
      %dma_start3A_20 = tpu.memref_slice %arg2[%dma_start3A_18, %dma_start3A_19] : memref<10000x16xf32, #tpu.memory_space<hbm>> -> memref<10000x16xf32, #tpu.memory_space<hbm>>
      tpu.enqueue_indirect_dma source(%dma_start3A_20 : memref<10000x16xf32, #tpu.memory_space<hbm>>) target(%arg6 : memref<128x16xf32, #tpu.memory_space<vmem>>) offsets(%arg5 : memref<128xi32, #tpu.memory_space<vmem>>) semaphore(%arg9 : memref<!tpu.dma_semaphore, #tpu.memory_space<semaphore_mem>>)
      %dma_wait3A_21 = arith.constant 0 : i32
      %dma_wait3A_22 = arith.constant 0 : i32
      %dma_wait3A_23 = tpu.memref_slice %arg2[%dma_wait3A_21, %dma_wait3A_22] : memref<10000x16xf32, #tpu.memory_space<hbm>> -> memref<10000x16xf32, #tpu.memory_space<hbm>>
      tpu.wait_indirect_dma semaphore(%arg9 : memref<!tpu.dma_semaphore, #tpu.memory_space<semaphore_mem>>) src(%dma_wait3A_23 : memref<10000x16xf32, #tpu.memory_space<hbm>>) dst(%arg6 : memref<128x16xf32, #tpu.memory_space<vmem>>)
      "tpu.region"() ({
        %run_scoped3A = tpu.sem_alloc : memref<!tpu.dma_semaphore, #tpu.memory_space<semaphore_mem>>
        %dma_start3A_24 = arith.constant 0 : i32
        %dma_start3A_25 = tpu.memref_slice %arg4[%add3A_17, %dma_start3A_24] : memref<160000x16xf32, #tpu.memory_space<hbm>> -> memref<128x16xf32, #tpu.memory_space<hbm>>
        %dma_start3A_26 = arith.constant 0 : i32
        %dma_start3A_27 = tpu.memref_slice %arg4[%add3A_17, %dma_start3A_26] : memref<160000x16xf32, #tpu.memory_space<hbm>> -> memref<128x16xf32, #tpu.memory_space<hbm>>
        tpu.enqueue_dma source(%arg6 : memref<128x16xf32, #tpu.memory_space<vmem>>) target(%dma_start3A_27 : memref<128x16xf32, #tpu.memory_space<hbm>>) target_semaphore(%run_scoped3A : memref<!tpu.dma_semaphore, #tpu.memory_space<semaphore_mem>>)
        %dma_wait3A_28 = arith.constant 0 : i32
        %dma_wait3A_29 = tpu.memref_slice %arg4[%add3A_17, %dma_wait3A_28] : memref<160000x16xf32, #tpu.memory_space<hbm>> -> memref<128x16xf32, #tpu.memory_space<hbm>>
        %dma_wait3A_30 = arith.constant 0 : i32
        %dma_wait3A_31 = tpu.memref_slice %arg4[%add3A_17, %dma_wait3A_30] : memref<160000x16xf32, #tpu.memory_space<hbm>> -> memref<128x16xf32, #tpu.memory_space<hbm>>
        tpu.wait_dma2 semaphore(%run_scoped3A : memref<!tpu.dma_semaphore, #tpu.memory_space<semaphore_mem>>) src(%arg6 : memref<128x16xf32, #tpu.memory_space<vmem>>) dst(%dma_wait3A_31 : memref<128x16xf32, #tpu.memory_space<hbm>>)
        tpu.yield
      }) : () -> ()
    }
    %scan3A_7 = arith.constant 39 : i32
    %add3A_8 = arith.constant 4992 : i32
    %add3A_9 = arith.addi %mul3A_2, %add3A_8 : i32
    "tpu.region"() ({
      %run_scoped3A = tpu.sem_alloc : memref<!tpu.dma_semaphore, #tpu.memory_space<semaphore_mem>>
      %dma_start3A_14 = tpu.memref_slice %arg3[%add3A_9] : memref<160000xi32, #tpu.memory_space<hbm>> -> memref<8xi32, #tpu.memory_space<hbm>>
      %dma_start3A_15 = tpu.memref_slice %arg3[%add3A_9] : memref<160000xi32, #tpu.memory_space<hbm>> -> memref<8xi32, #tpu.memory_space<hbm>>
      tpu.enqueue_dma source(%dma_start3A_15 : memref<8xi32, #tpu.memory_space<hbm>>) target(%arg7 : memref<8xi32, #tpu.memory_space<vmem>>) target_semaphore(%run_scoped3A : memref<!tpu.dma_semaphore, #tpu.memory_space<semaphore_mem>>)
      %dma_wait3A_16 = tpu.memref_slice %arg3[%add3A_9] : memref<160000xi32, #tpu.memory_space<hbm>> -> memref<8xi32, #tpu.memory_space<hbm>>
      %dma_wait3A_17 = tpu.memref_slice %arg3[%add3A_9] : memref<160000xi32, #tpu.memory_space<hbm>> -> memref<8xi32, #tpu.memory_space<hbm>>
      tpu.wait_dma2 semaphore(%run_scoped3A : memref<!tpu.dma_semaphore, #tpu.memory_space<semaphore_mem>>) src(%dma_wait3A_17 : memref<8xi32, #tpu.memory_space<hbm>>) dst(%arg7 : memref<8xi32, #tpu.memory_space<vmem>>)
      tpu.yield
    }) : () -> ()
    %dma_start3A = arith.constant 0 : i32
    %dma_start3A_10 = arith.constant 0 : i32
    %dma_start3A_11 = tpu.memref_slice %arg2[%dma_start3A, %dma_start3A_10] : memref<10000x16xf32, #tpu.memory_space<hbm>> -> memref<10000x16xf32, #tpu.memory_space<hbm>>
    tpu.enqueue_indirect_dma source(%dma_start3A_11 : memref<10000x16xf32, #tpu.memory_space<hbm>>) target(%arg8 : memref<8x16xf32, #tpu.memory_space<vmem>>) offsets(%arg7 : memref<8xi32, #tpu.memory_space<vmem>>) semaphore(%arg9 : memref<!tpu.dma_semaphore, #tpu.memory_space<semaphore_mem>>)
    %dma_wait3A = arith.constant 0 : i32
    %dma_wait3A_12 = arith.constant 0 : i32
    %dma_wait3A_13 = tpu.memref_slice %arg2[%dma_wait3A, %dma_wait3A_12] : memref<10000x16xf32, #tpu.memory_space<hbm>> -> memref<10000x16xf32, #tpu.memory_space<hbm>>
    tpu.wait_indirect_dma semaphore(%arg9 : memref<!tpu.dma_semaphore, #tpu.memory_space<semaphore_mem>>) src(%dma_wait3A_13 : memref<10000x16xf32, #tpu.memory_space<hbm>>) dst(%arg8 : memref<8x16xf32, #tpu.memory_space<vmem>>)
    "tpu.region"() ({
      %run_scoped3A = tpu.sem_alloc : memref<!tpu.dma_semaphore, #tpu.memory_space<semaphore_mem>>
      %dma_start3A_14 = arith.constant 0 : i32
      %dma_start3A_15 = tpu.memref_slice %arg4[%add3A_9, %dma_start3A_14] : memref<160000x16xf32, #tpu.memory_space<hbm>> -> memref<8x16xf32, #tpu.memory_space<hbm>>
      %dma_start3A_16 = arith.constant 0 : i32
      %dma_start3A_17 = tpu.memref_slice %arg4[%add3A_9, %dma_start3A_16] : memref<160000x16xf32, #tpu.memory_space<hbm>> -> memref<8x16xf32, #tpu.memory_space<hbm>>
      tpu.enqueue_dma source(%arg8 : memref<8x16xf32, #tpu.memory_space<vmem>>) target(%dma_start3A_17 : memref<8x16xf32, #tpu.memory_space<hbm>>) target_semaphore(%run_scoped3A : memref<!tpu.dma_semaphore, #tpu.memory_space<semaphore_mem>>)
      %dma_wait3A_18 = arith.constant 0 : i32
      %dma_wait3A_19 = tpu.memref_slice %arg4[%add3A_9, %dma_wait3A_18] : memref<160000x16xf32, #tpu.memory_space<hbm>> -> memref<8x16xf32, #tpu.memory_space<hbm>>
      %dma_wait3A_20 = arith.constant 0 : i32
      %dma_wait3A_21 = tpu.memref_slice %arg4[%add3A_9, %dma_wait3A_20] : memref<160000x16xf32, #tpu.memory_space<hbm>> -> memref<8x16xf32, #tpu.memory_space<hbm>>
      tpu.wait_dma2 semaphore(%run_scoped3A : memref<!tpu.dma_semaphore, #tpu.memory_space<semaphore_mem>>) src(%arg8 : memref<8x16xf32, #tpu.memory_space<vmem>>) dst(%dma_wait3A_21 : memref<8x16xf32, #tpu.memory_space<hbm>>)
      tpu.yield
    }) : () -> ()
    return
  }
}

#map = affine_map<(d0, d1) -> (0, 0)>
#map1 = affine_map<(d0, d1) -> (0)>
#map2 = affine_map<(d0, d1) -> (0, 0, 0)>
module attributes {stable_mosaic.version = 14 : i64} {
  func.func @k(%arg0: i32, %arg1: i32, %arg2: memref<160000x16xf32, #tpu.memory_space<hbm>>, %arg3: memref<160000xi32, #tpu.memory_space<hbm>>, %arg4: memref<10000x16xf32, #tpu.memory_space<hbm>>, %arg5: memref<2x10000x16xf32, #tpu.memory_space<hbm>>, %arg6: memref<128xi32, #tpu.memory_space<vmem>>, %arg7: memref<128x16xf32, #tpu.memory_space<vmem>>, %arg8: memref<8xi32, #tpu.memory_space<vmem>>, %arg9: memref<8x16xf32, #tpu.memory_space<vmem>>, %arg10: memref<10000x16xf32, #tpu.memory_space<vmem_shared>>) attributes {dimension_semantics = [#tpu.dimension_semantics<core_parallel>, #tpu.dimension_semantics<subcore_parallel>], iteration_bounds = array<i64: 2, 16>, scalar_prefetch = 0 : i64, scratch_operands = 5 : i64, tpu.core_type = #tpu.core_type<sc_vector_subcore>, window_params = [{transform_indices = #map}, {transform_indices = #map1}, {transform_indices = #map}, {transform_indices = #map2}]} {
    %eq3A = arith.constant 0 : i32
    %eq3A_0 = arith.cmpi eq, %arg1, %eq3A : i32
    %convert_element_type3A = arith.extui %eq3A_0 : i1 to i32
    %cond3A = arith.constant 0 : i32
    %cond3A_1 = arith.cmpi ne, %convert_element_type3A, %cond3A : i32
    scf.if %cond3A_1 {
      "tpu.region"() ({
        %run_scoped3A = tpu.sem_alloc : memref<!tpu.dma_semaphore, #tpu.memory_space<semaphore_mem>>
        tpu.enqueue_dma source(%arg4 : memref<10000x16xf32, #tpu.memory_space<hbm>>) target(%arg10 : memref<10000x16xf32, #tpu.memory_space<vmem_shared>>) target_semaphore(%run_scoped3A : memref<!tpu.dma_semaphore, #tpu.memory_space<semaphore_mem>>)
        tpu.wait_dma2 semaphore(%run_scoped3A : memref<!tpu.dma_semaphore, #tpu.memory_space<semaphore_mem>>) src(%arg4 : memref<10000x16xf32, #tpu.memory_space<hbm>>) dst(%arg10 : memref<10000x16xf32, #tpu.memory_space<vmem_shared>>)
        tpu.yield
      }) : () -> ()
    } else {
    }
    %barrier3A = arith.constant 0 : index
    tpu.barrier barrier_id(%barrier3A)
    %mul3A = arith.constant 80000 : i32
    %mul3A_2 = arith.muli %arg0, %mul3A : i32
    %mul3A_3 = arith.constant 5000 : i32
    %mul3A_4 = arith.muli %arg1, %mul3A_3 : i32
    %add3A = arith.addi %mul3A_2, %mul3A_4 : i32
    %scan3A = arith.constant 0 : i32
    %scan3A_5 = arith.constant 0 : i32
    %scan3A_6 = arith.constant 39 : i32
    %scan3A_7 = arith.addi %scan3A_5, %scan3A_6 : i32
    %scan3A_8 = arith.constant 1 : i32
    scf.for %scan3A_18 = %scan3A_5 to %scan3A_7 step %scan3A_8  : i32 {
      %mul3A_19 = arith.constant 128 : i32
      %mul3A_20 = arith.muli %scan3A_18, %mul3A_19 : i32
      %add3A_21 = arith.addi %add3A, %mul3A_20 : i32
      "tpu.region"() ({
        %run_scoped3A = tpu.sem_alloc : memref<!tpu.dma_semaphore, #tpu.memory_space<semaphore_mem>>
        %dma_start3A = tpu.memref_slice %arg3[%add3A_21] : memref<160000xi32, #tpu.memory_space<hbm>> -> memref<128xi32, #tpu.memory_space<hbm>>
        %dma_start3A_22 = tpu.memref_slice %arg3[%add3A_21] : memref<160000xi32, #tpu.memory_space<hbm>> -> memref<128xi32, #tpu.memory_space<hbm>>
        tpu.enqueue_dma source(%dma_start3A_22 : memref<128xi32, #tpu.memory_space<hbm>>) target(%arg6 : memref<128xi32, #tpu.memory_space<vmem>>) target_semaphore(%run_scoped3A : memref<!tpu.dma_semaphore, #tpu.memory_space<semaphore_mem>>)
        %dma_wait3A = tpu.memref_slice %arg3[%add3A_21] : memref<160000xi32, #tpu.memory_space<hbm>> -> memref<128xi32, #tpu.memory_space<hbm>>
        %dma_wait3A_23 = tpu.memref_slice %arg3[%add3A_21] : memref<160000xi32, #tpu.memory_space<hbm>> -> memref<128xi32, #tpu.memory_space<hbm>>
        tpu.wait_dma2 semaphore(%run_scoped3A : memref<!tpu.dma_semaphore, #tpu.memory_space<semaphore_mem>>) src(%dma_wait3A_23 : memref<128xi32, #tpu.memory_space<hbm>>) dst(%arg6 : memref<128xi32, #tpu.memory_space<vmem>>)
        tpu.yield
      }) : () -> ()
      "tpu.region"() ({
        %run_scoped3A = tpu.sem_alloc : memref<!tpu.dma_semaphore, #tpu.memory_space<semaphore_mem>>
        %dma_start3A = arith.constant 0 : i32
        %dma_start3A_22 = tpu.memref_slice %arg2[%add3A_21, %dma_start3A] : memref<160000x16xf32, #tpu.memory_space<hbm>> -> memref<128x16xf32, #tpu.memory_space<hbm>>
        %dma_start3A_23 = arith.constant 0 : i32
        %dma_start3A_24 = tpu.memref_slice %arg2[%add3A_21, %dma_start3A_23] : memref<160000x16xf32, #tpu.memory_space<hbm>> -> memref<128x16xf32, #tpu.memory_space<hbm>>
        tpu.enqueue_dma source(%dma_start3A_24 : memref<128x16xf32, #tpu.memory_space<hbm>>) target(%arg7 : memref<128x16xf32, #tpu.memory_space<vmem>>) target_semaphore(%run_scoped3A : memref<!tpu.dma_semaphore, #tpu.memory_space<semaphore_mem>>)
        %dma_wait3A = arith.constant 0 : i32
        %dma_wait3A_25 = tpu.memref_slice %arg2[%add3A_21, %dma_wait3A] : memref<160000x16xf32, #tpu.memory_space<hbm>> -> memref<128x16xf32, #tpu.memory_space<hbm>>
        %dma_wait3A_26 = arith.constant 0 : i32
        %dma_wait3A_27 = tpu.memref_slice %arg2[%add3A_21, %dma_wait3A_26] : memref<160000x16xf32, #tpu.memory_space<hbm>> -> memref<128x16xf32, #tpu.memory_space<hbm>>
        tpu.wait_dma2 semaphore(%run_scoped3A : memref<!tpu.dma_semaphore, #tpu.memory_space<semaphore_mem>>) src(%dma_wait3A_27 : memref<128x16xf32, #tpu.memory_space<hbm>>) dst(%arg7 : memref<128x16xf32, #tpu.memory_space<vmem>>)
        tpu.yield
      }) : () -> ()
      "tpu.region"() ({
        %run_scoped3A = tpu.sem_alloc : memref<!tpu.dma_semaphore, #tpu.memory_space<semaphore_mem>>
        %dma_start3A = arith.constant 0 : i32
        %dma_start3A_22 = arith.constant 0 : i32
        %dma_start3A_23 = tpu.memref_slice %arg10[%dma_start3A, %dma_start3A_22] : memref<10000x16xf32, #tpu.memory_space<vmem_shared>> -> memref<10000x16xf32, #tpu.memory_space<vmem_shared>>
        tpu.enqueue_indirect_dma source(%arg7 : memref<128x16xf32, #tpu.memory_space<vmem>>) target(%dma_start3A_23 : memref<10000x16xf32, #tpu.memory_space<vmem_shared>>) offsets(%arg6 : memref<128xi32, #tpu.memory_space<vmem>>) semaphore(%run_scoped3A : memref<!tpu.dma_semaphore, #tpu.memory_space<semaphore_mem>>) {add = true}
        %dma_wait3A = arith.constant 0 : i32
        %dma_wait3A_24 = arith.constant 0 : i32
        %dma_wait3A_25 = tpu.memref_slice %arg10[%dma_wait3A, %dma_wait3A_24] : memref<10000x16xf32, #tpu.memory_space<vmem_shared>> -> memref<10000x16xf32, #tpu.memory_space<vmem_shared>>
        tpu.wait_indirect_dma semaphore(%run_scoped3A : memref<!tpu.dma_semaphore, #tpu.memory_space<semaphore_mem>>) src(%arg7 : memref<128x16xf32, #tpu.memory_space<vmem>>) dst(%dma_wait3A_25 : memref<10000x16xf32, #tpu.memory_space<vmem_shared>>)
        tpu.yield
      }) : () -> ()
    }
    %scan3A_9 = arith.constant 39 : i32
    %add3A_10 = arith.constant 4992 : i32
    %add3A_11 = arith.addi %add3A, %add3A_10 : i32
    "tpu.region"() ({
      %run_scoped3A = tpu.sem_alloc : memref<!tpu.dma_semaphore, #tpu.memory_space<semaphore_mem>>
      %dma_start3A = tpu.memref_slice %arg3[%add3A_11] : memref<160000xi32, #tpu.memory_space<hbm>> -> memref<8xi32, #tpu.memory_space<hbm>>
      %dma_start3A_18 = tpu.memref_slice %arg3[%add3A_11] : memref<160000xi32, #tpu.memory_space<hbm>> -> memref<8xi32, #tpu.memory_space<hbm>>
      tpu.enqueue_dma source(%dma_start3A_18 : memref<8xi32, #tpu.memory_space<hbm>>) target(%arg8 : memref<8xi32, #tpu.memory_space<vmem>>) target_semaphore(%run_scoped3A : memref<!tpu.dma_semaphore, #tpu.memory_space<semaphore_mem>>)
      %dma_wait3A = tpu.memref_slice %arg3[%add3A_11] : memref<160000xi32, #tpu.memory_space<hbm>> -> memref<8xi32, #tpu.memory_space<hbm>>
      %dma_wait3A_19 = tpu.memref_slice %arg3[%add3A_11] : memref<160000xi32, #tpu.memory_space<hbm>> -> memref<8xi32, #tpu.memory_space<hbm>>
      tpu.wait_dma2 semaphore(%run_scoped3A : memref<!tpu.dma_semaphore, #tpu.memory_space<semaphore_mem>>) src(%dma_wait3A_19 : memref<8xi32, #tpu.memory_space<hbm>>) dst(%arg8 : memref<8xi32, #tpu.memory_space<vmem>>)
      tpu.yield
    }) : () -> ()
    "tpu.region"() ({
      %run_scoped3A = tpu.sem_alloc : memref<!tpu.dma_semaphore, #tpu.memory_space<semaphore_mem>>
      %dma_start3A = arith.constant 0 : i32
      %dma_start3A_18 = tpu.memref_slice %arg2[%add3A_11, %dma_start3A] : memref<160000x16xf32, #tpu.memory_space<hbm>> -> memref<8x16xf32, #tpu.memory_space<hbm>>
      %dma_start3A_19 = arith.constant 0 : i32
      %dma_start3A_20 = tpu.memref_slice %arg2[%add3A_11, %dma_start3A_19] : memref<160000x16xf32, #tpu.memory_space<hbm>> -> memref<8x16xf32, #tpu.memory_space<hbm>>
      tpu.enqueue_dma source(%dma_start3A_20 : memref<8x16xf32, #tpu.memory_space<hbm>>) target(%arg9 : memref<8x16xf32, #tpu.memory_space<vmem>>) target_semaphore(%run_scoped3A : memref<!tpu.dma_semaphore, #tpu.memory_space<semaphore_mem>>)
      %dma_wait3A = arith.constant 0 : i32
      %dma_wait3A_21 = tpu.memref_slice %arg2[%add3A_11, %dma_wait3A] : memref<160000x16xf32, #tpu.memory_space<hbm>> -> memref<8x16xf32, #tpu.memory_space<hbm>>
      %dma_wait3A_22 = arith.constant 0 : i32
      %dma_wait3A_23 = tpu.memref_slice %arg2[%add3A_11, %dma_wait3A_22] : memref<160000x16xf32, #tpu.memory_space<hbm>> -> memref<8x16xf32, #tpu.memory_space<hbm>>
      tpu.wait_dma2 semaphore(%run_scoped3A : memref<!tpu.dma_semaphore, #tpu.memory_space<semaphore_mem>>) src(%dma_wait3A_23 : memref<8x16xf32, #tpu.memory_space<hbm>>) dst(%arg9 : memref<8x16xf32, #tpu.memory_space<vmem>>)
      tpu.yield
    }) : () -> ()
    "tpu.region"() ({
      %run_scoped3A = tpu.sem_alloc : memref<!tpu.dma_semaphore, #tpu.memory_space<semaphore_mem>>
      %dma_start3A = arith.constant 0 : i32
      %dma_start3A_18 = arith.constant 0 : i32
      %dma_start3A_19 = tpu.memref_slice %arg10[%dma_start3A, %dma_start3A_18] : memref<10000x16xf32, #tpu.memory_space<vmem_shared>> -> memref<10000x16xf32, #tpu.memory_space<vmem_shared>>
      tpu.enqueue_indirect_dma source(%arg9 : memref<8x16xf32, #tpu.memory_space<vmem>>) target(%dma_start3A_19 : memref<10000x16xf32, #tpu.memory_space<vmem_shared>>) offsets(%arg8 : memref<8xi32, #tpu.memory_space<vmem>>) semaphore(%run_scoped3A : memref<!tpu.dma_semaphore, #tpu.memory_space<semaphore_mem>>) {add = true}
      %dma_wait3A = arith.constant 0 : i32
      %dma_wait3A_20 = arith.constant 0 : i32
      %dma_wait3A_21 = tpu.memref_slice %arg10[%dma_wait3A, %dma_wait3A_20] : memref<10000x16xf32, #tpu.memory_space<vmem_shared>> -> memref<10000x16xf32, #tpu.memory_space<vmem_shared>>
      tpu.wait_indirect_dma semaphore(%run_scoped3A : memref<!tpu.dma_semaphore, #tpu.memory_space<semaphore_mem>>) src(%arg9 : memref<8x16xf32, #tpu.memory_space<vmem>>) dst(%dma_wait3A_21 : memref<10000x16xf32, #tpu.memory_space<vmem_shared>>)
      tpu.yield
    }) : () -> ()
    %barrier3A_12 = arith.constant 0 : index
    tpu.barrier barrier_id(%barrier3A_12)
    %eq3A_13 = arith.constant 0 : i32
    %eq3A_14 = arith.cmpi eq, %arg1, %eq3A_13 : i32
    %convert_element_type3A_15 = arith.extui %eq3A_14 : i1 to i32
    %cond3A_16 = arith.constant 0 : i32
    %cond3A_17 = arith.cmpi ne, %convert_element_type3A_15, %cond3A_16 : i32
    scf.if %cond3A_17 {
      "tpu.region"() ({
        %run_scoped3A = tpu.sem_alloc : memref<!tpu.dma_semaphore, #tpu.memory_space<semaphore_mem>>
        %dma_start3A = arith.constant 0 : i32
        %dma_start3A_18 = arith.constant 0 : i32
        %dma_start3A_19 = tpu.memref_slice %arg5[%arg0, %dma_start3A, %dma_start3A_18] : memref<2x10000x16xf32, #tpu.memory_space<hbm>> -> memref<1x10000x16xf32, #tpu.memory_space<hbm>>
        %dma_start3A_20 = tpu.memref_squeeze %dma_start3A_19 : memref<1x10000x16xf32, #tpu.memory_space<hbm>> -> memref<10000x16xf32, #tpu.memory_space<hbm>>
        tpu.enqueue_dma source(%arg10 : memref<10000x16xf32, #tpu.memory_space<vmem_shared>>) target(%dma_start3A_20 : memref<10000x16xf32, #tpu.memory_space<hbm>>) target_semaphore(%run_scoped3A : memref<!tpu.dma_semaphore, #tpu.memory_space<semaphore_mem>>)
        %dma_wait3A = arith.constant 0 : i32
        %dma_wait3A_21 = arith.constant 0 : i32
        %dma_wait3A_22 = tpu.memref_slice %arg5[%arg0, %dma_wait3A, %dma_wait3A_21] : memref<2x10000x16xf32, #tpu.memory_space<hbm>> -> memref<1x10000x16xf32, #tpu.memory_space<hbm>>
        %dma_wait3A_23 = tpu.memref_squeeze %dma_wait3A_22 : memref<1x10000x16xf32, #tpu.memory_space<hbm>> -> memref<10000x16xf32, #tpu.memory_space<hbm>>
        tpu.wait_dma2 semaphore(%run_scoped3A : memref<!tpu.dma_semaphore, #tpu.memory_space<semaphore_mem>>) src(%arg10 : memref<10000x16xf32, #tpu.memory_space<vmem_shared>>) dst(%dma_wait3A_23 : memref<10000x16xf32, #tpu.memory_space<hbm>>)
        tpu.yield
      }) : () -> ()
    } else {
    }
    return
  }
}

#map = affine_map<(d0, d1) -> (0, 0)>
#map1 = affine_map<(d0, d1) -> (0)>
module attributes {stable_mosaic.version = 14 : i64} {
  func.func @k(%arg0: i32, %arg1: i32, %arg2: memref<10000x16xf32, #tpu.memory_space<hbm>>, %arg3: memref<2048xi32, #tpu.memory_space<hbm>>, %arg4: memref<2048x16xf32, #tpu.memory_space<hbm>>, %arg5: memref<128xi32, #tpu.memory_space<vmem>>, %arg6: memref<128x16xf32, #tpu.memory_space<vmem>>, %arg7: memref<64xi32, #tpu.memory_space<vmem>>, %arg8: memref<64x16xf32, #tpu.memory_space<vmem>>, %arg9: memref<!tpu.dma_semaphore, #tpu.memory_space<semaphore_mem>>) attributes {dimension_semantics = [#tpu.dimension_semantics<core_parallel>, #tpu.dimension_semantics<subcore_parallel>], iteration_bounds = array<i64: 2, 16>, scalar_prefetch = 0 : i64, scratch_operands = 5 : i64, tpu.core_type = #tpu.core_type<sc_vector_subcore>, window_params = [{transform_indices = #map}, {transform_indices = #map1}, {transform_indices = #map}]} {
    %mul3A = arith.constant 2 : i32
    %mul3A_0 = arith.muli %arg1, %mul3A : i32
    %add3A = arith.addi %mul3A_0, %arg0 : i32
    %mul3A_1 = arith.constant 64 : i32
    %mul3A_2 = arith.muli %add3A, %mul3A_1 : i32
    %add3A_3 = arith.constant 0 : i32
    %add3A_4 = arith.addi %mul3A_2, %add3A_3 : i32
    "tpu.region"() ({
      %run_scoped3A = tpu.sem_alloc : memref<!tpu.dma_semaphore, #tpu.memory_space<semaphore_mem>>
      %dma_start3A_9 = tpu.memref_slice %arg3[%add3A_4] : memref<2048xi32, #tpu.memory_space<hbm>> -> memref<64xi32, #tpu.memory_space<hbm>>
      %dma_start3A_10 = tpu.memref_slice %arg3[%add3A_4] : memref<2048xi32, #tpu.memory_space<hbm>> -> memref<64xi32, #tpu.memory_space<hbm>>
      tpu.enqueue_dma source(%dma_start3A_10 : memref<64xi32, #tpu.memory_space<hbm>>) target(%arg7 : memref<64xi32, #tpu.memory_space<vmem>>) target_semaphore(%run_scoped3A : memref<!tpu.dma_semaphore, #tpu.memory_space<semaphore_mem>>)
      %dma_wait3A_11 = tpu.memref_slice %arg3[%add3A_4] : memref<2048xi32, #tpu.memory_space<hbm>> -> memref<64xi32, #tpu.memory_space<hbm>>
      %dma_wait3A_12 = tpu.memref_slice %arg3[%add3A_4] : memref<2048xi32, #tpu.memory_space<hbm>> -> memref<64xi32, #tpu.memory_space<hbm>>
      tpu.wait_dma2 semaphore(%run_scoped3A : memref<!tpu.dma_semaphore, #tpu.memory_space<semaphore_mem>>) src(%dma_wait3A_12 : memref<64xi32, #tpu.memory_space<hbm>>) dst(%arg7 : memref<64xi32, #tpu.memory_space<vmem>>)
      tpu.yield
    }) : () -> ()
    %dma_start3A = arith.constant 0 : i32
    %dma_start3A_5 = arith.constant 0 : i32
    %dma_start3A_6 = tpu.memref_slice %arg2[%dma_start3A, %dma_start3A_5] : memref<10000x16xf32, #tpu.memory_space<hbm>> -> memref<10000x16xf32, #tpu.memory_space<hbm>>
    tpu.enqueue_indirect_dma source(%dma_start3A_6 : memref<10000x16xf32, #tpu.memory_space<hbm>>) target(%arg8 : memref<64x16xf32, #tpu.memory_space<vmem>>) offsets(%arg7 : memref<64xi32, #tpu.memory_space<vmem>>) semaphore(%arg9 : memref<!tpu.dma_semaphore, #tpu.memory_space<semaphore_mem>>)
    %dma_wait3A = arith.constant 0 : i32
    %dma_wait3A_7 = arith.constant 0 : i32
    %dma_wait3A_8 = tpu.memref_slice %arg2[%dma_wait3A, %dma_wait3A_7] : memref<10000x16xf32, #tpu.memory_space<hbm>> -> memref<10000x16xf32, #tpu.memory_space<hbm>>
    tpu.wait_indirect_dma semaphore(%arg9 : memref<!tpu.dma_semaphore, #tpu.memory_space<semaphore_mem>>) src(%dma_wait3A_8 : memref<10000x16xf32, #tpu.memory_space<hbm>>) dst(%arg8 : memref<64x16xf32, #tpu.memory_space<vmem>>)
    "tpu.region"() ({
      %run_scoped3A = tpu.sem_alloc : memref<!tpu.dma_semaphore, #tpu.memory_space<semaphore_mem>>
      %dma_start3A_9 = arith.constant 0 : i32
      %dma_start3A_10 = tpu.memref_slice %arg4[%add3A_4, %dma_start3A_9] : memref<2048x16xf32, #tpu.memory_space<hbm>> -> memref<64x16xf32, #tpu.memory_space<hbm>>
      %dma_start3A_11 = arith.constant 0 : i32
      %dma_start3A_12 = tpu.memref_slice %arg4[%add3A_4, %dma_start3A_11] : memref<2048x16xf32, #tpu.memory_space<hbm>> -> memref<64x16xf32, #tpu.memory_space<hbm>>
      tpu.enqueue_dma source(%arg8 : memref<64x16xf32, #tpu.memory_space<vmem>>) target(%dma_start3A_12 : memref<64x16xf32, #tpu.memory_space<hbm>>) target_semaphore(%run_scoped3A : memref<!tpu.dma_semaphore, #tpu.memory_space<semaphore_mem>>)
      %dma_wait3A_13 = arith.constant 0 : i32
      %dma_wait3A_14 = tpu.memref_slice %arg4[%add3A_4, %dma_wait3A_13] : memref<2048x16xf32, #tpu.memory_space<hbm>> -> memref<64x16xf32, #tpu.memory_space<hbm>>
      %dma_wait3A_15 = arith.constant 0 : i32
      %dma_wait3A_16 = tpu.memref_slice %arg4[%add3A_4, %dma_wait3A_15] : memref<2048x16xf32, #tpu.memory_space<hbm>> -> memref<64x16xf32, #tpu.memory_space<hbm>>
      tpu.wait_dma2 semaphore(%run_scoped3A : memref<!tpu.dma_semaphore, #tpu.memory_space<semaphore_mem>>) src(%arg8 : memref<64x16xf32, #tpu.memory_space<vmem>>) dst(%dma_wait3A_16 : memref<64x16xf32, #tpu.memory_space<hbm>>)
      tpu.yield
    }) : () -> ()
    return
  }
}

module attributes {stable_mosaic.version = 14 : i64} {
  func.func @body(%arg0: i32, %arg1: memref<2000x3xf32, #tpu.memory_space<vmem>>, %arg2: memref<16x3xf32, #tpu.memory_space<vmem>>, %arg3: memref<1x16xf32, #tpu.memory_space<vmem>>, %arg4: memref<2000x16xf32, #tpu.memory_space<vmem>>) attributes {dimension_semantics = [#tpu.dimension_semantics<arbitrary>], iteration_bounds = array<i64: 5>, scalar_prefetch = 0 : i64, scratch_operands = 0 : i64, tpu.core_type = #tpu.core_type<tc>, window_params = [{transform_indices = @transform_0, window_bounds = array<i64: 2000, 3>}, {pipeline_mode = #tpu.pipeline_mode<synchronous>, transform_indices = @transform_1, window_bounds = array<i64: 16, 3>}, {pipeline_mode = #tpu.pipeline_mode<synchronous>, transform_indices = @transform_2, window_bounds = array<i64: 1, 16>}, {transform_indices = @transform_3, window_bounds = array<i64: 2000, 16>}]} {
    %get3A = arith.constant 0 : index
    %get3A_0 = arith.constant 0 : index
    %get3A_1 = vector.load %arg1[%get3A, %get3A_0] : memref<2000x3xf32, #tpu.memory_space<vmem>>, vector<2000x3xf32>
    %get3A_2 = arith.constant 0 : index
    %get3A_3 = arith.constant 0 : index
    %get3A_4 = vector.load %arg2[%get3A_2, %get3A_3] : memref<16x3xf32, #tpu.memory_space<vmem>>, vector<16x3xf32>
    %transpose3A = tpu.transpose %get3A_4, [1, 0] : vector<16x3xf32> -> vector<3x16xf32>
    %dot_general3A = arith.constant dense<0.000000e+00> : vector<2000x16xf32>
    %dot_general3A_5 = tpu.matmul %get3A_1, %transpose3A, %dot_general3A {dimension_numbers = #tpu.dot_dimension_numbers<[1], [0], [0], [1], [0, 0, 1, 1], [], []>, transpose_lhs_hint = false} : vector<2000x3xf32>, vector<3x16xf32>, vector<2000x16xf32> -> vector<2000x16xf32>
    %get3A_6 = arith.constant 0 : index
    %get3A_7 = arith.constant 0 : index
    %get3A_8 = vector.load %arg3[%get3A_6, %get3A_7] : memref<1x16xf32, #tpu.memory_space<vmem>>, vector<1x16xf32>
    %add3A = vector.broadcast %get3A_8 : vector<1x16xf32> to vector<2000x16xf32>
    %add3A_9 = arith.addf %dot_general3A_5, %add3A : vector<2000x16xf32>
    %max3A = arith.constant 0.000000e+00 : f32
    %max3A_10 = vector.broadcast %max3A : f32 to vector<2000x16xf32>
    %max3A_11 = arith.maximumf %add3A_9, %max3A_10 : vector<2000x16xf32>
    %swap3A = arith.constant 0 : index
    %swap3A_12 = arith.constant 0 : index
    %swap3A_13 = vector.load %arg4[%swap3A, %swap3A_12] : memref<2000x16xf32, #tpu.memory_space<vmem>>, vector<2000x16xf32>
    tpu.vector_store %arg4[%swap3A, %swap3A_12], %max3A_11 {strides = array<i32>} : memref<2000x16xf32, #tpu.memory_space<vmem>>, vector<2000x16xf32>,
    return
  }
  func.func @transform_0(%arg0: i32) -> (i32, i32) {
    %c0_i32 = arith.constant 0 : i32
    %c0_i32_0 = arith.constant 0 : i32
    return %arg0, %c0_i32 : i32, i32
  }
  func.func @transform_1(%arg0: i32) -> (i32, i32) {
    %c0_i32 = arith.constant 0 : i32
    %c0_i32_0 = arith.constant 0 : i32
    %c0_i32_1 = arith.constant 0 : i32
    return %c0_i32, %c0_i32_0 : i32, i32
  }
  func.func @transform_2(%arg0: i32) -> (i32, i32) {
    %c0_i32 = arith.constant 0 : i32
    %c0_i32_0 = arith.constant 0 : i32
    %c0_i32_1 = arith.constant 0 : i32
    return %c0_i32, %c0_i32_0 : i32, i32
  }
  func.func @transform_3(%arg0: i32) -> (i32, i32) {
    %c0_i32 = arith.constant 0 : i32
    %c0_i32_0 = arith.constant 0 : i32
    return %arg0, %c0_i32 : i32, i32
  }
}

module attributes {stable_mosaic.version = 14 : i64} {
  func.func @body(%arg0: i32, %arg1: memref<4000x7xf32, #tpu.memory_space<vmem>>, %arg2: memref<16x7xf32, #tpu.memory_space<vmem>>, %arg3: memref<1x16xf32, #tpu.memory_space<vmem>>, %arg4: memref<4000x16xf32, #tpu.memory_space<vmem>>) attributes {dimension_semantics = [#tpu.dimension_semantics<arbitrary>], iteration_bounds = array<i64: 40>, scalar_prefetch = 0 : i64, scratch_operands = 0 : i64, tpu.core_type = #tpu.core_type<tc>, window_params = [{transform_indices = @transform_0, window_bounds = array<i64: 4000, 7>}, {pipeline_mode = #tpu.pipeline_mode<synchronous>, transform_indices = @transform_1, window_bounds = array<i64: 16, 7>}, {pipeline_mode = #tpu.pipeline_mode<synchronous>, transform_indices = @transform_2, window_bounds = array<i64: 1, 16>}, {transform_indices = @transform_3, window_bounds = array<i64: 4000, 16>}]} {
    %get3A = arith.constant 0 : index
    %get3A_0 = arith.constant 0 : index
    %get3A_1 = vector.load %arg1[%get3A, %get3A_0] : memref<4000x7xf32, #tpu.memory_space<vmem>>, vector<4000x7xf32>
    %get3A_2 = arith.constant 0 : index
    %get3A_3 = arith.constant 0 : index
    %get3A_4 = vector.load %arg2[%get3A_2, %get3A_3] : memref<16x7xf32, #tpu.memory_space<vmem>>, vector<16x7xf32>
    %transpose3A = tpu.transpose %get3A_4, [1, 0] : vector<16x7xf32> -> vector<7x16xf32>
    %dot_general3A = arith.constant dense<0.000000e+00> : vector<4000x16xf32>
    %dot_general3A_5 = tpu.matmul %get3A_1, %transpose3A, %dot_general3A {dimension_numbers = #tpu.dot_dimension_numbers<[1], [0], [0], [1], [0, 0, 1, 1], [], []>, transpose_lhs_hint = false} : vector<4000x7xf32>, vector<7x16xf32>, vector<4000x16xf32> -> vector<4000x16xf32>
    %get3A_6 = arith.constant 0 : index
    %get3A_7 = arith.constant 0 : index
    %get3A_8 = vector.load %arg3[%get3A_6, %get3A_7] : memref<1x16xf32, #tpu.memory_space<vmem>>, vector<1x16xf32>
    %add3A = vector.broadcast %get3A_8 : vector<1x16xf32> to vector<4000x16xf32>
    %add3A_9 = arith.addf %dot_general3A_5, %add3A : vector<4000x16xf32>
    %max3A = arith.constant 0.000000e+00 : f32
    %max3A_10 = vector.broadcast %max3A : f32 to vector<4000x16xf32>
    %max3A_11 = arith.maximumf %add3A_9, %max3A_10 : vector<4000x16xf32>
    %swap3A = arith.constant 0 : index
    %swap3A_12 = arith.constant 0 : index
    %swap3A_13 = vector.load %arg4[%swap3A, %swap3A_12] : memref<4000x16xf32, #tpu.memory_space<vmem>>, vector<4000x16xf32>
    tpu.vector_store %arg4[%swap3A, %swap3A_12], %max3A_11 {strides = array<i32>} : memref<4000x16xf32, #tpu.memory_space<vmem>>, vector<4000x16xf32>,
    return
  }
  func.func @transform_0(%arg0: i32) -> (i32, i32) {
    %c0_i32 = arith.constant 0 : i32
    %c0_i32_0 = arith.constant 0 : i32
    return %arg0, %c0_i32 : i32, i32
  }
  func.func @transform_1(%arg0: i32) -> (i32, i32) {
    %c0_i32 = arith.constant 0 : i32
    %c0_i32_0 = arith.constant 0 : i32
    %c0_i32_1 = arith.constant 0 : i32
    return %c0_i32, %c0_i32_0 : i32, i32
  }
  func.func @transform_2(%arg0: i32) -> (i32, i32) {
    %c0_i32 = arith.constant 0 : i32
    %c0_i32_0 = arith.constant 0 : i32
    %c0_i32_1 = arith.constant 0 : i32
    return %c0_i32, %c0_i32_0 : i32, i32
  }
  func.func @transform_3(%arg0: i32) -> (i32, i32) {
    %c0_i32 = arith.constant 0 : i32
    %c0_i32_0 = arith.constant 0 : i32
    return %arg0, %c0_i32 : i32, i32
  }
}

module attributes {stable_mosaic.version = 14 : i64} {
  func.func @body(%arg0: i32, %arg1: memref<2000x16xf32, #tpu.memory_space<vmem>>, %arg2: memref<2000x16xf32, #tpu.memory_space<vmem>>, %arg3: memref<16x256xf32, #tpu.memory_space<vmem>>, %arg4: memref<16x16xf32, #tpu.memory_space<vmem>>, %arg5: memref<2000x16xf32, #tpu.memory_space<vmem>>) attributes {dimension_semantics = [#tpu.dimension_semantics<arbitrary>], iteration_bounds = array<i64: 80>, scalar_prefetch = 0 : i64, scratch_operands = 0 : i64, tpu.core_type = #tpu.core_type<tc>, window_params = [{transform_indices = @transform_0, window_bounds = array<i64: 2000, 16>}, {transform_indices = @transform_1, window_bounds = array<i64: 2000, 16>}, {pipeline_mode = #tpu.pipeline_mode<synchronous>, transform_indices = @transform_2, window_bounds = array<i64: 16, 256>}, {pipeline_mode = #tpu.pipeline_mode<synchronous>, transform_indices = @transform_3, window_bounds = array<i64: 16, 16>}, {transform_indices = @transform_4, window_bounds = array<i64: 2000, 16>}]} {
    %get3A = arith.constant 0 : index
    %get3A_0 = arith.constant 0 : index
    %get3A_1 = vector.load %arg1[%get3A, %get3A_0] : memref<2000x16xf32, #tpu.memory_space<vmem>>, vector<2000x16xf32>
    %get3A_2 = arith.constant 0 : index
    %get3A_3 = arith.constant 0 : index
    %get3A_4 = vector.load %arg2[%get3A_2, %get3A_3] : memref<2000x16xf32, #tpu.memory_space<vmem>>, vector<2000x16xf32>
    %get3A_5 = arith.constant 0 : index
    %get3A_6 = arith.constant 0 : index
    %get3A_7 = vector.load %arg4[%get3A_5, %get3A_6] : memref<16x16xf32, #tpu.memory_space<vmem>>, vector<16x16xf32>
    %dot_general3A = arith.constant dense<0.000000e+00> : vector<2000x16xf32>
    %dot_general3A_8 = tpu.matmul %get3A_1, %get3A_7, %dot_general3A {dimension_numbers = #tpu.dot_dimension_numbers<[1], [0], [0], [1], [0, 0, 1, 1], [], []>, transpose_lhs_hint = false} : vector<2000x16xf32>, vector<16x16xf32>, vector<2000x16xf32> -> vector<2000x16xf32>
    %get3A_9 = arith.constant 0 : index
    %get3A_10 = arith.constant 0 : index
    %get3A_11 = vector.load %arg3[%get3A_9, %get3A_10] : memref<16x256xf32, #tpu.memory_space<vmem>>, vector<16x256xf32>
    %dot_general3A_12 = arith.constant dense<0.000000e+00> : vector<2000x256xf32>
    %dot_general3A_13 = tpu.matmul %get3A_4, %get3A_11, %dot_general3A_12 {dimension_numbers = #tpu.dot_dimension_numbers<[1], [0], [0], [1], [0, 0, 1, 1], [], []>, transpose_lhs_hint = false} : vector<2000x16xf32>, vector<16x256xf32>, vector<2000x256xf32> -> vector<2000x256xf32>
    %slice3A = vector.extract_strided_slice %get3A_1 {offsets = [0, 0], sizes = [2000, 1], strides = [1, 1]} : vector<2000x16xf32> to vector<2000x1xf32>
    %slice3A_14 = vector.extract_strided_slice %dot_general3A_13 {offsets = [0, 0], sizes = [2000, 16], strides = [1, 1]} : vector<2000x256xf32> to vector<2000x16xf32>
    %mul3A = vector.broadcast %slice3A : vector<2000x1xf32> to vector<2000x16xf32>
    %mul3A_15 = arith.mulf %mul3A, %slice3A_14 : vector<2000x16xf32>
    %add3A = arith.addf %dot_general3A_8, %mul3A_15 : vector<2000x16xf32>
    %slice3A_16 = vector.extract_strided_slice %get3A_1 {offsets = [0, 1], sizes = [2000, 1], strides = [1, 1]} : vector<2000x16xf32> to vector<2000x1xf32>
    %slice3A_17 = vector.extract_strided_slice %dot_general3A_13 {offsets = [0, 16], sizes = [2000, 16], strides = [1, 1]} : vector<2000x256xf32> to vector<2000x16xf32>
    %mul3A_18 = vector.broadcast %slice3A_16 : vector<2000x1xf32> to vector<2000x16xf32>
    %mul3A_19 = arith.mulf %mul3A_18, %slice3A_17 : vector<2000x16xf32>
    %add3A_20 = arith.addf %add3A, %mul3A_19 : vector<2000x16xf32>
    %slice3A_21 = vector.extract_strided_slice %get3A_1 {offsets = [0, 2], sizes = [2000, 1], strides = [1, 1]} : vector<2000x16xf32> to vector<2000x1xf32>
    %slice3A_22 = vector.extract_strided_slice %dot_general3A_13 {offsets = [0, 32], sizes = [2000, 16], strides = [1, 1]} : vector<2000x256xf32> to vector<2000x16xf32>
    %mul3A_23 = vector.broadcast %slice3A_21 : vector<2000x1xf32> to vector<2000x16xf32>
    %mul3A_24 = arith.mulf %mul3A_23, %slice3A_22 : vector<2000x16xf32>
    %add3A_25 = arith.addf %add3A_20, %mul3A_24 : vector<2000x16xf32>
    %slice3A_26 = vector.extract_strided_slice %get3A_1 {offsets = [0, 3], sizes = [2000, 1], strides = [1, 1]} : vector<2000x16xf32> to vector<2000x1xf32>
    %slice3A_27 = vector.extract_strided_slice %dot_general3A_13 {offsets = [0, 48], sizes = [2000, 16], strides = [1, 1]} : vector<2000x256xf32> to vector<2000x16xf32>
    %mul3A_28 = vector.broadcast %slice3A_26 : vector<2000x1xf32> to vector<2000x16xf32>
    %mul3A_29 = arith.mulf %mul3A_28, %slice3A_27 : vector<2000x16xf32>
    %add3A_30 = arith.addf %add3A_25, %mul3A_29 : vector<2000x16xf32>
    %slice3A_31 = vector.extract_strided_slice %get3A_1 {offsets = [0, 4], sizes = [2000, 1], strides = [1, 1]} : vector<2000x16xf32> to vector<2000x1xf32>
    %slice3A_32 = vector.extract_strided_slice %dot_general3A_13 {offsets = [0, 64], sizes = [2000, 16], strides = [1, 1]} : vector<2000x256xf32> to vector<2000x16xf32>
    %mul3A_33 = vector.broadcast %slice3A_31 : vector<2000x1xf32> to vector<2000x16xf32>
    %mul3A_34 = arith.mulf %mul3A_33, %slice3A_32 : vector<2000x16xf32>
    %add3A_35 = arith.addf %add3A_30, %mul3A_34 : vector<2000x16xf32>
    %slice3A_36 = vector.extract_strided_slice %get3A_1 {offsets = [0, 5], sizes = [2000, 1], strides = [1, 1]} : vector<2000x16xf32> to vector<2000x1xf32>
    %slice3A_37 = vector.extract_strided_slice %dot_general3A_13 {offsets = [0, 80], sizes = [2000, 16], strides = [1, 1]} : vector<2000x256xf32> to vector<2000x16xf32>
    %mul3A_38 = vector.broadcast %slice3A_36 : vector<2000x1xf32> to vector<2000x16xf32>
    %mul3A_39 = arith.mulf %mul3A_38, %slice3A_37 : vector<2000x16xf32>
    %add3A_40 = arith.addf %add3A_35, %mul3A_39 : vector<2000x16xf32>
    %slice3A_41 = vector.extract_strided_slice %get3A_1 {offsets = [0, 6], sizes = [2000, 1], strides = [1, 1]} : vector<2000x16xf32> to vector<2000x1xf32>
    %slice3A_42 = vector.extract_strided_slice %dot_general3A_13 {offsets = [0, 96], sizes = [2000, 16], strides = [1, 1]} : vector<2000x256xf32> to vector<2000x16xf32>
    %mul3A_43 = vector.broadcast %slice3A_41 : vector<2000x1xf32> to vector<2000x16xf32>
    %mul3A_44 = arith.mulf %mul3A_43, %slice3A_42 : vector<2000x16xf32>
    %add3A_45 = arith.addf %add3A_40, %mul3A_44 : vector<2000x16xf32>
    %slice3A_46 = vector.extract_strided_slice %get3A_1 {offsets = [0, 7], sizes = [2000, 1], strides = [1, 1]} : vector<2000x16xf32> to vector<2000x1xf32>
    %slice3A_47 = vector.extract_strided_slice %dot_general3A_13 {offsets = [0, 112], sizes = [2000, 16], strides = [1, 1]} : vector<2000x256xf32> to vector<2000x16xf32>
    %mul3A_48 = vector.broadcast %slice3A_46 : vector<2000x1xf32> to vector<2000x16xf32>
    %mul3A_49 = arith.mulf %mul3A_48, %slice3A_47 : vector<2000x16xf32>
    %add3A_50 = arith.addf %add3A_45, %mul3A_49 : vector<2000x16xf32>
    %slice3A_51 = vector.extract_strided_slice %get3A_1 {offsets = [0, 8], sizes = [2000, 1], strides = [1, 1]} : vector<2000x16xf32> to vector<2000x1xf32>
    %slice3A_52 = vector.extract_strided_slice %dot_general3A_13 {offsets = [0, 128], sizes = [2000, 16], strides = [1, 1]} : vector<2000x256xf32> to vector<2000x16xf32>
    %mul3A_53 = vector.broadcast %slice3A_51 : vector<2000x1xf32> to vector<2000x16xf32>
    %mul3A_54 = arith.mulf %mul3A_53, %slice3A_52 : vector<2000x16xf32>
    %add3A_55 = arith.addf %add3A_50, %mul3A_54 : vector<2000x16xf32>
    %slice3A_56 = vector.extract_strided_slice %get3A_1 {offsets = [0, 9], sizes = [2000, 1], strides = [1, 1]} : vector<2000x16xf32> to vector<2000x1xf32>
    %slice3A_57 = vector.extract_strided_slice %dot_general3A_13 {offsets = [0, 144], sizes = [2000, 16], strides = [1, 1]} : vector<2000x256xf32> to vector<2000x16xf32>
    %mul3A_58 = vector.broadcast %slice3A_56 : vector<2000x1xf32> to vector<2000x16xf32>
    %mul3A_59 = arith.mulf %mul3A_58, %slice3A_57 : vector<2000x16xf32>
    %add3A_60 = arith.addf %add3A_55, %mul3A_59 : vector<2000x16xf32>
    %slice3A_61 = vector.extract_strided_slice %get3A_1 {offsets = [0, 10], sizes = [2000, 1], strides = [1, 1]} : vector<2000x16xf32> to vector<2000x1xf32>
    %slice3A_62 = vector.extract_strided_slice %dot_general3A_13 {offsets = [0, 160], sizes = [2000, 16], strides = [1, 1]} : vector<2000x256xf32> to vector<2000x16xf32>
    %mul3A_63 = vector.broadcast %slice3A_61 : vector<2000x1xf32> to vector<2000x16xf32>
    %mul3A_64 = arith.mulf %mul3A_63, %slice3A_62 : vector<2000x16xf32>
    %add3A_65 = arith.addf %add3A_60, %mul3A_64 : vector<2000x16xf32>
    %slice3A_66 = vector.extract_strided_slice %get3A_1 {offsets = [0, 11], sizes = [2000, 1], strides = [1, 1]} : vector<2000x16xf32> to vector<2000x1xf32>
    %slice3A_67 = vector.extract_strided_slice %dot_general3A_13 {offsets = [0, 176], sizes = [2000, 16], strides = [1, 1]} : vector<2000x256xf32> to vector<2000x16xf32>
    %mul3A_68 = vector.broadcast %slice3A_66 : vector<2000x1xf32> to vector<2000x16xf32>
    %mul3A_69 = arith.mulf %mul3A_68, %slice3A_67 : vector<2000x16xf32>
    %add3A_70 = arith.addf %add3A_65, %mul3A_69 : vector<2000x16xf32>
    %slice3A_71 = vector.extract_strided_slice %get3A_1 {offsets = [0, 12], sizes = [2000, 1], strides = [1, 1]} : vector<2000x16xf32> to vector<2000x1xf32>
    %slice3A_72 = vector.extract_strided_slice %dot_general3A_13 {offsets = [0, 192], sizes = [2000, 16], strides = [1, 1]} : vector<2000x256xf32> to vector<2000x16xf32>
    %mul3A_73 = vector.broadcast %slice3A_71 : vector<2000x1xf32> to vector<2000x16xf32>
    %mul3A_74 = arith.mulf %mul3A_73, %slice3A_72 : vector<2000x16xf32>
    %add3A_75 = arith.addf %add3A_70, %mul3A_74 : vector<2000x16xf32>
    %slice3A_76 = vector.extract_strided_slice %get3A_1 {offsets = [0, 13], sizes = [2000, 1], strides = [1, 1]} : vector<2000x16xf32> to vector<2000x1xf32>
    %slice3A_77 = vector.extract_strided_slice %dot_general3A_13 {offsets = [0, 208], sizes = [2000, 16], strides = [1, 1]} : vector<2000x256xf32> to vector<2000x16xf32>
    %mul3A_78 = vector.broadcast %slice3A_76 : vector<2000x1xf32> to vector<2000x16xf32>
    %mul3A_79 = arith.mulf %mul3A_78, %slice3A_77 : vector<2000x16xf32>
    %add3A_80 = arith.addf %add3A_75, %mul3A_79 : vector<2000x16xf32>
    %slice3A_81 = vector.extract_strided_slice %get3A_1 {offsets = [0, 14], sizes = [2000, 1], strides = [1, 1]} : vector<2000x16xf32> to vector<2000x1xf32>
    %slice3A_82 = vector.extract_strided_slice %dot_general3A_13 {offsets = [0, 224], sizes = [2000, 16], strides = [1, 1]} : vector<2000x256xf32> to vector<2000x16xf32>
    %mul3A_83 = vector.broadcast %slice3A_81 : vector<2000x1xf32> to vector<2000x16xf32>
    %mul3A_84 = arith.mulf %mul3A_83, %slice3A_82 : vector<2000x16xf32>
    %add3A_85 = arith.addf %add3A_80, %mul3A_84 : vector<2000x16xf32>
    %slice3A_86 = vector.extract_strided_slice %get3A_1 {offsets = [0, 15], sizes = [2000, 1], strides = [1, 1]} : vector<2000x16xf32> to vector<2000x1xf32>
    %slice3A_87 = vector.extract_strided_slice %dot_general3A_13 {offsets = [0, 240], sizes = [2000, 16], strides = [1, 1]} : vector<2000x256xf32> to vector<2000x16xf32>
    %mul3A_88 = vector.broadcast %slice3A_86 : vector<2000x1xf32> to vector<2000x16xf32>
    %mul3A_89 = arith.mulf %mul3A_88, %slice3A_87 : vector<2000x16xf32>
    %add3A_90 = arith.addf %add3A_85, %mul3A_89 : vector<2000x16xf32>
    %swap3A = arith.constant 0 : index
    %swap3A_91 = arith.constant 0 : index
    %swap3A_92 = vector.load %arg5[%swap3A, %swap3A_91] : memref<2000x16xf32, #tpu.memory_space<vmem>>, vector<2000x16xf32>
    tpu.vector_store %arg5[%swap3A, %swap3A_91], %add3A_90 {strides = array<i32>} : memref<2000x16xf32, #tpu.memory_space<vmem>>, vector<2000x16xf32>,
    return
  }
  func.func @transform_0(%arg0: i32) -> (i32, i32) {
    %c0_i32 = arith.constant 0 : i32
    %c0_i32_0 = arith.constant 0 : i32
    return %arg0, %c0_i32 : i32, i32
  }
  func.func @transform_1(%arg0: i32) -> (i32, i32) {
    %c0_i32 = arith.constant 0 : i32
    %c0_i32_0 = arith.constant 0 : i32
    return %arg0, %c0_i32 : i32, i32
  }
  func.func @transform_2(%arg0: i32) -> (i32, i32) {
    %c0_i32 = arith.constant 0 : i32
    %c0_i32_0 = arith.constant 0 : i32
    %c0_i32_1 = arith.constant 0 : i32
    return %c0_i32, %c0_i32_0 : i32, i32
  }
  func.func @transform_3(%arg0: i32) -> (i32, i32) {
    %c0_i32 = arith.constant 0 : i32
    %c0_i32_0 = arith.constant 0 : i32
    %c0_i32_1 = arith.constant 0 : i32
    return %c0_i32, %c0_i32_0 : i32, i32
  }
  func.func @transform_4(%arg0: i32) -> (i32, i32) {
    %c0_i32 = arith.constant 0 : i32
    %c0_i32_0 = arith.constant 0 : i32
    return %arg0, %c0_i32 : i32, i32
  }
}

module attributes {stable_mosaic.version = 14 : i64} {
  func.func @body(%arg0: i32, %arg1: memref<2x2000x16xf32, #tpu.memory_space<vmem>>, %arg2: memref<2x2000x16xf32, #tpu.memory_space<vmem>>, %arg3: memref<2000x16xf32, #tpu.memory_space<vmem>>, %arg4: memref<16x16xf32, #tpu.memory_space<vmem>>, %arg5: memref<1x16xf32, #tpu.memory_space<vmem>>, %arg6: memref<48x16xf32, #tpu.memory_space<vmem>>, %arg7: memref<48x16xf32, #tpu.memory_space<vmem>>, %arg8: memref<1x48xf32, #tpu.memory_space<vmem>>, %arg9: memref<1x48xf32, #tpu.memory_space<vmem>>, %arg10: memref<2000x16xf32, #tpu.memory_space<vmem>>) attributes {dimension_semantics = [#tpu.dimension_semantics<arbitrary>], iteration_bounds = array<i64: 5>, scalar_prefetch = 0 : i64, scratch_operands = 0 : i64, tpu.core_type = #tpu.core_type<tc>, window_params = [{transform_indices = @transform_0, window_bounds = array<i64: 2, 2000, 16>}, {transform_indices = @transform_1, window_bounds = array<i64: 2, 2000, 16>}, {transform_indices = @transform_2, window_bounds = array<i64: 2000, 16>}, {pipeline_mode = #tpu.pipeline_mode<synchronous>, transform_indices = @transform_3, window_bounds = array<i64: 16, 16>}, {pipeline_mode = #tpu.pipeline_mode<synchronous>, transform_indices = @transform_4, window_bounds = array<i64: 1, 16>}, {pipeline_mode = #tpu.pipeline_mode<synchronous>, transform_indices = @transform_5, window_bounds = array<i64: 48, 16>}, {pipeline_mode = #tpu.pipeline_mode<synchronous>, transform_indices = @transform_6, window_bounds = array<i64: 48, 16>}, {pipeline_mode = #tpu.pipeline_mode<synchronous>, transform_indices = @transform_7, window_bounds = array<i64: 1, 48>}, {pipeline_mode = #tpu.pipeline_mode<synchronous>, transform_indices = @transform_8, window_bounds = array<i64: 1, 48>}, {transform_indices = @transform_9, window_bounds = array<i64: 2000, 16>}]} {
    %get3A = arith.constant 0 : index
    %get3A_0 = arith.constant 0 : index
    %get3A_1 = arith.constant 0 : index
    %get3A_2 = vector.load %arg1[%get3A, %get3A_0, %get3A_1] : memref<2x2000x16xf32, #tpu.memory_space<vmem>>, vector<1x2000x16xf32>
    %get3A_3 = vector.shape_cast %get3A_2 : vector<1x2000x16xf32> to vector<2000x16xf32>
    %get3A_4 = arith.constant 1 : index
    %get3A_5 = arith.constant 0 : index
    %get3A_6 = arith.constant 0 : index
    %get3A_7 = vector.load %arg1[%get3A_4, %get3A_5, %get3A_6] : memref<2x2000x16xf32, #tpu.memory_space<vmem>>, vector<1x2000x16xf32>
    %get3A_8 = vector.shape_cast %get3A_7 : vector<1x2000x16xf32> to vector<2000x16xf32>
    %add3A = arith.addf %get3A_3, %get3A_8 : vector<2000x16xf32>
    %get3A_9 = arith.constant 0 : index
    %get3A_10 = arith.constant 0 : index
    %get3A_11 = arith.constant 0 : index
    %get3A_12 = vector.load %arg2[%get3A_9, %get3A_10, %get3A_11] : memref<2x2000x16xf32, #tpu.memory_space<vmem>>, vector<1x2000x16xf32>
    %get3A_13 = vector.shape_cast %get3A_12 : vector<1x2000x16xf32> to vector<2000x16xf32>
    %get3A_14 = arith.constant 1 : index
    %get3A_15 = arith.constant 0 : index
    %get3A_16 = arith.constant 0 : index
    %get3A_17 = vector.load %arg2[%get3A_14, %get3A_15, %get3A_16] : memref<2x2000x16xf32, #tpu.memory_space<vmem>>, vector<1x2000x16xf32>
    %get3A_18 = vector.shape_cast %get3A_17 : vector<1x2000x16xf32> to vector<2000x16xf32>
    %add3A_19 = arith.addf %get3A_13, %get3A_18 : vector<2000x16xf32>
    %jit3A = arith.constant 1.000000e+00 : f32
    %max3A = vector.broadcast %jit3A : f32 to vector<2000x16xf32>
    %max3A_20 = arith.maximumf %max3A, %add3A_19 : vector<2000x16xf32>
    %get3A_21 = arith.constant 0 : index
    %get3A_22 = arith.constant 0 : index
    %get3A_23 = vector.load %arg3[%get3A_21, %get3A_22] : memref<2000x16xf32, #tpu.memory_space<vmem>>, vector<2000x16xf32>
    %div3A = arith.divf %add3A, %max3A_20 : vector<2000x16xf32>
    %get3A_24 = arith.constant 0 : index
    %get3A_25 = arith.constant 0 : index
    %get3A_26 = vector.load %arg4[%get3A_24, %get3A_25] : memref<16x16xf32, #tpu.memory_space<vmem>>, vector<16x16xf32>
    %dot_general3A = arith.constant dense<0.000000e+00> : vector<2000x16xf32>
    %dot_general3A_27 = tpu.matmul %get3A_23, %get3A_26, %dot_general3A {dimension_numbers = #tpu.dot_dimension_numbers<[1], [0], [0], [1], [0, 0, 1, 1], [], []>, transpose_lhs_hint = false} : vector<2000x16xf32>, vector<16x16xf32>, vector<2000x16xf32> -> vector<2000x16xf32>
    %add3A_28 = arith.addf %div3A, %dot_general3A_27 : vector<2000x16xf32>
    %get3A_29 = arith.constant 0 : index
    %get3A_30 = arith.constant 0 : index
    %get3A_31 = vector.load %arg5[%get3A_29, %get3A_30] : memref<1x16xf32, #tpu.memory_space<vmem>>, vector<1x16xf32>
    %add3A_32 = vector.broadcast %get3A_31 : vector<1x16xf32> to vector<2000x16xf32>
    %add3A_33 = arith.addf %add3A_28, %add3A_32 : vector<2000x16xf32>
    %max3A_34 = arith.constant 0.000000e+00 : f32
    %max3A_35 = vector.broadcast %max3A_34 : f32 to vector<2000x16xf32>
    %max3A_36 = arith.maximumf %add3A_33, %max3A_35 : vector<2000x16xf32>
    %get3A_37 = arith.constant 0 : index
    %get3A_38 = arith.constant 0 : index
    %get3A_39 = vector.load %arg6[%get3A_37, %get3A_38] : memref<48x16xf32, #tpu.memory_space<vmem>>, vector<48x16xf32>
    %transpose3A = tpu.transpose %get3A_39, [1, 0] : vector<48x16xf32> -> vector<16x48xf32>
    %dot_general3A_40 = arith.constant dense<0.000000e+00> : vector<2000x48xf32>
    %dot_general3A_41 = tpu.matmul %max3A_36, %transpose3A, %dot_general3A_40 {dimension_numbers = #tpu.dot_dimension_numbers<[1], [0], [0], [1], [0, 0, 1, 1], [], []>, transpose_lhs_hint = false} : vector<2000x16xf32>, vector<16x48xf32>, vector<2000x48xf32> -> vector<2000x48xf32>
    %get3A_42 = arith.constant 0 : index
    %get3A_43 = arith.constant 0 : index
    %get3A_44 = vector.load %arg8[%get3A_42, %get3A_43] : memref<1x48xf32, #tpu.memory_space<vmem>>, vector<1x48xf32>
    %add3A_45 = vector.broadcast %get3A_44 : vector<1x48xf32> to vector<2000x48xf32>
    %add3A_46 = arith.addf %dot_general3A_41, %add3A_45 : vector<2000x48xf32>
    %get3A_47 = arith.constant 0 : index
    %get3A_48 = arith.constant 0 : index
    %get3A_49 = vector.load %arg7[%get3A_47, %get3A_48] : memref<48x16xf32, #tpu.memory_space<vmem>>, vector<48x16xf32>
    %transpose3A_50 = tpu.transpose %get3A_49, [1, 0] : vector<48x16xf32> -> vector<16x48xf32>
    %dot_general3A_51 = arith.constant dense<0.000000e+00> : vector<2000x48xf32>
    %dot_general3A_52 = tpu.matmul %get3A_23, %transpose3A_50, %dot_general3A_51 {dimension_numbers = #tpu.dot_dimension_numbers<[1], [0], [0], [1], [0, 0, 1, 1], [], []>, transpose_lhs_hint = false} : vector<2000x16xf32>, vector<16x48xf32>, vector<2000x48xf32> -> vector<2000x48xf32>
    %get3A_53 = arith.constant 0 : index
    %get3A_54 = arith.constant 0 : index
    %get3A_55 = vector.load %arg9[%get3A_53, %get3A_54] : memref<1x48xf32, #tpu.memory_space<vmem>>, vector<1x48xf32>
    %add3A_56 = vector.broadcast %get3A_55 : vector<1x48xf32> to vector<2000x48xf32>
    %add3A_57 = arith.addf %dot_general3A_52, %add3A_56 : vector<2000x48xf32>
    %slice3A = vector.extract_strided_slice %add3A_46 {offsets = [0, 0], sizes = [2000, 16], strides = [1, 1]} : vector<2000x48xf32> to vector<2000x16xf32>
    %slice3A_58 = vector.extract_strided_slice %add3A_57 {offsets = [0, 0], sizes = [2000, 16], strides = [1, 1]} : vector<2000x48xf32> to vector<2000x16xf32>
    %add3A_59 = arith.addf %slice3A, %slice3A_58 : vector<2000x16xf32>
    %logistic3A = arith.negf %add3A_59 : vector<2000x16xf32>
    %logistic3A_60 = math.exp %logistic3A : vector<2000x16xf32>
    %logistic3A_61 = arith.constant 1.000000e+00 : f32
    %logistic3A_62 = vector.broadcast %logistic3A_61 : f32 to vector<2000x16xf32>
    %logistic3A_63 = arith.addf %logistic3A_62, %logistic3A_60 : vector<2000x16xf32>
    %logistic3A_64 = arith.divf %logistic3A_62, %logistic3A_63 : vector<2000x16xf32>
    %slice3A_65 = vector.extract_strided_slice %add3A_46 {offsets = [0, 16], sizes = [2000, 16], strides = [1, 1]} : vector<2000x48xf32> to vector<2000x16xf32>
    %slice3A_66 = vector.extract_strided_slice %add3A_57 {offsets = [0, 16], sizes = [2000, 16], strides = [1, 1]} : vector<2000x48xf32> to vector<2000x16xf32>
    %add3A_67 = arith.addf %slice3A_65, %slice3A_66 : vector<2000x16xf32>
    %logistic3A_68 = arith.negf %add3A_67 : vector<2000x16xf32>
    %logistic3A_69 = math.exp %logistic3A_68 : vector<2000x16xf32>
    %logistic3A_70 = arith.constant 1.000000e+00 : f32
    %logistic3A_71 = vector.broadcast %logistic3A_70 : f32 to vector<2000x16xf32>
    %logistic3A_72 = arith.addf %logistic3A_71, %logistic3A_69 : vector<2000x16xf32>
    %logistic3A_73 = arith.divf %logistic3A_71, %logistic3A_72 : vector<2000x16xf32>
    %slice3A_74 = vector.extract_strided_slice %add3A_46 {offsets = [0, 32], sizes = [2000, 16], strides = [1, 1]} : vector<2000x48xf32> to vector<2000x16xf32>
    %slice3A_75 = vector.extract_strided_slice %add3A_57 {offsets = [0, 32], sizes = [2000, 16], strides = [1, 1]} : vector<2000x48xf32> to vector<2000x16xf32>
    %mul3A = arith.mulf %logistic3A_64, %slice3A_75 : vector<2000x16xf32>
    %add3A_76 = arith.addf %slice3A_74, %mul3A : vector<2000x16xf32>
    %tanh3A = math.tanh %add3A_76 : vector<2000x16xf32>
    %sub3A = arith.constant 1.000000e+00 : f32
    %sub3A_77 = vector.broadcast %sub3A : f32 to vector<2000x16xf32>
    %sub3A_78 = arith.subf %sub3A_77, %logistic3A_73 : vector<2000x16xf32>
    %mul3A_79 = arith.mulf %sub3A_78, %tanh3A : vector<2000x16xf32>
    %mul3A_80 = arith.mulf %logistic3A_73, %get3A_23 : vector<2000x16xf32>
    %add3A_81 = arith.addf %mul3A_79, %mul3A_80 : vector<2000x16xf32>
    %swap3A = arith.constant 0 : index
    %swap3A_82 = arith.constant 0 : index
    %swap3A_83 = vector.load %arg10[%swap3A, %swap3A_82] : memref<2000x16xf32, #tpu.memory_space<vmem>>, vector<2000x16xf32>
    tpu.vector_store %arg10[%swap3A, %swap3A_82], %add3A_81 {strides = array<i32>} : memref<2000x16xf32, #tpu.memory_space<vmem>>, vector<2000x16xf32>,
    return
  }
  func.func @transform_0(%arg0: i32) -> (i32, i32, i32) {
    %c0_i32 = arith.constant 0 : i32
    %c0_i32_0 = arith.constant 0 : i32
    %c0_i32_1 = arith.constant 0 : i32
    return %c0_i32, %arg0, %c0_i32_0 : i32, i32, i32
  }
  func.func @transform_1(%arg0: i32) -> (i32, i32, i32) {
    %c0_i32 = arith.constant 0 : i32
    %c0_i32_0 = arith.constant 0 : i32
    %c0_i32_1 = arith.constant 0 : i32
    return %c0_i32, %arg0, %c0_i32_0 : i32, i32, i32
  }
  func.func @transform_2(%arg0: i32) -> (i32, i32) {
    %c0_i32 = arith.constant 0 : i32
    %c0_i32_0 = arith.constant 0 : i32
    return %arg0, %c0_i32 : i32, i32
  }
  func.func @transform_3(%arg0: i32) -> (i32, i32) {
    %c0_i32 = arith.constant 0 : i32
    %c0_i32_0 = arith.constant 0 : i32
    %c0_i32_1 = arith.constant 0 : i32
    return %c0_i32, %c0_i32_0 : i32, i32
  }
  func.func @transform_4(%arg0: i32) -> (i32, i32) {
    %c0_i32 = arith.constant 0 : i32
    %c0_i32_0 = arith.constant 0 : i32
    %c0_i32_1 = arith.constant 0 : i32
    return %c0_i32, %c0_i32_0 : i32, i32
  }
  func.func @transform_5(%arg0: i32) -> (i32, i32) {
    %c0_i32 = arith.constant 0 : i32
    %c0_i32_0 = arith.constant 0 : i32
    %c0_i32_1 = arith.constant 0 : i32
    return %c0_i32, %c0_i32_0 : i32, i32
  }
  func.func @transform_6(%arg0: i32) -> (i32, i32) {
    %c0_i32 = arith.constant 0 : i32
    %c0_i32_0 = arith.constant 0 : i32
    %c0_i32_1 = arith.constant 0 : i32
    return %c0_i32, %c0_i32_0 : i32, i32
  }
  func.func @transform_7(%arg0: i32) -> (i32, i32) {
    %c0_i32 = arith.constant 0 : i32
    %c0_i32_0 = arith.constant 0 : i32
    %c0_i32_1 = arith.constant 0 : i32
    return %c0_i32, %c0_i32_0 : i32, i32
  }
  func.func @transform_8(%arg0: i32) -> (i32, i32) {
    %c0_i32 = arith.constant 0 : i32
    %c0_i32_0 = arith.constant 0 : i32
    %c0_i32_1 = arith.constant 0 : i32
    return %c0_i32, %c0_i32_0 : i32, i32
  }
  func.func @transform_9(%arg0: i32) -> (i32, i32) {
    %c0_i32 = arith.constant 0 : i32
    %c0_i32_0 = arith.constant 0 : i32
    return %arg0, %c0_i32 : i32, i32
  }
}

module attributes {stable_mosaic.version = 14 : i64} {
  func.func @body(%arg0: memref<10000x16xf32, #tpu.memory_space<vmem>>, %arg1: memref<64x32xf32, #tpu.memory_space<vmem>>, %arg2: memref<64x16xf32, #tpu.memory_space<vmem>>, %arg3: memref<1x64xf32, #tpu.memory_space<vmem>>, %arg4: memref<1x64xf32, #tpu.memory_space<vmem>>, %arg5: memref<64x32xf32, #tpu.memory_space<vmem>>, %arg6: memref<64x16xf32, #tpu.memory_space<vmem>>, %arg7: memref<1x64xf32, #tpu.memory_space<vmem>>, %arg8: memref<1x64xf32, #tpu.memory_space<vmem>>, %arg9: memref<1x16xf32, #tpu.memory_space<vmem>>, %arg10: memref<1x16xf32, #tpu.memory_space<vmem>>) attributes {dimension_semantics = [], scalar_prefetch = 0 : i64, scratch_operands = 0 : i64, tpu.core_type = #tpu.core_type<tc>} {
    %get3A = arith.constant 0 : index
    %get3A_0 = arith.constant 0 : index
    %get3A_1 = vector.load %arg0[%get3A, %get3A_0] : memref<10000x16xf32, #tpu.memory_space<vmem>>, vector<10000x16xf32>
    %broadcast_in_dim3A = arith.constant 0.000000e+00 : f32
    %broadcast_in_dim3A_2 = vector.broadcast %broadcast_in_dim3A : f32 to vector<1x32xf32>
    %broadcast_in_dim3A_3 = arith.constant 0.000000e+00 : f32
    %broadcast_in_dim3A_4 = vector.broadcast %broadcast_in_dim3A_3 : f32 to vector<1x16xf32>
    %broadcast_in_dim3A_5 = arith.constant 0.000000e+00 : f32
    %broadcast_in_dim3A_6 = vector.broadcast %broadcast_in_dim3A_5 : f32 to vector<1x16xf32>
    %get3A_7 = arith.constant 0 : index
    %get3A_8 = arith.constant 0 : index
    %get3A_9 = vector.load %arg1[%get3A_7, %get3A_8] : memref<64x32xf32, #tpu.memory_space<vmem>>, vector<64x32xf32>
    %transpose3A = tpu.transpose %get3A_9, [1, 0] : vector<64x32xf32> -> vector<32x64xf32>
    %dot_general3A = arith.constant dense<0.000000e+00> : vector<1x64xf32>
    %dot_general3A_10 = tpu.matmul %broadcast_in_dim3A_2, %transpose3A, %dot_general3A {dimension_numbers = #tpu.dot_dimension_numbers<[1], [0], [0], [1], [0, 0, 1, 1], [], []>, transpose_lhs_hint = false} : vector<1x32xf32>, vector<32x64xf32>, vector<1x64xf32> -> vector<1x64xf32>
    %get3A_11 = arith.constant 0 : index
    %get3A_12 = arith.constant 0 : index
    %get3A_13 = vector.load %arg3[%get3A_11, %get3A_12] : memref<1x64xf32, #tpu.memory_space<vmem>>, vector<1x64xf32>
    %add3A = arith.addf %dot_general3A_10, %get3A_13 : vector<1x64xf32>
    %get3A_14 = arith.constant 0 : index
    %get3A_15 = arith.constant 0 : index
    %get3A_16 = vector.load %arg2[%get3A_14, %get3A_15] : memref<64x16xf32, #tpu.memory_space<vmem>>, vector<64x16xf32>
    %transpose3A_17 = tpu.transpose %get3A_16, [1, 0] : vector<64x16xf32> -> vector<16x64xf32>
    %dot_general3A_18 = arith.constant dense<0.000000e+00> : vector<1x64xf32>
    %dot_general3A_19 = tpu.matmul %broadcast_in_dim3A_4, %transpose3A_17, %dot_general3A_18 {dimension_numbers = #tpu.dot_dimension_numbers<[1], [0], [0], [1], [0, 0, 1, 1], [], []>, transpose_lhs_hint = false} : vector<1x16xf32>, vector<16x64xf32>, vector<1x64xf32> -> vector<1x64xf32>
    %add3A_20 = arith.addf %add3A, %dot_general3A_19 : vector<1x64xf32>
    %get3A_21 = arith.constant 0 : index
    %get3A_22 = arith.constant 0 : index
    %get3A_23 = vector.load %arg4[%get3A_21, %get3A_22] : memref<1x64xf32, #tpu.memory_space<vmem>>, vector<1x64xf32>
    %add3A_24 = arith.addf %add3A_20, %get3A_23 : vector<1x64xf32>
    %slice3A = vector.extract_strided_slice %add3A_24 {offsets = [0, 0], sizes = [1, 16], strides = [1, 1]} : vector<1x64xf32> to vector<1x16xf32>
    %slice3A_25 = vector.extract_strided_slice %add3A_24 {offsets = [0, 16], sizes = [1, 16], strides = [1, 1]} : vector<1x64xf32> to vector<1x16xf32>
    %slice3A_26 = vector.extract_strided_slice %add3A_24 {offsets = [0, 32], sizes = [1, 16], strides = [1, 1]} : vector<1x64xf32> to vector<1x16xf32>
    %slice3A_27 = vector.extract_strided_slice %add3A_24 {offsets = [0, 48], sizes = [1, 16], strides = [1, 1]} : vector<1x64xf32> to vector<1x16xf32>
    %logistic3A = arith.negf %slice3A_25 : vector<1x16xf32>
    %logistic3A_28 = math.exp %logistic3A : vector<1x16xf32>
    %logistic3A_29 = arith.constant 1.000000e+00 : f32
    %logistic3A_30 = vector.broadcast %logistic3A_29 : f32 to vector<1x16xf32>
    %logistic3A_31 = arith.addf %logistic3A_30, %logistic3A_28 : vector<1x16xf32>
    %logistic3A_32 = arith.divf %logistic3A_30, %logistic3A_31 : vector<1x16xf32>
    %mul3A = arith.mulf %logistic3A_32, %broadcast_in_dim3A_6 : vector<1x16xf32>
    %logistic3A_33 = arith.negf %slice3A : vector<1x16xf32>
    %logistic3A_34 = math.exp %logistic3A_33 : vector<1x16xf32>
    %logistic3A_35 = arith.constant 1.000000e+00 : f32
    %logistic3A_36 = vector.broadcast %logistic3A_35 : f32 to vector<1x16xf32>
    %logistic3A_37 = arith.addf %logistic3A_36, %logistic3A_34 : vector<1x16xf32>
    %logistic3A_38 = arith.divf %logistic3A_36, %logistic3A_37 : vector<1x16xf32>
    %tanh3A = math.tanh %slice3A_26 : vector<1x16xf32>
    %mul3A_39 = arith.mulf %logistic3A_38, %tanh3A : vector<1x16xf32>
    %add3A_40 = arith.addf %mul3A, %mul3A_39 : vector<1x16xf32>
    %logistic3A_41 = arith.negf %slice3A_27 : vector<1x16xf32>
    %logistic3A_42 = math.exp %logistic3A_41 : vector<1x16xf32>
    %logistic3A_43 = arith.constant 1.000000e+00 : f32
    %logistic3A_44 = vector.broadcast %logistic3A_43 : f32 to vector<1x16xf32>
    %logistic3A_45 = arith.addf %logistic3A_44, %logistic3A_42 : vector<1x16xf32>
    %logistic3A_46 = arith.divf %logistic3A_44, %logistic3A_45 : vector<1x16xf32>
    %tanh3A_47 = math.tanh %add3A_40 : vector<1x16xf32>
    %mul3A_48 = arith.mulf %logistic3A_46, %tanh3A_47 : vector<1x16xf32>
    %mul3A_49 = vector.broadcast %mul3A_48 : vector<1x16xf32> to vector<10000x16xf32>
    %mul3A_50 = arith.mulf %get3A_1, %mul3A_49 : vector<10000x16xf32>
    %reduce_sum3A = arith.constant dense<0.000000e+00> : vector<10000xf32>
    %reduce_sum3A_51 = vector.multi_reduction <add>, %mul3A_50, %reduce_sum3A [1] : vector<10000x16xf32> to vector<10000xf32>
    %broadcast_in_dim3A_52 = vector.shape_cast %reduce_sum3A_51 : vector<10000xf32> to vector<10000x1xf32>
    %reduce_max3A = vector.shape_cast %broadcast_in_dim3A_52 : vector<10000x1xf32> to vector<1x10000x1xf32>
    %reduce_max3A_53 = arith.constant dense<0xFF800000> : vector<1xf32>
    %reduce_max3A_54 = vector.multi_reduction <maximumf>, %reduce_max3A, %reduce_max3A_53 [1, 2] : vector<1x10000x1xf32> to vector<1xf32>
    %reduce_max3A_55 = vector.shape_cast %reduce_max3A_54 : vector<1xf32> to vector<1x1x1xf32>
    %reduce_max3A_56 = vector.extract %reduce_max3A_55[0, 0, 0] : f32 from vector<1x1x1xf32>
    %sub3A = vector.broadcast %reduce_max3A_56 : f32 to vector<10000x1xf32>
    %sub3A_57 = arith.subf %broadcast_in_dim3A_52, %sub3A : vector<10000x1xf32>
    %exp3A = math.exp %sub3A_57 : vector<10000x1xf32>
    %reduce_sum3A_58 = vector.shape_cast %exp3A : vector<10000x1xf32> to vector<1x10000x1xf32>
    %reduce_sum3A_59 = arith.constant dense<0.000000e+00> : vector<1xf32>
    %reduce_sum3A_60 = vector.multi_reduction <add>, %reduce_sum3A_58, %reduce_sum3A_59 [1, 2] : vector<1x10000x1xf32> to vector<1xf32>
    %reduce_sum3A_61 = vector.shape_cast %reduce_sum3A_60 : vector<1xf32> to vector<1x1x1xf32>
    %reduce_sum3A_62 = vector.extract %reduce_sum3A_61[0, 0, 0] : f32 from vector<1x1x1xf32>
    %div3A = vector.broadcast %reduce_sum3A_62 : f32 to vector<10000x1xf32>
    %div3A_63 = arith.divf %exp3A, %div3A : vector<10000x1xf32>
    %mul3A_64 = vector.broadcast %div3A_63 : vector<10000x1xf32> to vector<10000x16xf32>
    %mul3A_65 = arith.mulf %mul3A_64, %get3A_1 : vector<10000x16xf32>
    %reduce_sum3A_66 = arith.constant dense<0.000000e+00> : vector<16xf32>
    %reduce_sum3A_67 = vector.multi_reduction <add>, %mul3A_65, %reduce_sum3A_66 [0] : vector<10000x16xf32> to vector<16xf32>
    %broadcast_in_dim3A_68 = vector.shape_cast %reduce_sum3A_67 : vector<16xf32> to vector<1x16xf32>
    %concatenate3A = tpu.concatenate %mul3A_48, %broadcast_in_dim3A_68 in 1 : vector<1x16xf32>, vector<1x16xf32> -> vector<1x32xf32>
    %get3A_69 = arith.constant 0 : index
    %get3A_70 = arith.constant 0 : index
    %get3A_71 = vector.load %arg1[%get3A_69, %get3A_70] : memref<64x32xf32, #tpu.memory_space<vmem>>, vector<64x32xf32>
    %transpose3A_72 = tpu.transpose %get3A_71, [1, 0] : vector<64x32xf32> -> vector<32x64xf32>
    %dot_general3A_73 = arith.constant dense<0.000000e+00> : vector<1x64xf32>
    %dot_general3A_74 = tpu.matmul %concatenate3A, %transpose3A_72, %dot_general3A_73 {dimension_numbers = #tpu.dot_dimension_numbers<[1], [0], [0], [1], [0, 0, 1, 1], [], []>, transpose_lhs_hint = false} : vector<1x32xf32>, vector<32x64xf32>, vector<1x64xf32> -> vector<1x64xf32>
    %get3A_75 = arith.constant 0 : index
    %get3A_76 = arith.constant 0 : index
    %get3A_77 = vector.load %arg3[%get3A_75, %get3A_76] : memref<1x64xf32, #tpu.memory_space<vmem>>, vector<1x64xf32>
    %add3A_78 = arith.addf %dot_general3A_74, %get3A_77 : vector<1x64xf32>
    %get3A_79 = arith.constant 0 : index
    %get3A_80 = arith.constant 0 : index
    %get3A_81 = vector.load %arg2[%get3A_79, %get3A_80] : memref<64x16xf32, #tpu.memory_space<vmem>>, vector<64x16xf32>
    %transpose3A_82 = tpu.transpose %get3A_81, [1, 0] : vector<64x16xf32> -> vector<16x64xf32>
    %dot_general3A_83 = arith.constant dense<0.000000e+00> : vector<1x64xf32>
    %dot_general3A_84 = tpu.matmul %mul3A_48, %transpose3A_82, %dot_general3A_83 {dimension_numbers = #tpu.dot_dimension_numbers<[1], [0], [0], [1], [0, 0, 1, 1], [], []>, transpose_lhs_hint = false} : vector<1x16xf32>, vector<16x64xf32>, vector<1x64xf32> -> vector<1x64xf32>
    %add3A_85 = arith.addf %add3A_78, %dot_general3A_84 : vector<1x64xf32>
    %get3A_86 = arith.constant 0 : index
    %get3A_87 = arith.constant 0 : index
    %get3A_88 = vector.load %arg4[%get3A_86, %get3A_87] : memref<1x64xf32, #tpu.memory_space<vmem>>, vector<1x64xf32>
    %add3A_89 = arith.addf %add3A_85, %get3A_88 : vector<1x64xf32>
    %slice3A_90 = vector.extract_strided_slice %add3A_89 {offsets = [0, 0], sizes = [1, 16], strides = [1, 1]} : vector<1x64xf32> to vector<1x16xf32>
    %slice3A_91 = vector.extract_strided_slice %add3A_89 {offsets = [0, 16], sizes = [1, 16], strides = [1, 1]} : vector<1x64xf32> to vector<1x16xf32>
    %slice3A_92 = vector.extract_strided_slice %add3A_89 {offsets = [0, 32], sizes = [1, 16], strides = [1, 1]} : vector<1x64xf32> to vector<1x16xf32>
    %slice3A_93 = vector.extract_strided_slice %add3A_89 {offsets = [0, 48], sizes = [1, 16], strides = [1, 1]} : vector<1x64xf32> to vector<1x16xf32>
    %logistic3A_94 = arith.negf %slice3A_91 : vector<1x16xf32>
    %logistic3A_95 = math.exp %logistic3A_94 : vector<1x16xf32>
    %logistic3A_96 = arith.constant 1.000000e+00 : f32
    %logistic3A_97 = vector.broadcast %logistic3A_96 : f32 to vector<1x16xf32>
    %logistic3A_98 = arith.addf %logistic3A_97, %logistic3A_95 : vector<1x16xf32>
    %logistic3A_99 = arith.divf %logistic3A_97, %logistic3A_98 : vector<1x16xf32>
    %mul3A_100 = arith.mulf %logistic3A_99, %add3A_40 : vector<1x16xf32>
    %logistic3A_101 = arith.negf %slice3A_90 : vector<1x16xf32>
    %logistic3A_102 = math.exp %logistic3A_101 : vector<1x16xf32>
    %logistic3A_103 = arith.constant 1.000000e+00 : f32
    %logistic3A_104 = vector.broadcast %logistic3A_103 : f32 to vector<1x16xf32>
    %logistic3A_105 = arith.addf %logistic3A_104, %logistic3A_102 : vector<1x16xf32>
    %logistic3A_106 = arith.divf %logistic3A_104, %logistic3A_105 : vector<1x16xf32>
    %tanh3A_107 = math.tanh %slice3A_92 : vector<1x16xf32>
    %mul3A_108 = arith.mulf %logistic3A_106, %tanh3A_107 : vector<1x16xf32>
    %add3A_109 = arith.addf %mul3A_100, %mul3A_108 : vector<1x16xf32>
    %logistic3A_110 = arith.negf %slice3A_93 : vector<1x16xf32>
    %logistic3A_111 = math.exp %logistic3A_110 : vector<1x16xf32>
    %logistic3A_112 = arith.constant 1.000000e+00 : f32
    %logistic3A_113 = vector.broadcast %logistic3A_112 : f32 to vector<1x16xf32>
    %logistic3A_114 = arith.addf %logistic3A_113, %logistic3A_111 : vector<1x16xf32>
    %logistic3A_115 = arith.divf %logistic3A_113, %logistic3A_114 : vector<1x16xf32>
    %tanh3A_116 = math.tanh %add3A_109 : vector<1x16xf32>
    %mul3A_117 = arith.mulf %logistic3A_115, %tanh3A_116 : vector<1x16xf32>
    %mul3A_118 = vector.broadcast %mul3A_117 : vector<1x16xf32> to vector<10000x16xf32>
    %mul3A_119 = arith.mulf %get3A_1, %mul3A_118 : vector<10000x16xf32>
    %reduce_sum3A_120 = arith.constant dense<0.000000e+00> : vector<10000xf32>
    %reduce_sum3A_121 = vector.multi_reduction <add>, %mul3A_119, %reduce_sum3A_120 [1] : vector<10000x16xf32> to vector<10000xf32>
    %broadcast_in_dim3A_122 = vector.shape_cast %reduce_sum3A_121 : vector<10000xf32> to vector<10000x1xf32>
    %reduce_max3A_123 = vector.shape_cast %broadcast_in_dim3A_122 : vector<10000x1xf32> to vector<1x10000x1xf32>
    %reduce_max3A_124 = arith.constant dense<0xFF800000> : vector<1xf32>
    %reduce_max3A_125 = vector.multi_reduction <maximumf>, %reduce_max3A_123, %reduce_max3A_124 [1, 2] : vector<1x10000x1xf32> to vector<1xf32>
    %reduce_max3A_126 = vector.shape_cast %reduce_max3A_125 : vector<1xf32> to vector<1x1x1xf32>
    %reduce_max3A_127 = vector.extract %reduce_max3A_126[0, 0, 0] : f32 from vector<1x1x1xf32>
    %sub3A_128 = vector.broadcast %reduce_max3A_127 : f32 to vector<10000x1xf32>
    %sub3A_129 = arith.subf %broadcast_in_dim3A_122, %sub3A_128 : vector<10000x1xf32>
    %exp3A_130 = math.exp %sub3A_129 : vector<10000x1xf32>
    %reduce_sum3A_131 = vector.shape_cast %exp3A_130 : vector<10000x1xf32> to vector<1x10000x1xf32>
    %reduce_sum3A_132 = arith.constant dense<0.000000e+00> : vector<1xf32>
    %reduce_sum3A_133 = vector.multi_reduction <add>, %reduce_sum3A_131, %reduce_sum3A_132 [1, 2] : vector<1x10000x1xf32> to vector<1xf32>
    %reduce_sum3A_134 = vector.shape_cast %reduce_sum3A_133 : vector<1xf32> to vector<1x1x1xf32>
    %reduce_sum3A_135 = vector.extract %reduce_sum3A_134[0, 0, 0] : f32 from vector<1x1x1xf32>
    %div3A_136 = vector.broadcast %reduce_sum3A_135 : f32 to vector<10000x1xf32>
    %div3A_137 = arith.divf %exp3A_130, %div3A_136 : vector<10000x1xf32>
    %mul3A_138 = vector.broadcast %div3A_137 : vector<10000x1xf32> to vector<10000x16xf32>
    %mul3A_139 = arith.mulf %mul3A_138, %get3A_1 : vector<10000x16xf32>
    %reduce_sum3A_140 = arith.constant dense<0.000000e+00> : vector<16xf32>
    %reduce_sum3A_141 = vector.multi_reduction <add>, %mul3A_139, %reduce_sum3A_140 [0] : vector<10000x16xf32> to vector<16xf32>
    %broadcast_in_dim3A_142 = vector.shape_cast %reduce_sum3A_141 : vector<16xf32> to vector<1x16xf32>
    %concatenate3A_143 = tpu.concatenate %mul3A_117, %broadcast_in_dim3A_142 in 1 : vector<1x16xf32>, vector<1x16xf32> -> vector<1x32xf32>
    %get3A_144 = arith.constant 0 : index
    %get3A_145 = arith.constant 0 : index
    %get3A_146 = vector.load %arg1[%get3A_144, %get3A_145] : memref<64x32xf32, #tpu.memory_space<vmem>>, vector<64x32xf32>
    %transpose3A_147 = tpu.transpose %get3A_146, [1, 0] : vector<64x32xf32> -> vector<32x64xf32>
    %dot_general3A_148 = arith.constant dense<0.000000e+00> : vector<1x64xf32>
    %dot_general3A_149 = tpu.matmul %concatenate3A_143, %transpose3A_147, %dot_general3A_148 {dimension_numbers = #tpu.dot_dimension_numbers<[1], [0], [0], [1], [0, 0, 1, 1], [], []>, transpose_lhs_hint = false} : vector<1x32xf32>, vector<32x64xf32>, vector<1x64xf32> -> vector<1x64xf32>
    %get3A_150 = arith.constant 0 : index
    %get3A_151 = arith.constant 0 : index
    %get3A_152 = vector.load %arg3[%get3A_150, %get3A_151] : memref<1x64xf32, #tpu.memory_space<vmem>>, vector<1x64xf32>
    %add3A_153 = arith.addf %dot_general3A_149, %get3A_152 : vector<1x64xf32>
    %get3A_154 = arith.constant 0 : index
    %get3A_155 = arith.constant 0 : index
    %get3A_156 = vector.load %arg2[%get3A_154, %get3A_155] : memref<64x16xf32, #tpu.memory_space<vmem>>, vector<64x16xf32>
    %transpose3A_157 = tpu.transpose %get3A_156, [1, 0] : vector<64x16xf32> -> vector<16x64xf32>
    %dot_general3A_158 = arith.constant dense<0.000000e+00> : vector<1x64xf32>
    %dot_general3A_159 = tpu.matmul %mul3A_117, %transpose3A_157, %dot_general3A_158 {dimension_numbers = #tpu.dot_dimension_numbers<[1], [0], [0], [1], [0, 0, 1, 1], [], []>, transpose_lhs_hint = false} : vector<1x16xf32>, vector<16x64xf32>, vector<1x64xf32> -> vector<1x64xf32>
    %add3A_160 = arith.addf %add3A_153, %dot_general3A_159 : vector<1x64xf32>
    %get3A_161 = arith.constant 0 : index
    %get3A_162 = arith.constant 0 : index
    %get3A_163 = vector.load %arg4[%get3A_161, %get3A_162] : memref<1x64xf32, #tpu.memory_space<vmem>>, vector<1x64xf32>
    %add3A_164 = arith.addf %add3A_160, %get3A_163 : vector<1x64xf32>
    %slice3A_165 = vector.extract_strided_slice %add3A_164 {offsets = [0, 0], sizes = [1, 16], strides = [1, 1]} : vector<1x64xf32> to vector<1x16xf32>
    %slice3A_166 = vector.extract_strided_slice %add3A_164 {offsets = [0, 16], sizes = [1, 16], strides = [1, 1]} : vector<1x64xf32> to vector<1x16xf32>
    %slice3A_167 = vector.extract_strided_slice %add3A_164 {offsets = [0, 32], sizes = [1, 16], strides = [1, 1]} : vector<1x64xf32> to vector<1x16xf32>
    %slice3A_168 = vector.extract_strided_slice %add3A_164 {offsets = [0, 48], sizes = [1, 16], strides = [1, 1]} : vector<1x64xf32> to vector<1x16xf32>
    %logistic3A_169 = arith.negf %slice3A_166 : vector<1x16xf32>
    %logistic3A_170 = math.exp %logistic3A_169 : vector<1x16xf32>
    %logistic3A_171 = arith.constant 1.000000e+00 : f32
    %logistic3A_172 = vector.broadcast %logistic3A_171 : f32 to vector<1x16xf32>
    %logistic3A_173 = arith.addf %logistic3A_172, %logistic3A_170 : vector<1x16xf32>
    %logistic3A_174 = arith.divf %logistic3A_172, %logistic3A_173 : vector<1x16xf32>
    %mul3A_175 = arith.mulf %logistic3A_174, %add3A_109 : vector<1x16xf32>
    %logistic3A_176 = arith.negf %slice3A_165 : vector<1x16xf32>
    %logistic3A_177 = math.exp %logistic3A_176 : vector<1x16xf32>
    %logistic3A_178 = arith.constant 1.000000e+00 : f32
    %logistic3A_179 = vector.broadcast %logistic3A_178 : f32 to vector<1x16xf32>
    %logistic3A_180 = arith.addf %logistic3A_179, %logistic3A_177 : vector<1x16xf32>
    %logistic3A_181 = arith.divf %logistic3A_179, %logistic3A_180 : vector<1x16xf32>
    %tanh3A_182 = math.tanh %slice3A_167 : vector<1x16xf32>
    %mul3A_183 = arith.mulf %logistic3A_181, %tanh3A_182 : vector<1x16xf32>
    %add3A_184 = arith.addf %mul3A_175, %mul3A_183 : vector<1x16xf32>
    %logistic3A_185 = arith.negf %slice3A_168 : vector<1x16xf32>
    %logistic3A_186 = math.exp %logistic3A_185 : vector<1x16xf32>
    %logistic3A_187 = arith.constant 1.000000e+00 : f32
    %logistic3A_188 = vector.broadcast %logistic3A_187 : f32 to vector<1x16xf32>
    %logistic3A_189 = arith.addf %logistic3A_188, %logistic3A_186 : vector<1x16xf32>
    %logistic3A_190 = arith.divf %logistic3A_188, %logistic3A_189 : vector<1x16xf32>
    %tanh3A_191 = math.tanh %add3A_184 : vector<1x16xf32>
    %mul3A_192 = arith.mulf %logistic3A_190, %tanh3A_191 : vector<1x16xf32>
    %mul3A_193 = vector.broadcast %mul3A_192 : vector<1x16xf32> to vector<10000x16xf32>
    %mul3A_194 = arith.mulf %get3A_1, %mul3A_193 : vector<10000x16xf32>
    %reduce_sum3A_195 = arith.constant dense<0.000000e+00> : vector<10000xf32>
    %reduce_sum3A_196 = vector.multi_reduction <add>, %mul3A_194, %reduce_sum3A_195 [1] : vector<10000x16xf32> to vector<10000xf32>
    %broadcast_in_dim3A_197 = vector.shape_cast %reduce_sum3A_196 : vector<10000xf32> to vector<10000x1xf32>
    %reduce_max3A_198 = vector.shape_cast %broadcast_in_dim3A_197 : vector<10000x1xf32> to vector<1x10000x1xf32>
    %reduce_max3A_199 = arith.constant dense<0xFF800000> : vector<1xf32>
    %reduce_max3A_200 = vector.multi_reduction <maximumf>, %reduce_max3A_198, %reduce_max3A_199 [1, 2] : vector<1x10000x1xf32> to vector<1xf32>
    %reduce_max3A_201 = vector.shape_cast %reduce_max3A_200 : vector<1xf32> to vector<1x1x1xf32>
    %reduce_max3A_202 = vector.extract %reduce_max3A_201[0, 0, 0] : f32 from vector<1x1x1xf32>
    %sub3A_203 = vector.broadcast %reduce_max3A_202 : f32 to vector<10000x1xf32>
    %sub3A_204 = arith.subf %broadcast_in_dim3A_197, %sub3A_203 : vector<10000x1xf32>
    %exp3A_205 = math.exp %sub3A_204 : vector<10000x1xf32>
    %reduce_sum3A_206 = vector.shape_cast %exp3A_205 : vector<10000x1xf32> to vector<1x10000x1xf32>
    %reduce_sum3A_207 = arith.constant dense<0.000000e+00> : vector<1xf32>
    %reduce_sum3A_208 = vector.multi_reduction <add>, %reduce_sum3A_206, %reduce_sum3A_207 [1, 2] : vector<1x10000x1xf32> to vector<1xf32>
    %reduce_sum3A_209 = vector.shape_cast %reduce_sum3A_208 : vector<1xf32> to vector<1x1x1xf32>
    %reduce_sum3A_210 = vector.extract %reduce_sum3A_209[0, 0, 0] : f32 from vector<1x1x1xf32>
    %div3A_211 = vector.broadcast %reduce_sum3A_210 : f32 to vector<10000x1xf32>
    %div3A_212 = arith.divf %exp3A_205, %div3A_211 : vector<10000x1xf32>
    %mul3A_213 = vector.broadcast %div3A_212 : vector<10000x1xf32> to vector<10000x16xf32>
    %mul3A_214 = arith.mulf %mul3A_213, %get3A_1 : vector<10000x16xf32>
    %reduce_sum3A_215 = arith.constant dense<0.000000e+00> : vector<16xf32>
    %reduce_sum3A_216 = vector.multi_reduction <add>, %mul3A_214, %reduce_sum3A_215 [0] : vector<10000x16xf32> to vector<16xf32>
    %broadcast_in_dim3A_217 = vector.shape_cast %reduce_sum3A_216 : vector<16xf32> to vector<1x16xf32>
    %concatenate3A_218 = tpu.concatenate %mul3A_192, %broadcast_in_dim3A_217 in 1 : vector<1x16xf32>, vector<1x16xf32> -> vector<1x32xf32>
    %get3A_219 = arith.constant 0 : index
    %get3A_220 = arith.constant 0 : index
    %get3A_221 = vector.load %arg1[%get3A_219, %get3A_220] : memref<64x32xf32, #tpu.memory_space<vmem>>, vector<64x32xf32>
    %transpose3A_222 = tpu.transpose %get3A_221, [1, 0] : vector<64x32xf32> -> vector<32x64xf32>
    %dot_general3A_223 = arith.constant dense<0.000000e+00> : vector<1x64xf32>
    %dot_general3A_224 = tpu.matmul %concatenate3A_218, %transpose3A_222, %dot_general3A_223 {dimension_numbers = #tpu.dot_dimension_numbers<[1], [0], [0], [1], [0, 0, 1, 1], [], []>, transpose_lhs_hint = false} : vector<1x32xf32>, vector<32x64xf32>, vector<1x64xf32> -> vector<1x64xf32>
    %get3A_225 = arith.constant 0 : index
    %get3A_226 = arith.constant 0 : index
    %get3A_227 = vector.load %arg3[%get3A_225, %get3A_226] : memref<1x64xf32, #tpu.memory_space<vmem>>, vector<1x64xf32>
    %add3A_228 = arith.addf %dot_general3A_224, %get3A_227 : vector<1x64xf32>
    %get3A_229 = arith.constant 0 : index
    %get3A_230 = arith.constant 0 : index
    %get3A_231 = vector.load %arg2[%get3A_229, %get3A_230] : memref<64x16xf32, #tpu.memory_space<vmem>>, vector<64x16xf32>
    %transpose3A_232 = tpu.transpose %get3A_231, [1, 0] : vector<64x16xf32> -> vector<16x64xf32>
    %dot_general3A_233 = arith.constant dense<0.000000e+00> : vector<1x64xf32>
    %dot_general3A_234 = tpu.matmul %mul3A_192, %transpose3A_232, %dot_general3A_233 {dimension_numbers = #tpu.dot_dimension_numbers<[1], [0], [0], [1], [0, 0, 1, 1], [], []>, transpose_lhs_hint = false} : vector<1x16xf32>, vector<16x64xf32>, vector<1x64xf32> -> vector<1x64xf32>
    %add3A_235 = arith.addf %add3A_228, %dot_general3A_234 : vector<1x64xf32>
    %get3A_236 = arith.constant 0 : index
    %get3A_237 = arith.constant 0 : index
    %get3A_238 = vector.load %arg4[%get3A_236, %get3A_237] : memref<1x64xf32, #tpu.memory_space<vmem>>, vector<1x64xf32>
    %add3A_239 = arith.addf %add3A_235, %get3A_238 : vector<1x64xf32>
    %slice3A_240 = vector.extract_strided_slice %add3A_239 {offsets = [0, 0], sizes = [1, 16], strides = [1, 1]} : vector<1x64xf32> to vector<1x16xf32>
    %slice3A_241 = vector.extract_strided_slice %add3A_239 {offsets = [0, 16], sizes = [1, 16], strides = [1, 1]} : vector<1x64xf32> to vector<1x16xf32>
    %slice3A_242 = vector.extract_strided_slice %add3A_239 {offsets = [0, 32], sizes = [1, 16], strides = [1, 1]} : vector<1x64xf32> to vector<1x16xf32>
    %slice3A_243 = vector.extract_strided_slice %add3A_239 {offsets = [0, 48], sizes = [1, 16], strides = [1, 1]} : vector<1x64xf32> to vector<1x16xf32>
    %logistic3A_244 = arith.negf %slice3A_241 : vector<1x16xf32>
    %logistic3A_245 = math.exp %logistic3A_244 : vector<1x16xf32>
    %logistic3A_246 = arith.constant 1.000000e+00 : f32
    %logistic3A_247 = vector.broadcast %logistic3A_246 : f32 to vector<1x16xf32>
    %logistic3A_248 = arith.addf %logistic3A_247, %logistic3A_245 : vector<1x16xf32>
    %logistic3A_249 = arith.divf %logistic3A_247, %logistic3A_248 : vector<1x16xf32>
    %mul3A_250 = arith.mulf %logistic3A_249, %add3A_184 : vector<1x16xf32>
    %logistic3A_251 = arith.negf %slice3A_240 : vector<1x16xf32>
    %logistic3A_252 = math.exp %logistic3A_251 : vector<1x16xf32>
    %logistic3A_253 = arith.constant 1.000000e+00 : f32
    %logistic3A_254 = vector.broadcast %logistic3A_253 : f32 to vector<1x16xf32>
    %logistic3A_255 = arith.addf %logistic3A_254, %logistic3A_252 : vector<1x16xf32>
    %logistic3A_256 = arith.divf %logistic3A_254, %logistic3A_255 : vector<1x16xf32>
    %tanh3A_257 = math.tanh %slice3A_242 : vector<1x16xf32>
    %mul3A_258 = arith.mulf %logistic3A_256, %tanh3A_257 : vector<1x16xf32>
    %add3A_259 = arith.addf %mul3A_250, %mul3A_258 : vector<1x16xf32>
    %logistic3A_260 = arith.negf %slice3A_243 : vector<1x16xf32>
    %logistic3A_261 = math.exp %logistic3A_260 : vector<1x16xf32>
    %logistic3A_262 = arith.constant 1.000000e+00 : f32
    %logistic3A_263 = vector.broadcast %logistic3A_262 : f32 to vector<1x16xf32>
    %logistic3A_264 = arith.addf %logistic3A_263, %logistic3A_261 : vector<1x16xf32>
    %logistic3A_265 = arith.divf %logistic3A_263, %logistic3A_264 : vector<1x16xf32>
    %tanh3A_266 = math.tanh %add3A_259 : vector<1x16xf32>
    %mul3A_267 = arith.mulf %logistic3A_265, %tanh3A_266 : vector<1x16xf32>
    %mul3A_268 = vector.broadcast %mul3A_267 : vector<1x16xf32> to vector<10000x16xf32>
    %mul3A_269 = arith.mulf %get3A_1, %mul3A_268 : vector<10000x16xf32>
    %reduce_sum3A_270 = arith.constant dense<0.000000e+00> : vector<10000xf32>
    %reduce_sum3A_271 = vector.multi_reduction <add>, %mul3A_269, %reduce_sum3A_270 [1] : vector<10000x16xf32> to vector<10000xf32>
    %broadcast_in_dim3A_272 = vector.shape_cast %reduce_sum3A_271 : vector<10000xf32> to vector<10000x1xf32>
    %reduce_max3A_273 = vector.shape_cast %broadcast_in_dim3A_272 : vector<10000x1xf32> to vector<1x10000x1xf32>
    %reduce_max3A_274 = arith.constant dense<0xFF800000> : vector<1xf32>
    %reduce_max3A_275 = vector.multi_reduction <maximumf>, %reduce_max3A_273, %reduce_max3A_274 [1, 2] : vector<1x10000x1xf32> to vector<1xf32>
    %reduce_max3A_276 = vector.shape_cast %reduce_max3A_275 : vector<1xf32> to vector<1x1x1xf32>
    %reduce_max3A_277 = vector.extract %reduce_max3A_276[0, 0, 0] : f32 from vector<1x1x1xf32>
    %sub3A_278 = vector.broadcast %reduce_max3A_277 : f32 to vector<10000x1xf32>
    %sub3A_279 = arith.subf %broadcast_in_dim3A_272, %sub3A_278 : vector<10000x1xf32>
    %exp3A_280 = math.exp %sub3A_279 : vector<10000x1xf32>
    %reduce_sum3A_281 = vector.shape_cast %exp3A_280 : vector<10000x1xf32> to vector<1x10000x1xf32>
    %reduce_sum3A_282 = arith.constant dense<0.000000e+00> : vector<1xf32>
    %reduce_sum3A_283 = vector.multi_reduction <add>, %reduce_sum3A_281, %reduce_sum3A_282 [1, 2] : vector<1x10000x1xf32> to vector<1xf32>
    %reduce_sum3A_284 = vector.shape_cast %reduce_sum3A_283 : vector<1xf32> to vector<1x1x1xf32>
    %reduce_sum3A_285 = vector.extract %reduce_sum3A_284[0, 0, 0] : f32 from vector<1x1x1xf32>
    %div3A_286 = vector.broadcast %reduce_sum3A_285 : f32 to vector<10000x1xf32>
    %div3A_287 = arith.divf %exp3A_280, %div3A_286 : vector<10000x1xf32>
    %mul3A_288 = vector.broadcast %div3A_287 : vector<10000x1xf32> to vector<10000x16xf32>
    %mul3A_289 = arith.mulf %mul3A_288, %get3A_1 : vector<10000x16xf32>
    %reduce_sum3A_290 = arith.constant dense<0.000000e+00> : vector<16xf32>
    %reduce_sum3A_291 = vector.multi_reduction <add>, %mul3A_289, %reduce_sum3A_290 [0] : vector<10000x16xf32> to vector<16xf32>
    %broadcast_in_dim3A_292 = vector.shape_cast %reduce_sum3A_291 : vector<16xf32> to vector<1x16xf32>
    %concatenate3A_293 = tpu.concatenate %mul3A_267, %broadcast_in_dim3A_292 in 1 : vector<1x16xf32>, vector<1x16xf32> -> vector<1x32xf32>
    %get3A_294 = arith.constant 0 : index
    %get3A_295 = arith.constant 0 : index
    %get3A_296 = vector.load %arg1[%get3A_294, %get3A_295] : memref<64x32xf32, #tpu.memory_space<vmem>>, vector<64x32xf32>
    %transpose3A_297 = tpu.transpose %get3A_296, [1, 0] : vector<64x32xf32> -> vector<32x64xf32>
    %dot_general3A_298 = arith.constant dense<0.000000e+00> : vector<1x64xf32>
    %dot_general3A_299 = tpu.matmul %concatenate3A_293, %transpose3A_297, %dot_general3A_298 {dimension_numbers = #tpu.dot_dimension_numbers<[1], [0], [0], [1], [0, 0, 1, 1], [], []>, transpose_lhs_hint = false} : vector<1x32xf32>, vector<32x64xf32>, vector<1x64xf32> -> vector<1x64xf32>
    %get3A_300 = arith.constant 0 : index
    %get3A_301 = arith.constant 0 : index
    %get3A_302 = vector.load %arg3[%get3A_300, %get3A_301] : memref<1x64xf32, #tpu.memory_space<vmem>>, vector<1x64xf32>
    %add3A_303 = arith.addf %dot_general3A_299, %get3A_302 : vector<1x64xf32>
    %get3A_304 = arith.constant 0 : index
    %get3A_305 = arith.constant 0 : index
    %get3A_306 = vector.load %arg2[%get3A_304, %get3A_305] : memref<64x16xf32, #tpu.memory_space<vmem>>, vector<64x16xf32>
    %transpose3A_307 = tpu.transpose %get3A_306, [1, 0] : vector<64x16xf32> -> vector<16x64xf32>
    %dot_general3A_308 = arith.constant dense<0.000000e+00> : vector<1x64xf32>
    %dot_general3A_309 = tpu.matmul %mul3A_267, %transpose3A_307, %dot_general3A_308 {dimension_numbers = #tpu.dot_dimension_numbers<[1], [0], [0], [1], [0, 0, 1, 1], [], []>, transpose_lhs_hint = false} : vector<1x16xf32>, vector<16x64xf32>, vector<1x64xf32> -> vector<1x64xf32>
    %add3A_310 = arith.addf %add3A_303, %dot_general3A_309 : vector<1x64xf32>
    %get3A_311 = arith.constant 0 : index
    %get3A_312 = arith.constant 0 : index
    %get3A_313 = vector.load %arg4[%get3A_311, %get3A_312] : memref<1x64xf32, #tpu.memory_space<vmem>>, vector<1x64xf32>
    %add3A_314 = arith.addf %add3A_310, %get3A_313 : vector<1x64xf32>
    %slice3A_315 = vector.extract_strided_slice %add3A_314 {offsets = [0, 0], sizes = [1, 16], strides = [1, 1]} : vector<1x64xf32> to vector<1x16xf32>
    %slice3A_316 = vector.extract_strided_slice %add3A_314 {offsets = [0, 16], sizes = [1, 16], strides = [1, 1]} : vector<1x64xf32> to vector<1x16xf32>
    %slice3A_317 = vector.extract_strided_slice %add3A_314 {offsets = [0, 32], sizes = [1, 16], strides = [1, 1]} : vector<1x64xf32> to vector<1x16xf32>
    %slice3A_318 = vector.extract_strided_slice %add3A_314 {offsets = [0, 48], sizes = [1, 16], strides = [1, 1]} : vector<1x64xf32> to vector<1x16xf32>
    %logistic3A_319 = arith.negf %slice3A_316 : vector<1x16xf32>
    %logistic3A_320 = math.exp %logistic3A_319 : vector<1x16xf32>
    %logistic3A_321 = arith.constant 1.000000e+00 : f32
    %logistic3A_322 = vector.broadcast %logistic3A_321 : f32 to vector<1x16xf32>
    %logistic3A_323 = arith.addf %logistic3A_322, %logistic3A_320 : vector<1x16xf32>
    %logistic3A_324 = arith.divf %logistic3A_322, %logistic3A_323 : vector<1x16xf32>
    %mul3A_325 = arith.mulf %logistic3A_324, %add3A_259 : vector<1x16xf32>
    %logistic3A_326 = arith.negf %slice3A_315 : vector<1x16xf32>
    %logistic3A_327 = math.exp %logistic3A_326 : vector<1x16xf32>
    %logistic3A_328 = arith.constant 1.000000e+00 : f32
    %logistic3A_329 = vector.broadcast %logistic3A_328 : f32 to vector<1x16xf32>
    %logistic3A_330 = arith.addf %logistic3A_329, %logistic3A_327 : vector<1x16xf32>
    %logistic3A_331 = arith.divf %logistic3A_329, %logistic3A_330 : vector<1x16xf32>
    %tanh3A_332 = math.tanh %slice3A_317 : vector<1x16xf32>
    %mul3A_333 = arith.mulf %logistic3A_331, %tanh3A_332 : vector<1x16xf32>
    %add3A_334 = arith.addf %mul3A_325, %mul3A_333 : vector<1x16xf32>
    %logistic3A_335 = arith.negf %slice3A_318 : vector<1x16xf32>
    %logistic3A_336 = math.exp %logistic3A_335 : vector<1x16xf32>
    %logistic3A_337 = arith.constant 1.000000e+00 : f32
    %logistic3A_338 = vector.broadcast %logistic3A_337 : f32 to vector<1x16xf32>
    %logistic3A_339 = arith.addf %logistic3A_338, %logistic3A_336 : vector<1x16xf32>
    %logistic3A_340 = arith.divf %logistic3A_338, %logistic3A_339 : vector<1x16xf32>
    %tanh3A_341 = math.tanh %add3A_334 : vector<1x16xf32>
    %mul3A_342 = arith.mulf %logistic3A_340, %tanh3A_341 : vector<1x16xf32>
    %mul3A_343 = vector.broadcast %mul3A_342 : vector<1x16xf32> to vector<10000x16xf32>
    %mul3A_344 = arith.mulf %get3A_1, %mul3A_343 : vector<10000x16xf32>
    %reduce_sum3A_345 = arith.constant dense<0.000000e+00> : vector<10000xf32>
    %reduce_sum3A_346 = vector.multi_reduction <add>, %mul3A_344, %reduce_sum3A_345 [1] : vector<10000x16xf32> to vector<10000xf32>
    %broadcast_in_dim3A_347 = vector.shape_cast %reduce_sum3A_346 : vector<10000xf32> to vector<10000x1xf32>
    %reduce_max3A_348 = vector.shape_cast %broadcast_in_dim3A_347 : vector<10000x1xf32> to vector<1x10000x1xf32>
    %reduce_max3A_349 = arith.constant dense<0xFF800000> : vector<1xf32>
    %reduce_max3A_350 = vector.multi_reduction <maximumf>, %reduce_max3A_348, %reduce_max3A_349 [1, 2] : vector<1x10000x1xf32> to vector<1xf32>
    %reduce_max3A_351 = vector.shape_cast %reduce_max3A_350 : vector<1xf32> to vector<1x1x1xf32>
    %reduce_max3A_352 = vector.extract %reduce_max3A_351[0, 0, 0] : f32 from vector<1x1x1xf32>
    %sub3A_353 = vector.broadcast %reduce_max3A_352 : f32 to vector<10000x1xf32>
    %sub3A_354 = arith.subf %broadcast_in_dim3A_347, %sub3A_353 : vector<10000x1xf32>
    %exp3A_355 = math.exp %sub3A_354 : vector<10000x1xf32>
    %reduce_sum3A_356 = vector.shape_cast %exp3A_355 : vector<10000x1xf32> to vector<1x10000x1xf32>
    %reduce_sum3A_357 = arith.constant dense<0.000000e+00> : vector<1xf32>
    %reduce_sum3A_358 = vector.multi_reduction <add>, %reduce_sum3A_356, %reduce_sum3A_357 [1, 2] : vector<1x10000x1xf32> to vector<1xf32>
    %reduce_sum3A_359 = vector.shape_cast %reduce_sum3A_358 : vector<1xf32> to vector<1x1x1xf32>
    %reduce_sum3A_360 = vector.extract %reduce_sum3A_359[0, 0, 0] : f32 from vector<1x1x1xf32>
    %div3A_361 = vector.broadcast %reduce_sum3A_360 : f32 to vector<10000x1xf32>
    %div3A_362 = arith.divf %exp3A_355, %div3A_361 : vector<10000x1xf32>
    %mul3A_363 = vector.broadcast %div3A_362 : vector<10000x1xf32> to vector<10000x16xf32>
    %mul3A_364 = arith.mulf %mul3A_363, %get3A_1 : vector<10000x16xf32>
    %reduce_sum3A_365 = arith.constant dense<0.000000e+00> : vector<16xf32>
    %reduce_sum3A_366 = vector.multi_reduction <add>, %mul3A_364, %reduce_sum3A_365 [0] : vector<10000x16xf32> to vector<16xf32>
    %broadcast_in_dim3A_367 = vector.shape_cast %reduce_sum3A_366 : vector<16xf32> to vector<1x16xf32>
    %concatenate3A_368 = tpu.concatenate %mul3A_342, %broadcast_in_dim3A_367 in 1 : vector<1x16xf32>, vector<1x16xf32> -> vector<1x32xf32>
    %get3A_369 = arith.constant 0 : index
    %get3A_370 = arith.constant 0 : index
    %get3A_371 = vector.load %arg1[%get3A_369, %get3A_370] : memref<64x32xf32, #tpu.memory_space<vmem>>, vector<64x32xf32>
    %transpose3A_372 = tpu.transpose %get3A_371, [1, 0] : vector<64x32xf32> -> vector<32x64xf32>
    %dot_general3A_373 = arith.constant dense<0.000000e+00> : vector<1x64xf32>
    %dot_general3A_374 = tpu.matmul %concatenate3A_368, %transpose3A_372, %dot_general3A_373 {dimension_numbers = #tpu.dot_dimension_numbers<[1], [0], [0], [1], [0, 0, 1, 1], [], []>, transpose_lhs_hint = false} : vector<1x32xf32>, vector<32x64xf32>, vector<1x64xf32> -> vector<1x64xf32>
    %get3A_375 = arith.constant 0 : index
    %get3A_376 = arith.constant 0 : index
    %get3A_377 = vector.load %arg3[%get3A_375, %get3A_376] : memref<1x64xf32, #tpu.memory_space<vmem>>, vector<1x64xf32>
    %add3A_378 = arith.addf %dot_general3A_374, %get3A_377 : vector<1x64xf32>
    %get3A_379 = arith.constant 0 : index
    %get3A_380 = arith.constant 0 : index
    %get3A_381 = vector.load %arg2[%get3A_379, %get3A_380] : memref<64x16xf32, #tpu.memory_space<vmem>>, vector<64x16xf32>
    %transpose3A_382 = tpu.transpose %get3A_381, [1, 0] : vector<64x16xf32> -> vector<16x64xf32>
    %dot_general3A_383 = arith.constant dense<0.000000e+00> : vector<1x64xf32>
    %dot_general3A_384 = tpu.matmul %mul3A_342, %transpose3A_382, %dot_general3A_383 {dimension_numbers = #tpu.dot_dimension_numbers<[1], [0], [0], [1], [0, 0, 1, 1], [], []>, transpose_lhs_hint = false} : vector<1x16xf32>, vector<16x64xf32>, vector<1x64xf32> -> vector<1x64xf32>
    %add3A_385 = arith.addf %add3A_378, %dot_general3A_384 : vector<1x64xf32>
    %get3A_386 = arith.constant 0 : index
    %get3A_387 = arith.constant 0 : index
    %get3A_388 = vector.load %arg4[%get3A_386, %get3A_387] : memref<1x64xf32, #tpu.memory_space<vmem>>, vector<1x64xf32>
    %add3A_389 = arith.addf %add3A_385, %get3A_388 : vector<1x64xf32>
    %slice3A_390 = vector.extract_strided_slice %add3A_389 {offsets = [0, 0], sizes = [1, 16], strides = [1, 1]} : vector<1x64xf32> to vector<1x16xf32>
    %slice3A_391 = vector.extract_strided_slice %add3A_389 {offsets = [0, 16], sizes = [1, 16], strides = [1, 1]} : vector<1x64xf32> to vector<1x16xf32>
    %slice3A_392 = vector.extract_strided_slice %add3A_389 {offsets = [0, 32], sizes = [1, 16], strides = [1, 1]} : vector<1x64xf32> to vector<1x16xf32>
    %slice3A_393 = vector.extract_strided_slice %add3A_389 {offsets = [0, 48], sizes = [1, 16], strides = [1, 1]} : vector<1x64xf32> to vector<1x16xf32>
    %logistic3A_394 = arith.negf %slice3A_391 : vector<1x16xf32>
    %logistic3A_395 = math.exp %logistic3A_394 : vector<1x16xf32>
    %logistic3A_396 = arith.constant 1.000000e+00 : f32
    %logistic3A_397 = vector.broadcast %logistic3A_396 : f32 to vector<1x16xf32>
    %logistic3A_398 = arith.addf %logistic3A_397, %logistic3A_395 : vector<1x16xf32>
    %logistic3A_399 = arith.divf %logistic3A_397, %logistic3A_398 : vector<1x16xf32>
    %mul3A_400 = arith.mulf %logistic3A_399, %add3A_334 : vector<1x16xf32>
    %logistic3A_401 = arith.negf %slice3A_390 : vector<1x16xf32>
    %logistic3A_402 = math.exp %logistic3A_401 : vector<1x16xf32>
    %logistic3A_403 = arith.constant 1.000000e+00 : f32
    %logistic3A_404 = vector.broadcast %logistic3A_403 : f32 to vector<1x16xf32>
    %logistic3A_405 = arith.addf %logistic3A_404, %logistic3A_402 : vector<1x16xf32>
    %logistic3A_406 = arith.divf %logistic3A_404, %logistic3A_405 : vector<1x16xf32>
    %tanh3A_407 = math.tanh %slice3A_392 : vector<1x16xf32>
    %mul3A_408 = arith.mulf %logistic3A_406, %tanh3A_407 : vector<1x16xf32>
    %add3A_409 = arith.addf %mul3A_400, %mul3A_408 : vector<1x16xf32>
    %logistic3A_410 = arith.negf %slice3A_393 : vector<1x16xf32>
    %logistic3A_411 = math.exp %logistic3A_410 : vector<1x16xf32>
    %logistic3A_412 = arith.constant 1.000000e+00 : f32
    %logistic3A_413 = vector.broadcast %logistic3A_412 : f32 to vector<1x16xf32>
    %logistic3A_414 = arith.addf %logistic3A_413, %logistic3A_411 : vector<1x16xf32>
    %logistic3A_415 = arith.divf %logistic3A_413, %logistic3A_414 : vector<1x16xf32>
    %tanh3A_416 = math.tanh %add3A_409 : vector<1x16xf32>
    %mul3A_417 = arith.mulf %logistic3A_415, %tanh3A_416 : vector<1x16xf32>
    %mul3A_418 = vector.broadcast %mul3A_417 : vector<1x16xf32> to vector<10000x16xf32>
    %mul3A_419 = arith.mulf %get3A_1, %mul3A_418 : vector<10000x16xf32>
    %reduce_sum3A_420 = arith.constant dense<0.000000e+00> : vector<10000xf32>
    %reduce_sum3A_421 = vector.multi_reduction <add>, %mul3A_419, %reduce_sum3A_420 [1] : vector<10000x16xf32> to vector<10000xf32>
    %broadcast_in_dim3A_422 = vector.shape_cast %reduce_sum3A_421 : vector<10000xf32> to vector<10000x1xf32>
    %reduce_max3A_423 = vector.shape_cast %broadcast_in_dim3A_422 : vector<10000x1xf32> to vector<1x10000x1xf32>
    %reduce_max3A_424 = arith.constant dense<0xFF800000> : vector<1xf32>
    %reduce_max3A_425 = vector.multi_reduction <maximumf>, %reduce_max3A_423, %reduce_max3A_424 [1, 2] : vector<1x10000x1xf32> to vector<1xf32>
    %reduce_max3A_426 = vector.shape_cast %reduce_max3A_425 : vector<1xf32> to vector<1x1x1xf32>
    %reduce_max3A_427 = vector.extract %reduce_max3A_426[0, 0, 0] : f32 from vector<1x1x1xf32>
    %sub3A_428 = vector.broadcast %reduce_max3A_427 : f32 to vector<10000x1xf32>
    %sub3A_429 = arith.subf %broadcast_in_dim3A_422, %sub3A_428 : vector<10000x1xf32>
    %exp3A_430 = math.exp %sub3A_429 : vector<10000x1xf32>
    %reduce_sum3A_431 = vector.shape_cast %exp3A_430 : vector<10000x1xf32> to vector<1x10000x1xf32>
    %reduce_sum3A_432 = arith.constant dense<0.000000e+00> : vector<1xf32>
    %reduce_sum3A_433 = vector.multi_reduction <add>, %reduce_sum3A_431, %reduce_sum3A_432 [1, 2] : vector<1x10000x1xf32> to vector<1xf32>
    %reduce_sum3A_434 = vector.shape_cast %reduce_sum3A_433 : vector<1xf32> to vector<1x1x1xf32>
    %reduce_sum3A_435 = vector.extract %reduce_sum3A_434[0, 0, 0] : f32 from vector<1x1x1xf32>
    %div3A_436 = vector.broadcast %reduce_sum3A_435 : f32 to vector<10000x1xf32>
    %div3A_437 = arith.divf %exp3A_430, %div3A_436 : vector<10000x1xf32>
    %mul3A_438 = vector.broadcast %div3A_437 : vector<10000x1xf32> to vector<10000x16xf32>
    %mul3A_439 = arith.mulf %mul3A_438, %get3A_1 : vector<10000x16xf32>
    %reduce_sum3A_440 = arith.constant dense<0.000000e+00> : vector<16xf32>
    %reduce_sum3A_441 = vector.multi_reduction <add>, %mul3A_439, %reduce_sum3A_440 [0] : vector<10000x16xf32> to vector<16xf32>
    %broadcast_in_dim3A_442 = vector.shape_cast %reduce_sum3A_441 : vector<16xf32> to vector<1x16xf32>
    %concatenate3A_443 = tpu.concatenate %mul3A_417, %broadcast_in_dim3A_442 in 1 : vector<1x16xf32>, vector<1x16xf32> -> vector<1x32xf32>
    %get3A_444 = arith.constant 0 : index
    %get3A_445 = arith.constant 0 : index
    %get3A_446 = vector.load %arg5[%get3A_444, %get3A_445] : memref<64x32xf32, #tpu.memory_space<vmem>>, vector<64x32xf32>
    %transpose3A_447 = tpu.transpose %get3A_446, [1, 0] : vector<64x32xf32> -> vector<32x64xf32>
    %dot_general3A_448 = arith.constant dense<0.000000e+00> : vector<1x64xf32>
    %dot_general3A_449 = tpu.matmul %concatenate3A_443, %transpose3A_447, %dot_general3A_448 {dimension_numbers = #tpu.dot_dimension_numbers<[1], [0], [0], [1], [0, 0, 1, 1], [], []>, transpose_lhs_hint = false} : vector<1x32xf32>, vector<32x64xf32>, vector<1x64xf32> -> vector<1x64xf32>
    %get3A_450 = arith.constant 0 : index
    %get3A_451 = arith.constant 0 : index
    %get3A_452 = vector.load %arg7[%get3A_450, %get3A_451] : memref<1x64xf32, #tpu.memory_space<vmem>>, vector<1x64xf32>
    %add3A_453 = arith.addf %dot_general3A_449, %get3A_452 : vector<1x64xf32>
    %get3A_454 = arith.constant 0 : index
    %get3A_455 = arith.constant 0 : index
    %get3A_456 = vector.load %arg8[%get3A_454, %get3A_455] : memref<1x64xf32, #tpu.memory_space<vmem>>, vector<1x64xf32>
    %add3A_457 = arith.addf %add3A_453, %get3A_456 : vector<1x64xf32>
    %slice3A_458 = vector.extract_strided_slice %add3A_457 {offsets = [0, 0], sizes = [1, 16], strides = [1, 1]} : vector<1x64xf32> to vector<1x16xf32>
    %slice3A_459 = vector.extract_strided_slice %add3A_457 {offsets = [0, 16], sizes = [1, 16], strides = [1, 1]} : vector<1x64xf32> to vector<1x16xf32>
    %slice3A_460 = vector.extract_strided_slice %add3A_457 {offsets = [0, 32], sizes = [1, 16], strides = [1, 1]} : vector<1x64xf32> to vector<1x16xf32>
    %slice3A_461 = vector.extract_strided_slice %add3A_457 {offsets = [0, 48], sizes = [1, 16], strides = [1, 1]} : vector<1x64xf32> to vector<1x16xf32>
    %logistic3A_462 = arith.negf %slice3A_459 : vector<1x16xf32>
    %logistic3A_463 = math.exp %logistic3A_462 : vector<1x16xf32>
    %logistic3A_464 = arith.constant 1.000000e+00 : f32
    %logistic3A_465 = vector.broadcast %logistic3A_464 : f32 to vector<1x16xf32>
    %logistic3A_466 = arith.addf %logistic3A_465, %logistic3A_463 : vector<1x16xf32>
    %logistic3A_467 = arith.divf %logistic3A_465, %logistic3A_466 : vector<1x16xf32>
    %mul3A_468 = arith.constant 0.000000e+00 : f32
    %mul3A_469 = vector.broadcast %mul3A_468 : f32 to vector<1x16xf32>
    %mul3A_470 = arith.mulf %logistic3A_467, %mul3A_469 : vector<1x16xf32>
    %logistic3A_471 = arith.negf %slice3A_458 : vector<1x16xf32>
    %logistic3A_472 = math.exp %logistic3A_471 : vector<1x16xf32>
    %logistic3A_473 = arith.constant 1.000000e+00 : f32
    %logistic3A_474 = vector.broadcast %logistic3A_473 : f32 to vector<1x16xf32>
    %logistic3A_475 = arith.addf %logistic3A_474, %logistic3A_472 : vector<1x16xf32>
    %logistic3A_476 = arith.divf %logistic3A_474, %logistic3A_475 : vector<1x16xf32>
    %tanh3A_477 = math.tanh %slice3A_460 : vector<1x16xf32>
    %mul3A_478 = arith.mulf %logistic3A_476, %tanh3A_477 : vector<1x16xf32>
    %add3A_479 = arith.addf %mul3A_470, %mul3A_478 : vector<1x16xf32>
    %logistic3A_480 = arith.negf %slice3A_461 : vector<1x16xf32>
    %logistic3A_481 = math.exp %logistic3A_480 : vector<1x16xf32>
    %logistic3A_482 = arith.constant 1.000000e+00 : f32
    %logistic3A_483 = vector.broadcast %logistic3A_482 : f32 to vector<1x16xf32>
    %logistic3A_484 = arith.addf %logistic3A_483, %logistic3A_481 : vector<1x16xf32>
    %logistic3A_485 = arith.divf %logistic3A_483, %logistic3A_484 : vector<1x16xf32>
    %tanh3A_486 = math.tanh %add3A_479 : vector<1x16xf32>
    %mul3A_487 = arith.mulf %logistic3A_485, %tanh3A_486 : vector<1x16xf32>
    %swap3A = arith.constant 0 : index
    %swap3A_488 = arith.constant 0 : index
    %swap3A_489 = vector.load %arg9[%swap3A, %swap3A_488] : memref<1x16xf32, #tpu.memory_space<vmem>>, vector<1x16xf32>
    tpu.vector_store %arg9[%swap3A, %swap3A_488], %mul3A_487 {strides = array<i32>} : memref<1x16xf32, #tpu.memory_space<vmem>>, vector<1x16xf32>,
    %swap3A_490 = arith.constant 0 : index
    %swap3A_491 = arith.constant 0 : index
    %swap3A_492 = vector.load %arg10[%swap3A_490, %swap3A_491] : memref<1x16xf32, #tpu.memory_space<vmem>>, vector<1x16xf32>
    tpu.vector_store %arg10[%swap3A_490, %swap3A_491], %add3A_479 {strides = array<i32>} : memref<1x16xf32, #tpu.memory_space<vmem>>, vector<1x16xf32>,
    return
  }
}

module attributes {stable_mosaic.version = 14 : i64} {
  func.func @body(%arg0: memref<512x80xf32, #tpu.memory_space<vmem>>, %arg1: memref<16x80xf32, #tpu.memory_space<vmem>>, %arg2: memref<1x16xf32, #tpu.memory_space<vmem>>, %arg3: memref<8x16xf32, #tpu.memory_space<vmem>>, %arg4: memref<1x8xf32, #tpu.memory_space<vmem>>, %arg5: memref<512x8xf32, #tpu.memory_space<vmem>>) attributes {dimension_semantics = [], scalar_prefetch = 0 : i64, scratch_operands = 0 : i64, tpu.core_type = #tpu.core_type<tc>} {
    %get3A = arith.constant 0 : index
    %get3A_0 = arith.constant 0 : index
    %get3A_1 = vector.load %arg0[%get3A, %get3A_0] : memref<512x80xf32, #tpu.memory_space<vmem>>, vector<512x80xf32>
    %get3A_2 = arith.constant 0 : index
    %get3A_3 = arith.constant 0 : index
    %get3A_4 = vector.load %arg1[%get3A_2, %get3A_3] : memref<16x80xf32, #tpu.memory_space<vmem>>, vector<16x80xf32>
    %transpose3A = tpu.transpose %get3A_4, [1, 0] : vector<16x80xf32> -> vector<80x16xf32>
    %dot_general3A = arith.constant dense<0.000000e+00> : vector<512x16xf32>
    %dot_general3A_5 = tpu.matmul %get3A_1, %transpose3A, %dot_general3A {dimension_numbers = #tpu.dot_dimension_numbers<[1], [0], [0], [1], [0, 0, 1, 1], [], []>, transpose_lhs_hint = false} : vector<512x80xf32>, vector<80x16xf32>, vector<512x16xf32> -> vector<512x16xf32>
    %get3A_6 = arith.constant 0 : index
    %get3A_7 = arith.constant 0 : index
    %get3A_8 = vector.load %arg2[%get3A_6, %get3A_7] : memref<1x16xf32, #tpu.memory_space<vmem>>, vector<1x16xf32>
    %add3A = vector.broadcast %get3A_8 : vector<1x16xf32> to vector<512x16xf32>
    %add3A_9 = arith.addf %dot_general3A_5, %add3A : vector<512x16xf32>
    %max3A = arith.constant 0.000000e+00 : f32
    %max3A_10 = vector.broadcast %max3A : f32 to vector<512x16xf32>
    %max3A_11 = arith.maximumf %add3A_9, %max3A_10 : vector<512x16xf32>
    %get3A_12 = arith.constant 0 : index
    %get3A_13 = arith.constant 0 : index
    %get3A_14 = vector.load %arg3[%get3A_12, %get3A_13] : memref<8x16xf32, #tpu.memory_space<vmem>>, vector<8x16xf32>
    %transpose3A_15 = tpu.transpose %get3A_14, [1, 0] : vector<8x16xf32> -> vector<16x8xf32>
    %dot_general3A_16 = arith.constant dense<0.000000e+00> : vector<512x8xf32>
    %dot_general3A_17 = tpu.matmul %max3A_11, %transpose3A_15, %dot_general3A_16 {dimension_numbers = #tpu.dot_dimension_numbers<[1], [0], [0], [1], [0, 0, 1, 1], [], []>, transpose_lhs_hint = false} : vector<512x16xf32>, vector<16x8xf32>, vector<512x8xf32> -> vector<512x8xf32>
    %get3A_18 = arith.constant 0 : index
    %get3A_19 = arith.constant 0 : index
    %get3A_20 = vector.load %arg4[%get3A_18, %get3A_19] : memref<1x8xf32, #tpu.memory_space<vmem>>, vector<1x8xf32>
    %add3A_21 = vector.broadcast %get3A_20 : vector<1x8xf32> to vector<512x8xf32>
    %add3A_22 = arith.addf %dot_general3A_17, %add3A_21 : vector<512x8xf32>
    %swap3A = arith.constant 0 : index
    %swap3A_23 = arith.constant 0 : index
    %swap3A_24 = vector.load %arg5[%swap3A, %swap3A_23] : memref<512x8xf32, #tpu.memory_space<vmem>>, vector<512x8xf32>
    tpu.vector_store %arg5[%swap3A, %swap3A_23], %add3A_22 {strides = array<i32>} : memref<512x8xf32, #tpu.memory_space<vmem>>, vector<512x8xf32>,
    return
  }
}

</mosaic_0001>

<sc_bundles>
// kernel: kernel.32.cloned.1.call-start
scs
__scs_entry_jumppad:
0x0: {  	(pc) =	sbr.rel $0x88, $3  }
0x1: {  	(tag) =	ssettag $0x0;
	lr =	simm.s32 $0x1  }
0x2: {  	[smem:$0x3F85] =	sst lr;
	_ =	strace $0xD0000000  }
0x3: {  	_ = 	snop  }
0x4: {  	_ = 	snop  }
0x5: {  	_ = 	snop  }
0x6: {  	_ = 	snop  }
0x7: {  	_ = 	snop  }
__scs_overlays_trampoline_lowered:
0x8: {  	[smem:$0x3F94] =	sst s0  }
0x9: {  	[smem:$0x3F95] =	sst s1  }
0xa: {  	[smem:$0x3F96] =	sst s2  }
0xb: {  	[smem:$0x3F97] =	sst s3  }
0xc: {  	[smem:$0x3F98] =	sst s4  }
0xd: {  	[smem:$0x3F99] =	sst s5  }
0xe: {  	[smem:$0x3F9A] =	sst s6  }
0xf: {  	[smem:$0x3F9B] =	sst s7  }
0x10: {  	[smem:$0x3F9C] =	sst s8  }
0x11: {  	[smem:$0x3F9D] =	sst s9;
	s0 =	simm.s32 @!p0 $0x0  }
0x12: {  	s1 =	sld [smem:$0x3F83];
	s0 =	simm.s32 @p0 $0x1  }
0x13: {  	[smem:$0x3F9E] =	sst s0;
	s0 =	simm.s32 @!p1 $0x0  }
0x14: {  	s2 =	sld [smem:$0x3F82];
	s0 =	simm.s32 @p1 $0x1  }
0x15: {  	[smem:$0x3F9F] =	sst s0;
	s0 =	simm.s32 @!p2 $0x0  }
0x16: {  	s3 =	sld [smem:$0x3FDB];
	s0 =	simm.s32 @p2 $0x1  }
0x17: {  	s4 =	simm.s32 $0x1BF5;
	[smem:$0x3FA1] =	sst s0  }
0x18: {  	s0 =	sld [smem:$0x3F84];
	_ =	swait.ge [sflag:s4], $0x0  }
0x19: {  	s7 =	sld [smem:$0x3F85]  }
0x1a: {  	s8 =	sadd.s32 $0xFFFFE003, lr  }
0x1b: {  	s9 =	sadd.s32 $0xFFFFFEF7, lr;
	s5 =	simm.s32 $0xFFFFFFFF;
	p2 =	slt.u32 s8, $0xFFFFF086  }
0x1c: {  	p1 =	slt.u32 s9, $0xF7A;
	s5 =	simm.s32 @!p2 $0x0  }
0x1d: {  	s5 =	simm.s32 @p1 $0x1;
	p0 =	seq.s32 s7, s2  }
0x1e: {  	s7 =	smul.u32 @!p0 $0xF7A, s2;
	p2 =	seq.s32 @!p0 s5, $0x0  }
0x1f: {  	s9 =	smul.u32 $0xF7A, s1;
	s8 =	simm.s32 @!p0 $0x1BF5;
	p2 =	por !p2, p0  }
0x20: {  	[sflag:s8] =	ssyncset.s32 @!p0 $0xFFFFF086;
	s6 =	sadd.s32 @!p0 s3, s7;
	s7 =	simm.s32 @!p0 $0x108  }
0x21: {  	s3 =	sadd.s32 s3, s9;
	s6 =	sadd.s32 @!p0 $0x88, s6;
	s7 =	simm.s32 @p2 $0x1082  }
0x22: {  	[simem:s7], [sflag:s8] =	dma.local @!p0 [hbm:s6], $0xF7A  }
0x23: {  	s9 =	sor.u32 $0xD0000000, s2;
	s6 =	simm.s32 $0x108;
	_ =	swait.ge @!p0 [sflag:s8], $0x0  }
0x24: {  	s3 =	sadd.s32 $0x88, s3;
	s6 =	simm.s32 @!p1 $0x1082;
	[sflag:s4] =	ssyncset.s32 $0xFFFFF086  }
0x25: {  	[simem:s6], [sflag:s4] =	dma.local [hbm:s3], $0xF7A  }
0x26: {  	[smem:$0x3F85] =	sst s1;
	(tag) =	ssettag s2;
	_ =	strace s9  }
0x27: {  	s1 =	sld [smem:$0x3F95]  }
0x28: {  	s2 =	sld [smem:$0x3F96]  }
0x29: {  	s4 =	sld [smem:$0x3F98]  }
0x2a: {  	p0 =	seq.s32 s5, $0x0;
	s5 =	sld [smem:$0x3F99]  }
0x2b: {  	s6 =	sld [smem:$0x3F9A]  }
0x2c: {  	s7 =	sld [smem:$0x3F9B]  }
0x2d: {  	s3 =	simm.s32 $0x108;
	s8 =	sld [smem:$0x3F9C]  }
0x2e: {  	s3 =	simm.s32 @!p0 $0x1082;
	s9 =	sld [smem:$0x3F9D]  }
0x2f: {  	lr =	sadd.s32 s0, s3;
	s0 =	sld [smem:$0x3F94]  }
0x30: {  	s3 =	sld [smem:$0x3F97]  }
0x31: {  	[smem:$0x3FA0] =	sst s10  }
0x32: {  	s10 =	sld [smem:$0x3F9E];
	_ =	sdelay $0x3  }
0x33: {  	p0 =	seq.s32 s10, $0x1;
	s10 =	sld [smem:$0x3FA0];
	_ =	sdelay $0x3  }
0x34: {  	[smem:$0x3FA0] =	sst s10  }
0x35: {  	s10 =	sld [smem:$0x3F9F];
	_ =	sdelay $0x3  }
0x36: {  	p1 =	seq.s32 s10, $0x1;
	s10 =	sld [smem:$0x3FA0];
	_ =	sdelay $0x3  }
0x37: {  	[smem:$0x3FA0] =	sst s10  }
0x38: {  	s10 =	sld [smem:$0x3FA1]  }
0x39: {  	_ = 	snop;
	(pc) =	sbr.ind lr, $3  }
0x3a: {  	_ = 	snop  }
0x3b: {  	_ = 	snop  }
0x3c: {  	p2 =	seq.s32 s10, $0x1;
	s10 =	sld [smem:$0x3FA0]  }
0x3d: {  	_ =	shalt  }
0x3e: {  	_ =	shalt  }
0x3f: {  	_ =	shalt  }
0x40: {  	_ =	shalt  }
0x41: {  	_ =	shalt  }
0x42: {  	_ =	shalt  }
0x43: {  	_ =	shalt  }
0x44: {  	_ =	shalt  }
0x45: {  	_ =	shalt  }
0x46: {  	_ =	shalt  }
0x47: {  	_ =	shalt  }
0x48: {  	_ =	shalt  }
0x49: {  	_ =	shalt  }
0x4a: {  	_ =	shalt  }
0x4b: {  	_ =	shalt  }
0x4c: {  	_ =	shalt  }
0x4d: {  	_ =	shalt  }
0x4e: {  	_ =	shalt  }
0x4f: {  	_ =	shalt  }
0x50: {  	_ =	shalt  }
0x51: {  	_ =	shalt  }
0x52: {  	_ =	shalt  }
0x53: {  	_ =	shalt  }
0x54: {  	_ =	shalt  }
0x55: {  	_ =	shalt  }
0x56: {  	_ =	shalt  }
0x57: {  	_ =	shalt  }
0x58: {  	_ =	shalt  }
0x59: {  	_ =	shalt  }
0x5a: {  	_ =	shalt  }
0x5b: {  	_ =	shalt  }
0x5c: {  	_ =	shalt  }
0x5d: {  	_ =	shalt  }
0x5e: {  	_ =	shalt  }
0x5f: {  	_ =	shalt  }
0x60: {  	_ =	shalt  }
0x61: {  	_ =	shalt  }
0x62: {  	_ =	shalt  }
0x63: {  	_ =	shalt  }
0x64: {  	_ =	shalt  }
0x65: {  	_ =	shalt  }
0x66: {  	_ =	shalt  }
0x67: {  	_ =	shalt  }
0x68: {  	_ =	shalt  }
0x69: {  	_ =	shalt  }
0x6a: {  	_ =	shalt  }
0x6b: {  	_ =	shalt  }
0x6c: {  	_ =	shalt  }
0x6d: {  	_ =	shalt  }
0x6e: {  	_ =	shalt  }
0x6f: {  	_ =	shalt  }
0x70: {  	_ =	shalt  }
0x71: {  	_ =	shalt  }
0x72: {  	_ =	shalt  }
0x73: {  	_ =	shalt  }
0x74: {  	_ =	shalt  }
0x75: {  	_ =	shalt  }
0x76: {  	_ =	shalt  }
0x77: {  	_ =	shalt  }
0x78: {  	_ =	shalt  }
0x79: {  	_ =	shalt  }
0x7a: {  	_ =	shalt  }
0x7b: {  	_ =	shalt  }
0x7c: {  	_ =	shalt  }
0x7d: {  	_ =	shalt  }
0x7e: {  	_ =	shalt  }
0x7f: {  	_ =	shalt  }
0x80: {  	_ =	shalt  }
0x81: {  	_ =	shalt  }
0x82: {  	_ =	shalt  }
0x83: {  	_ =	shalt  }
0x84: {  	_ =	shalt  }
0x85: {  	_ =	shalt  }
0x86: {  	_ =	shalt  }
0x87: {  	_ =	shalt  }
.Lfunc_end0:
.L_simem_size_0:
called_computation_lowered:
.L_overlay_start_0:
0x88: {  	s2 =	sld [smem:$0x3FD9]  }
0x89: {  	s3 =	sld [smem:$0x3FFE];
	_ =	sdelay $0x1  }
0x8a: {  	s1 =	srdreg.scid  }
0x8b: {  	s0 =	sand.u32 $0x1, s1  }
0x8c: {  	s17 =	sshll.u32 s0, $0xA;
	s2 =	sadd.s32 s3, s2  }
0x8d: {  	s2 =	sadd.s32 s2, s17  }
0x8e: {  	[smem:$0x3FAC] =	sst s2  }
0x8f: {  	_ = 	snop  }
0x90: {  	(tm) =	ssettm $0x1  }
0x91: {  	s18 =	sld [smem:$0x3FFB];
	_ =	sdelay $0x3  }
0x92: {  	_ =	strace s18  }
0x93: {  	s2 =	sld [smem:$0x3FFC];
	_ =	sdelay $0x3  }
0x94: {  	_ =	strace s2  }
0x95: {  	s2 =	sld [smem:$0x3FFD];
	_ =	sdelay $0x3  }
0x96: {  	_ =	strace s2  }
0x97: {  	_ =	strace $0x8FFFFFFF  }
0x98: {  	s19 =	sld [smem:$0x3FDB];
	_ =	sdelay $0x1  }
0x99: {  	s20 =	simm.s32 $_scs_section_size  }
0x9a: {  	s4 =	simm.s32 $_size__tile_overlayer_lowered;
	s5 =	simm.s32 $_tile_overlayer_lowered  }
0x9b: {  	s6 =	simm.s32 $0x1BFF;
	s21 =	sshll.u32 s5, $0x1;
	s3 =	sadd.s32 s20, s19  }
0x9c: {  	s22 =	simm.s32 $0x0;
	s4 =	sshll.u32 s4, $0x1;
	s5 =	sadd.s32 s21, s3  }
0x9d: {  	[timem:s22], [sflag:s6] =	dma.local [hbm:s5], s4  }
0x9e: {  	_ =	swait.ge [sflag:s6], s4  }
0x9f: {  	s4 =	ssub.s32 $0x0, s4;
	[sflag:s6] =	ssyncset.done $0x0  }
0xa0: {  	[sflag:s6] =	ssyncadd.s32 s4;
	_ =	sdelay $0x1  }
0xa1: {  	s23 =	simm.s32 $0x1B8B  }
0xa2: {  	_ =	swait.ge [sflag:s23], $0x1  }
0xa3: {  	[sflag:s23] =	ssyncset.done $0x0  }
0xa4: {  	[sflag:s23] =	ssyncadd.s32 $0xFFFFFFFF  }
0xa5: {  	s4 =	sld [smem:$0x0]  }
0xa6: {  	s5 =	sand.u32 $0xFFFFFFFE, s1  }
0xa7: {  	p0 =	sne.s32 s1, s5  }
0xa8: {  	s5 =	sshll.u32 @p0 s5, $0xE  }
0xa9: {  	s5 =	sadd.s32 @p0 $0x11B8D, s5;
	s6 =	sshll.u32 @p0 s4, $0x11  }
0xaa: {  	s5 =	sor.u32 @p0 s6, s5  }
0xab: {  	[sflag:s5] =	ssyncadd.remote.s32 @p0 $0x1;
	_ =	sdelay $0x1  }
0xac: {  	s5 =	simm.s32 @p0 $0x1B8D  }
0xad: {  	_ =	swait.eq @p0 [sflag:s5], $0x1  }
0xae: {  	[sflag:s5] =	ssyncadd.s32 @p0 $0xFFFFFFFF  }
0xaf: {  	s6 =	sshll.u32 @!p0 s1, $0xE  }
0xb0: {  	s6 =	sor.u32 @!p0 $0x4000, s6;
	s5 =	simm.s32 @!p0 $0x1B8D  }
0xb1: {  	s4 =	sshll.u32 @!p0 s4, $0x11;
	s6 =	sadd.s32 @!p0 $0x11B8D, s6;
	_ =	swait.eq @!p0 [sflag:s5], $0x1  }
0xb2: {  	s4 =	sor.u32 @!p0 s4, s6;
	[sflag:s5] =	ssyncadd.s32 @!p0 $0xFFFFFFFF  }
0xb3: {  	s25 =	simm.s32 $0x1B8E;
	s24 =	sld [smem:$0x3FFE];
	[sflag:s4] =	ssyncadd.remote.s32 @!p0 $0x1  }
0xb4: {  	s26 =	simm.s32 $execute0_lowered;
	[smem:$0x3FD2] =	sst s25  }
0xb5: {  	s5 =	sshll.u32 s26, $0x1;
	_ =	strace $0x80000049;
	[dreg:$0x1] =	wrdreg $0xFFFFFFFF  }
0xb6: {  	s28 =	simm.s32 $_size_execute0_lowered;
	s3 =	sadd.s32 s3, s5;
	[dreg:$0x0] =	wrdreg $0x0  }
0xb7: {  	s5 =	sshll.u32 s28, $0x1;
	[dreg:$0x2] =	wrdreg s3  }
0xb8: {  	[dreg:$0x3] =	wrdreg s5  }
0xb9: {  	[dreg:$0x4] =	wrdreg $0xC0  }
0xba: {  	_ =	task [dreg:s22], $0x5FFFF  }
0xbb: {  	[dreg:$0x1] =	wrdreg $0xFFFFFFFF  }
0xbc: {  	[dreg:$0x0] =	wrdreg $0x60  }
0xbd: {  	[dreg:$0x2] =	wrdreg s24  }
0xbe: {  	[dreg:$0x3] =	wrdreg $0x9080  }
0xbf: {  	[dreg:$0x4] =	wrdreg $0x9  }
0xc0: {  	_ =	task.clear_ibuf [dreg:s22], $0x5FFFF;
	_ =	strace $0x90000049  }
0xc1: {  	s29 =	simm.s32 $0x9;
	_ =	strace $0x8000004B  }
0xc2: {  	_ =	swait.ge [sflag:s29], $0x1  }
0xc3: {  	[sflag:s29] =	ssyncadd.s32 $0xFFFFFFFF  }
0xc4: {  	_ =	strace $0x9000004B  }
0xc5: {  	_ =	sfence  }
0xc6: {  	s30 =	sld [smem:$0x0];
	_ =	sdelay $0x2  }
0xc7: {  	s31 =	sshll.u32 s1, $0xD;
	s1 =	sshrl.u32 s1, $0x2  }
0xc8: {  	s4 =	sand.u32 $0x4000, s31;
	s1 =	sadd.s32 s1, s30  }
0xc9: {  	s0 =	sor.u32 s4, s0;
	s1 =	sshll.u32 s1, $0x11  }
0xca: {  	s0 =	sor.u32 s1, s0  }
0xcb: {  	s0 =	sadd.s32 $0x8F2B, s0  }
0xcc: {  	[sflag:s0] =	ssyncadd.remote.s32 $0x1  }
0xcd: {  	_ =	sfence.sel $0xFFFF  }
0xce: {  	[dreg:$0x0] =	wrdreg $0xFFFFFFFF;
	(pc) =	sbr.abs _section_cstart, $3  }
0xcf: {  	[dreg:$0x1] =	wrdreg $0xFFFFFFFF  }
0xd0: {  	_ =	task.clear_ibuf [dreg:s22], $0x2FFFF;
	_ =	strace $0x9FFFFFFF  }
0xd1: {  	(tm) =	ssettm $0x7FFFFFFF  }
tec
execute0_lowered:
.L_overlay_start_1:
0x0: {  	(tag) =	ssettag $0x1  }
0x1: {  	s4 =	rddreg [dreg:$0x0]  }
0x2: {  	s1 =	rddreg [dreg:$0x1]  }
0x3: {  	s0 =	rddreg [dreg:$0x2];
	s2 =	simm.s32 $0x0;
	s3 =	srdreg.scid  }
0x4: {  	s8 =	stileid.u32;
	s14 =	simm.s32 $0x888;
	s15 =	simm.s32 $0x8  }
0x5: {  	s16 =	simm.s32 $0x0;
	[smem:$0x7FF] =	sst s2;
	s7 =	smul.u32 $0x1388, s8  }
0x6: {  	s6 =	sand.u32 $0x1, s3;
	s9 =	sadd.s32 $0x90800, s4;
	s30 =	smul.u32 $0x2710, s8  }
0x7: {  	s10 =	sadd.s32 $0xC400, s4;
	s3 =	sadd.s32 $0x8B800, s4;
	s5 =	smul.u32 $0x13880, s6  }
0x8: {  	p0 =	sne.s32 s8, $0x0;
	s11 =	smul.u32 $0x4E20, s6;
	s12 =	ssub.s32 $0x2, s6  }
0x9: {  	_ =	strace $0x8000004A;
	s29 =	smul.u32 $0x27100, s6;
	s25 =	sshrl.u32 s12, $0x1  }
0xa: {  	s13 =	sadd.s32 s7, s5;
	s24 =	sadd.s32 s11, s4;
	s26 =	ssub.s32 s12, s25  }
0xb: {  	s11 =	simm.s32 $0x1;
	s12 =	simm.s32 $0x80;
	s5 =	sadd.s32 $0x1380, s13  }
0xc: {  	s6 =	sadd.s32 $0xDEA00, s24;
	s7 =	smax.u32 s26, $0x1;
	s31 =	sshrl.u32 s13, $0x3  }
0xd: {  	s13 =	simm.s32 $0x880;
	s28 =	sshrl.u32 s5, $0x3;
	s5 =	sshll.u32 s5, $0x1  }
0xe: {  	s4 =	sadd.s32 s10, s28;
	s5 =	sadd.s32 s9, s5;
	s9 =	sadd.s32 s29, s9  }
0xf: {  	s8 =	sadd.s32 s30, s9;
	s9 =	sadd.s32 s31, s10;
	s10 =	sshrl.u32 @!p0 s1, $0x3  }
.LBB2_1:
0x10: {  	s17 =	simm.s32 @!p0 $0x1C01  }
0x11: {  	[spmem:s10], [sflag:s17] =	dma.local @!p0 [hbm:s3], $0x4E20  }
0x12: {  	s17 =	simm.s32 @!p0 $0x1  }
0x13: {  	_ =	swait.ge @!p0 [sflag:s17], $0x4E20  }
0x14: {  	[sflag:s17] =	ssyncset.done @!p0 $0x0  }
0x15: {  	[sflag:s17] =	ssyncadd.s32 @!p0 $0xFFFFB1E0  }
0x16: {  	s31 =	sadd.s32 $0x0, s9;
	[bflag:$0x0] =	sbarrier.arrive $0xFFFF  }
0x17: {  	[tilespmem:s2], [sflag:$0x1] =	stream.linear.gather [hbm4b:s31+s2], $0x80, $0x38;
	[tilespmem:$0x3018] =	vst v63  }
0x18: {  	_ =	swait.ge [sflag:s11], $0x80  }
0x19: {  	[sflag:s11] =	ssyncset.done $0x0  }
0x1a: {  	[sflag:s11] =	ssyncadd.s32 $0xFFFFFF80  }
0x1b: {  	[tilespmem:s12], [sflag:$0x1] =	stream.linear.gather [hbm4b:s8+s2], $0x800, $0x38;
	[tilespmem:$0x3018] =	vst v63  }
0x1c: {  	_ =	swait.ge [sflag:s11], $0x800  }
0x1d: {  	[sflag:s11] =	ssyncset.done $0x0  }
0x1e: {  	[sflag:s11] =	ssyncadd.s32 $0xFFFFF800  }
0x1f: {  	[spmem:s1] =	stream.indirect.scatter.add.f32 [tilespmem:s12], [sflag:$0x1], $0x10, s2, s12, $0xb8;
	[tilespmem:$0x3018] =	vst v63  }
0x20: {  	s18 =	simm.s32 $0x10;
	_ =	swait.ge [sflag:s11], $0x800  }
0x21: {  	s19 =	simm.s32 $0x20;
	s17 =	sadd.s32 $0x100, s8;
	[sflag:s11] =	ssyncset.done $0x0  }
.LBB2_2:
0x22: {  	s20 =	sadd.s32 s18, s9  }
0x23: {  	[sflag:s11] =	ssyncadd.s32 $0xFFFFF800;
	s18 =	smov.u32 s19;
	s21 =	sadd.s32 $0x10, s19  }
0x24: {  	[tilespmem:s2], [sflag:$0x1] =	stream.linear.gather [hbm4b:s20+s2], $0x80, $0x38;
	[tilespmem:$0x3018] =	vst v63  }
0x25: {  	p1 =	sne.s32 s19, $0x260;
	_ =	swait.ge [sflag:s11], $0x80  }
0x26: {  	[sflag:s11] =	ssyncset.done $0x0  }
0x27: {  	[sflag:s11] =	ssyncadd.s32 $0xFFFFFF80  }
0x28: {  	[tilespmem:s12], [sflag:$0x1] =	stream.linear.gather [hbm4b:s17+s2], $0x800, $0x38;
	[tilespmem:$0x3018] =	vst v63  }
0x29: {  	_ =	swait.ge [sflag:s11], $0x800  }
.Ltmp0:
0x2a: {  	[sflag:s11] =	ssyncset.done $0x0;
	(pc) =	sbr.rel @p1 .LBB2_2-.Ltmp0, $4  }
0x2b: {  	[sflag:s11] =	ssyncadd.s32 $0xFFFFF800  }
0x2c: {  	[spmem:s1] =	stream.indirect.scatter.add.f32 [tilespmem:s12], [sflag:$0x1], $0x10, s2, s12, $0xb8;
	[tilespmem:$0x3018] =	vst v63  }
0x2d: {  	_ =	swait.ge [sflag:s11], $0x800  }
0x2e: {  	s19 =	smov.u32 s21;
	s17 =	sadd.s32 $0x100, s17;
	[sflag:s11] =	ssyncset.done $0x0  }
0x2f: {  	s18 =	sadd.s32 s18, s9;
	[sflag:s11] =	ssyncadd.s32 $0xFFFFF800  }
0x30: {  	[tilespmem:s2], [sflag:$0x1] =	stream.linear.gather [hbm4b:s18+s2], $0x80, $0x38;
	[tilespmem:$0x3018] =	vst v63  }
0x31: {  	_ =	swait.ge [sflag:s11], $0x80  }
0x32: {  	[sflag:s11] =	ssyncset.done $0x0  }
0x33: {  	[sflag:s11] =	ssyncadd.s32 $0xFFFFFF80  }
0x34: {  	[tilespmem:s12], [sflag:$0x1] =	stream.linear.gather [hbm4b:s17+s2], $0x800, $0x38;
	[tilespmem:$0x3018] =	vst v63  }
0x35: {  	_ =	swait.ge [sflag:s11], $0x800  }
0x36: {  	[sflag:s11] =	ssyncset.done $0x0  }
0x37: {  	[sflag:s11] =	ssyncadd.s32 $0xFFFFF800  }
0x38: {  	[spmem:s1] =	stream.indirect.scatter.add.f32 [tilespmem:s12], [sflag:$0x1], $0x10, s2, s12, $0xb8;
	[tilespmem:$0x3018] =	vst v63  }
0x39: {  	_ =	swait.ge [sflag:s11], $0x800  }
0x3a: {  	[sflag:s11] =	ssyncset.done $0x0  }
0x3b: {  	[sflag:s11] =	ssyncadd.s32 $0xFFFFF800  }
0x3c: {  	[tilespmem:s13], [sflag:$0x1] =	stream.linear.gather [hbm4b:s4+s2], $0x8, $0x38;
	[tilespmem:$0x3018] =	vst v63  }
0x3d: {  	_ =	swait.ge [sflag:s11], $0x8  }
0x3e: {  	[sflag:s11] =	ssyncset.done $0x0  }
0x3f: {  	[sflag:s11] =	ssyncadd.s32 $0xFFFFFFF8  }
0x40: {  	[tilespmem:s14], [sflag:$0x1] =	stream.linear.gather [hbm4b:s5+s2], $0x80, $0x38;
	[tilespmem:$0x3018] =	vst v63  }
0x41: {  	_ =	swait.ge [sflag:s11], $0x80  }
0x42: {  	[sflag:s11] =	ssyncset.done $0x0  }
0x43: {  	[sflag:s11] =	ssyncadd.s32 $0xFFFFFF80  }
0x44: {  	[spmem:s1] =	stream.indirect.scatter.add.f32 [tilespmem:s14], [sflag:$0x1], $0x10, s13, s15, $0xb8;
	[tilespmem:$0x3018] =	vst v63  }
0x45: {  	_ =	swait.ge [sflag:s11], $0x80  }
0x46: {  	[sflag:s11] =	ssyncset.done $0x0  }
0x47: {  	s16 =	sadd.s32 $0x1, s16;
	[sflag:s11] =	ssyncadd.s32 $0xFFFFFF80  }
0x48: {  	p1 =	sne.s32 s16, s7;
	s17 =	simm.s32 @!p0 $0x1C01;
	[bflag:$0x0] =	sbarrier.arrive $0xFFFF  }
0x49: {  	[hbm:s6], [sflag:s17] =	dma.local @!p0 [spmem:s10], $0x4E20  }
.Ltmp1:
0x4a: {  	_ = 	snop;
	(pc) =	sbr.rel @p1 .LBB2_1-.Ltmp1, $4  }
0x4b: {  	s17 =	simm.s32 @!p0 $0x1  }
0x4c: {  	_ =	swait.ge @!p0 [sflag:s17], $0x4E20  }
0x4d: {  	[sflag:s17] =	ssyncset.done @!p0 $0x0  }
0x4e: {  	[sflag:s17] =	ssyncadd.s32 @!p0 $0xFFFFB1E0  }
0x4f: {  	_ =	sfence.sel $0x180000  }
0x50: {  	[bflag:$0x0] =	sbarrier.arrive $0xFFFF  }
0x51: {  	_ =	strace $0x9000004A  }
0x52: {  	s0 =	sadd.s32 @!p0 $0x100000, s0;
	[bflag:$0x2] =	sbarrier.arrive $0xFFFF  }
0x53: {  	[sflag:s0] =	ssyncadd.tile.s32 @!p0 $0x1;
	_ =	shalt  }
.Lfunc_end2:
_tile_overlayer_lowered:
.L_overlay_start_2:
0x54: {  	(tag) =	ssettag $0x2  }
0x55: {  	s0 =	rddreg [dreg:$0x0];
	s2 =	stileid.u32  }
0x56: {  	s1 =	rddreg [dreg:$0x1];
	p0 =	sne.s32 s2, $0x0  }
0x57: {  	s3 =	rddreg [dreg:$0x2];
	[bflag:$0x3] =	sbarrier.arrive $0xFFFF;
	s2 =	simm.s32 @!p0 $0x1C01  }
0x58: {  	[timem:s3], [sflag:s2] =	dma.local @!p0 [hbm:s0], s1  }
0x59: {  	s0 =	simm.s32 @!p0 $0x1  }
0x5a: {  	_ =	swait.ge @!p0 [sflag:s0], s1  }
0x5b: {  	s1 =	ssub.s32 @!p0 $0x0, s1;
	[sflag:s0] =	ssyncset.done @!p0 $0x0  }
0x5c: {  	[sflag:s0] =	ssyncadd.s32 @!p0 s1  }
0x5d: {  	[bflag:$0x3] =	sbarrier.arrive $0xFFFF  }
0x5e: {  	_ =	shalt  }

// kernel: kernel.35.cloned.1.call-start
scs
__scs_entry_jumppad:
0x0: {  	(pc) =	sbr.rel $0x88, $3  }
0x1: {  	(tag) =	ssettag $0x0;
	lr =	simm.s32 $0x1  }
0x2: {  	[smem:$0x3F85] =	sst lr;
	_ =	strace $0xD0000000  }
0x3: {  	_ = 	snop  }
0x4: {  	_ = 	snop  }
0x5: {  	_ = 	snop  }
0x6: {  	_ = 	snop  }
0x7: {  	_ = 	snop  }
__scs_overlays_trampoline_lowered:
0x8: {  	[smem:$0x3F94] =	sst s0  }
0x9: {  	[smem:$0x3F95] =	sst s1  }
0xa: {  	[smem:$0x3F96] =	sst s2  }
0xb: {  	[smem:$0x3F97] =	sst s3  }
0xc: {  	[smem:$0x3F98] =	sst s4  }
0xd: {  	[smem:$0x3F99] =	sst s5  }
0xe: {  	[smem:$0x3F9A] =	sst s6  }
0xf: {  	[smem:$0x3F9B] =	sst s7  }
0x10: {  	[smem:$0x3F9C] =	sst s8  }
0x11: {  	[smem:$0x3F9D] =	sst s9;
	s0 =	simm.s32 @!p0 $0x0  }
0x12: {  	s1 =	sld [smem:$0x3F83];
	s0 =	simm.s32 @p0 $0x1  }
0x13: {  	[smem:$0x3F9E] =	sst s0;
	s0 =	simm.s32 @!p1 $0x0  }
0x14: {  	s2 =	sld [smem:$0x3F82];
	s0 =	simm.s32 @p1 $0x1  }
0x15: {  	[smem:$0x3F9F] =	sst s0;
	s0 =	simm.s32 @!p2 $0x0  }
0x16: {  	s3 =	sld [smem:$0x3FDB];
	s0 =	simm.s32 @p2 $0x1  }
0x17: {  	s4 =	simm.s32 $0x1BF5;
	[smem:$0x3FA1] =	sst s0  }
0x18: {  	s0 =	sld [smem:$0x3F84];
	_ =	swait.ge [sflag:s4], $0x0  }
0x19: {  	s7 =	sld [smem:$0x3F85]  }
0x1a: {  	s8 =	sadd.s32 $0xFFFFE003, lr  }
0x1b: {  	s9 =	sadd.s32 $0xFFFFFEF7, lr;
	s5 =	simm.s32 $0xFFFFFFFF;
	p2 =	slt.u32 s8, $0xFFFFF086  }
0x1c: {  	p1 =	slt.u32 s9, $0xF7A;
	s5 =	simm.s32 @!p2 $0x0  }
0x1d: {  	s5 =	simm.s32 @p1 $0x1;
	p0 =	seq.s32 s7, s2  }
0x1e: {  	s7 =	smul.u32 @!p0 $0xF7A, s2;
	p2 =	seq.s32 @!p0 s5, $0x0  }
0x1f: {  	s9 =	smul.u32 $0xF7A, s1;
	s8 =	simm.s32 @!p0 $0x1BF5;
	p2 =	por !p2, p0  }
0x20: {  	[sflag:s8] =	ssyncset.s32 @!p0 $0xFFFFF086;
	s6 =	sadd.s32 @!p0 s3, s7;
	s7 =	simm.s32 @!p0 $0x108  }
0x21: {  	s3 =	sadd.s32 s3, s9;
	s6 =	sadd.s32 @!p0 $0x88, s6;
	s7 =	simm.s32 @p2 $0x1082  }
0x22: {  	[simem:s7], [sflag:s8] =	dma.local @!p0 [hbm:s6], $0xF7A  }
0x23: {  	s9 =	sor.u32 $0xD0000000, s2;
	s6 =	simm.s32 $0x108;
	_ =	swait.ge @!p0 [sflag:s8], $0x0  }
0x24: {  	s3 =	sadd.s32 $0x88, s3;
	s6 =	simm.s32 @!p1 $0x1082;
	[sflag:s4] =	ssyncset.s32 $0xFFFFF086  }
0x25: {  	[simem:s6], [sflag:s4] =	dma.local [hbm:s3], $0xF7A  }
0x26: {  	[smem:$0x3F85] =	sst s1;
	(tag) =	ssettag s2;
	_ =	strace s9  }
0x27: {  	s1 =	sld [smem:$0x3F95]  }
0x28: {  	s2 =	sld [smem:$0x3F96]  }
0x29: {  	s4 =	sld [smem:$0x3F98]  }
0x2a: {  	p0 =	seq.s32 s5, $0x0;
	s5 =	sld [smem:$0x3F99]  }
0x2b: {  	s6 =	sld [smem:$0x3F9A]  }
0x2c: {  	s7 =	sld [smem:$0x3F9B]  }
0x2d: {  	s3 =	simm.s32 $0x108;
	s8 =	sld [smem:$0x3F9C]  }
0x2e: {  	s3 =	simm.s32 @!p0 $0x1082;
	s9 =	sld [smem:$0x3F9D]  }
0x2f: {  	lr =	sadd.s32 s0, s3;
	s0 =	sld [smem:$0x3F94]  }
0x30: {  	s3 =	sld [smem:$0x3F97]  }
0x31: {  	[smem:$0x3FA0] =	sst s10  }
0x32: {  	s10 =	sld [smem:$0x3F9E];
	_ =	sdelay $0x3  }
0x33: {  	p0 =	seq.s32 s10, $0x1;
	s10 =	sld [smem:$0x3FA0];
	_ =	sdelay $0x3  }
0x34: {  	[smem:$0x3FA0] =	sst s10  }
0x35: {  	s10 =	sld [smem:$0x3F9F];
	_ =	sdelay $0x3  }
0x36: {  	p1 =	seq.s32 s10, $0x1;
	s10 =	sld [smem:$0x3FA0];
	_ =	sdelay $0x3  }
0x37: {  	[smem:$0x3FA0] =	sst s10  }
0x38: {  	s10 =	sld [smem:$0x3FA1]  }
0x39: {  	_ = 	snop;
	(pc) =	sbr.ind lr, $3  }
0x3a: {  	_ = 	snop  }
0x3b: {  	_ = 	snop  }
0x3c: {  	p2 =	seq.s32 s10, $0x1;
	s10 =	sld [smem:$0x3FA0]  }
0x3d: {  	_ =	shalt  }
0x3e: {  	_ =	shalt  }
0x3f: {  	_ =	shalt  }
0x40: {  	_ =	shalt  }
0x41: {  	_ =	shalt  }
0x42: {  	_ =	shalt  }
0x43: {  	_ =	shalt  }
0x44: {  	_ =	shalt  }
0x45: {  	_ =	shalt  }
0x46: {  	_ =	shalt  }
0x47: {  	_ =	shalt  }
0x48: {  	_ =	shalt  }
0x49: {  	_ =	shalt  }
0x4a: {  	_ =	shalt  }
0x4b: {  	_ =	shalt  }
0x4c: {  	_ =	shalt  }
0x4d: {  	_ =	shalt  }
0x4e: {  	_ =	shalt  }
0x4f: {  	_ =	shalt  }
0x50: {  	_ =	shalt  }
0x51: {  	_ =	shalt  }
0x52: {  	_ =	shalt  }
0x53: {  	_ =	shalt  }
0x54: {  	_ =	shalt  }
0x55: {  	_ =	shalt  }
0x56: {  	_ =	shalt  }
0x57: {  	_ =	shalt  }
0x58: {  	_ =	shalt  }
0x59: {  	_ =	shalt  }
0x5a: {  	_ =	shalt  }
0x5b: {  	_ =	shalt  }
0x5c: {  	_ =	shalt  }
0x5d: {  	_ =	shalt  }
0x5e: {  	_ =	shalt  }
0x5f: {  	_ =	shalt  }
0x60: {  	_ =	shalt  }
0x61: {  	_ =	shalt  }
0x62: {  	_ =	shalt  }
0x63: {  	_ =	shalt  }
0x64: {  	_ =	shalt  }
0x65: {  	_ =	shalt  }
0x66: {  	_ =	shalt  }
0x67: {  	_ =	shalt  }
0x68: {  	_ =	shalt  }
0x69: {  	_ =	shalt  }
0x6a: {  	_ =	shalt  }
0x6b: {  	_ =	shalt  }
0x6c: {  	_ =	shalt  }
0x6d: {  	_ =	shalt  }
0x6e: {  	_ =	shalt  }
0x6f: {  	_ =	shalt  }
0x70: {  	_ =	shalt  }
0x71: {  	_ =	shalt  }
0x72: {  	_ =	shalt  }
0x73: {  	_ =	shalt  }
0x74: {  	_ =	shalt  }
0x75: {  	_ =	shalt  }
0x76: {  	_ =	shalt  }
0x77: {  	_ =	shalt  }
0x78: {  	_ =	shalt  }
0x79: {  	_ =	shalt  }
0x7a: {  	_ =	shalt  }
0x7b: {  	_ =	shalt  }
0x7c: {  	_ =	shalt  }
0x7d: {  	_ =	shalt  }
0x7e: {  	_ =	shalt  }
0x7f: {  	_ =	shalt  }
0x80: {  	_ =	shalt  }
0x81: {  	_ =	shalt  }
0x82: {  	_ =	shalt  }
0x83: {  	_ =	shalt  }
0x84: {  	_ =	shalt  }
0x85: {  	_ =	shalt  }
0x86: {  	_ =	shalt  }
0x87: {  	_ =	shalt  }
.Lfunc_end0:
.L_simem_size_0:
called_computation.1_lowered:
.L_overlay_start_0:
0x88: {  	s2 =	sld [smem:$0x3FD9]  }
0x89: {  	s3 =	sld [smem:$0x3FFE];
	_ =	sdelay $0x1  }
0x8a: {  	s1 =	srdreg.scid  }
0x8b: {  	s0 =	sand.u32 $0x1, s1  }
0x8c: {  	s16 =	sshll.u32 s0, $0xA;
	s2 =	sadd.s32 s3, s2  }
0x8d: {  	s2 =	sadd.s32 s2, s16  }
0x8e: {  	[smem:$0x3FAC] =	sst s2  }
0x8f: {  	_ = 	snop  }
0x90: {  	(tm) =	ssettm $0x1  }
0x91: {  	s17 =	sld [smem:$0x3FFB];
	_ =	sdelay $0x3  }
0x92: {  	_ =	strace s17  }
0x93: {  	s2 =	sld [smem:$0x3FFC];
	_ =	sdelay $0x3  }
0x94: {  	_ =	strace s2  }
0x95: {  	s2 =	sld [smem:$0x3FFD];
	_ =	sdelay $0x3  }
0x96: {  	_ =	strace s2  }
0x97: {  	_ =	strace $0x8FFFFFFF  }
0x98: {  	s18 =	sld [smem:$0x3FDB];
	_ =	sdelay $0x1  }
0x99: {  	s19 =	simm.s32 $_scs_section_size  }
0x9a: {  	s4 =	simm.s32 $_size__tile_overlayer_lowered;
	s5 =	simm.s32 $_tile_overlayer_lowered  }
0x9b: {  	s22 =	simm.s32 $0x1BFF;
	s21 =	sshll.u32 s5, $0x1;
	s2 =	sadd.s32 s19, s18  }
0x9c: {  	s6 =	simm.s32 $0x0;
	s20 =	sshll.u32 s4, $0x1;
	s4 =	sadd.s32 s21, s2  }
0x9d: {  	[timem:s6], [sflag:s22] =	dma.local [hbm:s4], s20  }
0x9e: {  	_ =	swait.ge [sflag:s22], s20  }
0x9f: {  	s3 =	ssub.s32 $0x0, s20;
	[sflag:s22] =	ssyncset.done $0x0  }
0xa0: {  	[sflag:s22] =	ssyncadd.s32 s3;
	_ =	sdelay $0x1  }
0xa1: {  	s23 =	simm.s32 $0x1B8B  }
0xa2: {  	_ =	swait.ge [sflag:s23], $0x1  }
0xa3: {  	[sflag:s23] =	ssyncset.done $0x0  }
0xa4: {  	s25 =	simm.s32 $0x1B8E;
	s24 =	sld [smem:$0x3FFE];
	[sflag:s23] =	ssyncadd.s32 $0xFFFFFFFF  }
0xa5: {  	s26 =	simm.s32 $execute0_lowered;
	[smem:$0x3FD2] =	sst s25  }
0xa6: {  	s4 =	sshll.u32 s26, $0x1;
	_ =	strace $0x80000046;
	[dreg:$0x1] =	wrdreg $0xFFFFFFFF  }
0xa7: {  	s28 =	simm.s32 $_size_execute0_lowered;
	s2 =	sadd.s32 s2, s4;
	[dreg:$0x0] =	wrdreg $0x0  }
0xa8: {  	s4 =	sshll.u32 s28, $0x1;
	[dreg:$0x2] =	wrdreg s2  }
0xa9: {  	[dreg:$0x3] =	wrdreg s4  }
0xaa: {  	[dreg:$0x4] =	wrdreg $0xC0  }
0xab: {  	_ =	task [dreg:s6], $0x5FFFF  }
0xac: {  	[dreg:$0x1] =	wrdreg $0xFFFFFFFF  }
0xad: {  	[dreg:$0x0] =	wrdreg $0x60  }
0xae: {  	[dreg:$0x2] =	wrdreg s24  }
0xaf: {  	[dreg:$0x3] =	wrdreg $0xA  }
0xb0: {  	_ =	task.clear_ibuf [dreg:s6], $0x4FFFF;
	_ =	strace $0x90000046  }
0xb1: {  	s29 =	simm.s32 $0xA;
	_ =	strace $0x80000048  }
0xb2: {  	_ =	swait.ge [sflag:s29], $0x1  }
0xb3: {  	[sflag:s29] =	ssyncadd.s32 $0xFFFFFFFF  }
0xb4: {  	_ =	strace $0x90000048  }
0xb5: {  	_ =	sfence  }
0xb6: {  	s30 =	sld [smem:$0x0];
	_ =	sdelay $0x2  }
0xb7: {  	s31 =	sshll.u32 s1, $0xD;
	s1 =	sshrl.u32 s1, $0x2  }
0xb8: {  	s3 =	sand.u32 $0x4000, s31;
	s1 =	sadd.s32 s1, s30  }
0xb9: {  	s0 =	sor.u32 s3, s0;
	s1 =	sshll.u32 s1, $0x11  }
0xba: {  	s0 =	sor.u32 s1, s0  }
0xbb: {  	s0 =	sadd.s32 $0x8F2B, s0  }
0xbc: {  	[sflag:s0] =	ssyncadd.remote.s32 $0x1  }
0xbd: {  	_ =	sfence.sel $0xFFFF  }
0xbe: {  	[dreg:$0x0] =	wrdreg $0xFFFFFFFF;
	(pc) =	sbr.abs _section_cstart, $3  }
0xbf: {  	[dreg:$0x1] =	wrdreg $0xFFFFFFFF  }
0xc0: {  	_ =	task.clear_ibuf [dreg:s6], $0x2FFFF;
	_ =	strace $0x9FFFFFFF  }
0xc1: {  	(tm) =	ssettm $0x7FFFFFFF  }
tec
execute0_lowered:
.L_overlay_start_1:
0x0: {  	(tag) =	ssettag $0x1  }
0x1: {  	s4 =	rddreg [dreg:$0x0]  }
0x2: {  	s0 =	rddreg [dreg:$0x1];
	s3 =	srdreg.scid  }
0x3: {  	s1 =	stileid.u32;
	s2 =	simm.s32 $0x0;
	s14 =	simm.s32 $0x888  }
0x4: {  	s15 =	simm.s32 $0x0;
	s6 =	sand.u32 $0x1, s3;
	s28 =	sshll.u32 s1, $0x1  }
0x5: {  	[smem:$0x7FF] =	sst s2;
	s3 =	sadd.s32 $0x38600, s4;
	s10 =	smul.u32 $0x2710, s1  }
0x6: {  	s8 =	sadd.s32 $0x7400, s4;
	s7 =	sadd.s32 $0x3D600, s4;
	s12 =	smul.u32 $0x4E20, s1  }
0x7: {  	s5 =	sor.u32 s6, s28;
	s29 =	ssub.s32 $0x2, s6;
	s11 =	smul.u32 $0x1388, s6  }
0x8: {  	_ =	strace $0x80000047;
	s5 =	smul.u32 $0x1388, s5;
	s9 =	sshrl.u32 s29, $0x1  }
0x9: {  	s13 =	smul.u32 $0x2710, s6;
	s9 =	ssub.s32 s29, s9;
	s10 =	sadd.s32 s11, s10  }
0xa: {  	s11 =	simm.s32 $0x1;
	s5 =	sadd.s32 $0x1380, s5;
	s6 =	smax.u32 s9, $0x1  }
0xb: {  	s31 =	sshrl.u32 s10, $0x3;
	s9 =	simm.s32 $0x2;
	s30 =	sshrl.u32 s5, $0x3  }
0xc: {  	s10 =	simm.s32 $0x80;
	s5 =	sshll.u32 s5, $0x1;
	s4 =	sadd.s32 s8, s30  }
0xd: {  	s5 =	sadd.s32 s7, s5;
	s7 =	sadd.s32 s12, s7;
	s8 =	sadd.s32 s31, s8  }
0xe: {  	s12 =	simm.s32 $0x880;
	s7 =	sadd.s32 s13, s7;
	s13 =	simm.s32 $0x8  }
.LBB2_1:
0xf: {  	s16 =	sadd.s32 $0x0, s8  }
0x10: {  	[tilespmem:s2], [sflag:$0x2] =	stream.linear.gather [hbm4b:s16+s2], $0x80, $0x38;
	[tilespmem:$0x908] =	vst v63  }
0x11: {  	_ =	swait.ge [sflag:s9], $0x80  }
0x12: {  	[sflag:s9] =	ssyncset.done $0x0  }
0x13: {  	[sflag:s9] =	ssyncadd.s32 $0xFFFFFF80  }
0x14: {  	[tilespmem:s10], [sflag:$0x1] =	stream.indirect.gather [hbm4b:s3+s10], $0x10, s2, s10, $0xb8;
	[tilespmem:$0x908] =	vst v63  }
0x15: {  	_ =	swait.ge [sflag:s11], $0x800  }
0x16: {  	[sflag:s11] =	ssyncset.done $0x0  }
0x17: {  	[sflag:s11] =	ssyncadd.s32 $0xFFFFF800  }
0x18: {  	[hbm4b:s7+s2] =	stream.linear.scatter [tilespmem:s10], [sflag:$0x2], $0x800, $0x38;
	[tilespmem:$0x908] =	vst v63  }
0x19: {  	s17 =	simm.s32 $0x10;
	_ =	swait.ge [sflag:s9], $0x800  }
0x1a: {  	s18 =	simm.s32 $0x20;
	s16 =	sadd.s32 $0x100, s7;
	[sflag:s9] =	ssyncset.done $0x0  }
.LBB2_2:
0x1b: {  	s19 =	sadd.s32 s17, s8  }
0x1c: {  	[sflag:s9] =	ssyncadd.s32 $0xFFFFF800;
	s17 =	smov.u32 s18;
	s20 =	sadd.s32 $0x10, s18  }
0x1d: {  	[tilespmem:s2], [sflag:$0x2] =	stream.linear.gather [hbm4b:s19+s2], $0x80, $0x38;
	[tilespmem:$0x908] =	vst v63  }
0x1e: {  	p0 =	sne.s32 s18, $0x260;
	_ =	swait.ge [sflag:s9], $0x80  }
0x1f: {  	[sflag:s9] =	ssyncset.done $0x0  }
0x20: {  	[sflag:s9] =	ssyncadd.s32 $0xFFFFFF80  }
0x21: {  	[tilespmem:s10], [sflag:$0x1] =	stream.indirect.gather [hbm4b:s3+s10], $0x10, s2, s10, $0xb8;
	[tilespmem:$0x908] =	vst v63  }
0x22: {  	_ =	swait.ge [sflag:s11], $0x800  }
.Ltmp0:
0x23: {  	[sflag:s11] =	ssyncset.done $0x0;
	(pc) =	sbr.rel @p0 .LBB2_2-.Ltmp0, $4  }
0x24: {  	[sflag:s11] =	ssyncadd.s32 $0xFFFFF800  }
0x25: {  	[hbm4b:s16+s2] =	stream.linear.scatter [tilespmem:s10], [sflag:$0x2], $0x800, $0x38;
	[tilespmem:$0x908] =	vst v63  }
0x26: {  	_ =	swait.ge [sflag:s9], $0x800  }
0x27: {  	s18 =	smov.u32 s20;
	s16 =	sadd.s32 $0x100, s16;
	[sflag:s9] =	ssyncset.done $0x0  }
0x28: {  	s17 =	sadd.s32 s17, s8;
	[sflag:s9] =	ssyncadd.s32 $0xFFFFF800  }
0x29: {  	[tilespmem:s2], [sflag:$0x2] =	stream.linear.gather [hbm4b:s17+s2], $0x80, $0x38;
	[tilespmem:$0x908] =	vst v63  }
0x2a: {  	_ =	swait.ge [sflag:s9], $0x80  }
0x2b: {  	[sflag:s9] =	ssyncset.done $0x0  }
0x2c: {  	[sflag:s9] =	ssyncadd.s32 $0xFFFFFF80  }
0x2d: {  	[tilespmem:s10], [sflag:$0x1] =	stream.indirect.gather [hbm4b:s3+s10], $0x10, s2, s10, $0xb8;
	[tilespmem:$0x908] =	vst v63  }
0x2e: {  	_ =	swait.ge [sflag:s11], $0x800  }
0x2f: {  	[sflag:s11] =	ssyncset.done $0x0  }
0x30: {  	[sflag:s11] =	ssyncadd.s32 $0xFFFFF800  }
0x31: {  	[hbm4b:s16+s2] =	stream.linear.scatter [tilespmem:s10], [sflag:$0x2], $0x800, $0x38;
	[tilespmem:$0x908] =	vst v63  }
0x32: {  	_ =	swait.ge [sflag:s9], $0x800  }
0x33: {  	[sflag:s9] =	ssyncset.done $0x0  }
0x34: {  	[sflag:s9] =	ssyncadd.s32 $0xFFFFF800  }
0x35: {  	[tilespmem:s12], [sflag:$0x2] =	stream.linear.gather [hbm4b:s4+s2], $0x8, $0x38;
	[tilespmem:$0x908] =	vst v63  }
0x36: {  	_ =	swait.ge [sflag:s9], $0x8  }
0x37: {  	[sflag:s9] =	ssyncset.done $0x0  }
0x38: {  	[sflag:s9] =	ssyncadd.s32 $0xFFFFFFF8  }
0x39: {  	[tilespmem:s14], [sflag:$0x1] =	stream.indirect.gather [hbm4b:s3+s13], $0x10, s12, s13, $0xb8;
	[tilespmem:$0x908] =	vst v63  }
0x3a: {  	s15 =	sadd.s32 $0x1, s15;
	_ =	swait.ge [sflag:s11], $0x80  }
0x3b: {  	p0 =	sne.s32 s15, s6;
	[sflag:s11] =	ssyncset.done $0x0  }
.Ltmp1:
0x3c: {  	[sflag:s11] =	ssyncadd.s32 $0xFFFFFF80;
	(pc) =	sbr.rel @p0 .LBB2_1-.Ltmp1, $4  }
0x3d: {  	[hbm4b:s5+s2] =	stream.linear.scatter [tilespmem:s14], [sflag:$0x2], $0x80, $0x38;
	[tilespmem:$0x908] =	vst v63  }
0x3e: {  	_ =	swait.ge [sflag:s9], $0x80  }
0x3f: {  	[sflag:s9] =	ssyncset.done $0x0  }
0x40: {  	[sflag:s9] =	ssyncadd.s32 $0xFFFFFF80  }
0x41: {  	_ =	sfence.sel $0x180000  }
0x42: {  	[bflag:$0x0] =	sbarrier.arrive $0xFFFF  }
0x43: {  	p0 =	sne.s32 s1, $0x0;
	_ =	strace $0x90000047  }
0x44: {  	s0 =	sadd.s32 @!p0 $0x100000, s0;
	[bflag:$0x2] =	sbarrier.arrive $0xFFFF  }
0x45: {  	[sflag:s0] =	ssyncadd.tile.s32 @!p0 $0x1;
	_ =	shalt  }
.Lfunc_end2:
_tile_overlayer_lowered:
.L_overlay_start_2:
0x46: {  	(tag) =	ssettag $0x2  }
0x47: {  	s0 =	rddreg [dreg:$0x0];
	s2 =	stileid.u32  }
0x48: {  	s1 =	rddreg [dreg:$0x1];
	p0 =	sne.s32 s2, $0x0  }
0x49: {  	s3 =	rddreg [dreg:$0x2];
	[bflag:$0x3] =	sbarrier.arrive $0xFFFF;
	s2 =	simm.s32 @!p0 $0x1C02  }
0x4a: {  	[timem:s3], [sflag:s2] =	dma.local @!p0 [hbm:s0], s1  }
0x4b: {  	s0 =	simm.s32 @!p0 $0x2  }
0x4c: {  	_ =	swait.ge @!p0 [sflag:s0], s1  }
0x4d: {  	s1 =	ssub.s32 @!p0 $0x0, s1;
	[sflag:s0] =	ssyncset.done @!p0 $0x0  }
0x4e: {  	[sflag:s0] =	ssyncadd.s32 @!p0 s1  }
0x4f: {  	[bflag:$0x3] =	sbarrier.arrive $0xFFFF  }
0x50: {  	_ =	shalt  }

// kernel: kernel.38.cloned.1.call-start
scs
__scs_entry_jumppad:
0x0: {  	(pc) =	sbr.rel $0x88, $3  }
0x1: {  	(tag) =	ssettag $0x0;
	lr =	simm.s32 $0x1  }
0x2: {  	[smem:$0x3F85] =	sst lr;
	_ =	strace $0xD0000000  }
0x3: {  	_ = 	snop  }
0x4: {  	_ = 	snop  }
0x5: {  	_ = 	snop  }
0x6: {  	_ = 	snop  }
0x7: {  	_ = 	snop  }
__scs_overlays_trampoline_lowered:
0x8: {  	[smem:$0x3F94] =	sst s0  }
0x9: {  	[smem:$0x3F95] =	sst s1  }
0xa: {  	[smem:$0x3F96] =	sst s2  }
0xb: {  	[smem:$0x3F97] =	sst s3  }
0xc: {  	[smem:$0x3F98] =	sst s4  }
0xd: {  	[smem:$0x3F99] =	sst s5  }
0xe: {  	[smem:$0x3F9A] =	sst s6  }
0xf: {  	[smem:$0x3F9B] =	sst s7  }
0x10: {  	[smem:$0x3F9C] =	sst s8  }
0x11: {  	[smem:$0x3F9D] =	sst s9;
	s0 =	simm.s32 @!p0 $0x0  }
0x12: {  	s1 =	sld [smem:$0x3F83];
	s0 =	simm.s32 @p0 $0x1  }
0x13: {  	[smem:$0x3F9E] =	sst s0;
	s0 =	simm.s32 @!p1 $0x0  }
0x14: {  	s2 =	sld [smem:$0x3F82];
	s0 =	simm.s32 @p1 $0x1  }
0x15: {  	[smem:$0x3F9F] =	sst s0;
	s0 =	simm.s32 @!p2 $0x0  }
0x16: {  	s3 =	sld [smem:$0x3FDB];
	s0 =	simm.s32 @p2 $0x1  }
0x17: {  	s4 =	simm.s32 $0x1BF5;
	[smem:$0x3FA1] =	sst s0  }
0x18: {  	s0 =	sld [smem:$0x3F84];
	_ =	swait.ge [sflag:s4], $0x0  }
0x19: {  	s7 =	sld [smem:$0x3F85]  }
0x1a: {  	s8 =	sadd.s32 $0xFFFFE003, lr  }
0x1b: {  	s9 =	sadd.s32 $0xFFFFFEF7, lr;
	s5 =	simm.s32 $0xFFFFFFFF;
	p2 =	slt.u32 s8, $0xFFFFF086  }
0x1c: {  	p1 =	slt.u32 s9, $0xF7A;
	s5 =	simm.s32 @!p2 $0x0  }
0x1d: {  	s5 =	simm.s32 @p1 $0x1;
	p0 =	seq.s32 s7, s2  }
0x1e: {  	s7 =	smul.u32 @!p0 $0xF7A, s2;
	p2 =	seq.s32 @!p0 s5, $0x0  }
0x1f: {  	s9 =	smul.u32 $0xF7A, s1;
	s8 =	simm.s32 @!p0 $0x1BF5;
	p2 =	por !p2, p0  }
0x20: {  	[sflag:s8] =	ssyncset.s32 @!p0 $0xFFFFF086;
	s6 =	sadd.s32 @!p0 s3, s7;
	s7 =	simm.s32 @!p0 $0x108  }
0x21: {  	s3 =	sadd.s32 s3, s9;
	s6 =	sadd.s32 @!p0 $0x88, s6;
	s7 =	simm.s32 @p2 $0x1082  }
0x22: {  	[simem:s7], [sflag:s8] =	dma.local @!p0 [hbm:s6], $0xF7A  }
0x23: {  	s9 =	sor.u32 $0xD0000000, s2;
	s6 =	simm.s32 $0x108;
	_ =	swait.ge @!p0 [sflag:s8], $0x0  }
0x24: {  	s3 =	sadd.s32 $0x88, s3;
	s6 =	simm.s32 @!p1 $0x1082;
	[sflag:s4] =	ssyncset.s32 $0xFFFFF086  }
0x25: {  	[simem:s6], [sflag:s4] =	dma.local [hbm:s3], $0xF7A  }
0x26: {  	[smem:$0x3F85] =	sst s1;
	(tag) =	ssettag s2;
	_ =	strace s9  }
0x27: {  	s1 =	sld [smem:$0x3F95]  }
0x28: {  	s2 =	sld [smem:$0x3F96]  }
0x29: {  	s4 =	sld [smem:$0x3F98]  }
0x2a: {  	p0 =	seq.s32 s5, $0x0;
	s5 =	sld [smem:$0x3F99]  }
0x2b: {  	s6 =	sld [smem:$0x3F9A]  }
0x2c: {  	s7 =	sld [smem:$0x3F9B]  }
0x2d: {  	s3 =	simm.s32 $0x108;
	s8 =	sld [smem:$0x3F9C]  }
0x2e: {  	s3 =	simm.s32 @!p0 $0x1082;
	s9 =	sld [smem:$0x3F9D]  }
0x2f: {  	lr =	sadd.s32 s0, s3;
	s0 =	sld [smem:$0x3F94]  }
0x30: {  	s3 =	sld [smem:$0x3F97]  }
0x31: {  	[smem:$0x3FA0] =	sst s10  }
0x32: {  	s10 =	sld [smem:$0x3F9E];
	_ =	sdelay $0x3  }
0x33: {  	p0 =	seq.s32 s10, $0x1;
	s10 =	sld [smem:$0x3FA0];
	_ =	sdelay $0x3  }
0x34: {  	[smem:$0x3FA0] =	sst s10  }
0x35: {  	s10 =	sld [smem:$0x3F9F];
	_ =	sdelay $0x3  }
0x36: {  	p1 =	seq.s32 s10, $0x1;
	s10 =	sld [smem:$0x3FA0];
	_ =	sdelay $0x3  }
0x37: {  	[smem:$0x3FA0] =	sst s10  }
0x38: {  	s10 =	sld [smem:$0x3FA1]  }
0x39: {  	_ = 	snop;
	(pc) =	sbr.ind lr, $3  }
0x3a: {  	_ = 	snop  }
0x3b: {  	_ = 	snop  }
0x3c: {  	p2 =	seq.s32 s10, $0x1;
	s10 =	sld [smem:$0x3FA0]  }
0x3d: {  	_ =	shalt  }
0x3e: {  	_ =	shalt  }
0x3f: {  	_ =	shalt  }
0x40: {  	_ =	shalt  }
0x41: {  	_ =	shalt  }
0x42: {  	_ =	shalt  }
0x43: {  	_ =	shalt  }
0x44: {  	_ =	shalt  }
0x45: {  	_ =	shalt  }
0x46: {  	_ =	shalt  }
0x47: {  	_ =	shalt  }
0x48: {  	_ =	shalt  }
0x49: {  	_ =	shalt  }
0x4a: {  	_ =	shalt  }
0x4b: {  	_ =	shalt  }
0x4c: {  	_ =	shalt  }
0x4d: {  	_ =	shalt  }
0x4e: {  	_ =	shalt  }
0x4f: {  	_ =	shalt  }
0x50: {  	_ =	shalt  }
0x51: {  	_ =	shalt  }
0x52: {  	_ =	shalt  }
0x53: {  	_ =	shalt  }
0x54: {  	_ =	shalt  }
0x55: {  	_ =	shalt  }
0x56: {  	_ =	shalt  }
0x57: {  	_ =	shalt  }
0x58: {  	_ =	shalt  }
0x59: {  	_ =	shalt  }
0x5a: {  	_ =	shalt  }
0x5b: {  	_ =	shalt  }
0x5c: {  	_ =	shalt  }
0x5d: {  	_ =	shalt  }
0x5e: {  	_ =	shalt  }
0x5f: {  	_ =	shalt  }
0x60: {  	_ =	shalt  }
0x61: {  	_ =	shalt  }
0x62: {  	_ =	shalt  }
0x63: {  	_ =	shalt  }
0x64: {  	_ =	shalt  }
0x65: {  	_ =	shalt  }
0x66: {  	_ =	shalt  }
0x67: {  	_ =	shalt  }
0x68: {  	_ =	shalt  }
0x69: {  	_ =	shalt  }
0x6a: {  	_ =	shalt  }
0x6b: {  	_ =	shalt  }
0x6c: {  	_ =	shalt  }
0x6d: {  	_ =	shalt  }
0x6e: {  	_ =	shalt  }
0x6f: {  	_ =	shalt  }
0x70: {  	_ =	shalt  }
0x71: {  	_ =	shalt  }
0x72: {  	_ =	shalt  }
0x73: {  	_ =	shalt  }
0x74: {  	_ =	shalt  }
0x75: {  	_ =	shalt  }
0x76: {  	_ =	shalt  }
0x77: {  	_ =	shalt  }
0x78: {  	_ =	shalt  }
0x79: {  	_ =	shalt  }
0x7a: {  	_ =	shalt  }
0x7b: {  	_ =	shalt  }
0x7c: {  	_ =	shalt  }
0x7d: {  	_ =	shalt  }
0x7e: {  	_ =	shalt  }
0x7f: {  	_ =	shalt  }
0x80: {  	_ =	shalt  }
0x81: {  	_ =	shalt  }
0x82: {  	_ =	shalt  }
0x83: {  	_ =	shalt  }
0x84: {  	_ =	shalt  }
0x85: {  	_ =	shalt  }
0x86: {  	_ =	shalt  }
0x87: {  	_ =	shalt  }
.Lfunc_end0:
.L_simem_size_0:
called_computation.2_lowered:
.L_overlay_start_0:
0x88: {  	s2 =	sld [smem:$0x3FD9]  }
0x89: {  	s3 =	sld [smem:$0x3FFE];
	_ =	sdelay $0x1  }
0x8a: {  	s1 =	srdreg.scid  }
0x8b: {  	s0 =	sand.u32 $0x1, s1  }
0x8c: {  	s17 =	sshll.u32 s0, $0xA;
	s2 =	sadd.s32 s3, s2  }
0x8d: {  	s2 =	sadd.s32 s2, s17  }
0x8e: {  	[smem:$0x3FAC] =	sst s2  }
0x8f: {  	_ = 	snop  }
0x90: {  	(tm) =	ssettm $0x1  }
0x91: {  	s18 =	sld [smem:$0x3FFB];
	_ =	sdelay $0x3  }
0x92: {  	_ =	strace s18  }
0x93: {  	s2 =	sld [smem:$0x3FFC];
	_ =	sdelay $0x3  }
0x94: {  	_ =	strace s2  }
0x95: {  	s2 =	sld [smem:$0x3FFD];
	_ =	sdelay $0x3  }
0x96: {  	_ =	strace s2  }
0x97: {  	_ =	strace $0x8FFFFFFF  }
0x98: {  	s19 =	sld [smem:$0x3FDB];
	_ =	sdelay $0x1  }
0x99: {  	s20 =	simm.s32 $_scs_section_size  }
0x9a: {  	s4 =	simm.s32 $_size__tile_overlayer_lowered;
	s5 =	simm.s32 $_tile_overlayer_lowered  }
0x9b: {  	s6 =	simm.s32 $0x1BFF;
	s21 =	sshll.u32 s5, $0x1;
	s3 =	sadd.s32 s20, s19  }
0x9c: {  	s22 =	simm.s32 $0x0;
	s4 =	sshll.u32 s4, $0x1;
	s5 =	sadd.s32 s21, s3  }
0x9d: {  	[timem:s22], [sflag:s6] =	dma.local [hbm:s5], s4  }
0x9e: {  	_ =	swait.ge [sflag:s6], s4  }
0x9f: {  	s4 =	ssub.s32 $0x0, s4;
	[sflag:s6] =	ssyncset.done $0x0  }
0xa0: {  	[sflag:s6] =	ssyncadd.s32 s4;
	_ =	sdelay $0x1  }
0xa1: {  	s23 =	simm.s32 $0x1B8B  }
0xa2: {  	_ =	swait.ge [sflag:s23], $0x1  }
0xa3: {  	[sflag:s23] =	ssyncset.done $0x0  }
0xa4: {  	[sflag:s23] =	ssyncadd.s32 $0xFFFFFFFF  }
0xa5: {  	s4 =	sld [smem:$0x0]  }
0xa6: {  	s5 =	sand.u32 $0xFFFFFFFE, s1  }
0xa7: {  	p0 =	sne.s32 s1, s5  }
0xa8: {  	s5 =	sshll.u32 @p0 s5, $0xE  }
0xa9: {  	s5 =	sadd.s32 @p0 $0x11B8D, s5;
	s6 =	sshll.u32 @p0 s4, $0x11  }
0xaa: {  	s5 =	sor.u32 @p0 s6, s5  }
0xab: {  	[sflag:s5] =	ssyncadd.remote.s32 @p0 $0x1;
	_ =	sdelay $0x1  }
0xac: {  	s5 =	simm.s32 @p0 $0x1B8D  }
0xad: {  	_ =	swait.eq @p0 [sflag:s5], $0x1  }
0xae: {  	[sflag:s5] =	ssyncadd.s32 @p0 $0xFFFFFFFF  }
0xaf: {  	s6 =	sshll.u32 @!p0 s1, $0xE  }
0xb0: {  	s6 =	sor.u32 @!p0 $0x4000, s6;
	s5 =	simm.s32 @!p0 $0x1B8D  }
0xb1: {  	s4 =	sshll.u32 @!p0 s4, $0x11;
	s6 =	sadd.s32 @!p0 $0x11B8D, s6;
	_ =	swait.eq @!p0 [sflag:s5], $0x1  }
0xb2: {  	s4 =	sor.u32 @!p0 s4, s6;
	[sflag:s5] =	ssyncadd.s32 @!p0 $0xFFFFFFFF  }
0xb3: {  	s25 =	simm.s32 $0x1B8E;
	s24 =	sld [smem:$0x3FFE];
	[sflag:s4] =	ssyncadd.remote.s32 @!p0 $0x1  }
0xb4: {  	s26 =	simm.s32 $execute0_lowered;
	[smem:$0x3FD2] =	sst s25  }
0xb5: {  	s5 =	sshll.u32 s26, $0x1;
	_ =	strace $0x8000004C;
	[dreg:$0x1] =	wrdreg $0xFFFFFFFF  }
0xb6: {  	s28 =	simm.s32 $_size_execute0_lowered;
	s3 =	sadd.s32 s3, s5;
	[dreg:$0x0] =	wrdreg $0x0  }
0xb7: {  	s5 =	sshll.u32 s28, $0x1;
	[dreg:$0x2] =	wrdreg s3  }
0xb8: {  	[dreg:$0x3] =	wrdreg s5  }
0xb9: {  	[dreg:$0x4] =	wrdreg $0xC0  }
0xba: {  	_ =	task [dreg:s22], $0x5FFFF  }
0xbb: {  	[dreg:$0x1] =	wrdreg $0xFFFFFFFF  }
0xbc: {  	[dreg:$0x0] =	wrdreg $0x60  }
0xbd: {  	[dreg:$0x2] =	wrdreg s24  }
0xbe: {  	[dreg:$0x3] =	wrdreg $0x9080  }
0xbf: {  	[dreg:$0x4] =	wrdreg $0xA  }
0xc0: {  	_ =	task.clear_ibuf [dreg:s22], $0x5FFFF;
	_ =	strace $0x9000004C  }
0xc1: {  	s29 =	simm.s32 $0xA;
	_ =	strace $0x8000004E  }
0xc2: {  	_ =	swait.ge [sflag:s29], $0x1  }
0xc3: {  	[sflag:s29] =	ssyncadd.s32 $0xFFFFFFFF  }
0xc4: {  	_ =	strace $0x9000004E  }
0xc5: {  	_ =	sfence  }
0xc6: {  	s30 =	sld [smem:$0x0];
	_ =	sdelay $0x2  }
0xc7: {  	s31 =	sshll.u32 s1, $0xD;
	s1 =	sshrl.u32 s1, $0x2  }
0xc8: {  	s4 =	sand.u32 $0x4000, s31;
	s1 =	sadd.s32 s1, s30  }
0xc9: {  	s0 =	sor.u32 s4, s0;
	s1 =	sshll.u32 s1, $0x11  }
0xca: {  	s0 =	sor.u32 s1, s0  }
0xcb: {  	s0 =	sadd.s32 $0x8F2B, s0  }
0xcc: {  	[sflag:s0] =	ssyncadd.remote.s32 $0x1  }
0xcd: {  	_ =	sfence.sel $0xFFFF  }
0xce: {  	[dreg:$0x0] =	wrdreg $0xFFFFFFFF;
	(pc) =	sbr.abs _section_cstart, $3  }
0xcf: {  	[dreg:$0x1] =	wrdreg $0xFFFFFFFF  }
0xd0: {  	_ =	task.clear_ibuf [dreg:s22], $0x2FFFF;
	_ =	strace $0x9FFFFFFF  }
0xd1: {  	(tm) =	ssettm $0x7FFFFFFF  }
tec
execute0_lowered:
.L_overlay_start_1:
0x0: {  	(tag) =	ssettag $0x1  }
0x1: {  	s4 =	rddreg [dreg:$0x0]  }
0x2: {  	s1 =	rddreg [dreg:$0x1]  }
0x3: {  	s0 =	rddreg [dreg:$0x2];
	s2 =	simm.s32 $0x0;
	s3 =	srdreg.scid  }
0x4: {  	s8 =	stileid.u32;
	s14 =	simm.s32 $0x888;
	s15 =	simm.s32 $0x8  }
0x5: {  	s16 =	simm.s32 $0x0;
	[smem:$0x7FF] =	sst s2;
	s7 =	smul.u32 $0x1388, s8  }
0x6: {  	s6 =	sand.u32 $0x1, s3;
	s9 =	sadd.s32 $0x38600, s4;
	s30 =	smul.u32 $0x2710, s8  }
0x7: {  	s10 =	sadd.s32 $0xC400, s4;
	s3 =	sadd.s32 $0x8B800, s4;
	s5 =	smul.u32 $0x13880, s6  }
0x8: {  	p0 =	sne.s32 s8, $0x0;
	s11 =	smul.u32 $0x4E20, s6;
	s12 =	ssub.s32 $0x2, s6  }
0x9: {  	_ =	strace $0x8000004D;
	s29 =	smul.u32 $0x27100, s6;
	s25 =	sshrl.u32 s12, $0x1  }
0xa: {  	s13 =	sadd.s32 s7, s5;
	s24 =	sadd.s32 s11, s4;
	s26 =	ssub.s32 s12, s25  }
0xb: {  	s11 =	simm.s32 $0x1;
	s12 =	simm.s32 $0x80;
	s5 =	sadd.s32 $0x1380, s13  }
0xc: {  	s6 =	sadd.s32 $0xE8800, s24;
	s7 =	smax.u32 s26, $0x1;
	s31 =	sshrl.u32 s13, $0x3  }
0xd: {  	s13 =	simm.s32 $0x880;
	s28 =	sshrl.u32 s5, $0x3;
	s5 =	sshll.u32 s5, $0x1  }
0xe: {  	s4 =	sadd.s32 s10, s28;
	s5 =	sadd.s32 s9, s5;
	s9 =	sadd.s32 s29, s9  }
0xf: {  	s8 =	sadd.s32 s30, s9;
	s9 =	sadd.s32 s31, s10;
	s10 =	sshrl.u32 @!p0 s1, $0x3  }
.LBB2_1:
0x10: {  	s17 =	simm.s32 @!p0 $0x1C01  }
0x11: {  	[spmem:s10], [sflag:s17] =	dma.local @!p0 [hbm:s3], $0x4E20  }
0x12: {  	s17 =	simm.s32 @!p0 $0x1  }
0x13: {  	_ =	swait.ge @!p0 [sflag:s17], $0x4E20  }
0x14: {  	[sflag:s17] =	ssyncset.done @!p0 $0x0  }
0x15: {  	[sflag:s17] =	ssyncadd.s32 @!p0 $0xFFFFB1E0  }
0x16: {  	s31 =	sadd.s32 $0x0, s9;
	[bflag:$0x0] =	sbarrier.arrive $0xFFFF  }
0x17: {  	[tilespmem:s2], [sflag:$0x1] =	stream.linear.gather [hbm4b:s31+s2], $0x80, $0x38;
	[tilespmem:$0x3018] =	vst v63  }
0x18: {  	_ =	swait.ge [sflag:s11], $0x80  }
0x19: {  	[sflag:s11] =	ssyncset.done $0x0  }
0x1a: {  	[sflag:s11] =	ssyncadd.s32 $0xFFFFFF80  }
0x1b: {  	[tilespmem:s12], [sflag:$0x1] =	stream.linear.gather [hbm4b:s8+s2], $0x800, $0x38;
	[tilespmem:$0x3018] =	vst v63  }
0x1c: {  	_ =	swait.ge [sflag:s11], $0x800  }
0x1d: {  	[sflag:s11] =	ssyncset.done $0x0  }
0x1e: {  	[sflag:s11] =	ssyncadd.s32 $0xFFFFF800  }
0x1f: {  	[spmem:s1] =	stream.indirect.scatter.add.f32 [tilespmem:s12], [sflag:$0x1], $0x10, s2, s12, $0xb8;
	[tilespmem:$0x3018] =	vst v63  }
0x20: {  	s18 =	simm.s32 $0x10;
	_ =	swait.ge [sflag:s11], $0x800  }
0x21: {  	s19 =	simm.s32 $0x20;
	s17 =	sadd.s32 $0x100, s8;
	[sflag:s11] =	ssyncset.done $0x0  }
.LBB2_2:
0x22: {  	s20 =	sadd.s32 s18, s9  }
0x23: {  	[sflag:s11] =	ssyncadd.s32 $0xFFFFF800;
	s18 =	smov.u32 s19;
	s21 =	sadd.s32 $0x10, s19  }
0x24: {  	[tilespmem:s2], [sflag:$0x1] =	stream.linear.gather [hbm4b:s20+s2], $0x80, $0x38;
	[tilespmem:$0x3018] =	vst v63  }
0x25: {  	p1 =	sne.s32 s19, $0x260;
	_ =	swait.ge [sflag:s11], $0x80  }
0x26: {  	[sflag:s11] =	ssyncset.done $0x0  }
0x27: {  	[sflag:s11] =	ssyncadd.s32 $0xFFFFFF80  }
0x28: {  	[tilespmem:s12], [sflag:$0x1] =	stream.linear.gather [hbm4b:s17+s2], $0x800, $0x38;
	[tilespmem:$0x3018] =	vst v63  }
0x29: {  	_ =	swait.ge [sflag:s11], $0x800  }
.Ltmp0:
0x2a: {  	[sflag:s11] =	ssyncset.done $0x0;
	(pc) =	sbr.rel @p1 .LBB2_2-.Ltmp0, $4  }
0x2b: {  	[sflag:s11] =	ssyncadd.s32 $0xFFFFF800  }
0x2c: {  	[spmem:s1] =	stream.indirect.scatter.add.f32 [tilespmem:s12], [sflag:$0x1], $0x10, s2, s12, $0xb8;
	[tilespmem:$0x3018] =	vst v63  }
0x2d: {  	_ =	swait.ge [sflag:s11], $0x800  }
0x2e: {  	s19 =	smov.u32 s21;
	s17 =	sadd.s32 $0x100, s17;
	[sflag:s11] =	ssyncset.done $0x0  }
0x2f: {  	s18 =	sadd.s32 s18, s9;
	[sflag:s11] =	ssyncadd.s32 $0xFFFFF800  }
0x30: {  	[tilespmem:s2], [sflag:$0x1] =	stream.linear.gather [hbm4b:s18+s2], $0x80, $0x38;
	[tilespmem:$0x3018] =	vst v63  }
0x31: {  	_ =	swait.ge [sflag:s11], $0x80  }
0x32: {  	[sflag:s11] =	ssyncset.done $0x0  }
0x33: {  	[sflag:s11] =	ssyncadd.s32 $0xFFFFFF80  }
0x34: {  	[tilespmem:s12], [sflag:$0x1] =	stream.linear.gather [hbm4b:s17+s2], $0x800, $0x38;
	[tilespmem:$0x3018] =	vst v63  }
0x35: {  	_ =	swait.ge [sflag:s11], $0x800  }
0x36: {  	[sflag:s11] =	ssyncset.done $0x0  }
0x37: {  	[sflag:s11] =	ssyncadd.s32 $0xFFFFF800  }
0x38: {  	[spmem:s1] =	stream.indirect.scatter.add.f32 [tilespmem:s12], [sflag:$0x1], $0x10, s2, s12, $0xb8;
	[tilespmem:$0x3018] =	vst v63  }
0x39: {  	_ =	swait.ge [sflag:s11], $0x800  }
0x3a: {  	[sflag:s11] =	ssyncset.done $0x0  }
0x3b: {  	[sflag:s11] =	ssyncadd.s32 $0xFFFFF800  }
0x3c: {  	[tilespmem:s13], [sflag:$0x1] =	stream.linear.gather [hbm4b:s4+s2], $0x8, $0x38;
	[tilespmem:$0x3018] =	vst v63  }
0x3d: {  	_ =	swait.ge [sflag:s11], $0x8  }
0x3e: {  	[sflag:s11] =	ssyncset.done $0x0  }
0x3f: {  	[sflag:s11] =	ssyncadd.s32 $0xFFFFFFF8  }
0x40: {  	[tilespmem:s14], [sflag:$0x1] =	stream.linear.gather [hbm4b:s5+s2], $0x80, $0x38;
	[tilespmem:$0x3018] =	vst v63  }
0x41: {  	_ =	swait.ge [sflag:s11], $0x80  }
0x42: {  	[sflag:s11] =	ssyncset.done $0x0  }
0x43: {  	[sflag:s11] =	ssyncadd.s32 $0xFFFFFF80  }
0x44: {  	[spmem:s1] =	stream.indirect.scatter.add.f32 [tilespmem:s14], [sflag:$0x1], $0x10, s13, s15, $0xb8;
	[tilespmem:$0x3018] =	vst v63  }
0x45: {  	_ =	swait.ge [sflag:s11], $0x80  }
0x46: {  	[sflag:s11] =	ssyncset.done $0x0  }
0x47: {  	s16 =	sadd.s32 $0x1, s16;
	[sflag:s11] =	ssyncadd.s32 $0xFFFFFF80  }
0x48: {  	p1 =	sne.s32 s16, s7;
	s17 =	simm.s32 @!p0 $0x1C01;
	[bflag:$0x0] =	sbarrier.arrive $0xFFFF  }
0x49: {  	[hbm:s6], [sflag:s17] =	dma.local @!p0 [spmem:s10], $0x4E20  }
.Ltmp1:
0x4a: {  	_ = 	snop;
	(pc) =	sbr.rel @p1 .LBB2_1-.Ltmp1, $4  }
0x4b: {  	s17 =	simm.s32 @!p0 $0x1  }
0x4c: {  	_ =	swait.ge @!p0 [sflag:s17], $0x4E20  }
0x4d: {  	[sflag:s17] =	ssyncset.done @!p0 $0x0  }
0x4e: {  	[sflag:s17] =	ssyncadd.s32 @!p0 $0xFFFFB1E0  }
0x4f: {  	_ =	sfence.sel $0x180000  }
0x50: {  	[bflag:$0x0] =	sbarrier.arrive $0xFFFF  }
0x51: {  	_ =	strace $0x9000004D  }
0x52: {  	s0 =	sadd.s32 @!p0 $0x100000, s0;
	[bflag:$0x2] =	sbarrier.arrive $0xFFFF  }
0x53: {  	[sflag:s0] =	ssyncadd.tile.s32 @!p0 $0x1;
	_ =	shalt  }
.Lfunc_end2:
_tile_overlayer_lowered:
.L_overlay_start_2:
0x54: {  	(tag) =	ssettag $0x2  }
0x55: {  	s0 =	rddreg [dreg:$0x0];
	s2 =	stileid.u32  }
0x56: {  	s1 =	rddreg [dreg:$0x1];
	p0 =	sne.s32 s2, $0x0  }
0x57: {  	s3 =	rddreg [dreg:$0x2];
	[bflag:$0x3] =	sbarrier.arrive $0xFFFF;
	s2 =	simm.s32 @!p0 $0x1C01  }
0x58: {  	[timem:s3], [sflag:s2] =	dma.local @!p0 [hbm:s0], s1  }
0x59: {  	s0 =	simm.s32 @!p0 $0x1  }
0x5a: {  	_ =	swait.ge @!p0 [sflag:s0], s1  }
0x5b: {  	s1 =	ssub.s32 @!p0 $0x0, s1;
	[sflag:s0] =	ssyncset.done @!p0 $0x0  }
0x5c: {  	[sflag:s0] =	ssyncadd.s32 @!p0 s1  }
0x5d: {  	[bflag:$0x3] =	sbarrier.arrive $0xFFFF  }
0x5e: {  	_ =	shalt  }

// kernel: kernel.41.cloned.1.call-start
scs
__scs_entry_jumppad:
0x0: {  	(pc) =	sbr.rel $0x88, $3  }
0x1: {  	(tag) =	ssettag $0x0;
	lr =	simm.s32 $0x1  }
0x2: {  	[smem:$0x3F85] =	sst lr;
	_ =	strace $0xD0000000  }
0x3: {  	_ = 	snop  }
0x4: {  	_ = 	snop  }
0x5: {  	_ = 	snop  }
0x6: {  	_ = 	snop  }
0x7: {  	_ = 	snop  }
__scs_overlays_trampoline_lowered:
0x8: {  	[smem:$0x3F94] =	sst s0  }
0x9: {  	[smem:$0x3F95] =	sst s1  }
0xa: {  	[smem:$0x3F96] =	sst s2  }
0xb: {  	[smem:$0x3F97] =	sst s3  }
0xc: {  	[smem:$0x3F98] =	sst s4  }
0xd: {  	[smem:$0x3F99] =	sst s5  }
0xe: {  	[smem:$0x3F9A] =	sst s6  }
0xf: {  	[smem:$0x3F9B] =	sst s7  }
0x10: {  	[smem:$0x3F9C] =	sst s8  }
0x11: {  	[smem:$0x3F9D] =	sst s9;
	s0 =	simm.s32 @!p0 $0x0  }
0x12: {  	s1 =	sld [smem:$0x3F83];
	s0 =	simm.s32 @p0 $0x1  }
0x13: {  	[smem:$0x3F9E] =	sst s0;
	s0 =	simm.s32 @!p1 $0x0  }
0x14: {  	s2 =	sld [smem:$0x3F82];
	s0 =	simm.s32 @p1 $0x1  }
0x15: {  	[smem:$0x3F9F] =	sst s0;
	s0 =	simm.s32 @!p2 $0x0  }
0x16: {  	s3 =	sld [smem:$0x3FDB];
	s0 =	simm.s32 @p2 $0x1  }
0x17: {  	s4 =	simm.s32 $0x1BF5;
	[smem:$0x3FA1] =	sst s0  }
0x18: {  	s0 =	sld [smem:$0x3F84];
	_ =	swait.ge [sflag:s4], $0x0  }
0x19: {  	s7 =	sld [smem:$0x3F85]  }
0x1a: {  	s8 =	sadd.s32 $0xFFFFE003, lr  }
0x1b: {  	s9 =	sadd.s32 $0xFFFFFEF7, lr;
	s5 =	simm.s32 $0xFFFFFFFF;
	p2 =	slt.u32 s8, $0xFFFFF086  }
0x1c: {  	p1 =	slt.u32 s9, $0xF7A;
	s5 =	simm.s32 @!p2 $0x0  }
0x1d: {  	s5 =	simm.s32 @p1 $0x1;
	p0 =	seq.s32 s7, s2  }
0x1e: {  	s7 =	smul.u32 @!p0 $0xF7A, s2;
	p2 =	seq.s32 @!p0 s5, $0x0  }
0x1f: {  	s9 =	smul.u32 $0xF7A, s1;
	s8 =	simm.s32 @!p0 $0x1BF5;
	p2 =	por !p2, p0  }
0x20: {  	[sflag:s8] =	ssyncset.s32 @!p0 $0xFFFFF086;
	s6 =	sadd.s32 @!p0 s3, s7;
	s7 =	simm.s32 @!p0 $0x108  }
0x21: {  	s3 =	sadd.s32 s3, s9;
	s6 =	sadd.s32 @!p0 $0x88, s6;
	s7 =	simm.s32 @p2 $0x1082  }
0x22: {  	[simem:s7], [sflag:s8] =	dma.local @!p0 [hbm:s6], $0xF7A  }
0x23: {  	s9 =	sor.u32 $0xD0000000, s2;
	s6 =	simm.s32 $0x108;
	_ =	swait.ge @!p0 [sflag:s8], $0x0  }
0x24: {  	s3 =	sadd.s32 $0x88, s3;
	s6 =	simm.s32 @!p1 $0x1082;
	[sflag:s4] =	ssyncset.s32 $0xFFFFF086  }
0x25: {  	[simem:s6], [sflag:s4] =	dma.local [hbm:s3], $0xF7A  }
0x26: {  	[smem:$0x3F85] =	sst s1;
	(tag) =	ssettag s2;
	_ =	strace s9  }
0x27: {  	s1 =	sld [smem:$0x3F95]  }
0x28: {  	s2 =	sld [smem:$0x3F96]  }
0x29: {  	s4 =	sld [smem:$0x3F98]  }
0x2a: {  	p0 =	seq.s32 s5, $0x0;
	s5 =	sld [smem:$0x3F99]  }
0x2b: {  	s6 =	sld [smem:$0x3F9A]  }
0x2c: {  	s7 =	sld [smem:$0x3F9B]  }
0x2d: {  	s3 =	simm.s32 $0x108;
	s8 =	sld [smem:$0x3F9C]  }
0x2e: {  	s3 =	simm.s32 @!p0 $0x1082;
	s9 =	sld [smem:$0x3F9D]  }
0x2f: {  	lr =	sadd.s32 s0, s3;
	s0 =	sld [smem:$0x3F94]  }
0x30: {  	s3 =	sld [smem:$0x3F97]  }
0x31: {  	[smem:$0x3FA0] =	sst s10  }
0x32: {  	s10 =	sld [smem:$0x3F9E];
	_ =	sdelay $0x3  }
0x33: {  	p0 =	seq.s32 s10, $0x1;
	s10 =	sld [smem:$0x3FA0];
	_ =	sdelay $0x3  }
0x34: {  	[smem:$0x3FA0] =	sst s10  }
0x35: {  	s10 =	sld [smem:$0x3F9F];
	_ =	sdelay $0x3  }
0x36: {  	p1 =	seq.s32 s10, $0x1;
	s10 =	sld [smem:$0x3FA0];
	_ =	sdelay $0x3  }
0x37: {  	[smem:$0x3FA0] =	sst s10  }
0x38: {  	s10 =	sld [smem:$0x3FA1]  }
0x39: {  	_ = 	snop;
	(pc) =	sbr.ind lr, $3  }
0x3a: {  	_ = 	snop  }
0x3b: {  	_ = 	snop  }
0x3c: {  	p2 =	seq.s32 s10, $0x1;
	s10 =	sld [smem:$0x3FA0]  }
0x3d: {  	_ =	shalt  }
0x3e: {  	_ =	shalt  }
0x3f: {  	_ =	shalt  }
0x40: {  	_ =	shalt  }
0x41: {  	_ =	shalt  }
0x42: {  	_ =	shalt  }
0x43: {  	_ =	shalt  }
0x44: {  	_ =	shalt  }
0x45: {  	_ =	shalt  }
0x46: {  	_ =	shalt  }
0x47: {  	_ =	shalt  }
0x48: {  	_ =	shalt  }
0x49: {  	_ =	shalt  }
0x4a: {  	_ =	shalt  }
0x4b: {  	_ =	shalt  }
0x4c: {  	_ =	shalt  }
0x4d: {  	_ =	shalt  }
0x4e: {  	_ =	shalt  }
0x4f: {  	_ =	shalt  }
0x50: {  	_ =	shalt  }
0x51: {  	_ =	shalt  }
0x52: {  	_ =	shalt  }
0x53: {  	_ =	shalt  }
0x54: {  	_ =	shalt  }
0x55: {  	_ =	shalt  }
0x56: {  	_ =	shalt  }
0x57: {  	_ =	shalt  }
0x58: {  	_ =	shalt  }
0x59: {  	_ =	shalt  }
0x5a: {  	_ =	shalt  }
0x5b: {  	_ =	shalt  }
0x5c: {  	_ =	shalt  }
0x5d: {  	_ =	shalt  }
0x5e: {  	_ =	shalt  }
0x5f: {  	_ =	shalt  }
0x60: {  	_ =	shalt  }
0x61: {  	_ =	shalt  }
0x62: {  	_ =	shalt  }
0x63: {  	_ =	shalt  }
0x64: {  	_ =	shalt  }
0x65: {  	_ =	shalt  }
0x66: {  	_ =	shalt  }
0x67: {  	_ =	shalt  }
0x68: {  	_ =	shalt  }
0x69: {  	_ =	shalt  }
0x6a: {  	_ =	shalt  }
0x6b: {  	_ =	shalt  }
0x6c: {  	_ =	shalt  }
0x6d: {  	_ =	shalt  }
0x6e: {  	_ =	shalt  }
0x6f: {  	_ =	shalt  }
0x70: {  	_ =	shalt  }
0x71: {  	_ =	shalt  }
0x72: {  	_ =	shalt  }
0x73: {  	_ =	shalt  }
0x74: {  	_ =	shalt  }
0x75: {  	_ =	shalt  }
0x76: {  	_ =	shalt  }
0x77: {  	_ =	shalt  }
0x78: {  	_ =	shalt  }
0x79: {  	_ =	shalt  }
0x7a: {  	_ =	shalt  }
0x7b: {  	_ =	shalt  }
0x7c: {  	_ =	shalt  }
0x7d: {  	_ =	shalt  }
0x7e: {  	_ =	shalt  }
0x7f: {  	_ =	shalt  }
0x80: {  	_ =	shalt  }
0x81: {  	_ =	shalt  }
0x82: {  	_ =	shalt  }
0x83: {  	_ =	shalt  }
0x84: {  	_ =	shalt  }
0x85: {  	_ =	shalt  }
0x86: {  	_ =	shalt  }
0x87: {  	_ =	shalt  }
.Lfunc_end0:
.L_simem_size_0:
called_computation.3_lowered:
.L_overlay_start_0:
0x88: {  	s2 =	sld [smem:$0x3FD9]  }
0x89: {  	s3 =	sld [smem:$0x3FFE];
	_ =	sdelay $0x1  }
0x8a: {  	s1 =	srdreg.scid  }
0x8b: {  	s0 =	sand.u32 $0x1, s1  }
0x8c: {  	s16 =	sshll.u32 s0, $0xA;
	s2 =	sadd.s32 s3, s2  }
0x8d: {  	s2 =	sadd.s32 s2, s16  }
0x8e: {  	[smem:$0x3FAC] =	sst s2  }
0x8f: {  	_ = 	snop  }
0x90: {  	(tm) =	ssettm $0x1  }
0x91: {  	s17 =	sld [smem:$0x3FFB];
	_ =	sdelay $0x3  }
0x92: {  	_ =	strace s17  }
0x93: {  	s2 =	sld [smem:$0x3FFC];
	_ =	sdelay $0x3  }
0x94: {  	_ =	strace s2  }
0x95: {  	s2 =	sld [smem:$0x3FFD];
	_ =	sdelay $0x3  }
0x96: {  	_ =	strace s2  }
0x97: {  	_ =	strace $0x8FFFFFFF  }
0x98: {  	s18 =	sld [smem:$0x3FDB];
	_ =	sdelay $0x1  }
0x99: {  	s19 =	simm.s32 $_scs_section_size  }
0x9a: {  	s4 =	simm.s32 $_size__tile_overlayer_lowered;
	s5 =	simm.s32 $_tile_overlayer_lowered  }
0x9b: {  	s22 =	simm.s32 $0x1BFF;
	s21 =	sshll.u32 s5, $0x1;
	s2 =	sadd.s32 s19, s18  }
0x9c: {  	s6 =	simm.s32 $0x0;
	s20 =	sshll.u32 s4, $0x1;
	s4 =	sadd.s32 s21, s2  }
0x9d: {  	[timem:s6], [sflag:s22] =	dma.local [hbm:s4], s20  }
0x9e: {  	_ =	swait.ge [sflag:s22], s20  }
0x9f: {  	s3 =	ssub.s32 $0x0, s20;
	[sflag:s22] =	ssyncset.done $0x0  }
0xa0: {  	[sflag:s22] =	ssyncadd.s32 s3;
	_ =	sdelay $0x1  }
0xa1: {  	s23 =	simm.s32 $0x1B8B  }
0xa2: {  	_ =	swait.ge [sflag:s23], $0x1  }
0xa3: {  	[sflag:s23] =	ssyncset.done $0x0  }
0xa4: {  	s25 =	simm.s32 $0x1B8E;
	s24 =	sld [smem:$0x3FFE];
	[sflag:s23] =	ssyncadd.s32 $0xFFFFFFFF  }
0xa5: {  	s26 =	simm.s32 $execute0_lowered;
	[smem:$0x3FD2] =	sst s25  }
0xa6: {  	s4 =	sshll.u32 s26, $0x1;
	_ =	strace $0x8000004F;
	[dreg:$0x1] =	wrdreg $0xFFFFFFFF  }
0xa7: {  	s28 =	simm.s32 $_size_execute0_lowered;
	s2 =	sadd.s32 s2, s4;
	[dreg:$0x0] =	wrdreg $0x0  }
0xa8: {  	s4 =	sshll.u32 s28, $0x1;
	[dreg:$0x2] =	wrdreg s2  }
0xa9: {  	[dreg:$0x3] =	wrdreg s4  }
0xaa: {  	[dreg:$0x4] =	wrdreg $0xC0  }
0xab: {  	_ =	task [dreg:s6], $0x5FFFF  }
0xac: {  	[dreg:$0x1] =	wrdreg $0xFFFFFFFF  }
0xad: {  	[dreg:$0x0] =	wrdreg $0x60  }
0xae: {  	[dreg:$0x2] =	wrdreg s24  }
0xaf: {  	[dreg:$0x3] =	wrdreg $0x9  }
0xb0: {  	_ =	task.clear_ibuf [dreg:s6], $0x4FFFF;
	_ =	strace $0x9000004F  }
0xb1: {  	s29 =	simm.s32 $0x9;
	_ =	strace $0x80000051  }
0xb2: {  	_ =	swait.ge [sflag:s29], $0x1  }
0xb3: {  	[sflag:s29] =	ssyncadd.s32 $0xFFFFFFFF  }
0xb4: {  	_ =	strace $0x90000051  }
0xb5: {  	_ =	sfence  }
0xb6: {  	s30 =	sld [smem:$0x0];
	_ =	sdelay $0x2  }
0xb7: {  	s31 =	sshll.u32 s1, $0xD;
	s1 =	sshrl.u32 s1, $0x2  }
0xb8: {  	s3 =	sand.u32 $0x4000, s31;
	s1 =	sadd.s32 s1, s30  }
0xb9: {  	s0 =	sor.u32 s3, s0;
	s1 =	sshll.u32 s1, $0x11  }
0xba: {  	s0 =	sor.u32 s1, s0  }
0xbb: {  	s0 =	sadd.s32 $0x8F2B, s0  }
0xbc: {  	[sflag:s0] =	ssyncadd.remote.s32 $0x1  }
0xbd: {  	_ =	sfence.sel $0xFFFF  }
0xbe: {  	[dreg:$0x0] =	wrdreg $0xFFFFFFFF;
	(pc) =	sbr.abs _section_cstart, $3  }
0xbf: {  	[dreg:$0x1] =	wrdreg $0xFFFFFFFF  }
0xc0: {  	_ =	task.clear_ibuf [dreg:s6], $0x2FFFF;
	_ =	strace $0x9FFFFFFF  }
0xc1: {  	(tm) =	ssettm $0x7FFFFFFF  }
tec
execute0_lowered:
.L_overlay_start_1:
0x0: {  	(tag) =	ssettag $0x1  }
0x1: {  	s4 =	rddreg [dreg:$0x0]  }
0x2: {  	s0 =	rddreg [dreg:$0x1];
	s3 =	srdreg.scid  }
0x3: {  	s1 =	stileid.u32;
	s2 =	simm.s32 $0x0;
	s14 =	simm.s32 $0x888  }
0x4: {  	s15 =	simm.s32 $0x0;
	s6 =	sand.u32 $0x1, s3;
	s28 =	sshll.u32 s1, $0x1  }
0x5: {  	[smem:$0x7FF] =	sst s2;
	s3 =	sadd.s32 $0x11400, s4;
	s10 =	smul.u32 $0x2710, s1  }
0x6: {  	s8 =	sadd.s32 $0x7400, s4;
	s7 =	sadd.s32 $0x16400, s4;
	s12 =	smul.u32 $0x4E20, s1  }
0x7: {  	s5 =	sor.u32 s6, s28;
	s29 =	ssub.s32 $0x2, s6;
	s11 =	smul.u32 $0x1388, s6  }
0x8: {  	_ =	strace $0x80000050;
	s5 =	smul.u32 $0x1388, s5;
	s9 =	sshrl.u32 s29, $0x1  }
0x9: {  	s13 =	smul.u32 $0x2710, s6;
	s9 =	ssub.s32 s29, s9;
	s10 =	sadd.s32 s11, s10  }
0xa: {  	s11 =	simm.s32 $0x1;
	s5 =	sadd.s32 $0x1380, s5;
	s6 =	smax.u32 s9, $0x1  }
0xb: {  	s31 =	sshrl.u32 s10, $0x3;
	s9 =	simm.s32 $0x2;
	s30 =	sshrl.u32 s5, $0x3  }
0xc: {  	s10 =	simm.s32 $0x80;
	s5 =	sshll.u32 s5, $0x1;
	s4 =	sadd.s32 s8, s30  }
0xd: {  	s5 =	sadd.s32 s7, s5;
	s7 =	sadd.s32 s12, s7;
	s8 =	sadd.s32 s31, s8  }
0xe: {  	s12 =	simm.s32 $0x880;
	s7 =	sadd.s32 s13, s7;
	s13 =	simm.s32 $0x8  }
.LBB2_1:
0xf: {  	s16 =	sadd.s32 $0x0, s8  }
0x10: {  	[tilespmem:s2], [sflag:$0x2] =	stream.linear.gather [hbm4b:s16+s2], $0x80, $0x38;
	[tilespmem:$0x908] =	vst v63  }
0x11: {  	_ =	swait.ge [sflag:s9], $0x80  }
0x12: {  	[sflag:s9] =	ssyncset.done $0x0  }
0x13: {  	[sflag:s9] =	ssyncadd.s32 $0xFFFFFF80  }
0x14: {  	[tilespmem:s10], [sflag:$0x1] =	stream.indirect.gather [hbm4b:s3+s10], $0x10, s2, s10, $0xb8;
	[tilespmem:$0x908] =	vst v63  }
0x15: {  	_ =	swait.ge [sflag:s11], $0x800  }
0x16: {  	[sflag:s11] =	ssyncset.done $0x0  }
0x17: {  	[sflag:s11] =	ssyncadd.s32 $0xFFFFF800  }
0x18: {  	[hbm4b:s7+s2] =	stream.linear.scatter [tilespmem:s10], [sflag:$0x2], $0x800, $0x38;
	[tilespmem:$0x908] =	vst v63  }
0x19: {  	s17 =	simm.s32 $0x10;
	_ =	swait.ge [sflag:s9], $0x800  }
0x1a: {  	s18 =	simm.s32 $0x20;
	s16 =	sadd.s32 $0x100, s7;
	[sflag:s9] =	ssyncset.done $0x0  }
.LBB2_2:
0x1b: {  	s19 =	sadd.s32 s17, s8  }
0x1c: {  	[sflag:s9] =	ssyncadd.s32 $0xFFFFF800;
	s17 =	smov.u32 s18;
	s20 =	sadd.s32 $0x10, s18  }
0x1d: {  	[tilespmem:s2], [sflag:$0x2] =	stream.linear.gather [hbm4b:s19+s2], $0x80, $0x38;
	[tilespmem:$0x908] =	vst v63  }
0x1e: {  	p0 =	sne.s32 s18, $0x260;
	_ =	swait.ge [sflag:s9], $0x80  }
0x1f: {  	[sflag:s9] =	ssyncset.done $0x0  }
0x20: {  	[sflag:s9] =	ssyncadd.s32 $0xFFFFFF80  }
0x21: {  	[tilespmem:s10], [sflag:$0x1] =	stream.indirect.gather [hbm4b:s3+s10], $0x10, s2, s10, $0xb8;
	[tilespmem:$0x908] =	vst v63  }
0x22: {  	_ =	swait.ge [sflag:s11], $0x800  }
.Ltmp0:
0x23: {  	[sflag:s11] =	ssyncset.done $0x0;
	(pc) =	sbr.rel @p0 .LBB2_2-.Ltmp0, $4  }
0x24: {  	[sflag:s11] =	ssyncadd.s32 $0xFFFFF800  }
0x25: {  	[hbm4b:s16+s2] =	stream.linear.scatter [tilespmem:s10], [sflag:$0x2], $0x800, $0x38;
	[tilespmem:$0x908] =	vst v63  }
0x26: {  	_ =	swait.ge [sflag:s9], $0x800  }
0x27: {  	s18 =	smov.u32 s20;
	s16 =	sadd.s32 $0x100, s16;
	[sflag:s9] =	ssyncset.done $0x0  }
0x28: {  	s17 =	sadd.s32 s17, s8;
	[sflag:s9] =	ssyncadd.s32 $0xFFFFF800  }
0x29: {  	[tilespmem:s2], [sflag:$0x2] =	stream.linear.gather [hbm4b:s17+s2], $0x80, $0x38;
	[tilespmem:$0x908] =	vst v63  }
0x2a: {  	_ =	swait.ge [sflag:s9], $0x80  }
0x2b: {  	[sflag:s9] =	ssyncset.done $0x0  }
0x2c: {  	[sflag:s9] =	ssyncadd.s32 $0xFFFFFF80  }
0x2d: {  	[tilespmem:s10], [sflag:$0x1] =	stream.indirect.gather [hbm4b:s3+s10], $0x10, s2, s10, $0xb8;
	[tilespmem:$0x908] =	vst v63  }
0x2e: {  	_ =	swait.ge [sflag:s11], $0x800  }
0x2f: {  	[sflag:s11] =	ssyncset.done $0x0  }
0x30: {  	[sflag:s11] =	ssyncadd.s32 $0xFFFFF800  }
0x31: {  	[hbm4b:s16+s2] =	stream.linear.scatter [tilespmem:s10], [sflag:$0x2], $0x800, $0x38;
	[tilespmem:$0x908] =	vst v63  }
0x32: {  	_ =	swait.ge [sflag:s9], $0x800  }
0x33: {  	[sflag:s9] =	ssyncset.done $0x0  }
0x34: {  	[sflag:s9] =	ssyncadd.s32 $0xFFFFF800  }
0x35: {  	[tilespmem:s12], [sflag:$0x2] =	stream.linear.gather [hbm4b:s4+s2], $0x8, $0x38;
	[tilespmem:$0x908] =	vst v63  }
0x36: {  	_ =	swait.ge [sflag:s9], $0x8  }
0x37: {  	[sflag:s9] =	ssyncset.done $0x0  }
0x38: {  	[sflag:s9] =	ssyncadd.s32 $0xFFFFFFF8  }
0x39: {  	[tilespmem:s14], [sflag:$0x1] =	stream.indirect.gather [hbm4b:s3+s13], $0x10, s12, s13, $0xb8;
	[tilespmem:$0x908] =	vst v63  }
0x3a: {  	s15 =	sadd.s32 $0x1, s15;
	_ =	swait.ge [sflag:s11], $0x80  }
0x3b: {  	p0 =	sne.s32 s15, s6;
	[sflag:s11] =	ssyncset.done $0x0  }
.Ltmp1:
0x3c: {  	[sflag:s11] =	ssyncadd.s32 $0xFFFFFF80;
	(pc) =	sbr.rel @p0 .LBB2_1-.Ltmp1, $4  }
0x3d: {  	[hbm4b:s5+s2] =	stream.linear.scatter [tilespmem:s14], [sflag:$0x2], $0x80, $0x38;
	[tilespmem:$0x908] =	vst v63  }
0x3e: {  	_ =	swait.ge [sflag:s9], $0x80  }
0x3f: {  	[sflag:s9] =	ssyncset.done $0x0  }
0x40: {  	[sflag:s9] =	ssyncadd.s32 $0xFFFFFF80  }
0x41: {  	_ =	sfence.sel $0x180000  }
0x42: {  	[bflag:$0x0] =	sbarrier.arrive $0xFFFF  }
0x43: {  	p0 =	sne.s32 s1, $0x0;
	_ =	strace $0x90000050  }
0x44: {  	s0 =	sadd.s32 @!p0 $0x100000, s0;
	[bflag:$0x2] =	sbarrier.arrive $0xFFFF  }
0x45: {  	[sflag:s0] =	ssyncadd.tile.s32 @!p0 $0x1;
	_ =	shalt  }
.Lfunc_end2:
_tile_overlayer_lowered:
.L_overlay_start_2:
0x46: {  	(tag) =	ssettag $0x2  }
0x47: {  	s0 =	rddreg [dreg:$0x0];
	s2 =	stileid.u32  }
0x48: {  	s1 =	rddreg [dreg:$0x1];
	p0 =	sne.s32 s2, $0x0  }
0x49: {  	s3 =	rddreg [dreg:$0x2];
	[bflag:$0x3] =	sbarrier.arrive $0xFFFF;
	s2 =	simm.s32 @!p0 $0x1C02  }
0x4a: {  	[timem:s3], [sflag:s2] =	dma.local @!p0 [hbm:s0], s1  }
0x4b: {  	s0 =	simm.s32 @!p0 $0x2  }
0x4c: {  	_ =	swait.ge @!p0 [sflag:s0], s1  }
0x4d: {  	s1 =	ssub.s32 @!p0 $0x0, s1;
	[sflag:s0] =	ssyncset.done @!p0 $0x0  }
0x4e: {  	[sflag:s0] =	ssyncadd.s32 @!p0 s1  }
0x4f: {  	[bflag:$0x3] =	sbarrier.arrive $0xFFFF  }
0x50: {  	_ =	shalt  }

// kernel: kernel.44.cloned.1.call-start
scs
__scs_entry_jumppad:
0x0: {  	(pc) =	sbr.rel $0x88, $3  }
0x1: {  	(tag) =	ssettag $0x0;
	lr =	simm.s32 $0x1  }
0x2: {  	[smem:$0x3F85] =	sst lr;
	_ =	strace $0xD0000000  }
0x3: {  	_ = 	snop  }
0x4: {  	_ = 	snop  }
0x5: {  	_ = 	snop  }
0x6: {  	_ = 	snop  }
0x7: {  	_ = 	snop  }
__scs_overlays_trampoline_lowered:
0x8: {  	[smem:$0x3F94] =	sst s0  }
0x9: {  	[smem:$0x3F95] =	sst s1  }
0xa: {  	[smem:$0x3F96] =	sst s2  }
0xb: {  	[smem:$0x3F97] =	sst s3  }
0xc: {  	[smem:$0x3F98] =	sst s4  }
0xd: {  	[smem:$0x3F99] =	sst s5  }
0xe: {  	[smem:$0x3F9A] =	sst s6  }
0xf: {  	[smem:$0x3F9B] =	sst s7  }
0x10: {  	[smem:$0x3F9C] =	sst s8  }
0x11: {  	[smem:$0x3F9D] =	sst s9;
	s0 =	simm.s32 @!p0 $0x0  }
0x12: {  	s1 =	sld [smem:$0x3F83];
	s0 =	simm.s32 @p0 $0x1  }
0x13: {  	[smem:$0x3F9E] =	sst s0;
	s0 =	simm.s32 @!p1 $0x0  }
0x14: {  	s2 =	sld [smem:$0x3F82];
	s0 =	simm.s32 @p1 $0x1  }
0x15: {  	[smem:$0x3F9F] =	sst s0;
	s0 =	simm.s32 @!p2 $0x0  }
0x16: {  	s3 =	sld [smem:$0x3FDB];
	s0 =	simm.s32 @p2 $0x1  }
0x17: {  	s4 =	simm.s32 $0x1BF5;
	[smem:$0x3FA1] =	sst s0  }
0x18: {  	s0 =	sld [smem:$0x3F84];
	_ =	swait.ge [sflag:s4], $0x0  }
0x19: {  	s7 =	sld [smem:$0x3F85]  }
0x1a: {  	s8 =	sadd.s32 $0xFFFFE003, lr  }
0x1b: {  	s9 =	sadd.s32 $0xFFFFFEF7, lr;
	s5 =	simm.s32 $0xFFFFFFFF;
	p2 =	slt.u32 s8, $0xFFFFF086  }
0x1c: {  	p1 =	slt.u32 s9, $0xF7A;
	s5 =	simm.s32 @!p2 $0x0  }
0x1d: {  	s5 =	simm.s32 @p1 $0x1;
	p0 =	seq.s32 s7, s2  }
0x1e: {  	s7 =	smul.u32 @!p0 $0xF7A, s2;
	p2 =	seq.s32 @!p0 s5, $0x0  }
0x1f: {  	s9 =	smul.u32 $0xF7A, s1;
	s8 =	simm.s32 @!p0 $0x1BF5;
	p2 =	por !p2, p0  }
0x20: {  	[sflag:s8] =	ssyncset.s32 @!p0 $0xFFFFF086;
	s6 =	sadd.s32 @!p0 s3, s7;
	s7 =	simm.s32 @!p0 $0x108  }
0x21: {  	s3 =	sadd.s32 s3, s9;
	s6 =	sadd.s32 @!p0 $0x88, s6;
	s7 =	simm.s32 @p2 $0x1082  }
0x22: {  	[simem:s7], [sflag:s8] =	dma.local @!p0 [hbm:s6], $0xF7A  }
0x23: {  	s9 =	sor.u32 $0xD0000000, s2;
	s6 =	simm.s32 $0x108;
	_ =	swait.ge @!p0 [sflag:s8], $0x0  }
0x24: {  	s3 =	sadd.s32 $0x88, s3;
	s6 =	simm.s32 @!p1 $0x1082;
	[sflag:s4] =	ssyncset.s32 $0xFFFFF086  }
0x25: {  	[simem:s6], [sflag:s4] =	dma.local [hbm:s3], $0xF7A  }
0x26: {  	[smem:$0x3F85] =	sst s1;
	(tag) =	ssettag s2;
	_ =	strace s9  }
0x27: {  	s1 =	sld [smem:$0x3F95]  }
0x28: {  	s2 =	sld [smem:$0x3F96]  }
0x29: {  	s4 =	sld [smem:$0x3F98]  }
0x2a: {  	p0 =	seq.s32 s5, $0x0;
	s5 =	sld [smem:$0x3F99]  }
0x2b: {  	s6 =	sld [smem:$0x3F9A]  }
0x2c: {  	s7 =	sld [smem:$0x3F9B]  }
0x2d: {  	s3 =	simm.s32 $0x108;
	s8 =	sld [smem:$0x3F9C]  }
0x2e: {  	s3 =	simm.s32 @!p0 $0x1082;
	s9 =	sld [smem:$0x3F9D]  }
0x2f: {  	lr =	sadd.s32 s0, s3;
	s0 =	sld [smem:$0x3F94]  }
0x30: {  	s3 =	sld [smem:$0x3F97]  }
0x31: {  	[smem:$0x3FA0] =	sst s10  }
0x32: {  	s10 =	sld [smem:$0x3F9E];
	_ =	sdelay $0x3  }
0x33: {  	p0 =	seq.s32 s10, $0x1;
	s10 =	sld [smem:$0x3FA0];
	_ =	sdelay $0x3  }
0x34: {  	[smem:$0x3FA0] =	sst s10  }
0x35: {  	s10 =	sld [smem:$0x3F9F];
	_ =	sdelay $0x3  }
0x36: {  	p1 =	seq.s32 s10, $0x1;
	s10 =	sld [smem:$0x3FA0];
	_ =	sdelay $0x3  }
0x37: {  	[smem:$0x3FA0] =	sst s10  }
0x38: {  	s10 =	sld [smem:$0x3FA1]  }
0x39: {  	_ = 	snop;
	(pc) =	sbr.ind lr, $3  }
0x3a: {  	_ = 	snop  }
0x3b: {  	_ = 	snop  }
0x3c: {  	p2 =	seq.s32 s10, $0x1;
	s10 =	sld [smem:$0x3FA0]  }
0x3d: {  	_ =	shalt  }
0x3e: {  	_ =	shalt  }
0x3f: {  	_ =	shalt  }
0x40: {  	_ =	shalt  }
0x41: {  	_ =	shalt  }
0x42: {  	_ =	shalt  }
0x43: {  	_ =	shalt  }
0x44: {  	_ =	shalt  }
0x45: {  	_ =	shalt  }
0x46: {  	_ =	shalt  }
0x47: {  	_ =	shalt  }
0x48: {  	_ =	shalt  }
0x49: {  	_ =	shalt  }
0x4a: {  	_ =	shalt  }
0x4b: {  	_ =	shalt  }
0x4c: {  	_ =	shalt  }
0x4d: {  	_ =	shalt  }
0x4e: {  	_ =	shalt  }
0x4f: {  	_ =	shalt  }
0x50: {  	_ =	shalt  }
0x51: {  	_ =	shalt  }
0x52: {  	_ =	shalt  }
0x53: {  	_ =	shalt  }
0x54: {  	_ =	shalt  }
0x55: {  	_ =	shalt  }
0x56: {  	_ =	shalt  }
0x57: {  	_ =	shalt  }
0x58: {  	_ =	shalt  }
0x59: {  	_ =	shalt  }
0x5a: {  	_ =	shalt  }
0x5b: {  	_ =	shalt  }
0x5c: {  	_ =	shalt  }
0x5d: {  	_ =	shalt  }
0x5e: {  	_ =	shalt  }
0x5f: {  	_ =	shalt  }
0x60: {  	_ =	shalt  }
0x61: {  	_ =	shalt  }
0x62: {  	_ =	shalt  }
0x63: {  	_ =	shalt  }
0x64: {  	_ =	shalt  }
0x65: {  	_ =	shalt  }
0x66: {  	_ =	shalt  }
0x67: {  	_ =	shalt  }
0x68: {  	_ =	shalt  }
0x69: {  	_ =	shalt  }
0x6a: {  	_ =	shalt  }
0x6b: {  	_ =	shalt  }
0x6c: {  	_ =	shalt  }
0x6d: {  	_ =	shalt  }
0x6e: {  	_ =	shalt  }
0x6f: {  	_ =	shalt  }
0x70: {  	_ =	shalt  }
0x71: {  	_ =	shalt  }
0x72: {  	_ =	shalt  }
0x73: {  	_ =	shalt  }
0x74: {  	_ =	shalt  }
0x75: {  	_ =	shalt  }
0x76: {  	_ =	shalt  }
0x77: {  	_ =	shalt  }
0x78: {  	_ =	shalt  }
0x79: {  	_ =	shalt  }
0x7a: {  	_ =	shalt  }
0x7b: {  	_ =	shalt  }
0x7c: {  	_ =	shalt  }
0x7d: {  	_ =	shalt  }
0x7e: {  	_ =	shalt  }
0x7f: {  	_ =	shalt  }
0x80: {  	_ =	shalt  }
0x81: {  	_ =	shalt  }
0x82: {  	_ =	shalt  }
0x83: {  	_ =	shalt  }
0x84: {  	_ =	shalt  }
0x85: {  	_ =	shalt  }
0x86: {  	_ =	shalt  }
0x87: {  	_ =	shalt  }
.Lfunc_end0:
.L_simem_size_0:
called_computation.4_lowered:
.L_overlay_start_0:
0x88: {  	s2 =	sld [smem:$0x3FD9]  }
0x89: {  	s3 =	sld [smem:$0x3FFE];
	_ =	sdelay $0x1  }
0x8a: {  	s1 =	srdreg.scid  }
0x8b: {  	s0 =	sand.u32 $0x1, s1  }
0x8c: {  	s16 =	sshll.u32 s0, $0xA;
	s2 =	sadd.s32 s3, s2  }
0x8d: {  	s2 =	sadd.s32 s2, s16  }
0x8e: {  	[smem:$0x3FAC] =	sst s2  }
0x8f: {  	_ = 	snop  }
0x90: {  	(tm) =	ssettm $0x1  }
0x91: {  	s17 =	sld [smem:$0x3FFB];
	_ =	sdelay $0x3  }
0x92: {  	_ =	strace s17  }
0x93: {  	s2 =	sld [smem:$0x3FFC];
	_ =	sdelay $0x3  }
0x94: {  	_ =	strace s2  }
0x95: {  	s2 =	sld [smem:$0x3FFD];
	_ =	sdelay $0x3  }
0x96: {  	_ =	strace s2  }
0x97: {  	_ =	strace $0x8FFFFFFF  }
0x98: {  	s18 =	sld [smem:$0x3FDB];
	_ =	sdelay $0x1  }
0x99: {  	s19 =	simm.s32 $_scs_section_size  }
0x9a: {  	s4 =	simm.s32 $_size__tile_overlayer_lowered;
	s5 =	simm.s32 $_tile_overlayer_lowered  }
0x9b: {  	s22 =	simm.s32 $0x1BFF;
	s21 =	sshll.u32 s5, $0x1;
	s2 =	sadd.s32 s19, s18  }
0x9c: {  	s6 =	simm.s32 $0x0;
	s20 =	sshll.u32 s4, $0x1;
	s4 =	sadd.s32 s21, s2  }
0x9d: {  	[timem:s6], [sflag:s22] =	dma.local [hbm:s4], s20  }
0x9e: {  	_ =	swait.ge [sflag:s22], s20  }
0x9f: {  	s3 =	ssub.s32 $0x0, s20;
	[sflag:s22] =	ssyncset.done $0x0  }
0xa0: {  	[sflag:s22] =	ssyncadd.s32 s3;
	_ =	sdelay $0x1  }
0xa1: {  	s23 =	simm.s32 $0x1B8B  }
0xa2: {  	_ =	swait.ge [sflag:s23], $0x1  }
0xa3: {  	[sflag:s23] =	ssyncset.done $0x0  }
0xa4: {  	s25 =	simm.s32 $0x1B8E;
	s24 =	sld [smem:$0x3FFE];
	[sflag:s23] =	ssyncadd.s32 $0xFFFFFFFF  }
0xa5: {  	s26 =	simm.s32 $execute0_lowered;
	[smem:$0x3FD2] =	sst s25  }
0xa6: {  	s4 =	sshll.u32 s26, $0x1;
	_ =	strace $0x80000052;
	[dreg:$0x1] =	wrdreg $0xFFFFFFFF  }
0xa7: {  	s28 =	simm.s32 $_size_execute0_lowered;
	s2 =	sadd.s32 s2, s4;
	[dreg:$0x0] =	wrdreg $0x0  }
0xa8: {  	s4 =	sshll.u32 s28, $0x1;
	[dreg:$0x2] =	wrdreg s2  }
0xa9: {  	[dreg:$0x3] =	wrdreg s4  }
0xaa: {  	[dreg:$0x4] =	wrdreg $0xC0  }
0xab: {  	_ =	task [dreg:s6], $0x5FFFF  }
0xac: {  	[dreg:$0x1] =	wrdreg $0xFFFFFFFF  }
0xad: {  	[dreg:$0x0] =	wrdreg $0x60  }
0xae: {  	[dreg:$0x2] =	wrdreg s24  }
0xaf: {  	[dreg:$0x3] =	wrdreg $0x9080  }
0xb0: {  	[dreg:$0x4] =	wrdreg $0x9  }
0xb1: {  	_ =	task.clear_ibuf [dreg:s6], $0x5FFFF;
	_ =	strace $0x90000052  }
0xb2: {  	s29 =	simm.s32 $0x9;
	_ =	strace $0x80000054  }
0xb3: {  	_ =	swait.ge [sflag:s29], $0x1  }
0xb4: {  	[sflag:s29] =	ssyncadd.s32 $0xFFFFFFFF  }
0xb5: {  	_ =	strace $0x90000054  }
0xb6: {  	_ =	sfence  }
0xb7: {  	s30 =	sld [smem:$0x0];
	_ =	sdelay $0x2  }
0xb8: {  	s31 =	sshll.u32 s1, $0xD;
	s1 =	sshrl.u32 s1, $0x2  }
0xb9: {  	s3 =	sand.u32 $0x4000, s31;
	s1 =	sadd.s32 s1, s30  }
0xba: {  	s0 =	sor.u32 s3, s0;
	s1 =	sshll.u32 s1, $0x11  }
0xbb: {  	s0 =	sor.u32 s1, s0  }
0xbc: {  	s0 =	sadd.s32 $0x8F2B, s0  }
0xbd: {  	[sflag:s0] =	ssyncadd.remote.s32 $0x1  }
0xbe: {  	_ =	sfence.sel $0xFFFF  }
0xbf: {  	[dreg:$0x0] =	wrdreg $0xFFFFFFFF;
	(pc) =	sbr.abs _section_cstart, $3  }
0xc0: {  	[dreg:$0x1] =	wrdreg $0xFFFFFFFF  }
0xc1: {  	_ =	task.clear_ibuf [dreg:s6], $0x2FFFF;
	_ =	strace $0x9FFFFFFF  }
0xc2: {  	(tm) =	ssettm $0x7FFFFFFF  }
0xc3: {  	_ =	shalt  }
tec
execute0_lowered:
.L_overlay_start_1:
0x0: {  	(tag) =	ssettag $0x1  }
0x1: {  	s4 =	rddreg [dreg:$0x0]  }
0x2: {  	s1 =	rddreg [dreg:$0x1]  }
0x3: {  	s0 =	rddreg [dreg:$0x2];
	s2 =	simm.s32 $0x0;
	s3 =	srdreg.scid  }
0x4: {  	s8 =	stileid.u32;
	s14 =	simm.s32 $0x888;
	s15 =	simm.s32 $0x8  }
0x5: {  	s16 =	simm.s32 $0x0;
	[smem:$0x7FF] =	sst s2;
	s7 =	smul.u32 $0x1388, s8  }
0x6: {  	s6 =	sand.u32 $0x1, s3;
	s9 =	sadd.s32 $0x11400, s4;
	s30 =	smul.u32 $0x2710, s8  }
0x7: {  	s10 =	sadd.s32 $0xC400, s4;
	s3 =	sadd.s32 $0x8B800, s4;
	s5 =	smul.u32 $0x13880, s6  }
0x8: {  	p0 =	sne.s32 s8, $0x0;
	s11 =	smul.u32 $0x4E20, s6;
	s12 =	ssub.s32 $0x2, s6  }
0x9: {  	_ =	strace $0x80000053;
	s29 =	smul.u32 $0x27100, s6;
	s25 =	sshrl.u32 s12, $0x1  }
0xa: {  	s13 =	sadd.s32 s7, s5;
	s24 =	sadd.s32 s11, s4;
	s26 =	ssub.s32 s12, s25  }
0xb: {  	s11 =	simm.s32 $0x1;
	s12 =	simm.s32 $0x80;
	s5 =	sadd.s32 $0x1380, s13  }
0xc: {  	s6 =	sadd.s32 $0x5F600, s24;
	s7 =	smax.u32 s26, $0x1;
	s31 =	sshrl.u32 s13, $0x3  }
0xd: {  	s13 =	simm.s32 $0x880;
	s28 =	sshrl.u32 s5, $0x3;
	s5 =	sshll.u32 s5, $0x1  }
0xe: {  	s4 =	sadd.s32 s10, s28;
	s5 =	sadd.s32 s9, s5;
	s9 =	sadd.s32 s29, s9  }
0xf: {  	s8 =	sadd.s32 s30, s9;
	s9 =	sadd.s32 s31, s10;
	s10 =	sshrl.u32 @!p0 s1, $0x3  }
.LBB2_1:
0x10: {  	s17 =	simm.s32 @!p0 $0x1C01  }
0x11: {  	[spmem:s10], [sflag:s17] =	dma.local @!p0 [hbm:s3], $0x4E20  }
0x12: {  	s17 =	simm.s32 @!p0 $0x1  }
0x13: {  	_ =	swait.ge @!p0 [sflag:s17], $0x4E20  }
0x14: {  	[sflag:s17] =	ssyncset.done @!p0 $0x0  }
0x15: {  	[sflag:s17] =	ssyncadd.s32 @!p0 $0xFFFFB1E0  }
0x16: {  	s31 =	sadd.s32 $0x0, s9;
	[bflag:$0x0] =	sbarrier.arrive $0xFFFF  }
0x17: {  	[tilespmem:s2], [sflag:$0x1] =	stream.linear.gather [hbm4b:s31+s2], $0x80, $0x38;
	[tilespmem:$0x3018] =	vst v63  }
0x18: {  	_ =	swait.ge [sflag:s11], $0x80  }
0x19: {  	[sflag:s11] =	ssyncset.done $0x0  }
0x1a: {  	[sflag:s11] =	ssyncadd.s32 $0xFFFFFF80  }
0x1b: {  	[tilespmem:s12], [sflag:$0x1] =	stream.linear.gather [hbm4b:s8+s2], $0x800, $0x38;
	[tilespmem:$0x3018] =	vst v63  }
0x1c: {  	_ =	swait.ge [sflag:s11], $0x800  }
0x1d: {  	[sflag:s11] =	ssyncset.done $0x0  }
0x1e: {  	[sflag:s11] =	ssyncadd.s32 $0xFFFFF800  }
0x1f: {  	[spmem:s1] =	stream.indirect.scatter.add.f32 [tilespmem:s12], [sflag:$0x1], $0x10, s2, s12, $0xb8;
	[tilespmem:$0x3018] =	vst v63  }
0x20: {  	s18 =	simm.s32 $0x10;
	_ =	swait.ge [sflag:s11], $0x800  }
0x21: {  	s19 =	simm.s32 $0x20;
	s17 =	sadd.s32 $0x100, s8;
	[sflag:s11] =	ssyncset.done $0x0  }
.LBB2_2:
0x22: {  	s20 =	sadd.s32 s18, s9  }
0x23: {  	[sflag:s11] =	ssyncadd.s32 $0xFFFFF800;
	s18 =	smov.u32 s19;
	s21 =	sadd.s32 $0x10, s19  }
0x24: {  	[tilespmem:s2], [sflag:$0x1] =	stream.linear.gather [hbm4b:s20+s2], $0x80, $0x38;
	[tilespmem:$0x3018] =	vst v63  }
0x25: {  	p1 =	sne.s32 s19, $0x260;
	_ =	swait.ge [sflag:s11], $0x80  }
0x26: {  	[sflag:s11] =	ssyncset.done $0x0  }
0x27: {  	[sflag:s11] =	ssyncadd.s32 $0xFFFFFF80  }
0x28: {  	[tilespmem:s12], [sflag:$0x1] =	stream.linear.gather [hbm4b:s17+s2], $0x800, $0x38;
	[tilespmem:$0x3018] =	vst v63  }
0x29: {  	_ =	swait.ge [sflag:s11], $0x800  }
.Ltmp0:
0x2a: {  	[sflag:s11] =	ssyncset.done $0x0;
	(pc) =	sbr.rel @p1 .LBB2_2-.Ltmp0, $4  }
0x2b: {  	[sflag:s11] =	ssyncadd.s32 $0xFFFFF800  }
0x2c: {  	[spmem:s1] =	stream.indirect.scatter.add.f32 [tilespmem:s12], [sflag:$0x1], $0x10, s2, s12, $0xb8;
	[tilespmem:$0x3018] =	vst v63  }
0x2d: {  	_ =	swait.ge [sflag:s11], $0x800  }
0x2e: {  	s19 =	smov.u32 s21;
	s17 =	sadd.s32 $0x100, s17;
	[sflag:s11] =	ssyncset.done $0x0  }
0x2f: {  	s18 =	sadd.s32 s18, s9;
	[sflag:s11] =	ssyncadd.s32 $0xFFFFF800  }
0x30: {  	[tilespmem:s2], [sflag:$0x1] =	stream.linear.gather [hbm4b:s18+s2], $0x80, $0x38;
	[tilespmem:$0x3018] =	vst v63  }
0x31: {  	_ =	swait.ge [sflag:s11], $0x80  }
0x32: {  	[sflag:s11] =	ssyncset.done $0x0  }
0x33: {  	[sflag:s11] =	ssyncadd.s32 $0xFFFFFF80  }
0x34: {  	[tilespmem:s12], [sflag:$0x1] =	stream.linear.gather [hbm4b:s17+s2], $0x800, $0x38;
	[tilespmem:$0x3018] =	vst v63  }
0x35: {  	_ =	swait.ge [sflag:s11], $0x800  }
0x36: {  	[sflag:s11] =	ssyncset.done $0x0  }
0x37: {  	[sflag:s11] =	ssyncadd.s32 $0xFFFFF800  }
0x38: {  	[spmem:s1] =	stream.indirect.scatter.add.f32 [tilespmem:s12], [sflag:$0x1], $0x10, s2, s12, $0xb8;
	[tilespmem:$0x3018] =	vst v63  }
0x39: {  	_ =	swait.ge [sflag:s11], $0x800  }
0x3a: {  	[sflag:s11] =	ssyncset.done $0x0  }
0x3b: {  	[sflag:s11] =	ssyncadd.s32 $0xFFFFF800  }
0x3c: {  	[tilespmem:s13], [sflag:$0x1] =	stream.linear.gather [hbm4b:s4+s2], $0x8, $0x38;
	[tilespmem:$0x3018] =	vst v63  }
0x3d: {  	_ =	swait.ge [sflag:s11], $0x8  }
0x3e: {  	[sflag:s11] =	ssyncset.done $0x0  }
0x3f: {  	[sflag:s11] =	ssyncadd.s32 $0xFFFFFFF8  }
0x40: {  	[tilespmem:s14], [sflag:$0x1] =	stream.linear.gather [hbm4b:s5+s2], $0x80, $0x38;
	[tilespmem:$0x3018] =	vst v63  }
0x41: {  	_ =	swait.ge [sflag:s11], $0x80  }
0x42: {  	[sflag:s11] =	ssyncset.done $0x0  }
0x43: {  	[sflag:s11] =	ssyncadd.s32 $0xFFFFFF80  }
0x44: {  	[spmem:s1] =	stream.indirect.scatter.add.f32 [tilespmem:s14], [sflag:$0x1], $0x10, s13, s15, $0xb8;
	[tilespmem:$0x3018] =	vst v63  }
0x45: {  	_ =	swait.ge [sflag:s11], $0x80  }
0x46: {  	[sflag:s11] =	ssyncset.done $0x0  }
0x47: {  	s16 =	sadd.s32 $0x1, s16;
	[sflag:s11] =	ssyncadd.s32 $0xFFFFFF80  }
0x48: {  	p1 =	sne.s32 s16, s7;
	s17 =	simm.s32 @!p0 $0x1C01;
	[bflag:$0x0] =	sbarrier.arrive $0xFFFF  }
0x49: {  	[hbm:s6], [sflag:s17] =	dma.local @!p0 [spmem:s10], $0x4E20  }
.Ltmp1:
0x4a: {  	_ = 	snop;
	(pc) =	sbr.rel @p1 .LBB2_1-.Ltmp1, $4  }
0x4b: {  	s17 =	simm.s32 @!p0 $0x1  }
0x4c: {  	_ =	swait.ge @!p0 [sflag:s17], $0x4E20  }
0x4d: {  	[sflag:s17] =	ssyncset.done @!p0 $0x0  }
0x4e: {  	[sflag:s17] =	ssyncadd.s32 @!p0 $0xFFFFB1E0  }
0x4f: {  	_ =	sfence.sel $0x180000  }
0x50: {  	[bflag:$0x0] =	sbarrier.arrive $0xFFFF  }
0x51: {  	_ =	strace $0x90000053  }
0x52: {  	s0 =	sadd.s32 @!p0 $0x100000, s0;
	[bflag:$0x2] =	sbarrier.arrive $0xFFFF  }
0x53: {  	[sflag:s0] =	ssyncadd.tile.s32 @!p0 $0x1;
	_ =	shalt  }
.Lfunc_end2:
_tile_overlayer_lowered:
.L_overlay_start_2:
0x54: {  	(tag) =	ssettag $0x2  }
0x55: {  	s0 =	rddreg [dreg:$0x0];
	s2 =	stileid.u32  }
0x56: {  	s1 =	rddreg [dreg:$0x1];
	p0 =	sne.s32 s2, $0x0  }
0x57: {  	s3 =	rddreg [dreg:$0x2];
	[bflag:$0x3] =	sbarrier.arrive $0xFFFF;
	s2 =	simm.s32 @!p0 $0x1C01  }
0x58: {  	[timem:s3], [sflag:s2] =	dma.local @!p0 [hbm:s0], s1  }
0x59: {  	s0 =	simm.s32 @!p0 $0x1  }
0x5a: {  	_ =	swait.ge @!p0 [sflag:s0], s1  }
0x5b: {  	s1 =	ssub.s32 @!p0 $0x0, s1;
	[sflag:s0] =	ssyncset.done @!p0 $0x0  }
0x5c: {  	[sflag:s0] =	ssyncadd.s32 @!p0 s1  }
0x5d: {  	[bflag:$0x3] =	sbarrier.arrive $0xFFFF  }
0x5e: {  	_ =	shalt  }

// kernel: kernel.47.cloned.1.call-start
scs
__scs_entry_jumppad:
0x0: {  	(pc) =	sbr.rel $0x88, $3  }
0x1: {  	(tag) =	ssettag $0x0;
	lr =	simm.s32 $0x1  }
0x2: {  	[smem:$0x3F85] =	sst lr;
	_ =	strace $0xD0000000  }
0x3: {  	_ = 	snop  }
0x4: {  	_ = 	snop  }
0x5: {  	_ = 	snop  }
0x6: {  	_ = 	snop  }
0x7: {  	_ = 	snop  }
__scs_overlays_trampoline_lowered:
0x8: {  	[smem:$0x3F94] =	sst s0  }
0x9: {  	[smem:$0x3F95] =	sst s1  }
0xa: {  	[smem:$0x3F96] =	sst s2  }
0xb: {  	[smem:$0x3F97] =	sst s3  }
0xc: {  	[smem:$0x3F98] =	sst s4  }
0xd: {  	[smem:$0x3F99] =	sst s5  }
0xe: {  	[smem:$0x3F9A] =	sst s6  }
0xf: {  	[smem:$0x3F9B] =	sst s7  }
0x10: {  	[smem:$0x3F9C] =	sst s8  }
0x11: {  	[smem:$0x3F9D] =	sst s9;
	s0 =	simm.s32 @!p0 $0x0  }
0x12: {  	s1 =	sld [smem:$0x3F83];
	s0 =	simm.s32 @p0 $0x1  }
0x13: {  	[smem:$0x3F9E] =	sst s0;
	s0 =	simm.s32 @!p1 $0x0  }
0x14: {  	s2 =	sld [smem:$0x3F82];
	s0 =	simm.s32 @p1 $0x1  }
0x15: {  	[smem:$0x3F9F] =	sst s0;
	s0 =	simm.s32 @!p2 $0x0  }
0x16: {  	s3 =	sld [smem:$0x3FDB];
	s0 =	simm.s32 @p2 $0x1  }
0x17: {  	s4 =	simm.s32 $0x1BF5;
	[smem:$0x3FA1] =	sst s0  }
0x18: {  	s0 =	sld [smem:$0x3F84];
	_ =	swait.ge [sflag:s4], $0x0  }
0x19: {  	s7 =	sld [smem:$0x3F85]  }
0x1a: {  	s8 =	sadd.s32 $0xFFFFE003, lr  }
0x1b: {  	s9 =	sadd.s32 $0xFFFFFEF7, lr;
	s5 =	simm.s32 $0xFFFFFFFF;
	p2 =	slt.u32 s8, $0xFFFFF086  }
0x1c: {  	p1 =	slt.u32 s9, $0xF7A;
	s5 =	simm.s32 @!p2 $0x0  }
0x1d: {  	s5 =	simm.s32 @p1 $0x1;
	p0 =	seq.s32 s7, s2  }
0x1e: {  	s7 =	smul.u32 @!p0 $0xF7A, s2;
	p2 =	seq.s32 @!p0 s5, $0x0  }
0x1f: {  	s9 =	smul.u32 $0xF7A, s1;
	s8 =	simm.s32 @!p0 $0x1BF5;
	p2 =	por !p2, p0  }
0x20: {  	[sflag:s8] =	ssyncset.s32 @!p0 $0xFFFFF086;
	s6 =	sadd.s32 @!p0 s3, s7;
	s7 =	simm.s32 @!p0 $0x108  }
0x21: {  	s3 =	sadd.s32 s3, s9;
	s6 =	sadd.s32 @!p0 $0x88, s6;
	s7 =	simm.s32 @p2 $0x1082  }
0x22: {  	[simem:s7], [sflag:s8] =	dma.local @!p0 [hbm:s6], $0xF7A  }
0x23: {  	s9 =	sor.u32 $0xD0000000, s2;
	s6 =	simm.s32 $0x108;
	_ =	swait.ge @!p0 [sflag:s8], $0x0  }
0x24: {  	s3 =	sadd.s32 $0x88, s3;
	s6 =	simm.s32 @!p1 $0x1082;
	[sflag:s4] =	ssyncset.s32 $0xFFFFF086  }
0x25: {  	[simem:s6], [sflag:s4] =	dma.local [hbm:s3], $0xF7A  }
0x26: {  	[smem:$0x3F85] =	sst s1;
	(tag) =	ssettag s2;
	_ =	strace s9  }
0x27: {  	s1 =	sld [smem:$0x3F95]  }
0x28: {  	s2 =	sld [smem:$0x3F96]  }
0x29: {  	s4 =	sld [smem:$0x3F98]  }
0x2a: {  	p0 =	seq.s32 s5, $0x0;
	s5 =	sld [smem:$0x3F99]  }
0x2b: {  	s6 =	sld [smem:$0x3F9A]  }
0x2c: {  	s7 =	sld [smem:$0x3F9B]  }
0x2d: {  	s3 =	simm.s32 $0x108;
	s8 =	sld [smem:$0x3F9C]  }
0x2e: {  	s3 =	simm.s32 @!p0 $0x1082;
	s9 =	sld [smem:$0x3F9D]  }
0x2f: {  	lr =	sadd.s32 s0, s3;
	s0 =	sld [smem:$0x3F94]  }
0x30: {  	s3 =	sld [smem:$0x3F97]  }
0x31: {  	[smem:$0x3FA0] =	sst s10  }
0x32: {  	s10 =	sld [smem:$0x3F9E];
	_ =	sdelay $0x3  }
0x33: {  	p0 =	seq.s32 s10, $0x1;
	s10 =	sld [smem:$0x3FA0];
	_ =	sdelay $0x3  }
0x34: {  	[smem:$0x3FA0] =	sst s10  }
0x35: {  	s10 =	sld [smem:$0x3F9F];
	_ =	sdelay $0x3  }
0x36: {  	p1 =	seq.s32 s10, $0x1;
	s10 =	sld [smem:$0x3FA0];
	_ =	sdelay $0x3  }
0x37: {  	[smem:$0x3FA0] =	sst s10  }
0x38: {  	s10 =	sld [smem:$0x3FA1]  }
0x39: {  	_ = 	snop;
	(pc) =	sbr.ind lr, $3  }
0x3a: {  	_ = 	snop  }
0x3b: {  	_ = 	snop  }
0x3c: {  	p2 =	seq.s32 s10, $0x1;
	s10 =	sld [smem:$0x3FA0]  }
0x3d: {  	_ =	shalt  }
0x3e: {  	_ =	shalt  }
0x3f: {  	_ =	shalt  }
0x40: {  	_ =	shalt  }
0x41: {  	_ =	shalt  }
0x42: {  	_ =	shalt  }
0x43: {  	_ =	shalt  }
0x44: {  	_ =	shalt  }
0x45: {  	_ =	shalt  }
0x46: {  	_ =	shalt  }
0x47: {  	_ =	shalt  }
0x48: {  	_ =	shalt  }
0x49: {  	_ =	shalt  }
0x4a: {  	_ =	shalt  }
0x4b: {  	_ =	shalt  }
0x4c: {  	_ =	shalt  }
0x4d: {  	_ =	shalt  }
0x4e: {  	_ =	shalt  }
0x4f: {  	_ =	shalt  }
0x50: {  	_ =	shalt  }
0x51: {  	_ =	shalt  }
0x52: {  	_ =	shalt  }
0x53: {  	_ =	shalt  }
0x54: {  	_ =	shalt  }
0x55: {  	_ =	shalt  }
0x56: {  	_ =	shalt  }
0x57: {  	_ =	shalt  }
0x58: {  	_ =	shalt  }
0x59: {  	_ =	shalt  }
0x5a: {  	_ =	shalt  }
0x5b: {  	_ =	shalt  }
0x5c: {  	_ =	shalt  }
0x5d: {  	_ =	shalt  }
0x5e: {  	_ =	shalt  }
0x5f: {  	_ =	shalt  }
0x60: {  	_ =	shalt  }
0x61: {  	_ =	shalt  }
0x62: {  	_ =	shalt  }
0x63: {  	_ =	shalt  }
0x64: {  	_ =	shalt  }
0x65: {  	_ =	shalt  }
0x66: {  	_ =	shalt  }
0x67: {  	_ =	shalt  }
0x68: {  	_ =	shalt  }
0x69: {  	_ =	shalt  }
0x6a: {  	_ =	shalt  }
0x6b: {  	_ =	shalt  }
0x6c: {  	_ =	shalt  }
0x6d: {  	_ =	shalt  }
0x6e: {  	_ =	shalt  }
0x6f: {  	_ =	shalt  }
0x70: {  	_ =	shalt  }
0x71: {  	_ =	shalt  }
0x72: {  	_ =	shalt  }
0x73: {  	_ =	shalt  }
0x74: {  	_ =	shalt  }
0x75: {  	_ =	shalt  }
0x76: {  	_ =	shalt  }
0x77: {  	_ =	shalt  }
0x78: {  	_ =	shalt  }
0x79: {  	_ =	shalt  }
0x7a: {  	_ =	shalt  }
0x7b: {  	_ =	shalt  }
0x7c: {  	_ =	shalt  }
0x7d: {  	_ =	shalt  }
0x7e: {  	_ =	shalt  }
0x7f: {  	_ =	shalt  }
0x80: {  	_ =	shalt  }
0x81: {  	_ =	shalt  }
0x82: {  	_ =	shalt  }
0x83: {  	_ =	shalt  }
0x84: {  	_ =	shalt  }
0x85: {  	_ =	shalt  }
0x86: {  	_ =	shalt  }
0x87: {  	_ =	shalt  }
.Lfunc_end0:
.L_simem_size_0:
called_computation.5_lowered:
.L_overlay_start_0:
0x88: {  	s2 =	sld [smem:$0x3FD9]  }
0x89: {  	s3 =	sld [smem:$0x3FFE];
	_ =	sdelay $0x1  }
0x8a: {  	s1 =	srdreg.scid  }
0x8b: {  	s0 =	sand.u32 $0x1, s1  }
0x8c: {  	s16 =	sshll.u32 s0, $0xA;
	s2 =	sadd.s32 s3, s2  }
0x8d: {  	s2 =	sadd.s32 s2, s16  }
0x8e: {  	[smem:$0x3FAC] =	sst s2  }
0x8f: {  	_ = 	snop  }
0x90: {  	(tm) =	ssettm $0x1  }
0x91: {  	s17 =	sld [smem:$0x3FFB];
	_ =	sdelay $0x3  }
0x92: {  	_ =	strace s17  }
0x93: {  	s2 =	sld [smem:$0x3FFC];
	_ =	sdelay $0x3  }
0x94: {  	_ =	strace s2  }
0x95: {  	s2 =	sld [smem:$0x3FFD];
	_ =	sdelay $0x3  }
0x96: {  	_ =	strace s2  }
0x97: {  	_ =	strace $0x8FFFFFFF  }
0x98: {  	s18 =	sld [smem:$0x3FDB];
	_ =	sdelay $0x1  }
0x99: {  	s19 =	simm.s32 $_scs_section_size  }
0x9a: {  	s4 =	simm.s32 $_size__tile_overlayer_lowered;
	s5 =	simm.s32 $_tile_overlayer_lowered  }
0x9b: {  	s22 =	simm.s32 $0x1BFF;
	s21 =	sshll.u32 s5, $0x1;
	s2 =	sadd.s32 s19, s18  }
0x9c: {  	s6 =	simm.s32 $0x0;
	s20 =	sshll.u32 s4, $0x1;
	s4 =	sadd.s32 s21, s2  }
0x9d: {  	[timem:s6], [sflag:s22] =	dma.local [hbm:s4], s20  }
0x9e: {  	_ =	swait.ge [sflag:s22], s20  }
0x9f: {  	s3 =	ssub.s32 $0x0, s20;
	[sflag:s22] =	ssyncset.done $0x0  }
0xa0: {  	[sflag:s22] =	ssyncadd.s32 s3;
	_ =	sdelay $0x1  }
0xa1: {  	s23 =	simm.s32 $0x1B8B  }
0xa2: {  	_ =	swait.ge [sflag:s23], $0x1  }
0xa3: {  	[sflag:s23] =	ssyncset.done $0x0  }
0xa4: {  	s25 =	simm.s32 $0x1B8E;
	s24 =	sld [smem:$0x3FFE];
	[sflag:s23] =	ssyncadd.s32 $0xFFFFFFFF  }
0xa5: {  	s26 =	simm.s32 $execute0_lowered;
	[smem:$0x3FD2] =	sst s25  }
0xa6: {  	s4 =	sshll.u32 s26, $0x1;
	_ =	strace $0x80000055;
	[dreg:$0x1] =	wrdreg $0xFFFFFFFF  }
0xa7: {  	s28 =	simm.s32 $_size_execute0_lowered;
	s2 =	sadd.s32 s2, s4;
	[dreg:$0x0] =	wrdreg $0x0  }
0xa8: {  	s4 =	sshll.u32 s28, $0x1;
	[dreg:$0x2] =	wrdreg s2  }
0xa9: {  	[dreg:$0x3] =	wrdreg s4  }
0xaa: {  	[dreg:$0x4] =	wrdreg $0xC0  }
0xab: {  	_ =	task [dreg:s6], $0x5FFFF  }
0xac: {  	[dreg:$0x1] =	wrdreg $0xFFFFFFFF  }
0xad: {  	[dreg:$0x0] =	wrdreg $0x60  }
0xae: {  	[dreg:$0x2] =	wrdreg s24  }
0xaf: {  	[dreg:$0x3] =	wrdreg $0x9  }
0xb0: {  	_ =	task.clear_ibuf [dreg:s6], $0x4FFFF;
	_ =	strace $0x90000055  }
0xb1: {  	s29 =	simm.s32 $0x9;
	_ =	strace $0x80000057  }
0xb2: {  	_ =	swait.ge [sflag:s29], $0x1  }
0xb3: {  	[sflag:s29] =	ssyncadd.s32 $0xFFFFFFFF  }
0xb4: {  	_ =	strace $0x90000057  }
0xb5: {  	_ =	sfence  }
0xb6: {  	s30 =	sld [smem:$0x0];
	_ =	sdelay $0x2  }
0xb7: {  	s31 =	sshll.u32 s1, $0xD;
	s1 =	sshrl.u32 s1, $0x2  }
0xb8: {  	s3 =	sand.u32 $0x4000, s31;
	s1 =	sadd.s32 s1, s30  }
0xb9: {  	s0 =	sor.u32 s3, s0;
	s1 =	sshll.u32 s1, $0x11  }
0xba: {  	s0 =	sor.u32 s1, s0  }
0xbb: {  	s0 =	sadd.s32 $0x8F2B, s0  }
0xbc: {  	[sflag:s0] =	ssyncadd.remote.s32 $0x1  }
0xbd: {  	_ =	sfence.sel $0xFFFF  }
0xbe: {  	[dreg:$0x0] =	wrdreg $0xFFFFFFFF;
	(pc) =	sbr.abs _section_cstart, $3  }
0xbf: {  	[dreg:$0x1] =	wrdreg $0xFFFFFFFF  }
0xc0: {  	_ =	task.clear_ibuf [dreg:s6], $0x2FFFF;
	_ =	strace $0x9FFFFFFF  }
0xc1: {  	(tm) =	ssettm $0x7FFFFFFF  }
tec
execute0_lowered:
.L_overlay_start_1:
0x0: {  	(tag) =	ssettag $0x1  }
0x1: {  	s4 =	rddreg [dreg:$0x0]  }
0x2: {  	s0 =	rddreg [dreg:$0x1];
	s3 =	srdreg.scid  }
0x3: {  	s1 =	stileid.u32;
	s2 =	simm.s32 $0x0;
	s14 =	simm.s32 $0x888  }
0x4: {  	s15 =	simm.s32 $0x0;
	s6 =	sand.u32 $0x1, s3;
	s28 =	sshll.u32 s1, $0x1  }
0x5: {  	[smem:$0x7FF] =	sst s2;
	s3 =	sadd.s32 $0x11400, s4;
	s10 =	smul.u32 $0x2710, s1  }
0x6: {  	s8 =	sadd.s32 $0x7400, s4;
	s7 =	sadd.s32 $0x16400, s4;
	s12 =	smul.u32 $0x4E20, s1  }
0x7: {  	s5 =	sor.u32 s6, s28;
	s29 =	ssub.s32 $0x2, s6;
	s11 =	smul.u32 $0x1388, s6  }
0x8: {  	_ =	strace $0x80000056;
	s5 =	smul.u32 $0x1388, s5;
	s9 =	sshrl.u32 s29, $0x1  }
0x9: {  	s13 =	smul.u32 $0x2710, s6;
	s9 =	ssub.s32 s29, s9;
	s10 =	sadd.s32 s11, s10  }
0xa: {  	s11 =	simm.s32 $0x1;
	s5 =	sadd.s32 $0x1380, s5;
	s6 =	smax.u32 s9, $0x1  }
0xb: {  	s31 =	sshrl.u32 s10, $0x3;
	s9 =	simm.s32 $0x2;
	s30 =	sshrl.u32 s5, $0x3  }
0xc: {  	s10 =	simm.s32 $0x80;
	s5 =	sshll.u32 s5, $0x1;
	s4 =	sadd.s32 s8, s30  }
0xd: {  	s5 =	sadd.s32 s7, s5;
	s7 =	sadd.s32 s12, s7;
	s8 =	sadd.s32 s31, s8  }
0xe: {  	s12 =	simm.s32 $0x880;
	s7 =	sadd.s32 s13, s7;
	s13 =	simm.s32 $0x8  }
.LBB2_1:
0xf: {  	s16 =	sadd.s32 $0x0, s8  }
0x10: {  	[tilespmem:s2], [sflag:$0x2] =	stream.linear.gather [hbm4b:s16+s2], $0x80, $0x38;
	[tilespmem:$0x908] =	vst v63  }
0x11: {  	_ =	swait.ge [sflag:s9], $0x80  }
0x12: {  	[sflag:s9] =	ssyncset.done $0x0  }
0x13: {  	[sflag:s9] =	ssyncadd.s32 $0xFFFFFF80  }
0x14: {  	[tilespmem:s10], [sflag:$0x1] =	stream.indirect.gather [hbm4b:s3+s10], $0x10, s2, s10, $0xb8;
	[tilespmem:$0x908] =	vst v63  }
0x15: {  	_ =	swait.ge [sflag:s11], $0x800  }
0x16: {  	[sflag:s11] =	ssyncset.done $0x0  }
0x17: {  	[sflag:s11] =	ssyncadd.s32 $0xFFFFF800  }
0x18: {  	[hbm4b:s7+s2] =	stream.linear.scatter [tilespmem:s10], [sflag:$0x2], $0x800, $0x38;
	[tilespmem:$0x908] =	vst v63  }
0x19: {  	s17 =	simm.s32 $0x10;
	_ =	swait.ge [sflag:s9], $0x800  }
0x1a: {  	s18 =	simm.s32 $0x20;
	s16 =	sadd.s32 $0x100, s7;
	[sflag:s9] =	ssyncset.done $0x0  }
.LBB2_2:
0x1b: {  	s19 =	sadd.s32 s17, s8  }
0x1c: {  	[sflag:s9] =	ssyncadd.s32 $0xFFFFF800;
	s17 =	smov.u32 s18;
	s20 =	sadd.s32 $0x10, s18  }
0x1d: {  	[tilespmem:s2], [sflag:$0x2] =	stream.linear.gather [hbm4b:s19+s2], $0x80, $0x38;
	[tilespmem:$0x908] =	vst v63  }
0x1e: {  	p0 =	sne.s32 s18, $0x260;
	_ =	swait.ge [sflag:s9], $0x80  }
0x1f: {  	[sflag:s9] =	ssyncset.done $0x0  }
0x20: {  	[sflag:s9] =	ssyncadd.s32 $0xFFFFFF80  }
0x21: {  	[tilespmem:s10], [sflag:$0x1] =	stream.indirect.gather [hbm4b:s3+s10], $0x10, s2, s10, $0xb8;
	[tilespmem:$0x908] =	vst v63  }
0x22: {  	_ =	swait.ge [sflag:s11], $0x800  }
.Ltmp0:
0x23: {  	[sflag:s11] =	ssyncset.done $0x0;
	(pc) =	sbr.rel @p0 .LBB2_2-.Ltmp0, $4  }
0x24: {  	[sflag:s11] =	ssyncadd.s32 $0xFFFFF800  }
0x25: {  	[hbm4b:s16+s2] =	stream.linear.scatter [tilespmem:s10], [sflag:$0x2], $0x800, $0x38;
	[tilespmem:$0x908] =	vst v63  }
0x26: {  	_ =	swait.ge [sflag:s9], $0x800  }
0x27: {  	s18 =	smov.u32 s20;
	s16 =	sadd.s32 $0x100, s16;
	[sflag:s9] =	ssyncset.done $0x0  }
0x28: {  	s17 =	sadd.s32 s17, s8;
	[sflag:s9] =	ssyncadd.s32 $0xFFFFF800  }
0x29: {  	[tilespmem:s2], [sflag:$0x2] =	stream.linear.gather [hbm4b:s17+s2], $0x80, $0x38;
	[tilespmem:$0x908] =	vst v63  }
0x2a: {  	_ =	swait.ge [sflag:s9], $0x80  }
0x2b: {  	[sflag:s9] =	ssyncset.done $0x0  }
0x2c: {  	[sflag:s9] =	ssyncadd.s32 $0xFFFFFF80  }
0x2d: {  	[tilespmem:s10], [sflag:$0x1] =	stream.indirect.gather [hbm4b:s3+s10], $0x10, s2, s10, $0xb8;
	[tilespmem:$0x908] =	vst v63  }
0x2e: {  	_ =	swait.ge [sflag:s11], $0x800  }
0x2f: {  	[sflag:s11] =	ssyncset.done $0x0  }
0x30: {  	[sflag:s11] =	ssyncadd.s32 $0xFFFFF800  }
0x31: {  	[hbm4b:s16+s2] =	stream.linear.scatter [tilespmem:s10], [sflag:$0x2], $0x800, $0x38;
	[tilespmem:$0x908] =	vst v63  }
0x32: {  	_ =	swait.ge [sflag:s9], $0x800  }
0x33: {  	[sflag:s9] =	ssyncset.done $0x0  }
0x34: {  	[sflag:s9] =	ssyncadd.s32 $0xFFFFF800  }
0x35: {  	[tilespmem:s12], [sflag:$0x2] =	stream.linear.gather [hbm4b:s4+s2], $0x8, $0x38;
	[tilespmem:$0x908] =	vst v63  }
0x36: {  	_ =	swait.ge [sflag:s9], $0x8  }
0x37: {  	[sflag:s9] =	ssyncset.done $0x0  }
0x38: {  	[sflag:s9] =	ssyncadd.s32 $0xFFFFFFF8  }
0x39: {  	[tilespmem:s14], [sflag:$0x1] =	stream.indirect.gather [hbm4b:s3+s13], $0x10, s12, s13, $0xb8;
	[tilespmem:$0x908] =	vst v63  }
0x3a: {  	s15 =	sadd.s32 $0x1, s15;
	_ =	swait.ge [sflag:s11], $0x80  }
0x3b: {  	p0 =	sne.s32 s15, s6;
	[sflag:s11] =	ssyncset.done $0x0  }
.Ltmp1:
0x3c: {  	[sflag:s11] =	ssyncadd.s32 $0xFFFFFF80;
	(pc) =	sbr.rel @p0 .LBB2_1-.Ltmp1, $4  }
0x3d: {  	[hbm4b:s5+s2] =	stream.linear.scatter [tilespmem:s14], [sflag:$0x2], $0x80, $0x38;
	[tilespmem:$0x908] =	vst v63  }
0x3e: {  	_ =	swait.ge [sflag:s9], $0x80  }
0x3f: {  	[sflag:s9] =	ssyncset.done $0x0  }
0x40: {  	[sflag:s9] =	ssyncadd.s32 $0xFFFFFF80  }
0x41: {  	_ =	sfence.sel $0x180000  }
0x42: {  	[bflag:$0x0] =	sbarrier.arrive $0xFFFF  }
0x43: {  	p0 =	sne.s32 s1, $0x0;
	_ =	strace $0x90000056  }
0x44: {  	s0 =	sadd.s32 @!p0 $0x100000, s0;
	[bflag:$0x2] =	sbarrier.arrive $0xFFFF  }
0x45: {  	[sflag:s0] =	ssyncadd.tile.s32 @!p0 $0x1;
	_ =	shalt  }
.Lfunc_end2:
_tile_overlayer_lowered:
.L_overlay_start_2:
0x46: {  	(tag) =	ssettag $0x2  }
0x47: {  	s0 =	rddreg [dreg:$0x0];
	s2 =	stileid.u32  }
0x48: {  	s1 =	rddreg [dreg:$0x1];
	p0 =	sne.s32 s2, $0x0  }
0x49: {  	s3 =	rddreg [dreg:$0x2];
	[bflag:$0x3] =	sbarrier.arrive $0xFFFF;
	s2 =	simm.s32 @!p0 $0x1C02  }
0x4a: {  	[timem:s3], [sflag:s2] =	dma.local @!p0 [hbm:s0], s1  }
0x4b: {  	s0 =	simm.s32 @!p0 $0x2  }
0x4c: {  	_ =	swait.ge @!p0 [sflag:s0], s1  }
0x4d: {  	s1 =	ssub.s32 @!p0 $0x0, s1;
	[sflag:s0] =	ssyncset.done @!p0 $0x0  }
0x4e: {  	[sflag:s0] =	ssyncadd.s32 @!p0 s1  }
0x4f: {  	[bflag:$0x3] =	sbarrier.arrive $0xFFFF  }
0x50: {  	_ =	shalt  }

// kernel: kernel.50.cloned.1.call-start
scs
__scs_entry_jumppad:
0x0: {  	(pc) =	sbr.rel $0x88, $3  }
0x1: {  	(tag) =	ssettag $0x0;
	lr =	simm.s32 $0x1  }
0x2: {  	[smem:$0x3F85] =	sst lr;
	_ =	strace $0xD0000000  }
0x3: {  	_ = 	snop  }
0x4: {  	_ = 	snop  }
0x5: {  	_ = 	snop  }
0x6: {  	_ = 	snop  }
0x7: {  	_ = 	snop  }
__scs_overlays_trampoline_lowered:
0x8: {  	[smem:$0x3F94] =	sst s0  }
0x9: {  	[smem:$0x3F95] =	sst s1  }
0xa: {  	[smem:$0x3F96] =	sst s2  }
0xb: {  	[smem:$0x3F97] =	sst s3  }
0xc: {  	[smem:$0x3F98] =	sst s4  }
0xd: {  	[smem:$0x3F99] =	sst s5  }
0xe: {  	[smem:$0x3F9A] =	sst s6  }
0xf: {  	[smem:$0x3F9B] =	sst s7  }
0x10: {  	[smem:$0x3F9C] =	sst s8  }
0x11: {  	[smem:$0x3F9D] =	sst s9;
	s0 =	simm.s32 @!p0 $0x0  }
0x12: {  	s1 =	sld [smem:$0x3F83];
	s0 =	simm.s32 @p0 $0x1  }
0x13: {  	[smem:$0x3F9E] =	sst s0;
	s0 =	simm.s32 @!p1 $0x0  }
0x14: {  	s2 =	sld [smem:$0x3F82];
	s0 =	simm.s32 @p1 $0x1  }
0x15: {  	[smem:$0x3F9F] =	sst s0;
	s0 =	simm.s32 @!p2 $0x0  }
0x16: {  	s3 =	sld [smem:$0x3FDB];
	s0 =	simm.s32 @p2 $0x1  }
0x17: {  	s4 =	simm.s32 $0x1BF5;
	[smem:$0x3FA1] =	sst s0  }
0x18: {  	s0 =	sld [smem:$0x3F84];
	_ =	swait.ge [sflag:s4], $0x0  }
0x19: {  	s7 =	sld [smem:$0x3F85]  }
0x1a: {  	s8 =	sadd.s32 $0xFFFFE003, lr  }
0x1b: {  	s9 =	sadd.s32 $0xFFFFFEF7, lr;
	s5 =	simm.s32 $0xFFFFFFFF;
	p2 =	slt.u32 s8, $0xFFFFF086  }
0x1c: {  	p1 =	slt.u32 s9, $0xF7A;
	s5 =	simm.s32 @!p2 $0x0  }
0x1d: {  	s5 =	simm.s32 @p1 $0x1;
	p0 =	seq.s32 s7, s2  }
0x1e: {  	s7 =	smul.u32 @!p0 $0xF7A, s2;
	p2 =	seq.s32 @!p0 s5, $0x0  }
0x1f: {  	s9 =	smul.u32 $0xF7A, s1;
	s8 =	simm.s32 @!p0 $0x1BF5;
	p2 =	por !p2, p0  }
0x20: {  	[sflag:s8] =	ssyncset.s32 @!p0 $0xFFFFF086;
	s6 =	sadd.s32 @!p0 s3, s7;
	s7 =	simm.s32 @!p0 $0x108  }
0x21: {  	s3 =	sadd.s32 s3, s9;
	s6 =	sadd.s32 @!p0 $0x88, s6;
	s7 =	simm.s32 @p2 $0x1082  }
0x22: {  	[simem:s7], [sflag:s8] =	dma.local @!p0 [hbm:s6], $0xF7A  }
0x23: {  	s9 =	sor.u32 $0xD0000000, s2;
	s6 =	simm.s32 $0x108;
	_ =	swait.ge @!p0 [sflag:s8], $0x0  }
0x24: {  	s3 =	sadd.s32 $0x88, s3;
	s6 =	simm.s32 @!p1 $0x1082;
	[sflag:s4] =	ssyncset.s32 $0xFFFFF086  }
0x25: {  	[simem:s6], [sflag:s4] =	dma.local [hbm:s3], $0xF7A  }
0x26: {  	[smem:$0x3F85] =	sst s1;
	(tag) =	ssettag s2;
	_ =	strace s9  }
0x27: {  	s1 =	sld [smem:$0x3F95]  }
0x28: {  	s2 =	sld [smem:$0x3F96]  }
0x29: {  	s4 =	sld [smem:$0x3F98]  }
0x2a: {  	p0 =	seq.s32 s5, $0x0;
	s5 =	sld [smem:$0x3F99]  }
0x2b: {  	s6 =	sld [smem:$0x3F9A]  }
0x2c: {  	s7 =	sld [smem:$0x3F9B]  }
0x2d: {  	s3 =	simm.s32 $0x108;
	s8 =	sld [smem:$0x3F9C]  }
0x2e: {  	s3 =	simm.s32 @!p0 $0x1082;
	s9 =	sld [smem:$0x3F9D]  }
0x2f: {  	lr =	sadd.s32 s0, s3;
	s0 =	sld [smem:$0x3F94]  }
0x30: {  	s3 =	sld [smem:$0x3F97]  }
0x31: {  	[smem:$0x3FA0] =	sst s10  }
0x32: {  	s10 =	sld [smem:$0x3F9E];
	_ =	sdelay $0x3  }
0x33: {  	p0 =	seq.s32 s10, $0x1;
	s10 =	sld [smem:$0x3FA0];
	_ =	sdelay $0x3  }
0x34: {  	[smem:$0x3FA0] =	sst s10  }
0x35: {  	s10 =	sld [smem:$0x3F9F];
	_ =	sdelay $0x3  }
0x36: {  	p1 =	seq.s32 s10, $0x1;
	s10 =	sld [smem:$0x3FA0];
	_ =	sdelay $0x3  }
0x37: {  	[smem:$0x3FA0] =	sst s10  }
0x38: {  	s10 =	sld [smem:$0x3FA1]  }
0x39: {  	_ = 	snop;
	(pc) =	sbr.ind lr, $3  }
0x3a: {  	_ = 	snop  }
0x3b: {  	_ = 	snop  }
0x3c: {  	p2 =	seq.s32 s10, $0x1;
	s10 =	sld [smem:$0x3FA0]  }
0x3d: {  	_ =	shalt  }
0x3e: {  	_ =	shalt  }
0x3f: {  	_ =	shalt  }
0x40: {  	_ =	shalt  }
0x41: {  	_ =	shalt  }
0x42: {  	_ =	shalt  }
0x43: {  	_ =	shalt  }
0x44: {  	_ =	shalt  }
0x45: {  	_ =	shalt  }
0x46: {  	_ =	shalt  }
0x47: {  	_ =	shalt  }
0x48: {  	_ =	shalt  }
0x49: {  	_ =	shalt  }
0x4a: {  	_ =	shalt  }
0x4b: {  	_ =	shalt  }
0x4c: {  	_ =	shalt  }
0x4d: {  	_ =	shalt  }
0x4e: {  	_ =	shalt  }
0x4f: {  	_ =	shalt  }
0x50: {  	_ =	shalt  }
0x51: {  	_ =	shalt  }
0x52: {  	_ =	shalt  }
0x53: {  	_ =	shalt  }
0x54: {  	_ =	shalt  }
0x55: {  	_ =	shalt  }
0x56: {  	_ =	shalt  }
0x57: {  	_ =	shalt  }
0x58: {  	_ =	shalt  }
0x59: {  	_ =	shalt  }
0x5a: {  	_ =	shalt  }
0x5b: {  	_ =	shalt  }
0x5c: {  	_ =	shalt  }
0x5d: {  	_ =	shalt  }
0x5e: {  	_ =	shalt  }
0x5f: {  	_ =	shalt  }
0x60: {  	_ =	shalt  }
0x61: {  	_ =	shalt  }
0x62: {  	_ =	shalt  }
0x63: {  	_ =	shalt  }
0x64: {  	_ =	shalt  }
0x65: {  	_ =	shalt  }
0x66: {  	_ =	shalt  }
0x67: {  	_ =	shalt  }
0x68: {  	_ =	shalt  }
0x69: {  	_ =	shalt  }
0x6a: {  	_ =	shalt  }
0x6b: {  	_ =	shalt  }
0x6c: {  	_ =	shalt  }
0x6d: {  	_ =	shalt  }
0x6e: {  	_ =	shalt  }
0x6f: {  	_ =	shalt  }
0x70: {  	_ =	shalt  }
0x71: {  	_ =	shalt  }
0x72: {  	_ =	shalt  }
0x73: {  	_ =	shalt  }
0x74: {  	_ =	shalt  }
0x75: {  	_ =	shalt  }
0x76: {  	_ =	shalt  }
0x77: {  	_ =	shalt  }
0x78: {  	_ =	shalt  }
0x79: {  	_ =	shalt  }
0x7a: {  	_ =	shalt  }
0x7b: {  	_ =	shalt  }
0x7c: {  	_ =	shalt  }
0x7d: {  	_ =	shalt  }
0x7e: {  	_ =	shalt  }
0x7f: {  	_ =	shalt  }
0x80: {  	_ =	shalt  }
0x81: {  	_ =	shalt  }
0x82: {  	_ =	shalt  }
0x83: {  	_ =	shalt  }
0x84: {  	_ =	shalt  }
0x85: {  	_ =	shalt  }
0x86: {  	_ =	shalt  }
0x87: {  	_ =	shalt  }
.Lfunc_end0:
.L_simem_size_0:
called_computation.6_lowered:
.L_overlay_start_0:
0x88: {  	s2 =	sld [smem:$0x3FD9]  }
0x89: {  	s3 =	sld [smem:$0x3FFE];
	_ =	sdelay $0x1  }
0x8a: {  	s1 =	srdreg.scid  }
0x8b: {  	s0 =	sand.u32 $0x1, s1  }
0x8c: {  	s16 =	sshll.u32 s0, $0xA;
	s2 =	sadd.s32 s3, s2  }
0x8d: {  	s2 =	sadd.s32 s2, s16  }
0x8e: {  	[smem:$0x3FAC] =	sst s2  }
0x8f: {  	_ = 	snop  }
0x90: {  	(tm) =	ssettm $0x1  }
0x91: {  	s17 =	sld [smem:$0x3FFB];
	_ =	sdelay $0x3  }
0x92: {  	_ =	strace s17  }
0x93: {  	s2 =	sld [smem:$0x3FFC];
	_ =	sdelay $0x3  }
0x94: {  	_ =	strace s2  }
0x95: {  	s2 =	sld [smem:$0x3FFD];
	_ =	sdelay $0x3  }
0x96: {  	_ =	strace s2  }
0x97: {  	_ =	strace $0x8FFFFFFF  }
0x98: {  	s18 =	sld [smem:$0x3FDB];
	_ =	sdelay $0x1  }
0x99: {  	s19 =	simm.s32 $_scs_section_size  }
0x9a: {  	s4 =	simm.s32 $_size__tile_overlayer_lowered;
	s5 =	simm.s32 $_tile_overlayer_lowered  }
0x9b: {  	s22 =	simm.s32 $0x1BFF;
	s21 =	sshll.u32 s5, $0x1;
	s2 =	sadd.s32 s19, s18  }
0x9c: {  	s6 =	simm.s32 $0x0;
	s20 =	sshll.u32 s4, $0x1;
	s4 =	sadd.s32 s21, s2  }
0x9d: {  	[timem:s6], [sflag:s22] =	dma.local [hbm:s4], s20  }
0x9e: {  	_ =	swait.ge [sflag:s22], s20  }
0x9f: {  	s3 =	ssub.s32 $0x0, s20;
	[sflag:s22] =	ssyncset.done $0x0  }
0xa0: {  	[sflag:s22] =	ssyncadd.s32 s3;
	_ =	sdelay $0x1  }
0xa1: {  	s23 =	simm.s32 $0x1B8B  }
0xa2: {  	_ =	swait.ge [sflag:s23], $0x1  }
0xa3: {  	[sflag:s23] =	ssyncset.done $0x0  }
0xa4: {  	s25 =	simm.s32 $0x1B8E;
	s24 =	sld [smem:$0x3FFE];
	[sflag:s23] =	ssyncadd.s32 $0xFFFFFFFF  }
0xa5: {  	s26 =	simm.s32 $execute0_lowered;
	[smem:$0x3FD2] =	sst s25  }
0xa6: {  	s4 =	sshll.u32 s26, $0x1;
	_ =	strace $0x80000058;
	[dreg:$0x1] =	wrdreg $0xFFFFFFFF  }
0xa7: {  	s28 =	simm.s32 $_size_execute0_lowered;
	s2 =	sadd.s32 s2, s4;
	[dreg:$0x0] =	wrdreg $0x0  }
0xa8: {  	s4 =	sshll.u32 s28, $0x1;
	[dreg:$0x2] =	wrdreg s2  }
0xa9: {  	[dreg:$0x3] =	wrdreg s4  }
0xaa: {  	[dreg:$0x4] =	wrdreg $0xC0  }
0xab: {  	_ =	task [dreg:s6], $0x5FFFF  }
0xac: {  	[dreg:$0x1] =	wrdreg $0xFFFFFFFF  }
0xad: {  	[dreg:$0x0] =	wrdreg $0x60  }
0xae: {  	[dreg:$0x2] =	wrdreg s24  }
0xaf: {  	[dreg:$0x3] =	wrdreg $0x9080  }
0xb0: {  	[dreg:$0x4] =	wrdreg $0x9  }
0xb1: {  	_ =	task.clear_ibuf [dreg:s6], $0x5FFFF;
	_ =	strace $0x90000058  }
0xb2: {  	s29 =	simm.s32 $0x9;
	_ =	strace $0x8000005A  }
0xb3: {  	_ =	swait.ge [sflag:s29], $0x1  }
0xb4: {  	[sflag:s29] =	ssyncadd.s32 $0xFFFFFFFF  }
0xb5: {  	_ =	strace $0x9000005A  }
0xb6: {  	_ =	sfence  }
0xb7: {  	s30 =	sld [smem:$0x0];
	_ =	sdelay $0x2  }
0xb8: {  	s31 =	sshll.u32 s1, $0xD;
	s1 =	sshrl.u32 s1, $0x2  }
0xb9: {  	s3 =	sand.u32 $0x4000, s31;
	s1 =	sadd.s32 s1, s30  }
0xba: {  	s0 =	sor.u32 s3, s0;
	s1 =	sshll.u32 s1, $0x11  }
0xbb: {  	s0 =	sor.u32 s1, s0  }
0xbc: {  	s0 =	sadd.s32 $0x8F2B, s0  }
0xbd: {  	[sflag:s0] =	ssyncadd.remote.s32 $0x1  }
0xbe: {  	_ =	sfence.sel $0xFFFF  }
0xbf: {  	[dreg:$0x0] =	wrdreg $0xFFFFFFFF;
	(pc) =	sbr.abs _section_cstart, $3  }
0xc0: {  	[dreg:$0x1] =	wrdreg $0xFFFFFFFF  }
0xc1: {  	_ =	task.clear_ibuf [dreg:s6], $0x2FFFF;
	_ =	strace $0x9FFFFFFF  }
0xc2: {  	(tm) =	ssettm $0x7FFFFFFF  }
0xc3: {  	_ =	shalt  }
tec
execute0_lowered:
.L_overlay_start_1:
0x0: {  	(tag) =	ssettag $0x1  }
0x1: {  	s4 =	rddreg [dreg:$0x0]  }
0x2: {  	s1 =	rddreg [dreg:$0x1]  }
0x3: {  	s0 =	rddreg [dreg:$0x2];
	s2 =	simm.s32 $0x0;
	s3 =	srdreg.scid  }
0x4: {  	s8 =	stileid.u32;
	s14 =	simm.s32 $0x888;
	s15 =	simm.s32 $0x8  }
0x5: {  	s16 =	simm.s32 $0x0;
	[smem:$0x7FF] =	sst s2;
	s7 =	smul.u32 $0x1388, s8  }
0x6: {  	s6 =	sand.u32 $0x1, s3;
	s9 =	sadd.s32 $0x11400, s4;
	s30 =	smul.u32 $0x2710, s8  }
0x7: {  	s10 =	sadd.s32 $0xC400, s4;
	s3 =	sadd.s32 $0x8B800, s4;
	s5 =	smul.u32 $0x13880, s6  }
0x8: {  	p0 =	sne.s32 s8, $0x0;
	s11 =	smul.u32 $0x4E20, s6;
	s12 =	ssub.s32 $0x2, s6  }
0x9: {  	_ =	strace $0x80000059;
	s29 =	smul.u32 $0x27100, s6;
	s25 =	sshrl.u32 s12, $0x1  }
0xa: {  	s13 =	sadd.s32 s7, s5;
	s24 =	sadd.s32 s11, s4;
	s26 =	ssub.s32 s12, s25  }
0xb: {  	s11 =	simm.s32 $0x1;
	s12 =	simm.s32 $0x80;
	s5 =	sadd.s32 $0x1380, s13  }
0xc: {  	s6 =	sadd.s32 $0x5F600, s24;
	s7 =	smax.u32 s26, $0x1;
	s31 =	sshrl.u32 s13, $0x3  }
0xd: {  	s13 =	simm.s32 $0x880;
	s28 =	sshrl.u32 s5, $0x3;
	s5 =	sshll.u32 s5, $0x1  }
0xe: {  	s4 =	sadd.s32 s10, s28;
	s5 =	sadd.s32 s9, s5;
	s9 =	sadd.s32 s29, s9  }
0xf: {  	s8 =	sadd.s32 s30, s9;
	s9 =	sadd.s32 s31, s10;
	s10 =	sshrl.u32 @!p0 s1, $0x3  }
.LBB2_1:
0x10: {  	s17 =	simm.s32 @!p0 $0x1C01  }
0x11: {  	[spmem:s10], [sflag:s17] =	dma.local @!p0 [hbm:s3], $0x4E20  }
0x12: {  	s17 =	simm.s32 @!p0 $0x1  }
0x13: {  	_ =	swait.ge @!p0 [sflag:s17], $0x4E20  }
0x14: {  	[sflag:s17] =	ssyncset.done @!p0 $0x0  }
0x15: {  	[sflag:s17] =	ssyncadd.s32 @!p0 $0xFFFFB1E0  }
0x16: {  	s31 =	sadd.s32 $0x0, s9;
	[bflag:$0x0] =	sbarrier.arrive $0xFFFF  }
0x17: {  	[tilespmem:s2], [sflag:$0x1] =	stream.linear.gather [hbm4b:s31+s2], $0x80, $0x38;
	[tilespmem:$0x3018] =	vst v63  }
0x18: {  	_ =	swait.ge [sflag:s11], $0x80  }
0x19: {  	[sflag:s11] =	ssyncset.done $0x0  }
0x1a: {  	[sflag:s11] =	ssyncadd.s32 $0xFFFFFF80  }
0x1b: {  	[tilespmem:s12], [sflag:$0x1] =	stream.linear.gather [hbm4b:s8+s2], $0x800, $0x38;
	[tilespmem:$0x3018] =	vst v63  }
0x1c: {  	_ =	swait.ge [sflag:s11], $0x800  }
0x1d: {  	[sflag:s11] =	ssyncset.done $0x0  }
0x1e: {  	[sflag:s11] =	ssyncadd.s32 $0xFFFFF800  }
0x1f: {  	[spmem:s1] =	stream.indirect.scatter.add.f32 [tilespmem:s12], [sflag:$0x1], $0x10, s2, s12, $0xb8;
	[tilespmem:$0x3018] =	vst v63  }
0x20: {  	s18 =	simm.s32 $0x10;
	_ =	swait.ge [sflag:s11], $0x800  }
0x21: {  	s19 =	simm.s32 $0x20;
	s17 =	sadd.s32 $0x100, s8;
	[sflag:s11] =	ssyncset.done $0x0  }
.LBB2_2:
0x22: {  	s20 =	sadd.s32 s18, s9  }
0x23: {  	[sflag:s11] =	ssyncadd.s32 $0xFFFFF800;
	s18 =	smov.u32 s19;
	s21 =	sadd.s32 $0x10, s19  }
0x24: {  	[tilespmem:s2], [sflag:$0x1] =	stream.linear.gather [hbm4b:s20+s2], $0x80, $0x38;
	[tilespmem:$0x3018] =	vst v63  }
0x25: {  	p1 =	sne.s32 s19, $0x260;
	_ =	swait.ge [sflag:s11], $0x80  }
0x26: {  	[sflag:s11] =	ssyncset.done $0x0  }
0x27: {  	[sflag:s11] =	ssyncadd.s32 $0xFFFFFF80  }
0x28: {  	[tilespmem:s12], [sflag:$0x1] =	stream.linear.gather [hbm4b:s17+s2], $0x800, $0x38;
	[tilespmem:$0x3018] =	vst v63  }
0x29: {  	_ =	swait.ge [sflag:s11], $0x800  }
.Ltmp0:
0x2a: {  	[sflag:s11] =	ssyncset.done $0x0;
	(pc) =	sbr.rel @p1 .LBB2_2-.Ltmp0, $4  }
0x2b: {  	[sflag:s11] =	ssyncadd.s32 $0xFFFFF800  }
0x2c: {  	[spmem:s1] =	stream.indirect.scatter.add.f32 [tilespmem:s12], [sflag:$0x1], $0x10, s2, s12, $0xb8;
	[tilespmem:$0x3018] =	vst v63  }
0x2d: {  	_ =	swait.ge [sflag:s11], $0x800  }
0x2e: {  	s19 =	smov.u32 s21;
	s17 =	sadd.s32 $0x100, s17;
	[sflag:s11] =	ssyncset.done $0x0  }
0x2f: {  	s18 =	sadd.s32 s18, s9;
	[sflag:s11] =	ssyncadd.s32 $0xFFFFF800  }
0x30: {  	[tilespmem:s2], [sflag:$0x1] =	stream.linear.gather [hbm4b:s18+s2], $0x80, $0x38;
	[tilespmem:$0x3018] =	vst v63  }
0x31: {  	_ =	swait.ge [sflag:s11], $0x80  }
0x32: {  	[sflag:s11] =	ssyncset.done $0x0  }
0x33: {  	[sflag:s11] =	ssyncadd.s32 $0xFFFFFF80  }
0x34: {  	[tilespmem:s12], [sflag:$0x1] =	stream.linear.gather [hbm4b:s17+s2], $0x800, $0x38;
	[tilespmem:$0x3018] =	vst v63  }
0x35: {  	_ =	swait.ge [sflag:s11], $0x800  }
0x36: {  	[sflag:s11] =	ssyncset.done $0x0  }
0x37: {  	[sflag:s11] =	ssyncadd.s32 $0xFFFFF800  }
0x38: {  	[spmem:s1] =	stream.indirect.scatter.add.f32 [tilespmem:s12], [sflag:$0x1], $0x10, s2, s12, $0xb8;
	[tilespmem:$0x3018] =	vst v63  }
0x39: {  	_ =	swait.ge [sflag:s11], $0x800  }
0x3a: {  	[sflag:s11] =	ssyncset.done $0x0  }
0x3b: {  	[sflag:s11] =	ssyncadd.s32 $0xFFFFF800  }
0x3c: {  	[tilespmem:s13], [sflag:$0x1] =	stream.linear.gather [hbm4b:s4+s2], $0x8, $0x38;
	[tilespmem:$0x3018] =	vst v63  }
0x3d: {  	_ =	swait.ge [sflag:s11], $0x8  }
0x3e: {  	[sflag:s11] =	ssyncset.done $0x0  }
0x3f: {  	[sflag:s11] =	ssyncadd.s32 $0xFFFFFFF8  }
0x40: {  	[tilespmem:s14], [sflag:$0x1] =	stream.linear.gather [hbm4b:s5+s2], $0x80, $0x38;
	[tilespmem:$0x3018] =	vst v63  }
0x41: {  	_ =	swait.ge [sflag:s11], $0x80  }
0x42: {  	[sflag:s11] =	ssyncset.done $0x0  }
0x43: {  	[sflag:s11] =	ssyncadd.s32 $0xFFFFFF80  }
0x44: {  	[spmem:s1] =	stream.indirect.scatter.add.f32 [tilespmem:s14], [sflag:$0x1], $0x10, s13, s15, $0xb8;
	[tilespmem:$0x3018] =	vst v63  }
0x45: {  	_ =	swait.ge [sflag:s11], $0x80  }
0x46: {  	[sflag:s11] =	ssyncset.done $0x0  }
0x47: {  	s16 =	sadd.s32 $0x1, s16;
	[sflag:s11] =	ssyncadd.s32 $0xFFFFFF80  }
0x48: {  	p1 =	sne.s32 s16, s7;
	s17 =	simm.s32 @!p0 $0x1C01;
	[bflag:$0x0] =	sbarrier.arrive $0xFFFF  }
0x49: {  	[hbm:s6], [sflag:s17] =	dma.local @!p0 [spmem:s10], $0x4E20  }
.Ltmp1:
0x4a: {  	_ = 	snop;
	(pc) =	sbr.rel @p1 .LBB2_1-.Ltmp1, $4  }
0x4b: {  	s17 =	simm.s32 @!p0 $0x1  }
0x4c: {  	_ =	swait.ge @!p0 [sflag:s17], $0x4E20  }
0x4d: {  	[sflag:s17] =	ssyncset.done @!p0 $0x0  }
0x4e: {  	[sflag:s17] =	ssyncadd.s32 @!p0 $0xFFFFB1E0  }
0x4f: {  	_ =	sfence.sel $0x180000  }
0x50: {  	[bflag:$0x0] =	sbarrier.arrive $0xFFFF  }
0x51: {  	_ =	strace $0x90000059  }
0x52: {  	s0 =	sadd.s32 @!p0 $0x100000, s0;
	[bflag:$0x2] =	sbarrier.arrive $0xFFFF  }
0x53: {  	[sflag:s0] =	ssyncadd.tile.s32 @!p0 $0x1;
	_ =	shalt  }
.Lfunc_end2:
_tile_overlayer_lowered:
.L_overlay_start_2:
0x54: {  	(tag) =	ssettag $0x2  }
0x55: {  	s0 =	rddreg [dreg:$0x0];
	s2 =	stileid.u32  }
0x56: {  	s1 =	rddreg [dreg:$0x1];
	p0 =	sne.s32 s2, $0x0  }
0x57: {  	s3 =	rddreg [dreg:$0x2];
	[bflag:$0x3] =	sbarrier.arrive $0xFFFF;
	s2 =	simm.s32 @!p0 $0x1C01  }
0x58: {  	[timem:s3], [sflag:s2] =	dma.local @!p0 [hbm:s0], s1  }
0x59: {  	s0 =	simm.s32 @!p0 $0x1  }
0x5a: {  	_ =	swait.ge @!p0 [sflag:s0], s1  }
0x5b: {  	s1 =	ssub.s32 @!p0 $0x0, s1;
	[sflag:s0] =	ssyncset.done @!p0 $0x0  }
0x5c: {  	[sflag:s0] =	ssyncadd.s32 @!p0 s1  }
0x5d: {  	[bflag:$0x3] =	sbarrier.arrive $0xFFFF  }
0x5e: {  	_ =	shalt  }

// kernel: kernel.53.cloned.1.call-start
scs
__scs_entry_jumppad:
0x0: {  	(pc) =	sbr.rel $0x88, $3  }
0x1: {  	(tag) =	ssettag $0x0;
	lr =	simm.s32 $0x1  }
0x2: {  	[smem:$0x3F85] =	sst lr;
	_ =	strace $0xD0000000  }
0x3: {  	_ = 	snop  }
0x4: {  	_ = 	snop  }
0x5: {  	_ = 	snop  }
0x6: {  	_ = 	snop  }
0x7: {  	_ = 	snop  }
__scs_overlays_trampoline_lowered:
0x8: {  	[smem:$0x3F94] =	sst s0  }
0x9: {  	[smem:$0x3F95] =	sst s1  }
0xa: {  	[smem:$0x3F96] =	sst s2  }
0xb: {  	[smem:$0x3F97] =	sst s3  }
0xc: {  	[smem:$0x3F98] =	sst s4  }
0xd: {  	[smem:$0x3F99] =	sst s5  }
0xe: {  	[smem:$0x3F9A] =	sst s6  }
0xf: {  	[smem:$0x3F9B] =	sst s7  }
0x10: {  	[smem:$0x3F9C] =	sst s8  }
0x11: {  	[smem:$0x3F9D] =	sst s9;
	s0 =	simm.s32 @!p0 $0x0  }
0x12: {  	s1 =	sld [smem:$0x3F83];
	s0 =	simm.s32 @p0 $0x1  }
0x13: {  	[smem:$0x3F9E] =	sst s0;
	s0 =	simm.s32 @!p1 $0x0  }
0x14: {  	s2 =	sld [smem:$0x3F82];
	s0 =	simm.s32 @p1 $0x1  }
0x15: {  	[smem:$0x3F9F] =	sst s0;
	s0 =	simm.s32 @!p2 $0x0  }
0x16: {  	s3 =	sld [smem:$0x3FDB];
	s0 =	simm.s32 @p2 $0x1  }
0x17: {  	s4 =	simm.s32 $0x1BF5;
	[smem:$0x3FA1] =	sst s0  }
0x18: {  	s0 =	sld [smem:$0x3F84];
	_ =	swait.ge [sflag:s4], $0x0  }
0x19: {  	s7 =	sld [smem:$0x3F85]  }
0x1a: {  	s8 =	sadd.s32 $0xFFFFE003, lr  }
0x1b: {  	s9 =	sadd.s32 $0xFFFFFEF7, lr;
	s5 =	simm.s32 $0xFFFFFFFF;
	p2 =	slt.u32 s8, $0xFFFFF086  }
0x1c: {  	p1 =	slt.u32 s9, $0xF7A;
	s5 =	simm.s32 @!p2 $0x0  }
0x1d: {  	s5 =	simm.s32 @p1 $0x1;
	p0 =	seq.s32 s7, s2  }
0x1e: {  	s7 =	smul.u32 @!p0 $0xF7A, s2;
	p2 =	seq.s32 @!p0 s5, $0x0  }
0x1f: {  	s9 =	smul.u32 $0xF7A, s1;
	s8 =	simm.s32 @!p0 $0x1BF5;
	p2 =	por !p2, p0  }
0x20: {  	[sflag:s8] =	ssyncset.s32 @!p0 $0xFFFFF086;
	s6 =	sadd.s32 @!p0 s3, s7;
	s7 =	simm.s32 @!p0 $0x108  }
0x21: {  	s3 =	sadd.s32 s3, s9;
	s6 =	sadd.s32 @!p0 $0x88, s6;
	s7 =	simm.s32 @p2 $0x1082  }
0x22: {  	[simem:s7], [sflag:s8] =	dma.local @!p0 [hbm:s6], $0xF7A  }
0x23: {  	s9 =	sor.u32 $0xD0000000, s2;
	s6 =	simm.s32 $0x108;
	_ =	swait.ge @!p0 [sflag:s8], $0x0  }
0x24: {  	s3 =	sadd.s32 $0x88, s3;
	s6 =	simm.s32 @!p1 $0x1082;
	[sflag:s4] =	ssyncset.s32 $0xFFFFF086  }
0x25: {  	[simem:s6], [sflag:s4] =	dma.local [hbm:s3], $0xF7A  }
0x26: {  	[smem:$0x3F85] =	sst s1;
	(tag) =	ssettag s2;
	_ =	strace s9  }
0x27: {  	s1 =	sld [smem:$0x3F95]  }
0x28: {  	s2 =	sld [smem:$0x3F96]  }
0x29: {  	s4 =	sld [smem:$0x3F98]  }
0x2a: {  	p0 =	seq.s32 s5, $0x0;
	s5 =	sld [smem:$0x3F99]  }
0x2b: {  	s6 =	sld [smem:$0x3F9A]  }
0x2c: {  	s7 =	sld [smem:$0x3F9B]  }
0x2d: {  	s3 =	simm.s32 $0x108;
	s8 =	sld [smem:$0x3F9C]  }
0x2e: {  	s3 =	simm.s32 @!p0 $0x1082;
	s9 =	sld [smem:$0x3F9D]  }
0x2f: {  	lr =	sadd.s32 s0, s3;
	s0 =	sld [smem:$0x3F94]  }
0x30: {  	s3 =	sld [smem:$0x3F97]  }
0x31: {  	[smem:$0x3FA0] =	sst s10  }
0x32: {  	s10 =	sld [smem:$0x3F9E];
	_ =	sdelay $0x3  }
0x33: {  	p0 =	seq.s32 s10, $0x1;
	s10 =	sld [smem:$0x3FA0];
	_ =	sdelay $0x3  }
0x34: {  	[smem:$0x3FA0] =	sst s10  }
0x35: {  	s10 =	sld [smem:$0x3F9F];
	_ =	sdelay $0x3  }
0x36: {  	p1 =	seq.s32 s10, $0x1;
	s10 =	sld [smem:$0x3FA0];
	_ =	sdelay $0x3  }
0x37: {  	[smem:$0x3FA0] =	sst s10  }
0x38: {  	s10 =	sld [smem:$0x3FA1]  }
0x39: {  	_ = 	snop;
	(pc) =	sbr.ind lr, $3  }
0x3a: {  	_ = 	snop  }
0x3b: {  	_ = 	snop  }
0x3c: {  	p2 =	seq.s32 s10, $0x1;
	s10 =	sld [smem:$0x3FA0]  }
0x3d: {  	_ =	shalt  }
0x3e: {  	_ =	shalt  }
0x3f: {  	_ =	shalt  }
0x40: {  	_ =	shalt  }
0x41: {  	_ =	shalt  }
0x42: {  	_ =	shalt  }
0x43: {  	_ =	shalt  }
0x44: {  	_ =	shalt  }
0x45: {  	_ =	shalt  }
0x46: {  	_ =	shalt  }
0x47: {  	_ =	shalt  }
0x48: {  	_ =	shalt  }
0x49: {  	_ =	shalt  }
0x4a: {  	_ =	shalt  }
0x4b: {  	_ =	shalt  }
0x4c: {  	_ =	shalt  }
0x4d: {  	_ =	shalt  }
0x4e: {  	_ =	shalt  }
0x4f: {  	_ =	shalt  }
0x50: {  	_ =	shalt  }
0x51: {  	_ =	shalt  }
0x52: {  	_ =	shalt  }
0x53: {  	_ =	shalt  }
0x54: {  	_ =	shalt  }
0x55: {  	_ =	shalt  }
0x56: {  	_ =	shalt  }
0x57: {  	_ =	shalt  }
0x58: {  	_ =	shalt  }
0x59: {  	_ =	shalt  }
0x5a: {  	_ =	shalt  }
0x5b: {  	_ =	shalt  }
0x5c: {  	_ =	shalt  }
0x5d: {  	_ =	shalt  }
0x5e: {  	_ =	shalt  }
0x5f: {  	_ =	shalt  }
0x60: {  	_ =	shalt  }
0x61: {  	_ =	shalt  }
0x62: {  	_ =	shalt  }
0x63: {  	_ =	shalt  }
0x64: {  	_ =	shalt  }
0x65: {  	_ =	shalt  }
0x66: {  	_ =	shalt  }
0x67: {  	_ =	shalt  }
0x68: {  	_ =	shalt  }
0x69: {  	_ =	shalt  }
0x6a: {  	_ =	shalt  }
0x6b: {  	_ =	shalt  }
0x6c: {  	_ =	shalt  }
0x6d: {  	_ =	shalt  }
0x6e: {  	_ =	shalt  }
0x6f: {  	_ =	shalt  }
0x70: {  	_ =	shalt  }
0x71: {  	_ =	shalt  }
0x72: {  	_ =	shalt  }
0x73: {  	_ =	shalt  }
0x74: {  	_ =	shalt  }
0x75: {  	_ =	shalt  }
0x76: {  	_ =	shalt  }
0x77: {  	_ =	shalt  }
0x78: {  	_ =	shalt  }
0x79: {  	_ =	shalt  }
0x7a: {  	_ =	shalt  }
0x7b: {  	_ =	shalt  }
0x7c: {  	_ =	shalt  }
0x7d: {  	_ =	shalt  }
0x7e: {  	_ =	shalt  }
0x7f: {  	_ =	shalt  }
0x80: {  	_ =	shalt  }
0x81: {  	_ =	shalt  }
0x82: {  	_ =	shalt  }
0x83: {  	_ =	shalt  }
0x84: {  	_ =	shalt  }
0x85: {  	_ =	shalt  }
0x86: {  	_ =	shalt  }
0x87: {  	_ =	shalt  }
.Lfunc_end0:
.L_simem_size_0:
called_computation.7_lowered:
.L_overlay_start_0:
0x88: {  	s2 =	sld [smem:$0x3FD9]  }
0x89: {  	s3 =	sld [smem:$0x3FFE];
	_ =	sdelay $0x1  }
0x8a: {  	s1 =	srdreg.scid  }
0x8b: {  	s0 =	sand.u32 $0x1, s1  }
0x8c: {  	s16 =	sshll.u32 s0, $0xA;
	s2 =	sadd.s32 s3, s2  }
0x8d: {  	s2 =	sadd.s32 s2, s16  }
0x8e: {  	[smem:$0x3FAC] =	sst s2  }
0x8f: {  	_ = 	snop  }
0x90: {  	(tm) =	ssettm $0x1  }
0x91: {  	s17 =	sld [smem:$0x3FFB];
	_ =	sdelay $0x3  }
0x92: {  	_ =	strace s17  }
0x93: {  	s2 =	sld [smem:$0x3FFC];
	_ =	sdelay $0x3  }
0x94: {  	_ =	strace s2  }
0x95: {  	s2 =	sld [smem:$0x3FFD];
	_ =	sdelay $0x3  }
0x96: {  	_ =	strace s2  }
0x97: {  	_ =	strace $0x8FFFFFFF  }
0x98: {  	s18 =	sld [smem:$0x3FDB];
	_ =	sdelay $0x1  }
0x99: {  	s19 =	simm.s32 $_scs_section_size  }
0x9a: {  	s4 =	simm.s32 $_size__tile_overlayer_lowered;
	s5 =	simm.s32 $_tile_overlayer_lowered  }
0x9b: {  	s22 =	simm.s32 $0x1BFF;
	s21 =	sshll.u32 s5, $0x1;
	s2 =	sadd.s32 s19, s18  }
0x9c: {  	s6 =	simm.s32 $0x0;
	s20 =	sshll.u32 s4, $0x1;
	s4 =	sadd.s32 s21, s2  }
0x9d: {  	[timem:s6], [sflag:s22] =	dma.local [hbm:s4], s20  }
0x9e: {  	_ =	swait.ge [sflag:s22], s20  }
0x9f: {  	s3 =	ssub.s32 $0x0, s20;
	[sflag:s22] =	ssyncset.done $0x0  }
0xa0: {  	[sflag:s22] =	ssyncadd.s32 s3;
	_ =	sdelay $0x1  }
0xa1: {  	s23 =	simm.s32 $0x1B8B  }
0xa2: {  	_ =	swait.ge [sflag:s23], $0x1  }
0xa3: {  	[sflag:s23] =	ssyncset.done $0x0  }
0xa4: {  	s25 =	simm.s32 $0x1B8E;
	s24 =	sld [smem:$0x3FFE];
	[sflag:s23] =	ssyncadd.s32 $0xFFFFFFFF  }
0xa5: {  	s26 =	simm.s32 $execute0_lowered;
	[smem:$0x3FD2] =	sst s25  }
0xa6: {  	s4 =	sshll.u32 s26, $0x1;
	_ =	strace $0x8000005B;
	[dreg:$0x1] =	wrdreg $0xFFFFFFFF  }
0xa7: {  	s28 =	simm.s32 $_size_execute0_lowered;
	s2 =	sadd.s32 s2, s4;
	[dreg:$0x0] =	wrdreg $0x0  }
0xa8: {  	s4 =	sshll.u32 s28, $0x1;
	[dreg:$0x2] =	wrdreg s2  }
0xa9: {  	[dreg:$0x3] =	wrdreg s4  }
0xaa: {  	[dreg:$0x4] =	wrdreg $0xC0  }
0xab: {  	_ =	task [dreg:s6], $0x5FFFF  }
0xac: {  	[dreg:$0x1] =	wrdreg $0xFFFFFFFF  }
0xad: {  	[dreg:$0x0] =	wrdreg $0x60  }
0xae: {  	[dreg:$0x2] =	wrdreg s24  }
0xaf: {  	[dreg:$0x3] =	wrdreg $0x9  }
0xb0: {  	_ =	task.clear_ibuf [dreg:s6], $0x4FFFF;
	_ =	strace $0x9000005B  }
0xb1: {  	s29 =	simm.s32 $0x9;
	_ =	strace $0x8000005D  }
0xb2: {  	_ =	swait.ge [sflag:s29], $0x1  }
0xb3: {  	[sflag:s29] =	ssyncadd.s32 $0xFFFFFFFF  }
0xb4: {  	_ =	strace $0x9000005D  }
0xb5: {  	_ =	sfence  }
0xb6: {  	s30 =	sld [smem:$0x0];
	_ =	sdelay $0x2  }
0xb7: {  	s31 =	sshll.u32 s1, $0xD;
	s1 =	sshrl.u32 s1, $0x2  }
0xb8: {  	s3 =	sand.u32 $0x4000, s31;
	s1 =	sadd.s32 s1, s30  }
0xb9: {  	s0 =	sor.u32 s3, s0;
	s1 =	sshll.u32 s1, $0x11  }
0xba: {  	s0 =	sor.u32 s1, s0  }
0xbb: {  	s0 =	sadd.s32 $0x8F2B, s0  }
0xbc: {  	[sflag:s0] =	ssyncadd.remote.s32 $0x1  }
0xbd: {  	_ =	sfence.sel $0xFFFF  }
0xbe: {  	[dreg:$0x0] =	wrdreg $0xFFFFFFFF;
	(pc) =	sbr.abs _section_cstart, $3  }
0xbf: {  	[dreg:$0x1] =	wrdreg $0xFFFFFFFF  }
0xc0: {  	_ =	task.clear_ibuf [dreg:s6], $0x2FFFF;
	_ =	strace $0x9FFFFFFF  }
0xc1: {  	(tm) =	ssettm $0x7FFFFFFF  }
tec
execute0_lowered:
.L_overlay_start_1:
0x0: {  	(tag) =	ssettag $0x1  }
0x1: {  	s4 =	rddreg [dreg:$0x0]  }
0x2: {  	s0 =	rddreg [dreg:$0x1];
	s3 =	srdreg.scid  }
0x3: {  	s1 =	stileid.u32;
	s2 =	simm.s32 $0x0;
	s14 =	simm.s32 $0x888  }
0x4: {  	s15 =	simm.s32 $0x0;
	s6 =	sand.u32 $0x1, s3;
	s28 =	sshll.u32 s1, $0x1  }
0x5: {  	[smem:$0x7FF] =	sst s2;
	s3 =	sadd.s32 $0x11400, s4;
	s10 =	smul.u32 $0x2710, s1  }
0x6: {  	s8 =	sadd.s32 $0x7400, s4;
	s7 =	sadd.s32 $0x16400, s4;
	s12 =	smul.u32 $0x4E20, s1  }
0x7: {  	s5 =	sor.u32 s6, s28;
	s29 =	ssub.s32 $0x2, s6;
	s11 =	smul.u32 $0x1388, s6  }
0x8: {  	_ =	strace $0x8000005C;
	s5 =	smul.u32 $0x1388, s5;
	s9 =	sshrl.u32 s29, $0x1  }
0x9: {  	s13 =	smul.u32 $0x2710, s6;
	s9 =	ssub.s32 s29, s9;
	s10 =	sadd.s32 s11, s10  }
0xa: {  	s11 =	simm.s32 $0x1;
	s5 =	sadd.s32 $0x1380, s5;
	s6 =	smax.u32 s9, $0x1  }
0xb: {  	s31 =	sshrl.u32 s10, $0x3;
	s9 =	simm.s32 $0x2;
	s30 =	sshrl.u32 s5, $0x3  }
0xc: {  	s10 =	simm.s32 $0x80;
	s5 =	sshll.u32 s5, $0x1;
	s4 =	sadd.s32 s8, s30  }
0xd: {  	s5 =	sadd.s32 s7, s5;
	s7 =	sadd.s32 s12, s7;
	s8 =	sadd.s32 s31, s8  }
0xe: {  	s12 =	simm.s32 $0x880;
	s7 =	sadd.s32 s13, s7;
	s13 =	simm.s32 $0x8  }
.LBB2_1:
0xf: {  	s16 =	sadd.s32 $0x0, s8  }
0x10: {  	[tilespmem:s2], [sflag:$0x2] =	stream.linear.gather [hbm4b:s16+s2], $0x80, $0x38;
	[tilespmem:$0x908] =	vst v63  }
0x11: {  	_ =	swait.ge [sflag:s9], $0x80  }
0x12: {  	[sflag:s9] =	ssyncset.done $0x0  }
0x13: {  	[sflag:s9] =	ssyncadd.s32 $0xFFFFFF80  }
0x14: {  	[tilespmem:s10], [sflag:$0x1] =	stream.indirect.gather [hbm4b:s3+s10], $0x10, s2, s10, $0xb8;
	[tilespmem:$0x908] =	vst v63  }
0x15: {  	_ =	swait.ge [sflag:s11], $0x800  }
0x16: {  	[sflag:s11] =	ssyncset.done $0x0  }
0x17: {  	[sflag:s11] =	ssyncadd.s32 $0xFFFFF800  }
0x18: {  	[hbm4b:s7+s2] =	stream.linear.scatter [tilespmem:s10], [sflag:$0x2], $0x800, $0x38;
	[tilespmem:$0x908] =	vst v63  }
0x19: {  	s17 =	simm.s32 $0x10;
	_ =	swait.ge [sflag:s9], $0x800  }
0x1a: {  	s18 =	simm.s32 $0x20;
	s16 =	sadd.s32 $0x100, s7;
	[sflag:s9] =	ssyncset.done $0x0  }
.LBB2_2:
0x1b: {  	s19 =	sadd.s32 s17, s8  }
0x1c: {  	[sflag:s9] =	ssyncadd.s32 $0xFFFFF800;
	s17 =	smov.u32 s18;
	s20 =	sadd.s32 $0x10, s18  }
0x1d: {  	[tilespmem:s2], [sflag:$0x2] =	stream.linear.gather [hbm4b:s19+s2], $0x80, $0x38;
	[tilespmem:$0x908] =	vst v63  }
0x1e: {  	p0 =	sne.s32 s18, $0x260;
	_ =	swait.ge [sflag:s9], $0x80  }
0x1f: {  	[sflag:s9] =	ssyncset.done $0x0  }
0x20: {  	[sflag:s9] =	ssyncadd.s32 $0xFFFFFF80  }
0x21: {  	[tilespmem:s10], [sflag:$0x1] =	stream.indirect.gather [hbm4b:s3+s10], $0x10, s2, s10, $0xb8;
	[tilespmem:$0x908] =	vst v63  }
0x22: {  	_ =	swait.ge [sflag:s11], $0x800  }
.Ltmp0:
0x23: {  	[sflag:s11] =	ssyncset.done $0x0;
	(pc) =	sbr.rel @p0 .LBB2_2-.Ltmp0, $4  }
0x24: {  	[sflag:s11] =	ssyncadd.s32 $0xFFFFF800  }
0x25: {  	[hbm4b:s16+s2] =	stream.linear.scatter [tilespmem:s10], [sflag:$0x2], $0x800, $0x38;
	[tilespmem:$0x908] =	vst v63  }
0x26: {  	_ =	swait.ge [sflag:s9], $0x800  }
0x27: {  	s18 =	smov.u32 s20;
	s16 =	sadd.s32 $0x100, s16;
	[sflag:s9] =	ssyncset.done $0x0  }
0x28: {  	s17 =	sadd.s32 s17, s8;
	[sflag:s9] =	ssyncadd.s32 $0xFFFFF800  }
0x29: {  	[tilespmem:s2], [sflag:$0x2] =	stream.linear.gather [hbm4b:s17+s2], $0x80, $0x38;
	[tilespmem:$0x908] =	vst v63  }
0x2a: {  	_ =	swait.ge [sflag:s9], $0x80  }
0x2b: {  	[sflag:s9] =	ssyncset.done $0x0  }
0x2c: {  	[sflag:s9] =	ssyncadd.s32 $0xFFFFFF80  }
0x2d: {  	[tilespmem:s10], [sflag:$0x1] =	stream.indirect.gather [hbm4b:s3+s10], $0x10, s2, s10, $0xb8;
	[tilespmem:$0x908] =	vst v63  }
0x2e: {  	_ =	swait.ge [sflag:s11], $0x800  }
0x2f: {  	[sflag:s11] =	ssyncset.done $0x0  }
0x30: {  	[sflag:s11] =	ssyncadd.s32 $0xFFFFF800  }
0x31: {  	[hbm4b:s16+s2] =	stream.linear.scatter [tilespmem:s10], [sflag:$0x2], $0x800, $0x38;
	[tilespmem:$0x908] =	vst v63  }
0x32: {  	_ =	swait.ge [sflag:s9], $0x800  }
0x33: {  	[sflag:s9] =	ssyncset.done $0x0  }
0x34: {  	[sflag:s9] =	ssyncadd.s32 $0xFFFFF800  }
0x35: {  	[tilespmem:s12], [sflag:$0x2] =	stream.linear.gather [hbm4b:s4+s2], $0x8, $0x38;
	[tilespmem:$0x908] =	vst v63  }
0x36: {  	_ =	swait.ge [sflag:s9], $0x8  }
0x37: {  	[sflag:s9] =	ssyncset.done $0x0  }
0x38: {  	[sflag:s9] =	ssyncadd.s32 $0xFFFFFFF8  }
0x39: {  	[tilespmem:s14], [sflag:$0x1] =	stream.indirect.gather [hbm4b:s3+s13], $0x10, s12, s13, $0xb8;
	[tilespmem:$0x908] =	vst v63  }
0x3a: {  	s15 =	sadd.s32 $0x1, s15;
	_ =	swait.ge [sflag:s11], $0x80  }
0x3b: {  	p0 =	sne.s32 s15, s6;
	[sflag:s11] =	ssyncset.done $0x0  }
.Ltmp1:
0x3c: {  	[sflag:s11] =	ssyncadd.s32 $0xFFFFFF80;
	(pc) =	sbr.rel @p0 .LBB2_1-.Ltmp1, $4  }
0x3d: {  	[hbm4b:s5+s2] =	stream.linear.scatter [tilespmem:s14], [sflag:$0x2], $0x80, $0x38;
	[tilespmem:$0x908] =	vst v63  }
0x3e: {  	_ =	swait.ge [sflag:s9], $0x80  }
0x3f: {  	[sflag:s9] =	ssyncset.done $0x0  }
0x40: {  	[sflag:s9] =	ssyncadd.s32 $0xFFFFFF80  }
0x41: {  	_ =	sfence.sel $0x180000  }
0x42: {  	[bflag:$0x0] =	sbarrier.arrive $0xFFFF  }
0x43: {  	p0 =	sne.s32 s1, $0x0;
	_ =	strace $0x9000005C  }
0x44: {  	s0 =	sadd.s32 @!p0 $0x100000, s0;
	[bflag:$0x2] =	sbarrier.arrive $0xFFFF  }
0x45: {  	[sflag:s0] =	ssyncadd.tile.s32 @!p0 $0x1;
	_ =	shalt  }
.Lfunc_end2:
_tile_overlayer_lowered:
.L_overlay_start_2:
0x46: {  	(tag) =	ssettag $0x2  }
0x47: {  	s0 =	rddreg [dreg:$0x0];
	s2 =	stileid.u32  }
0x48: {  	s1 =	rddreg [dreg:$0x1];
	p0 =	sne.s32 s2, $0x0  }
0x49: {  	s3 =	rddreg [dreg:$0x2];
	[bflag:$0x3] =	sbarrier.arrive $0xFFFF;
	s2 =	simm.s32 @!p0 $0x1C02  }
0x4a: {  	[timem:s3], [sflag:s2] =	dma.local @!p0 [hbm:s0], s1  }
0x4b: {  	s0 =	simm.s32 @!p0 $0x2  }
0x4c: {  	_ =	swait.ge @!p0 [sflag:s0], s1  }
0x4d: {  	s1 =	ssub.s32 @!p0 $0x0, s1;
	[sflag:s0] =	ssyncset.done @!p0 $0x0  }
0x4e: {  	[sflag:s0] =	ssyncadd.s32 @!p0 s1  }
0x4f: {  	[bflag:$0x3] =	sbarrier.arrive $0xFFFF  }
0x50: {  	_ =	shalt  }

// kernel: kernel.56.cloned.1.call-start
scs
__scs_entry_jumppad:
0x0: {  	(pc) =	sbr.rel $0x88, $3  }
0x1: {  	(tag) =	ssettag $0x0;
	lr =	simm.s32 $0x1  }
0x2: {  	[smem:$0x3F85] =	sst lr;
	_ =	strace $0xD0000000  }
0x3: {  	_ = 	snop  }
0x4: {  	_ = 	snop  }
0x5: {  	_ = 	snop  }
0x6: {  	_ = 	snop  }
0x7: {  	_ = 	snop  }
__scs_overlays_trampoline_lowered:
0x8: {  	[smem:$0x3F94] =	sst s0  }
0x9: {  	[smem:$0x3F95] =	sst s1  }
0xa: {  	[smem:$0x3F96] =	sst s2  }
0xb: {  	[smem:$0x3F97] =	sst s3  }
0xc: {  	[smem:$0x3F98] =	sst s4  }
0xd: {  	[smem:$0x3F99] =	sst s5  }
0xe: {  	[smem:$0x3F9A] =	sst s6  }
0xf: {  	[smem:$0x3F9B] =	sst s7  }
0x10: {  	[smem:$0x3F9C] =	sst s8  }
0x11: {  	[smem:$0x3F9D] =	sst s9;
	s0 =	simm.s32 @!p0 $0x0  }
0x12: {  	s1 =	sld [smem:$0x3F83];
	s0 =	simm.s32 @p0 $0x1  }
0x13: {  	[smem:$0x3F9E] =	sst s0;
	s0 =	simm.s32 @!p1 $0x0  }
0x14: {  	s2 =	sld [smem:$0x3F82];
	s0 =	simm.s32 @p1 $0x1  }
0x15: {  	[smem:$0x3F9F] =	sst s0;
	s0 =	simm.s32 @!p2 $0x0  }
0x16: {  	s3 =	sld [smem:$0x3FDB];
	s0 =	simm.s32 @p2 $0x1  }
0x17: {  	s4 =	simm.s32 $0x1BF5;
	[smem:$0x3FA1] =	sst s0  }
0x18: {  	s0 =	sld [smem:$0x3F84];
	_ =	swait.ge [sflag:s4], $0x0  }
0x19: {  	s7 =	sld [smem:$0x3F85]  }
0x1a: {  	s8 =	sadd.s32 $0xFFFFE003, lr  }
0x1b: {  	s9 =	sadd.s32 $0xFFFFFEF7, lr;
	s5 =	simm.s32 $0xFFFFFFFF;
	p2 =	slt.u32 s8, $0xFFFFF086  }
0x1c: {  	p1 =	slt.u32 s9, $0xF7A;
	s5 =	simm.s32 @!p2 $0x0  }
0x1d: {  	s5 =	simm.s32 @p1 $0x1;
	p0 =	seq.s32 s7, s2  }
0x1e: {  	s7 =	smul.u32 @!p0 $0xF7A, s2;
	p2 =	seq.s32 @!p0 s5, $0x0  }
0x1f: {  	s9 =	smul.u32 $0xF7A, s1;
	s8 =	simm.s32 @!p0 $0x1BF5;
	p2 =	por !p2, p0  }
0x20: {  	[sflag:s8] =	ssyncset.s32 @!p0 $0xFFFFF086;
	s6 =	sadd.s32 @!p0 s3, s7;
	s7 =	simm.s32 @!p0 $0x108  }
0x21: {  	s3 =	sadd.s32 s3, s9;
	s6 =	sadd.s32 @!p0 $0x88, s6;
	s7 =	simm.s32 @p2 $0x1082  }
0x22: {  	[simem:s7], [sflag:s8] =	dma.local @!p0 [hbm:s6], $0xF7A  }
0x23: {  	s9 =	sor.u32 $0xD0000000, s2;
	s6 =	simm.s32 $0x108;
	_ =	swait.ge @!p0 [sflag:s8], $0x0  }
0x24: {  	s3 =	sadd.s32 $0x88, s3;
	s6 =	simm.s32 @!p1 $0x1082;
	[sflag:s4] =	ssyncset.s32 $0xFFFFF086  }
0x25: {  	[simem:s6], [sflag:s4] =	dma.local [hbm:s3], $0xF7A  }
0x26: {  	[smem:$0x3F85] =	sst s1;
	(tag) =	ssettag s2;
	_ =	strace s9  }
0x27: {  	s1 =	sld [smem:$0x3F95]  }
0x28: {  	s2 =	sld [smem:$0x3F96]  }
0x29: {  	s4 =	sld [smem:$0x3F98]  }
0x2a: {  	p0 =	seq.s32 s5, $0x0;
	s5 =	sld [smem:$0x3F99]  }
0x2b: {  	s6 =	sld [smem:$0x3F9A]  }
0x2c: {  	s7 =	sld [smem:$0x3F9B]  }
0x2d: {  	s3 =	simm.s32 $0x108;
	s8 =	sld [smem:$0x3F9C]  }
0x2e: {  	s3 =	simm.s32 @!p0 $0x1082;
	s9 =	sld [smem:$0x3F9D]  }
0x2f: {  	lr =	sadd.s32 s0, s3;
	s0 =	sld [smem:$0x3F94]  }
0x30: {  	s3 =	sld [smem:$0x3F97]  }
0x31: {  	[smem:$0x3FA0] =	sst s10  }
0x32: {  	s10 =	sld [smem:$0x3F9E];
	_ =	sdelay $0x3  }
0x33: {  	p0 =	seq.s32 s10, $0x1;
	s10 =	sld [smem:$0x3FA0];
	_ =	sdelay $0x3  }
0x34: {  	[smem:$0x3FA0] =	sst s10  }
0x35: {  	s10 =	sld [smem:$0x3F9F];
	_ =	sdelay $0x3  }
0x36: {  	p1 =	seq.s32 s10, $0x1;
	s10 =	sld [smem:$0x3FA0];
	_ =	sdelay $0x3  }
0x37: {  	[smem:$0x3FA0] =	sst s10  }
0x38: {  	s10 =	sld [smem:$0x3FA1]  }
0x39: {  	_ = 	snop;
	(pc) =	sbr.ind lr, $3  }
0x3a: {  	_ = 	snop  }
0x3b: {  	_ = 	snop  }
0x3c: {  	p2 =	seq.s32 s10, $0x1;
	s10 =	sld [smem:$0x3FA0]  }
0x3d: {  	_ =	shalt  }
0x3e: {  	_ =	shalt  }
0x3f: {  	_ =	shalt  }
0x40: {  	_ =	shalt  }
0x41: {  	_ =	shalt  }
0x42: {  	_ =	shalt  }
0x43: {  	_ =	shalt  }
0x44: {  	_ =	shalt  }
0x45: {  	_ =	shalt  }
0x46: {  	_ =	shalt  }
0x47: {  	_ =	shalt  }
0x48: {  	_ =	shalt  }
0x49: {  	_ =	shalt  }
0x4a: {  	_ =	shalt  }
0x4b: {  	_ =	shalt  }
0x4c: {  	_ =	shalt  }
0x4d: {  	_ =	shalt  }
0x4e: {  	_ =	shalt  }
0x4f: {  	_ =	shalt  }
0x50: {  	_ =	shalt  }
0x51: {  	_ =	shalt  }
0x52: {  	_ =	shalt  }
0x53: {  	_ =	shalt  }
0x54: {  	_ =	shalt  }
0x55: {  	_ =	shalt  }
0x56: {  	_ =	shalt  }
0x57: {  	_ =	shalt  }
0x58: {  	_ =	shalt  }
0x59: {  	_ =	shalt  }
0x5a: {  	_ =	shalt  }
0x5b: {  	_ =	shalt  }
0x5c: {  	_ =	shalt  }
0x5d: {  	_ =	shalt  }
0x5e: {  	_ =	shalt  }
0x5f: {  	_ =	shalt  }
0x60: {  	_ =	shalt  }
0x61: {  	_ =	shalt  }
0x62: {  	_ =	shalt  }
0x63: {  	_ =	shalt  }
0x64: {  	_ =	shalt  }
0x65: {  	_ =	shalt  }
0x66: {  	_ =	shalt  }
0x67: {  	_ =	shalt  }
0x68: {  	_ =	shalt  }
0x69: {  	_ =	shalt  }
0x6a: {  	_ =	shalt  }
0x6b: {  	_ =	shalt  }
0x6c: {  	_ =	shalt  }
0x6d: {  	_ =	shalt  }
0x6e: {  	_ =	shalt  }
0x6f: {  	_ =	shalt  }
0x70: {  	_ =	shalt  }
0x71: {  	_ =	shalt  }
0x72: {  	_ =	shalt  }
0x73: {  	_ =	shalt  }
0x74: {  	_ =	shalt  }
0x75: {  	_ =	shalt  }
0x76: {  	_ =	shalt  }
0x77: {  	_ =	shalt  }
0x78: {  	_ =	shalt  }
0x79: {  	_ =	shalt  }
0x7a: {  	_ =	shalt  }
0x7b: {  	_ =	shalt  }
0x7c: {  	_ =	shalt  }
0x7d: {  	_ =	shalt  }
0x7e: {  	_ =	shalt  }
0x7f: {  	_ =	shalt  }
0x80: {  	_ =	shalt  }
0x81: {  	_ =	shalt  }
0x82: {  	_ =	shalt  }
0x83: {  	_ =	shalt  }
0x84: {  	_ =	shalt  }
0x85: {  	_ =	shalt  }
0x86: {  	_ =	shalt  }
0x87: {  	_ =	shalt  }
.Lfunc_end0:
.L_simem_size_0:
called_computation.8_lowered:
.L_overlay_start_0:
0x88: {  	s2 =	sld [smem:$0x3FD9]  }
0x89: {  	s3 =	sld [smem:$0x3FFE];
	_ =	sdelay $0x1  }
0x8a: {  	s1 =	srdreg.scid  }
0x8b: {  	s0 =	sand.u32 $0x1, s1  }
0x8c: {  	s16 =	sshll.u32 s0, $0xA;
	s2 =	sadd.s32 s3, s2  }
0x8d: {  	s2 =	sadd.s32 s2, s16  }
0x8e: {  	[smem:$0x3FAC] =	sst s2  }
0x8f: {  	_ = 	snop  }
0x90: {  	(tm) =	ssettm $0x1  }
0x91: {  	s17 =	sld [smem:$0x3FFB];
	_ =	sdelay $0x3  }
0x92: {  	_ =	strace s17  }
0x93: {  	s2 =	sld [smem:$0x3FFC];
	_ =	sdelay $0x3  }
0x94: {  	_ =	strace s2  }
0x95: {  	s2 =	sld [smem:$0x3FFD];
	_ =	sdelay $0x3  }
0x96: {  	_ =	strace s2  }
0x97: {  	_ =	strace $0x8FFFFFFF  }
0x98: {  	s18 =	sld [smem:$0x3FDB];
	_ =	sdelay $0x1  }
0x99: {  	s19 =	simm.s32 $_scs_section_size  }
0x9a: {  	s4 =	simm.s32 $_size__tile_overlayer_lowered;
	s5 =	simm.s32 $_tile_overlayer_lowered  }
0x9b: {  	s22 =	simm.s32 $0x1BFF;
	s21 =	sshll.u32 s5, $0x1;
	s2 =	sadd.s32 s19, s18  }
0x9c: {  	s6 =	simm.s32 $0x0;
	s20 =	sshll.u32 s4, $0x1;
	s4 =	sadd.s32 s21, s2  }
0x9d: {  	[timem:s6], [sflag:s22] =	dma.local [hbm:s4], s20  }
0x9e: {  	_ =	swait.ge [sflag:s22], s20  }
0x9f: {  	s3 =	ssub.s32 $0x0, s20;
	[sflag:s22] =	ssyncset.done $0x0  }
0xa0: {  	[sflag:s22] =	ssyncadd.s32 s3;
	_ =	sdelay $0x1  }
0xa1: {  	s23 =	simm.s32 $0x1B8B  }
0xa2: {  	_ =	swait.ge [sflag:s23], $0x1  }
0xa3: {  	[sflag:s23] =	ssyncset.done $0x0  }
0xa4: {  	s25 =	simm.s32 $0x1B8E;
	s24 =	sld [smem:$0x3FFE];
	[sflag:s23] =	ssyncadd.s32 $0xFFFFFFFF  }
0xa5: {  	s26 =	simm.s32 $execute0_lowered;
	[smem:$0x3FD2] =	sst s25  }
0xa6: {  	s4 =	sshll.u32 s26, $0x1;
	_ =	strace $0x8000005E;
	[dreg:$0x1] =	wrdreg $0xFFFFFFFF  }
0xa7: {  	s28 =	simm.s32 $_size_execute0_lowered;
	s2 =	sadd.s32 s2, s4;
	[dreg:$0x0] =	wrdreg $0x0  }
0xa8: {  	s4 =	sshll.u32 s28, $0x1;
	[dreg:$0x2] =	wrdreg s2  }
0xa9: {  	[dreg:$0x3] =	wrdreg s4  }
0xaa: {  	[dreg:$0x4] =	wrdreg $0xC0  }
0xab: {  	_ =	task [dreg:s6], $0x5FFFF  }
0xac: {  	[dreg:$0x1] =	wrdreg $0xFFFFFFFF  }
0xad: {  	[dreg:$0x0] =	wrdreg $0x60  }
0xae: {  	[dreg:$0x2] =	wrdreg s24  }
0xaf: {  	[dreg:$0x3] =	wrdreg $0x9080  }
0xb0: {  	[dreg:$0x4] =	wrdreg $0x9  }
0xb1: {  	_ =	task.clear_ibuf [dreg:s6], $0x5FFFF;
	_ =	strace $0x9000005E  }
0xb2: {  	s29 =	simm.s32 $0x9;
	_ =	strace $0x80000060  }
0xb3: {  	_ =	swait.ge [sflag:s29], $0x1  }
0xb4: {  	[sflag:s29] =	ssyncadd.s32 $0xFFFFFFFF  }
0xb5: {  	_ =	strace $0x90000060  }
0xb6: {  	_ =	sfence  }
0xb7: {  	s30 =	sld [smem:$0x0];
	_ =	sdelay $0x2  }
0xb8: {  	s31 =	sshll.u32 s1, $0xD;
	s1 =	sshrl.u32 s1, $0x2  }
0xb9: {  	s3 =	sand.u32 $0x4000, s31;
	s1 =	sadd.s32 s1, s30  }
0xba: {  	s0 =	sor.u32 s3, s0;
	s1 =	sshll.u32 s1, $0x11  }
0xbb: {  	s0 =	sor.u32 s1, s0  }
0xbc: {  	s0 =	sadd.s32 $0x8F2B, s0  }
0xbd: {  	[sflag:s0] =	ssyncadd.remote.s32 $0x1  }
0xbe: {  	_ =	sfence.sel $0xFFFF  }
0xbf: {  	[dreg:$0x0] =	wrdreg $0xFFFFFFFF;
	(pc) =	sbr.abs _section_cstart, $3  }
0xc0: {  	[dreg:$0x1] =	wrdreg $0xFFFFFFFF  }
0xc1: {  	_ =	task.clear_ibuf [dreg:s6], $0x2FFFF;
	_ =	strace $0x9FFFFFFF  }
0xc2: {  	(tm) =	ssettm $0x7FFFFFFF  }
0xc3: {  	_ =	shalt  }
tec
execute0_lowered:
.L_overlay_start_1:
0x0: {  	(tag) =	ssettag $0x1  }
0x1: {  	s4 =	rddreg [dreg:$0x0]  }
0x2: {  	s1 =	rddreg [dreg:$0x1]  }
0x3: {  	s0 =	rddreg [dreg:$0x2];
	s2 =	simm.s32 $0x0;
	s3 =	srdreg.scid  }
0x4: {  	s8 =	stileid.u32;
	s14 =	simm.s32 $0x888;
	s15 =	simm.s32 $0x8  }
0x5: {  	s16 =	simm.s32 $0x0;
	[smem:$0x7FF] =	sst s2;
	s7 =	smul.u32 $0x1388, s8  }
0x6: {  	s6 =	sand.u32 $0x1, s3;
	s9 =	sadd.s32 $0x11400, s4;
	s30 =	smul.u32 $0x2710, s8  }
0x7: {  	s10 =	sadd.s32 $0xC400, s4;
	s3 =	sadd.s32 $0x8B800, s4;
	s5 =	smul.u32 $0x13880, s6  }
0x8: {  	p0 =	sne.s32 s8, $0x0;
	s11 =	smul.u32 $0x4E20, s6;
	s12 =	ssub.s32 $0x2, s6  }
0x9: {  	_ =	strace $0x8000005F;
	s29 =	smul.u32 $0x27100, s6;
	s25 =	sshrl.u32 s12, $0x1  }
0xa: {  	s13 =	sadd.s32 s7, s5;
	s24 =	sadd.s32 s11, s4;
	s26 =	ssub.s32 s12, s25  }
0xb: {  	s11 =	simm.s32 $0x1;
	s12 =	simm.s32 $0x80;
	s5 =	sadd.s32 $0x1380, s13  }
0xc: {  	s6 =	sadd.s32 $0x5F600, s24;
	s7 =	smax.u32 s26, $0x1;
	s31 =	sshrl.u32 s13, $0x3  }
0xd: {  	s13 =	simm.s32 $0x880;
	s28 =	sshrl.u32 s5, $0x3;
	s5 =	sshll.u32 s5, $0x1  }
0xe: {  	s4 =	sadd.s32 s10, s28;
	s5 =	sadd.s32 s9, s5;
	s9 =	sadd.s32 s29, s9  }
0xf: {  	s8 =	sadd.s32 s30, s9;
	s9 =	sadd.s32 s31, s10;
	s10 =	sshrl.u32 @!p0 s1, $0x3  }
.LBB2_1:
0x10: {  	s17 =	simm.s32 @!p0 $0x1C01  }
0x11: {  	[spmem:s10], [sflag:s17] =	dma.local @!p0 [hbm:s3], $0x4E20  }
0x12: {  	s17 =	simm.s32 @!p0 $0x1  }
0x13: {  	_ =	swait.ge @!p0 [sflag:s17], $0x4E20  }
0x14: {  	[sflag:s17] =	ssyncset.done @!p0 $0x0  }
0x15: {  	[sflag:s17] =	ssyncadd.s32 @!p0 $0xFFFFB1E0  }
0x16: {  	s31 =	sadd.s32 $0x0, s9;
	[bflag:$0x0] =	sbarrier.arrive $0xFFFF  }
0x17: {  	[tilespmem:s2], [sflag:$0x1] =	stream.linear.gather [hbm4b:s31+s2], $0x80, $0x38;
	[tilespmem:$0x3018] =	vst v63  }
0x18: {  	_ =	swait.ge [sflag:s11], $0x80  }
0x19: {  	[sflag:s11] =	ssyncset.done $0x0  }
0x1a: {  	[sflag:s11] =	ssyncadd.s32 $0xFFFFFF80  }
0x1b: {  	[tilespmem:s12], [sflag:$0x1] =	stream.linear.gather [hbm4b:s8+s2], $0x800, $0x38;
	[tilespmem:$0x3018] =	vst v63  }
0x1c: {  	_ =	swait.ge [sflag:s11], $0x800  }
0x1d: {  	[sflag:s11] =	ssyncset.done $0x0  }
0x1e: {  	[sflag:s11] =	ssyncadd.s32 $0xFFFFF800  }
0x1f: {  	[spmem:s1] =	stream.indirect.scatter.add.f32 [tilespmem:s12], [sflag:$0x1], $0x10, s2, s12, $0xb8;
	[tilespmem:$0x3018] =	vst v63  }
0x20: {  	s18 =	simm.s32 $0x10;
	_ =	swait.ge [sflag:s11], $0x800  }
0x21: {  	s19 =	simm.s32 $0x20;
	s17 =	sadd.s32 $0x100, s8;
	[sflag:s11] =	ssyncset.done $0x0  }
.LBB2_2:
0x22: {  	s20 =	sadd.s32 s18, s9  }
0x23: {  	[sflag:s11] =	ssyncadd.s32 $0xFFFFF800;
	s18 =	smov.u32 s19;
	s21 =	sadd.s32 $0x10, s19  }
0x24: {  	[tilespmem:s2], [sflag:$0x1] =	stream.linear.gather [hbm4b:s20+s2], $0x80, $0x38;
	[tilespmem:$0x3018] =	vst v63  }
0x25: {  	p1 =	sne.s32 s19, $0x260;
	_ =	swait.ge [sflag:s11], $0x80  }
0x26: {  	[sflag:s11] =	ssyncset.done $0x0  }
0x27: {  	[sflag:s11] =	ssyncadd.s32 $0xFFFFFF80  }
0x28: {  	[tilespmem:s12], [sflag:$0x1] =	stream.linear.gather [hbm4b:s17+s2], $0x800, $0x38;
	[tilespmem:$0x3018] =	vst v63  }
0x29: {  	_ =	swait.ge [sflag:s11], $0x800  }
.Ltmp0:
0x2a: {  	[sflag:s11] =	ssyncset.done $0x0;
	(pc) =	sbr.rel @p1 .LBB2_2-.Ltmp0, $4  }
0x2b: {  	[sflag:s11] =	ssyncadd.s32 $0xFFFFF800  }
0x2c: {  	[spmem:s1] =	stream.indirect.scatter.add.f32 [tilespmem:s12], [sflag:$0x1], $0x10, s2, s12, $0xb8;
	[tilespmem:$0x3018] =	vst v63  }
0x2d: {  	_ =	swait.ge [sflag:s11], $0x800  }
0x2e: {  	s19 =	smov.u32 s21;
	s17 =	sadd.s32 $0x100, s17;
	[sflag:s11] =	ssyncset.done $0x0  }
0x2f: {  	s18 =	sadd.s32 s18, s9;
	[sflag:s11] =	ssyncadd.s32 $0xFFFFF800  }
0x30: {  	[tilespmem:s2], [sflag:$0x1] =	stream.linear.gather [hbm4b:s18+s2], $0x80, $0x38;
	[tilespmem:$0x3018] =	vst v63  }
0x31: {  	_ =	swait.ge [sflag:s11], $0x80  }
0x32: {  	[sflag:s11] =	ssyncset.done $0x0  }
0x33: {  	[sflag:s11] =	ssyncadd.s32 $0xFFFFFF80  }
0x34: {  	[tilespmem:s12], [sflag:$0x1] =	stream.linear.gather [hbm4b:s17+s2], $0x800, $0x38;
	[tilespmem:$0x3018] =	vst v63  }
0x35: {  	_ =	swait.ge [sflag:s11], $0x800  }
0x36: {  	[sflag:s11] =	ssyncset.done $0x0  }
0x37: {  	[sflag:s11] =	ssyncadd.s32 $0xFFFFF800  }
0x38: {  	[spmem:s1] =	stream.indirect.scatter.add.f32 [tilespmem:s12], [sflag:$0x1], $0x10, s2, s12, $0xb8;
	[tilespmem:$0x3018] =	vst v63  }
0x39: {  	_ =	swait.ge [sflag:s11], $0x800  }
0x3a: {  	[sflag:s11] =	ssyncset.done $0x0  }
0x3b: {  	[sflag:s11] =	ssyncadd.s32 $0xFFFFF800  }
0x3c: {  	[tilespmem:s13], [sflag:$0x1] =	stream.linear.gather [hbm4b:s4+s2], $0x8, $0x38;
	[tilespmem:$0x3018] =	vst v63  }
0x3d: {  	_ =	swait.ge [sflag:s11], $0x8  }
0x3e: {  	[sflag:s11] =	ssyncset.done $0x0  }
0x3f: {  	[sflag:s11] =	ssyncadd.s32 $0xFFFFFFF8  }
0x40: {  	[tilespmem:s14], [sflag:$0x1] =	stream.linear.gather [hbm4b:s5+s2], $0x80, $0x38;
	[tilespmem:$0x3018] =	vst v63  }
0x41: {  	_ =	swait.ge [sflag:s11], $0x80  }
0x42: {  	[sflag:s11] =	ssyncset.done $0x0  }
0x43: {  	[sflag:s11] =	ssyncadd.s32 $0xFFFFFF80  }
0x44: {  	[spmem:s1] =	stream.indirect.scatter.add.f32 [tilespmem:s14], [sflag:$0x1], $0x10, s13, s15, $0xb8;
	[tilespmem:$0x3018] =	vst v63  }
0x45: {  	_ =	swait.ge [sflag:s11], $0x80  }
0x46: {  	[sflag:s11] =	ssyncset.done $0x0  }
0x47: {  	s16 =	sadd.s32 $0x1, s16;
	[sflag:s11] =	ssyncadd.s32 $0xFFFFFF80  }
0x48: {  	p1 =	sne.s32 s16, s7;
	s17 =	simm.s32 @!p0 $0x1C01;
	[bflag:$0x0] =	sbarrier.arrive $0xFFFF  }
0x49: {  	[hbm:s6], [sflag:s17] =	dma.local @!p0 [spmem:s10], $0x4E20  }
.Ltmp1:
0x4a: {  	_ = 	snop;
	(pc) =	sbr.rel @p1 .LBB2_1-.Ltmp1, $4  }
0x4b: {  	s17 =	simm.s32 @!p0 $0x1  }
0x4c: {  	_ =	swait.ge @!p0 [sflag:s17], $0x4E20  }
0x4d: {  	[sflag:s17] =	ssyncset.done @!p0 $0x0  }
0x4e: {  	[sflag:s17] =	ssyncadd.s32 @!p0 $0xFFFFB1E0  }
0x4f: {  	_ =	sfence.sel $0x180000  }
0x50: {  	[bflag:$0x0] =	sbarrier.arrive $0xFFFF  }
0x51: {  	_ =	strace $0x9000005F  }
0x52: {  	s0 =	sadd.s32 @!p0 $0x100000, s0;
	[bflag:$0x2] =	sbarrier.arrive $0xFFFF  }
0x53: {  	[sflag:s0] =	ssyncadd.tile.s32 @!p0 $0x1;
	_ =	shalt  }
.Lfunc_end2:
_tile_overlayer_lowered:
.L_overlay_start_2:
0x54: {  	(tag) =	ssettag $0x2  }
0x55: {  	s0 =	rddreg [dreg:$0x0];
	s2 =	stileid.u32  }
0x56: {  	s1 =	rddreg [dreg:$0x1];
	p0 =	sne.s32 s2, $0x0  }
0x57: {  	s3 =	rddreg [dreg:$0x2];
	[bflag:$0x3] =	sbarrier.arrive $0xFFFF;
	s2 =	simm.s32 @!p0 $0x1C01  }
0x58: {  	[timem:s3], [sflag:s2] =	dma.local @!p0 [hbm:s0], s1  }
0x59: {  	s0 =	simm.s32 @!p0 $0x1  }
0x5a: {  	_ =	swait.ge @!p0 [sflag:s0], s1  }
0x5b: {  	s1 =	ssub.s32 @!p0 $0x0, s1;
	[sflag:s0] =	ssyncset.done @!p0 $0x0  }
0x5c: {  	[sflag:s0] =	ssyncadd.s32 @!p0 s1  }
0x5d: {  	[bflag:$0x3] =	sbarrier.arrive $0xFFFF  }
0x5e: {  	_ =	shalt  }

// kernel: kernel.59.cloned.1.call-start
scs
__scs_entry_jumppad:
0x0: {  	(pc) =	sbr.rel $0x88, $3  }
0x1: {  	(tag) =	ssettag $0x0;
	lr =	simm.s32 $0x1  }
0x2: {  	[smem:$0x3F85] =	sst lr;
	_ =	strace $0xD0000000  }
0x3: {  	_ = 	snop  }
0x4: {  	_ = 	snop  }
0x5: {  	_ = 	snop  }
0x6: {  	_ = 	snop  }
0x7: {  	_ = 	snop  }
__scs_overlays_trampoline_lowered:
0x8: {  	[smem:$0x3F94] =	sst s0  }
0x9: {  	[smem:$0x3F95] =	sst s1  }
0xa: {  	[smem:$0x3F96] =	sst s2  }
0xb: {  	[smem:$0x3F97] =	sst s3  }
0xc: {  	[smem:$0x3F98] =	sst s4  }
0xd: {  	[smem:$0x3F99] =	sst s5  }
0xe: {  	[smem:$0x3F9A] =	sst s6  }
0xf: {  	[smem:$0x3F9B] =	sst s7  }
0x10: {  	[smem:$0x3F9C] =	sst s8  }
0x11: {  	[smem:$0x3F9D] =	sst s9;
	s0 =	simm.s32 @!p0 $0x0  }
0x12: {  	s1 =	sld [smem:$0x3F83];
	s0 =	simm.s32 @p0 $0x1  }
0x13: {  	[smem:$0x3F9E] =	sst s0;
	s0 =	simm.s32 @!p1 $0x0  }
0x14: {  	s2 =	sld [smem:$0x3F82];
	s0 =	simm.s32 @p1 $0x1  }
0x15: {  	[smem:$0x3F9F] =	sst s0;
	s0 =	simm.s32 @!p2 $0x0  }
0x16: {  	s3 =	sld [smem:$0x3FDB];
	s0 =	simm.s32 @p2 $0x1  }
0x17: {  	s4 =	simm.s32 $0x1BF5;
	[smem:$0x3FA1] =	sst s0  }
0x18: {  	s0 =	sld [smem:$0x3F84];
	_ =	swait.ge [sflag:s4], $0x0  }
0x19: {  	s7 =	sld [smem:$0x3F85]  }
0x1a: {  	s8 =	sadd.s32 $0xFFFFE003, lr  }
0x1b: {  	s9 =	sadd.s32 $0xFFFFFEF7, lr;
	s5 =	simm.s32 $0xFFFFFFFF;
	p2 =	slt.u32 s8, $0xFFFFF086  }
0x1c: {  	p1 =	slt.u32 s9, $0xF7A;
	s5 =	simm.s32 @!p2 $0x0  }
0x1d: {  	s5 =	simm.s32 @p1 $0x1;
	p0 =	seq.s32 s7, s2  }
0x1e: {  	s7 =	smul.u32 @!p0 $0xF7A, s2;
	p2 =	seq.s32 @!p0 s5, $0x0  }
0x1f: {  	s9 =	smul.u32 $0xF7A, s1;
	s8 =	simm.s32 @!p0 $0x1BF5;
	p2 =	por !p2, p0  }
0x20: {  	[sflag:s8] =	ssyncset.s32 @!p0 $0xFFFFF086;
	s6 =	sadd.s32 @!p0 s3, s7;
	s7 =	simm.s32 @!p0 $0x108  }
0x21: {  	s3 =	sadd.s32 s3, s9;
	s6 =	sadd.s32 @!p0 $0x88, s6;
	s7 =	simm.s32 @p2 $0x1082  }
0x22: {  	[simem:s7], [sflag:s8] =	dma.local @!p0 [hbm:s6], $0xF7A  }
0x23: {  	s9 =	sor.u32 $0xD0000000, s2;
	s6 =	simm.s32 $0x108;
	_ =	swait.ge @!p0 [sflag:s8], $0x0  }
0x24: {  	s3 =	sadd.s32 $0x88, s3;
	s6 =	simm.s32 @!p1 $0x1082;
	[sflag:s4] =	ssyncset.s32 $0xFFFFF086  }
0x25: {  	[simem:s6], [sflag:s4] =	dma.local [hbm:s3], $0xF7A  }
0x26: {  	[smem:$0x3F85] =	sst s1;
	(tag) =	ssettag s2;
	_ =	strace s9  }
0x27: {  	s1 =	sld [smem:$0x3F95]  }
0x28: {  	s2 =	sld [smem:$0x3F96]  }
0x29: {  	s4 =	sld [smem:$0x3F98]  }
0x2a: {  	p0 =	seq.s32 s5, $0x0;
	s5 =	sld [smem:$0x3F99]  }
0x2b: {  	s6 =	sld [smem:$0x3F9A]  }
0x2c: {  	s7 =	sld [smem:$0x3F9B]  }
0x2d: {  	s3 =	simm.s32 $0x108;
	s8 =	sld [smem:$0x3F9C]  }
0x2e: {  	s3 =	simm.s32 @!p0 $0x1082;
	s9 =	sld [smem:$0x3F9D]  }
0x2f: {  	lr =	sadd.s32 s0, s3;
	s0 =	sld [smem:$0x3F94]  }
0x30: {  	s3 =	sld [smem:$0x3F97]  }
0x31: {  	[smem:$0x3FA0] =	sst s10  }
0x32: {  	s10 =	sld [smem:$0x3F9E];
	_ =	sdelay $0x3  }
0x33: {  	p0 =	seq.s32 s10, $0x1;
	s10 =	sld [smem:$0x3FA0];
	_ =	sdelay $0x3  }
0x34: {  	[smem:$0x3FA0] =	sst s10  }
0x35: {  	s10 =	sld [smem:$0x3F9F];
	_ =	sdelay $0x3  }
0x36: {  	p1 =	seq.s32 s10, $0x1;
	s10 =	sld [smem:$0x3FA0];
	_ =	sdelay $0x3  }
0x37: {  	[smem:$0x3FA0] =	sst s10  }
0x38: {  	s10 =	sld [smem:$0x3FA1]  }
0x39: {  	_ = 	snop;
	(pc) =	sbr.ind lr, $3  }
0x3a: {  	_ = 	snop  }
0x3b: {  	_ = 	snop  }
0x3c: {  	p2 =	seq.s32 s10, $0x1;
	s10 =	sld [smem:$0x3FA0]  }
0x3d: {  	_ =	shalt  }
0x3e: {  	_ =	shalt  }
0x3f: {  	_ =	shalt  }
0x40: {  	_ =	shalt  }
0x41: {  	_ =	shalt  }
0x42: {  	_ =	shalt  }
0x43: {  	_ =	shalt  }
0x44: {  	_ =	shalt  }
0x45: {  	_ =	shalt  }
0x46: {  	_ =	shalt  }
0x47: {  	_ =	shalt  }
0x48: {  	_ =	shalt  }
0x49: {  	_ =	shalt  }
0x4a: {  	_ =	shalt  }
0x4b: {  	_ =	shalt  }
0x4c: {  	_ =	shalt  }
0x4d: {  	_ =	shalt  }
0x4e: {  	_ =	shalt  }
0x4f: {  	_ =	shalt  }
0x50: {  	_ =	shalt  }
0x51: {  	_ =	shalt  }
0x52: {  	_ =	shalt  }
0x53: {  	_ =	shalt  }
0x54: {  	_ =	shalt  }
0x55: {  	_ =	shalt  }
0x56: {  	_ =	shalt  }
0x57: {  	_ =	shalt  }
0x58: {  	_ =	shalt  }
0x59: {  	_ =	shalt  }
0x5a: {  	_ =	shalt  }
0x5b: {  	_ =	shalt  }
0x5c: {  	_ =	shalt  }
0x5d: {  	_ =	shalt  }
0x5e: {  	_ =	shalt  }
0x5f: {  	_ =	shalt  }
0x60: {  	_ =	shalt  }
0x61: {  	_ =	shalt  }
0x62: {  	_ =	shalt  }
0x63: {  	_ =	shalt  }
0x64: {  	_ =	shalt  }
0x65: {  	_ =	shalt  }
0x66: {  	_ =	shalt  }
0x67: {  	_ =	shalt  }
0x68: {  	_ =	shalt  }
0x69: {  	_ =	shalt  }
0x6a: {  	_ =	shalt  }
0x6b: {  	_ =	shalt  }
0x6c: {  	_ =	shalt  }
0x6d: {  	_ =	shalt  }
0x6e: {  	_ =	shalt  }
0x6f: {  	_ =	shalt  }
0x70: {  	_ =	shalt  }
0x71: {  	_ =	shalt  }
0x72: {  	_ =	shalt  }
0x73: {  	_ =	shalt  }
0x74: {  	_ =	shalt  }
0x75: {  	_ =	shalt  }
0x76: {  	_ =	shalt  }
0x77: {  	_ =	shalt  }
0x78: {  	_ =	shalt  }
0x79: {  	_ =	shalt  }
0x7a: {  	_ =	shalt  }
0x7b: {  	_ =	shalt  }
0x7c: {  	_ =	shalt  }
0x7d: {  	_ =	shalt  }
0x7e: {  	_ =	shalt  }
0x7f: {  	_ =	shalt  }
0x80: {  	_ =	shalt  }
0x81: {  	_ =	shalt  }
0x82: {  	_ =	shalt  }
0x83: {  	_ =	shalt  }
0x84: {  	_ =	shalt  }
0x85: {  	_ =	shalt  }
0x86: {  	_ =	shalt  }
0x87: {  	_ =	shalt  }
.Lfunc_end0:
.L_simem_size_0:
called_computation.9_lowered:
.L_overlay_start_0:
0x88: {  	s2 =	sld [smem:$0x3FD9]  }
0x89: {  	s3 =	sld [smem:$0x3FFE];
	_ =	sdelay $0x1  }
0x8a: {  	s1 =	srdreg.scid  }
0x8b: {  	s0 =	sand.u32 $0x1, s1  }
0x8c: {  	s16 =	sshll.u32 s0, $0xA;
	s2 =	sadd.s32 s3, s2  }
0x8d: {  	s2 =	sadd.s32 s2, s16  }
0x8e: {  	[smem:$0x3FAC] =	sst s2  }
0x8f: {  	_ = 	snop  }
0x90: {  	(tm) =	ssettm $0x1  }
0x91: {  	s17 =	sld [smem:$0x3FFB];
	_ =	sdelay $0x3  }
0x92: {  	_ =	strace s17  }
0x93: {  	s2 =	sld [smem:$0x3FFC];
	_ =	sdelay $0x3  }
0x94: {  	_ =	strace s2  }
0x95: {  	s2 =	sld [smem:$0x3FFD];
	_ =	sdelay $0x3  }
0x96: {  	_ =	strace s2  }
0x97: {  	_ =	strace $0x8FFFFFFF  }
0x98: {  	s18 =	sld [smem:$0x3FDB];
	_ =	sdelay $0x1  }
0x99: {  	s19 =	simm.s32 $_scs_section_size  }
0x9a: {  	s4 =	simm.s32 $_size__tile_overlayer_lowered;
	s5 =	simm.s32 $_tile_overlayer_lowered  }
0x9b: {  	s22 =	simm.s32 $0x1BFF;
	s21 =	sshll.u32 s5, $0x1;
	s2 =	sadd.s32 s19, s18  }
0x9c: {  	s6 =	simm.s32 $0x0;
	s20 =	sshll.u32 s4, $0x1;
	s4 =	sadd.s32 s21, s2  }
0x9d: {  	[timem:s6], [sflag:s22] =	dma.local [hbm:s4], s20  }
0x9e: {  	_ =	swait.ge [sflag:s22], s20  }
0x9f: {  	s3 =	ssub.s32 $0x0, s20;
	[sflag:s22] =	ssyncset.done $0x0  }
0xa0: {  	[sflag:s22] =	ssyncadd.s32 s3;
	_ =	sdelay $0x1  }
0xa1: {  	s23 =	simm.s32 $0x1B8B  }
0xa2: {  	_ =	swait.ge [sflag:s23], $0x1  }
0xa3: {  	[sflag:s23] =	ssyncset.done $0x0  }
0xa4: {  	s25 =	simm.s32 $0x1B8E;
	s24 =	sld [smem:$0x3FFE];
	[sflag:s23] =	ssyncadd.s32 $0xFFFFFFFF  }
0xa5: {  	s26 =	simm.s32 $execute0_lowered;
	[smem:$0x3FD2] =	sst s25  }
0xa6: {  	s4 =	sshll.u32 s26, $0x1;
	_ =	strace $0x80000061;
	[dreg:$0x1] =	wrdreg $0xFFFFFFFF  }
0xa7: {  	s28 =	simm.s32 $_size_execute0_lowered;
	s2 =	sadd.s32 s2, s4;
	[dreg:$0x0] =	wrdreg $0x0  }
0xa8: {  	s4 =	sshll.u32 s28, $0x1;
	[dreg:$0x2] =	wrdreg s2  }
0xa9: {  	[dreg:$0x3] =	wrdreg s4  }
0xaa: {  	[dreg:$0x4] =	wrdreg $0xC0  }
0xab: {  	_ =	task [dreg:s6], $0x5FFFF  }
0xac: {  	[dreg:$0x1] =	wrdreg $0xFFFFFFFF  }
0xad: {  	[dreg:$0x0] =	wrdreg $0x60  }
0xae: {  	[dreg:$0x2] =	wrdreg s24  }
0xaf: {  	[dreg:$0x3] =	wrdreg $0x9  }
0xb0: {  	_ =	task.clear_ibuf [dreg:s6], $0x4FFFF;
	_ =	strace $0x90000061  }
0xb1: {  	s29 =	simm.s32 $0x9;
	_ =	strace $0x80000063  }
0xb2: {  	_ =	swait.ge [sflag:s29], $0x1  }
0xb3: {  	[sflag:s29] =	ssyncadd.s32 $0xFFFFFFFF  }
0xb4: {  	_ =	strace $0x90000063  }
0xb5: {  	_ =	sfence  }
0xb6: {  	s30 =	sld [smem:$0x0];
	_ =	sdelay $0x2  }
0xb7: {  	s31 =	sshll.u32 s1, $0xD;
	s1 =	sshrl.u32 s1, $0x2  }
0xb8: {  	s3 =	sand.u32 $0x4000, s31;
	s1 =	sadd.s32 s1, s30  }
0xb9: {  	s0 =	sor.u32 s3, s0;
	s1 =	sshll.u32 s1, $0x11  }
0xba: {  	s0 =	sor.u32 s1, s0  }
0xbb: {  	s0 =	sadd.s32 $0x8F2B, s0  }
0xbc: {  	[sflag:s0] =	ssyncadd.remote.s32 $0x1  }
0xbd: {  	_ =	sfence.sel $0xFFFF  }
0xbe: {  	[dreg:$0x0] =	wrdreg $0xFFFFFFFF;
	(pc) =	sbr.abs _section_cstart, $3  }
0xbf: {  	[dreg:$0x1] =	wrdreg $0xFFFFFFFF  }
0xc0: {  	_ =	task.clear_ibuf [dreg:s6], $0x2FFFF;
	_ =	strace $0x9FFFFFFF  }
0xc1: {  	(tm) =	ssettm $0x7FFFFFFF  }
tec
execute0_lowered:
.L_overlay_start_1:
0x0: {  	(tag) =	ssettag $0x1  }
0x1: {  	s4 =	rddreg [dreg:$0x0]  }
0x2: {  	s0 =	rddreg [dreg:$0x1];
	s3 =	srdreg.scid  }
0x3: {  	s1 =	stileid.u32;
	s2 =	simm.s32 $0x0;
	s14 =	simm.s32 $0x888  }
0x4: {  	s15 =	simm.s32 $0x0;
	s6 =	sand.u32 $0x1, s3;
	s28 =	sshll.u32 s1, $0x1  }
0x5: {  	[smem:$0x7FF] =	sst s2;
	s3 =	sadd.s32 $0x11400, s4;
	s10 =	smul.u32 $0x2710, s1  }
0x6: {  	s8 =	sadd.s32 $0x7400, s4;
	s7 =	sadd.s32 $0x16400, s4;
	s12 =	smul.u32 $0x4E20, s1  }
0x7: {  	s5 =	sor.u32 s6, s28;
	s29 =	ssub.s32 $0x2, s6;
	s11 =	smul.u32 $0x1388, s6  }
0x8: {  	_ =	strace $0x80000062;
	s5 =	smul.u32 $0x1388, s5;
	s9 =	sshrl.u32 s29, $0x1  }
0x9: {  	s13 =	smul.u32 $0x2710, s6;
	s9 =	ssub.s32 s29, s9;
	s10 =	sadd.s32 s11, s10  }
0xa: {  	s11 =	simm.s32 $0x1;
	s5 =	sadd.s32 $0x1380, s5;
	s6 =	smax.u32 s9, $0x1  }
0xb: {  	s31 =	sshrl.u32 s10, $0x3;
	s9 =	simm.s32 $0x2;
	s30 =	sshrl.u32 s5, $0x3  }
0xc: {  	s10 =	simm.s32 $0x80;
	s5 =	sshll.u32 s5, $0x1;
	s4 =	sadd.s32 s8, s30  }
0xd: {  	s5 =	sadd.s32 s7, s5;
	s7 =	sadd.s32 s12, s7;
	s8 =	sadd.s32 s31, s8  }
0xe: {  	s12 =	simm.s32 $0x880;
	s7 =	sadd.s32 s13, s7;
	s13 =	simm.s32 $0x8  }
.LBB2_1:
0xf: {  	s16 =	sadd.s32 $0x0, s8  }
0x10: {  	[tilespmem:s2], [sflag:$0x2] =	stream.linear.gather [hbm4b:s16+s2], $0x80, $0x38;
	[tilespmem:$0x908] =	vst v63  }
0x11: {  	_ =	swait.ge [sflag:s9], $0x80  }
0x12: {  	[sflag:s9] =	ssyncset.done $0x0  }
0x13: {  	[sflag:s9] =	ssyncadd.s32 $0xFFFFFF80  }
0x14: {  	[tilespmem:s10], [sflag:$0x1] =	stream.indirect.gather [hbm4b:s3+s10], $0x10, s2, s10, $0xb8;
	[tilespmem:$0x908] =	vst v63  }
0x15: {  	_ =	swait.ge [sflag:s11], $0x800  }
0x16: {  	[sflag:s11] =	ssyncset.done $0x0  }
0x17: {  	[sflag:s11] =	ssyncadd.s32 $0xFFFFF800  }
0x18: {  	[hbm4b:s7+s2] =	stream.linear.scatter [tilespmem:s10], [sflag:$0x2], $0x800, $0x38;
	[tilespmem:$0x908] =	vst v63  }
0x19: {  	s17 =	simm.s32 $0x10;
	_ =	swait.ge [sflag:s9], $0x800  }
0x1a: {  	s18 =	simm.s32 $0x20;
	s16 =	sadd.s32 $0x100, s7;
	[sflag:s9] =	ssyncset.done $0x0  }
.LBB2_2:
0x1b: {  	s19 =	sadd.s32 s17, s8  }
0x1c: {  	[sflag:s9] =	ssyncadd.s32 $0xFFFFF800;
	s17 =	smov.u32 s18;
	s20 =	sadd.s32 $0x10, s18  }
0x1d: {  	[tilespmem:s2], [sflag:$0x2] =	stream.linear.gather [hbm4b:s19+s2], $0x80, $0x38;
	[tilespmem:$0x908] =	vst v63  }
0x1e: {  	p0 =	sne.s32 s18, $0x260;
	_ =	swait.ge [sflag:s9], $0x80  }
0x1f: {  	[sflag:s9] =	ssyncset.done $0x0  }
0x20: {  	[sflag:s9] =	ssyncadd.s32 $0xFFFFFF80  }
0x21: {  	[tilespmem:s10], [sflag:$0x1] =	stream.indirect.gather [hbm4b:s3+s10], $0x10, s2, s10, $0xb8;
	[tilespmem:$0x908] =	vst v63  }
0x22: {  	_ =	swait.ge [sflag:s11], $0x800  }
.Ltmp0:
0x23: {  	[sflag:s11] =	ssyncset.done $0x0;
	(pc) =	sbr.rel @p0 .LBB2_2-.Ltmp0, $4  }
0x24: {  	[sflag:s11] =	ssyncadd.s32 $0xFFFFF800  }
0x25: {  	[hbm4b:s16+s2] =	stream.linear.scatter [tilespmem:s10], [sflag:$0x2], $0x800, $0x38;
	[tilespmem:$0x908] =	vst v63  }
0x26: {  	_ =	swait.ge [sflag:s9], $0x800  }
0x27: {  	s18 =	smov.u32 s20;
	s16 =	sadd.s32 $0x100, s16;
	[sflag:s9] =	ssyncset.done $0x0  }
0x28: {  	s17 =	sadd.s32 s17, s8;
	[sflag:s9] =	ssyncadd.s32 $0xFFFFF800  }
0x29: {  	[tilespmem:s2], [sflag:$0x2] =	stream.linear.gather [hbm4b:s17+s2], $0x80, $0x38;
	[tilespmem:$0x908] =	vst v63  }
0x2a: {  	_ =	swait.ge [sflag:s9], $0x80  }
0x2b: {  	[sflag:s9] =	ssyncset.done $0x0  }
0x2c: {  	[sflag:s9] =	ssyncadd.s32 $0xFFFFFF80  }
0x2d: {  	[tilespmem:s10], [sflag:$0x1] =	stream.indirect.gather [hbm4b:s3+s10], $0x10, s2, s10, $0xb8;
	[tilespmem:$0x908] =	vst v63  }
0x2e: {  	_ =	swait.ge [sflag:s11], $0x800  }
0x2f: {  	[sflag:s11] =	ssyncset.done $0x0  }
0x30: {  	[sflag:s11] =	ssyncadd.s32 $0xFFFFF800  }
0x31: {  	[hbm4b:s16+s2] =	stream.linear.scatter [tilespmem:s10], [sflag:$0x2], $0x800, $0x38;
	[tilespmem:$0x908] =	vst v63  }
0x32: {  	_ =	swait.ge [sflag:s9], $0x800  }
0x33: {  	[sflag:s9] =	ssyncset.done $0x0  }
0x34: {  	[sflag:s9] =	ssyncadd.s32 $0xFFFFF800  }
0x35: {  	[tilespmem:s12], [sflag:$0x2] =	stream.linear.gather [hbm4b:s4+s2], $0x8, $0x38;
	[tilespmem:$0x908] =	vst v63  }
0x36: {  	_ =	swait.ge [sflag:s9], $0x8  }
0x37: {  	[sflag:s9] =	ssyncset.done $0x0  }
0x38: {  	[sflag:s9] =	ssyncadd.s32 $0xFFFFFFF8  }
0x39: {  	[tilespmem:s14], [sflag:$0x1] =	stream.indirect.gather [hbm4b:s3+s13], $0x10, s12, s13, $0xb8;
	[tilespmem:$0x908] =	vst v63  }
0x3a: {  	s15 =	sadd.s32 $0x1, s15;
	_ =	swait.ge [sflag:s11], $0x80  }
0x3b: {  	p0 =	sne.s32 s15, s6;
	[sflag:s11] =	ssyncset.done $0x0  }
.Ltmp1:
0x3c: {  	[sflag:s11] =	ssyncadd.s32 $0xFFFFFF80;
	(pc) =	sbr.rel @p0 .LBB2_1-.Ltmp1, $4  }
0x3d: {  	[hbm4b:s5+s2] =	stream.linear.scatter [tilespmem:s14], [sflag:$0x2], $0x80, $0x38;
	[tilespmem:$0x908] =	vst v63  }
0x3e: {  	_ =	swait.ge [sflag:s9], $0x80  }
0x3f: {  	[sflag:s9] =	ssyncset.done $0x0  }
0x40: {  	[sflag:s9] =	ssyncadd.s32 $0xFFFFFF80  }
0x41: {  	_ =	sfence.sel $0x180000  }
0x42: {  	[bflag:$0x0] =	sbarrier.arrive $0xFFFF  }
0x43: {  	p0 =	sne.s32 s1, $0x0;
	_ =	strace $0x90000062  }
0x44: {  	s0 =	sadd.s32 @!p0 $0x100000, s0;
	[bflag:$0x2] =	sbarrier.arrive $0xFFFF  }
0x45: {  	[sflag:s0] =	ssyncadd.tile.s32 @!p0 $0x1;
	_ =	shalt  }
.Lfunc_end2:
_tile_overlayer_lowered:
.L_overlay_start_2:
0x46: {  	(tag) =	ssettag $0x2  }
0x47: {  	s0 =	rddreg [dreg:$0x0];
	s2 =	stileid.u32  }
0x48: {  	s1 =	rddreg [dreg:$0x1];
	p0 =	sne.s32 s2, $0x0  }
0x49: {  	s3 =	rddreg [dreg:$0x2];
	[bflag:$0x3] =	sbarrier.arrive $0xFFFF;
	s2 =	simm.s32 @!p0 $0x1C02  }
0x4a: {  	[timem:s3], [sflag:s2] =	dma.local @!p0 [hbm:s0], s1  }
0x4b: {  	s0 =	simm.s32 @!p0 $0x2  }
0x4c: {  	_ =	swait.ge @!p0 [sflag:s0], s1  }
0x4d: {  	s1 =	ssub.s32 @!p0 $0x0, s1;
	[sflag:s0] =	ssyncset.done @!p0 $0x0  }
0x4e: {  	[sflag:s0] =	ssyncadd.s32 @!p0 s1  }
0x4f: {  	[bflag:$0x3] =	sbarrier.arrive $0xFFFF  }
0x50: {  	_ =	shalt  }

// kernel: kernel.62.cloned.1.call-start
scs
__scs_entry_jumppad:
0x0: {  	(pc) =	sbr.rel $0x88, $3  }
0x1: {  	(tag) =	ssettag $0x0;
	lr =	simm.s32 $0x1  }
0x2: {  	[smem:$0x3F85] =	sst lr;
	_ =	strace $0xD0000000  }
0x3: {  	_ = 	snop  }
0x4: {  	_ = 	snop  }
0x5: {  	_ = 	snop  }
0x6: {  	_ = 	snop  }
0x7: {  	_ = 	snop  }
__scs_overlays_trampoline_lowered:
0x8: {  	[smem:$0x3F94] =	sst s0  }
0x9: {  	[smem:$0x3F95] =	sst s1  }
0xa: {  	[smem:$0x3F96] =	sst s2  }
0xb: {  	[smem:$0x3F97] =	sst s3  }
0xc: {  	[smem:$0x3F98] =	sst s4  }
0xd: {  	[smem:$0x3F99] =	sst s5  }
0xe: {  	[smem:$0x3F9A] =	sst s6  }
0xf: {  	[smem:$0x3F9B] =	sst s7  }
0x10: {  	[smem:$0x3F9C] =	sst s8  }
0x11: {  	[smem:$0x3F9D] =	sst s9;
	s0 =	simm.s32 @!p0 $0x0  }
0x12: {  	s1 =	sld [smem:$0x3F83];
	s0 =	simm.s32 @p0 $0x1  }
0x13: {  	[smem:$0x3F9E] =	sst s0;
	s0 =	simm.s32 @!p1 $0x0  }
0x14: {  	s2 =	sld [smem:$0x3F82];
	s0 =	simm.s32 @p1 $0x1  }
0x15: {  	[smem:$0x3F9F] =	sst s0;
	s0 =	simm.s32 @!p2 $0x0  }
0x16: {  	s3 =	sld [smem:$0x3FDB];
	s0 =	simm.s32 @p2 $0x1  }
0x17: {  	s4 =	simm.s32 $0x1BF5;
	[smem:$0x3FA1] =	sst s0  }
0x18: {  	s0 =	sld [smem:$0x3F84];
	_ =	swait.ge [sflag:s4], $0x0  }
0x19: {  	s7 =	sld [smem:$0x3F85]  }
0x1a: {  	s8 =	sadd.s32 $0xFFFFE003, lr  }
0x1b: {  	s9 =	sadd.s32 $0xFFFFFEF7, lr;
	s5 =	simm.s32 $0xFFFFFFFF;
	p2 =	slt.u32 s8, $0xFFFFF086  }
0x1c: {  	p1 =	slt.u32 s9, $0xF7A;
	s5 =	simm.s32 @!p2 $0x0  }
0x1d: {  	s5 =	simm.s32 @p1 $0x1;
	p0 =	seq.s32 s7, s2  }
0x1e: {  	s7 =	smul.u32 @!p0 $0xF7A, s2;
	p2 =	seq.s32 @!p0 s5, $0x0  }
0x1f: {  	s9 =	smul.u32 $0xF7A, s1;
	s8 =	simm.s32 @!p0 $0x1BF5;
	p2 =	por !p2, p0  }
0x20: {  	[sflag:s8] =	ssyncset.s32 @!p0 $0xFFFFF086;
	s6 =	sadd.s32 @!p0 s3, s7;
	s7 =	simm.s32 @!p0 $0x108  }
0x21: {  	s3 =	sadd.s32 s3, s9;
	s6 =	sadd.s32 @!p0 $0x88, s6;
	s7 =	simm.s32 @p2 $0x1082  }
0x22: {  	[simem:s7], [sflag:s8] =	dma.local @!p0 [hbm:s6], $0xF7A  }
0x23: {  	s9 =	sor.u32 $0xD0000000, s2;
	s6 =	simm.s32 $0x108;
	_ =	swait.ge @!p0 [sflag:s8], $0x0  }
0x24: {  	s3 =	sadd.s32 $0x88, s3;
	s6 =	simm.s32 @!p1 $0x1082;
	[sflag:s4] =	ssyncset.s32 $0xFFFFF086  }
0x25: {  	[simem:s6], [sflag:s4] =	dma.local [hbm:s3], $0xF7A  }
0x26: {  	[smem:$0x3F85] =	sst s1;
	(tag) =	ssettag s2;
	_ =	strace s9  }
0x27: {  	s1 =	sld [smem:$0x3F95]  }
0x28: {  	s2 =	sld [smem:$0x3F96]  }
0x29: {  	s4 =	sld [smem:$0x3F98]  }
0x2a: {  	p0 =	seq.s32 s5, $0x0;
	s5 =	sld [smem:$0x3F99]  }
0x2b: {  	s6 =	sld [smem:$0x3F9A]  }
0x2c: {  	s7 =	sld [smem:$0x3F9B]  }
0x2d: {  	s3 =	simm.s32 $0x108;
	s8 =	sld [smem:$0x3F9C]  }
0x2e: {  	s3 =	simm.s32 @!p0 $0x1082;
	s9 =	sld [smem:$0x3F9D]  }
0x2f: {  	lr =	sadd.s32 s0, s3;
	s0 =	sld [smem:$0x3F94]  }
0x30: {  	s3 =	sld [smem:$0x3F97]  }
0x31: {  	[smem:$0x3FA0] =	sst s10  }
0x32: {  	s10 =	sld [smem:$0x3F9E];
	_ =	sdelay $0x3  }
0x33: {  	p0 =	seq.s32 s10, $0x1;
	s10 =	sld [smem:$0x3FA0];
	_ =	sdelay $0x3  }
0x34: {  	[smem:$0x3FA0] =	sst s10  }
0x35: {  	s10 =	sld [smem:$0x3F9F];
	_ =	sdelay $0x3  }
0x36: {  	p1 =	seq.s32 s10, $0x1;
	s10 =	sld [smem:$0x3FA0];
	_ =	sdelay $0x3  }
0x37: {  	[smem:$0x3FA0] =	sst s10  }
0x38: {  	s10 =	sld [smem:$0x3FA1]  }
0x39: {  	_ = 	snop;
	(pc) =	sbr.ind lr, $3  }
0x3a: {  	_ = 	snop  }
0x3b: {  	_ = 	snop  }
0x3c: {  	p2 =	seq.s32 s10, $0x1;
	s10 =	sld [smem:$0x3FA0]  }
0x3d: {  	_ =	shalt  }
0x3e: {  	_ =	shalt  }
0x3f: {  	_ =	shalt  }
0x40: {  	_ =	shalt  }
0x41: {  	_ =	shalt  }
0x42: {  	_ =	shalt  }
0x43: {  	_ =	shalt  }
0x44: {  	_ =	shalt  }
0x45: {  	_ =	shalt  }
0x46: {  	_ =	shalt  }
0x47: {  	_ =	shalt  }
0x48: {  	_ =	shalt  }
0x49: {  	_ =	shalt  }
0x4a: {  	_ =	shalt  }
0x4b: {  	_ =	shalt  }
0x4c: {  	_ =	shalt  }
0x4d: {  	_ =	shalt  }
0x4e: {  	_ =	shalt  }
0x4f: {  	_ =	shalt  }
0x50: {  	_ =	shalt  }
0x51: {  	_ =	shalt  }
0x52: {  	_ =	shalt  }
0x53: {  	_ =	shalt  }
0x54: {  	_ =	shalt  }
0x55: {  	_ =	shalt  }
0x56: {  	_ =	shalt  }
0x57: {  	_ =	shalt  }
0x58: {  	_ =	shalt  }
0x59: {  	_ =	shalt  }
0x5a: {  	_ =	shalt  }
0x5b: {  	_ =	shalt  }
0x5c: {  	_ =	shalt  }
0x5d: {  	_ =	shalt  }
0x5e: {  	_ =	shalt  }
0x5f: {  	_ =	shalt  }
0x60: {  	_ =	shalt  }
0x61: {  	_ =	shalt  }
0x62: {  	_ =	shalt  }
0x63: {  	_ =	shalt  }
0x64: {  	_ =	shalt  }
0x65: {  	_ =	shalt  }
0x66: {  	_ =	shalt  }
0x67: {  	_ =	shalt  }
0x68: {  	_ =	shalt  }
0x69: {  	_ =	shalt  }
0x6a: {  	_ =	shalt  }
0x6b: {  	_ =	shalt  }
0x6c: {  	_ =	shalt  }
0x6d: {  	_ =	shalt  }
0x6e: {  	_ =	shalt  }
0x6f: {  	_ =	shalt  }
0x70: {  	_ =	shalt  }
0x71: {  	_ =	shalt  }
0x72: {  	_ =	shalt  }
0x73: {  	_ =	shalt  }
0x74: {  	_ =	shalt  }
0x75: {  	_ =	shalt  }
0x76: {  	_ =	shalt  }
0x77: {  	_ =	shalt  }
0x78: {  	_ =	shalt  }
0x79: {  	_ =	shalt  }
0x7a: {  	_ =	shalt  }
0x7b: {  	_ =	shalt  }
0x7c: {  	_ =	shalt  }
0x7d: {  	_ =	shalt  }
0x7e: {  	_ =	shalt  }
0x7f: {  	_ =	shalt  }
0x80: {  	_ =	shalt  }
0x81: {  	_ =	shalt  }
0x82: {  	_ =	shalt  }
0x83: {  	_ =	shalt  }
0x84: {  	_ =	shalt  }
0x85: {  	_ =	shalt  }
0x86: {  	_ =	shalt  }
0x87: {  	_ =	shalt  }
.Lfunc_end0:
.L_simem_size_0:
called_computation.10_lowered:
.L_overlay_start_0:
0x88: {  	s2 =	sld [smem:$0x3FD9]  }
0x89: {  	s3 =	sld [smem:$0x3FFE];
	_ =	sdelay $0x1  }
0x8a: {  	s1 =	srdreg.scid  }
0x8b: {  	s0 =	sand.u32 $0x1, s1  }
0x8c: {  	s16 =	sshll.u32 s0, $0xA;
	s2 =	sadd.s32 s3, s2  }
0x8d: {  	s2 =	sadd.s32 s2, s16  }
0x8e: {  	[smem:$0x3FAC] =	sst s2  }
0x8f: {  	_ = 	snop  }
0x90: {  	(tm) =	ssettm $0x1  }
0x91: {  	s17 =	sld [smem:$0x3FFB];
	_ =	sdelay $0x3  }
0x92: {  	_ =	strace s17  }
0x93: {  	s2 =	sld [smem:$0x3FFC];
	_ =	sdelay $0x3  }
0x94: {  	_ =	strace s2  }
0x95: {  	s2 =	sld [smem:$0x3FFD];
	_ =	sdelay $0x3  }
0x96: {  	_ =	strace s2  }
0x97: {  	_ =	strace $0x8FFFFFFF  }
0x98: {  	s18 =	sld [smem:$0x3FDB];
	_ =	sdelay $0x1  }
0x99: {  	s19 =	simm.s32 $_scs_section_size  }
0x9a: {  	s4 =	simm.s32 $_size__tile_overlayer_lowered;
	s5 =	simm.s32 $_tile_overlayer_lowered  }
0x9b: {  	s22 =	simm.s32 $0x1BFF;
	s21 =	sshll.u32 s5, $0x1;
	s2 =	sadd.s32 s19, s18  }
0x9c: {  	s6 =	simm.s32 $0x0;
	s20 =	sshll.u32 s4, $0x1;
	s4 =	sadd.s32 s21, s2  }
0x9d: {  	[timem:s6], [sflag:s22] =	dma.local [hbm:s4], s20  }
0x9e: {  	_ =	swait.ge [sflag:s22], s20  }
0x9f: {  	s3 =	ssub.s32 $0x0, s20;
	[sflag:s22] =	ssyncset.done $0x0  }
0xa0: {  	[sflag:s22] =	ssyncadd.s32 s3;
	_ =	sdelay $0x1  }
0xa1: {  	s23 =	simm.s32 $0x1B8B  }
0xa2: {  	_ =	swait.ge [sflag:s23], $0x1  }
0xa3: {  	[sflag:s23] =	ssyncset.done $0x0  }
0xa4: {  	s25 =	simm.s32 $0x1B8E;
	s24 =	sld [smem:$0x3FFE];
	[sflag:s23] =	ssyncadd.s32 $0xFFFFFFFF  }
0xa5: {  	s26 =	simm.s32 $execute0_lowered;
	[smem:$0x3FD2] =	sst s25  }
0xa6: {  	s4 =	sshll.u32 s26, $0x1;
	_ =	strace $0x80000064;
	[dreg:$0x1] =	wrdreg $0xFFFFFFFF  }
0xa7: {  	s28 =	simm.s32 $_size_execute0_lowered;
	s2 =	sadd.s32 s2, s4;
	[dreg:$0x0] =	wrdreg $0x0  }
0xa8: {  	s4 =	sshll.u32 s28, $0x1;
	[dreg:$0x2] =	wrdreg s2  }
0xa9: {  	[dreg:$0x3] =	wrdreg s4  }
0xaa: {  	[dreg:$0x4] =	wrdreg $0xC0  }
0xab: {  	_ =	task [dreg:s6], $0x5FFFF  }
0xac: {  	[dreg:$0x1] =	wrdreg $0xFFFFFFFF  }
0xad: {  	[dreg:$0x0] =	wrdreg $0x60  }
0xae: {  	[dreg:$0x2] =	wrdreg s24  }
0xaf: {  	[dreg:$0x3] =	wrdreg $0x9080  }
0xb0: {  	[dreg:$0x4] =	wrdreg $0x9  }
0xb1: {  	_ =	task.clear_ibuf [dreg:s6], $0x5FFFF;
	_ =	strace $0x90000064  }
0xb2: {  	s29 =	simm.s32 $0x9;
	_ =	strace $0x80000066  }
0xb3: {  	_ =	swait.ge [sflag:s29], $0x1  }
0xb4: {  	[sflag:s29] =	ssyncadd.s32 $0xFFFFFFFF  }
0xb5: {  	_ =	strace $0x90000066  }
0xb6: {  	_ =	sfence  }
0xb7: {  	s30 =	sld [smem:$0x0];
	_ =	sdelay $0x2  }
0xb8: {  	s31 =	sshll.u32 s1, $0xD;
	s1 =	sshrl.u32 s1, $0x2  }
0xb9: {  	s3 =	sand.u32 $0x4000, s31;
	s1 =	sadd.s32 s1, s30  }
0xba: {  	s0 =	sor.u32 s3, s0;
	s1 =	sshll.u32 s1, $0x11  }
0xbb: {  	s0 =	sor.u32 s1, s0  }
0xbc: {  	s0 =	sadd.s32 $0x8F2B, s0  }
0xbd: {  	[sflag:s0] =	ssyncadd.remote.s32 $0x1  }
0xbe: {  	_ =	sfence.sel $0xFFFF  }
0xbf: {  	[dreg:$0x0] =	wrdreg $0xFFFFFFFF;
	(pc) =	sbr.abs _section_cstart, $3  }
0xc0: {  	[dreg:$0x1] =	wrdreg $0xFFFFFFFF  }
0xc1: {  	_ =	task.clear_ibuf [dreg:s6], $0x2FFFF;
	_ =	strace $0x9FFFFFFF  }
0xc2: {  	(tm) =	ssettm $0x7FFFFFFF  }
0xc3: {  	_ =	shalt  }
tec
execute0_lowered:
.L_overlay_start_1:
0x0: {  	(tag) =	ssettag $0x1  }
0x1: {  	s4 =	rddreg [dreg:$0x0]  }
0x2: {  	s1 =	rddreg [dreg:$0x1]  }
0x3: {  	s0 =	rddreg [dreg:$0x2];
	s2 =	simm.s32 $0x0;
	s3 =	srdreg.scid  }
0x4: {  	s8 =	stileid.u32;
	s14 =	simm.s32 $0x888;
	s15 =	simm.s32 $0x8  }
0x5: {  	s16 =	simm.s32 $0x0;
	[smem:$0x7FF] =	sst s2;
	s7 =	smul.u32 $0x1388, s8  }
0x6: {  	s6 =	sand.u32 $0x1, s3;
	s9 =	sadd.s32 $0x11400, s4;
	s30 =	smul.u32 $0x2710, s8  }
0x7: {  	s10 =	sadd.s32 $0xC400, s4;
	s3 =	sadd.s32 $0x8B800, s4;
	s5 =	smul.u32 $0x13880, s6  }
0x8: {  	p0 =	sne.s32 s8, $0x0;
	s11 =	smul.u32 $0x4E20, s6;
	s12 =	ssub.s32 $0x2, s6  }
0x9: {  	_ =	strace $0x80000065;
	s29 =	smul.u32 $0x27100, s6;
	s25 =	sshrl.u32 s12, $0x1  }
0xa: {  	s13 =	sadd.s32 s7, s5;
	s24 =	sadd.s32 s11, s4;
	s26 =	ssub.s32 s12, s25  }
0xb: {  	s11 =	simm.s32 $0x1;
	s12 =	simm.s32 $0x80;
	s5 =	sadd.s32 $0x1380, s13  }
0xc: {  	s6 =	sadd.s32 $0x5F600, s24;
	s7 =	smax.u32 s26, $0x1;
	s31 =	sshrl.u32 s13, $0x3  }
0xd: {  	s13 =	simm.s32 $0x880;
	s28 =	sshrl.u32 s5, $0x3;
	s5 =	sshll.u32 s5, $0x1  }
0xe: {  	s4 =	sadd.s32 s10, s28;
	s5 =	sadd.s32 s9, s5;
	s9 =	sadd.s32 s29, s9  }
0xf: {  	s8 =	sadd.s32 s30, s9;
	s9 =	sadd.s32 s31, s10;
	s10 =	sshrl.u32 @!p0 s1, $0x3  }
.LBB2_1:
0x10: {  	s17 =	simm.s32 @!p0 $0x1C01  }
0x11: {  	[spmem:s10], [sflag:s17] =	dma.local @!p0 [hbm:s3], $0x4E20  }
0x12: {  	s17 =	simm.s32 @!p0 $0x1  }
0x13: {  	_ =	swait.ge @!p0 [sflag:s17], $0x4E20  }
0x14: {  	[sflag:s17] =	ssyncset.done @!p0 $0x0  }
0x15: {  	[sflag:s17] =	ssyncadd.s32 @!p0 $0xFFFFB1E0  }
0x16: {  	s31 =	sadd.s32 $0x0, s9;
	[bflag:$0x0] =	sbarrier.arrive $0xFFFF  }
0x17: {  	[tilespmem:s2], [sflag:$0x1] =	stream.linear.gather [hbm4b:s31+s2], $0x80, $0x38;
	[tilespmem:$0x3018] =	vst v63  }
0x18: {  	_ =	swait.ge [sflag:s11], $0x80  }
0x19: {  	[sflag:s11] =	ssyncset.done $0x0  }
0x1a: {  	[sflag:s11] =	ssyncadd.s32 $0xFFFFFF80  }
0x1b: {  	[tilespmem:s12], [sflag:$0x1] =	stream.linear.gather [hbm4b:s8+s2], $0x800, $0x38;
	[tilespmem:$0x3018] =	vst v63  }
0x1c: {  	_ =	swait.ge [sflag:s11], $0x800  }
0x1d: {  	[sflag:s11] =	ssyncset.done $0x0  }
0x1e: {  	[sflag:s11] =	ssyncadd.s32 $0xFFFFF800  }
0x1f: {  	[spmem:s1] =	stream.indirect.scatter.add.f32 [tilespmem:s12], [sflag:$0x1], $0x10, s2, s12, $0xb8;
	[tilespmem:$0x3018] =	vst v63  }
0x20: {  	s18 =	simm.s32 $0x10;
	_ =	swait.ge [sflag:s11], $0x800  }
0x21: {  	s19 =	simm.s32 $0x20;
	s17 =	sadd.s32 $0x100, s8;
	[sflag:s11] =	ssyncset.done $0x0  }
.LBB2_2:
0x22: {  	s20 =	sadd.s32 s18, s9  }
0x23: {  	[sflag:s11] =	ssyncadd.s32 $0xFFFFF800;
	s18 =	smov.u32 s19;
	s21 =	sadd.s32 $0x10, s19  }
0x24: {  	[tilespmem:s2], [sflag:$0x1] =	stream.linear.gather [hbm4b:s20+s2], $0x80, $0x38;
	[tilespmem:$0x3018] =	vst v63  }
0x25: {  	p1 =	sne.s32 s19, $0x260;
	_ =	swait.ge [sflag:s11], $0x80  }
0x26: {  	[sflag:s11] =	ssyncset.done $0x0  }
0x27: {  	[sflag:s11] =	ssyncadd.s32 $0xFFFFFF80  }
0x28: {  	[tilespmem:s12], [sflag:$0x1] =	stream.linear.gather [hbm4b:s17+s2], $0x800, $0x38;
	[tilespmem:$0x3018] =	vst v63  }
0x29: {  	_ =	swait.ge [sflag:s11], $0x800  }
.Ltmp0:
0x2a: {  	[sflag:s11] =	ssyncset.done $0x0;
	(pc) =	sbr.rel @p1 .LBB2_2-.Ltmp0, $4  }
0x2b: {  	[sflag:s11] =	ssyncadd.s32 $0xFFFFF800  }
0x2c: {  	[spmem:s1] =	stream.indirect.scatter.add.f32 [tilespmem:s12], [sflag:$0x1], $0x10, s2, s12, $0xb8;
	[tilespmem:$0x3018] =	vst v63  }
0x2d: {  	_ =	swait.ge [sflag:s11], $0x800  }
0x2e: {  	s19 =	smov.u32 s21;
	s17 =	sadd.s32 $0x100, s17;
	[sflag:s11] =	ssyncset.done $0x0  }
0x2f: {  	s18 =	sadd.s32 s18, s9;
	[sflag:s11] =	ssyncadd.s32 $0xFFFFF800  }
0x30: {  	[tilespmem:s2], [sflag:$0x1] =	stream.linear.gather [hbm4b:s18+s2], $0x80, $0x38;
	[tilespmem:$0x3018] =	vst v63  }
0x31: {  	_ =	swait.ge [sflag:s11], $0x80  }
0x32: {  	[sflag:s11] =	ssyncset.done $0x0  }
0x33: {  	[sflag:s11] =	ssyncadd.s32 $0xFFFFFF80  }
0x34: {  	[tilespmem:s12], [sflag:$0x1] =	stream.linear.gather [hbm4b:s17+s2], $0x800, $0x38;
	[tilespmem:$0x3018] =	vst v63  }
0x35: {  	_ =	swait.ge [sflag:s11], $0x800  }
0x36: {  	[sflag:s11] =	ssyncset.done $0x0  }
0x37: {  	[sflag:s11] =	ssyncadd.s32 $0xFFFFF800  }
0x38: {  	[spmem:s1] =	stream.indirect.scatter.add.f32 [tilespmem:s12], [sflag:$0x1], $0x10, s2, s12, $0xb8;
	[tilespmem:$0x3018] =	vst v63  }
0x39: {  	_ =	swait.ge [sflag:s11], $0x800  }
0x3a: {  	[sflag:s11] =	ssyncset.done $0x0  }
0x3b: {  	[sflag:s11] =	ssyncadd.s32 $0xFFFFF800  }
0x3c: {  	[tilespmem:s13], [sflag:$0x1] =	stream.linear.gather [hbm4b:s4+s2], $0x8, $0x38;
	[tilespmem:$0x3018] =	vst v63  }
0x3d: {  	_ =	swait.ge [sflag:s11], $0x8  }
0x3e: {  	[sflag:s11] =	ssyncset.done $0x0  }
0x3f: {  	[sflag:s11] =	ssyncadd.s32 $0xFFFFFFF8  }
0x40: {  	[tilespmem:s14], [sflag:$0x1] =	stream.linear.gather [hbm4b:s5+s2], $0x80, $0x38;
	[tilespmem:$0x3018] =	vst v63  }
0x41: {  	_ =	swait.ge [sflag:s11], $0x80  }
0x42: {  	[sflag:s11] =	ssyncset.done $0x0  }
0x43: {  	[sflag:s11] =	ssyncadd.s32 $0xFFFFFF80  }
0x44: {  	[spmem:s1] =	stream.indirect.scatter.add.f32 [tilespmem:s14], [sflag:$0x1], $0x10, s13, s15, $0xb8;
	[tilespmem:$0x3018] =	vst v63  }
0x45: {  	_ =	swait.ge [sflag:s11], $0x80  }
0x46: {  	[sflag:s11] =	ssyncset.done $0x0  }
0x47: {  	s16 =	sadd.s32 $0x1, s16;
	[sflag:s11] =	ssyncadd.s32 $0xFFFFFF80  }
0x48: {  	p1 =	sne.s32 s16, s7;
	s17 =	simm.s32 @!p0 $0x1C01;
	[bflag:$0x0] =	sbarrier.arrive $0xFFFF  }
0x49: {  	[hbm:s6], [sflag:s17] =	dma.local @!p0 [spmem:s10], $0x4E20  }
.Ltmp1:
0x4a: {  	_ = 	snop;
	(pc) =	sbr.rel @p1 .LBB2_1-.Ltmp1, $4  }
0x4b: {  	s17 =	simm.s32 @!p0 $0x1  }
0x4c: {  	_ =	swait.ge @!p0 [sflag:s17], $0x4E20  }
0x4d: {  	[sflag:s17] =	ssyncset.done @!p0 $0x0  }
0x4e: {  	[sflag:s17] =	ssyncadd.s32 @!p0 $0xFFFFB1E0  }
0x4f: {  	_ =	sfence.sel $0x180000  }
0x50: {  	[bflag:$0x0] =	sbarrier.arrive $0xFFFF  }
0x51: {  	_ =	strace $0x90000065  }
0x52: {  	s0 =	sadd.s32 @!p0 $0x100000, s0;
	[bflag:$0x2] =	sbarrier.arrive $0xFFFF  }
0x53: {  	[sflag:s0] =	ssyncadd.tile.s32 @!p0 $0x1;
	_ =	shalt  }
.Lfunc_end2:
_tile_overlayer_lowered:
.L_overlay_start_2:
0x54: {  	(tag) =	ssettag $0x2  }
0x55: {  	s0 =	rddreg [dreg:$0x0];
	s2 =	stileid.u32  }
0x56: {  	s1 =	rddreg [dreg:$0x1];
	p0 =	sne.s32 s2, $0x0  }
0x57: {  	s3 =	rddreg [dreg:$0x2];
	[bflag:$0x3] =	sbarrier.arrive $0xFFFF;
	s2 =	simm.s32 @!p0 $0x1C01  }
0x58: {  	[timem:s3], [sflag:s2] =	dma.local @!p0 [hbm:s0], s1  }
0x59: {  	s0 =	simm.s32 @!p0 $0x1  }
0x5a: {  	_ =	swait.ge @!p0 [sflag:s0], s1  }
0x5b: {  	s1 =	ssub.s32 @!p0 $0x0, s1;
	[sflag:s0] =	ssyncset.done @!p0 $0x0  }
0x5c: {  	[sflag:s0] =	ssyncadd.s32 @!p0 s1  }
0x5d: {  	[bflag:$0x3] =	sbarrier.arrive $0xFFFF  }
0x5e: {  	_ =	shalt  }

// kernel: kernel.65.cloned.1.call-start
scs
__scs_entry_jumppad:
0x0: {  	(pc) =	sbr.rel $0x88, $3  }
0x1: {  	(tag) =	ssettag $0x0;
	lr =	simm.s32 $0x1  }
0x2: {  	[smem:$0x3F85] =	sst lr;
	_ =	strace $0xD0000000  }
0x3: {  	_ = 	snop  }
0x4: {  	_ = 	snop  }
0x5: {  	_ = 	snop  }
0x6: {  	_ = 	snop  }
0x7: {  	_ = 	snop  }
__scs_overlays_trampoline_lowered:
0x8: {  	[smem:$0x3F94] =	sst s0  }
0x9: {  	[smem:$0x3F95] =	sst s1  }
0xa: {  	[smem:$0x3F96] =	sst s2  }
0xb: {  	[smem:$0x3F97] =	sst s3  }
0xc: {  	[smem:$0x3F98] =	sst s4  }
0xd: {  	[smem:$0x3F99] =	sst s5  }
0xe: {  	[smem:$0x3F9A] =	sst s6  }
0xf: {  	[smem:$0x3F9B] =	sst s7  }
0x10: {  	[smem:$0x3F9C] =	sst s8  }
0x11: {  	[smem:$0x3F9D] =	sst s9;
	s0 =	simm.s32 @!p0 $0x0  }
0x12: {  	s1 =	sld [smem:$0x3F83];
	s0 =	simm.s32 @p0 $0x1  }
0x13: {  	[smem:$0x3F9E] =	sst s0;
	s0 =	simm.s32 @!p1 $0x0  }
0x14: {  	s2 =	sld [smem:$0x3F82];
	s0 =	simm.s32 @p1 $0x1  }
0x15: {  	[smem:$0x3F9F] =	sst s0;
	s0 =	simm.s32 @!p2 $0x0  }
0x16: {  	s3 =	sld [smem:$0x3FDB];
	s0 =	simm.s32 @p2 $0x1  }
0x17: {  	s4 =	simm.s32 $0x1BF5;
	[smem:$0x3FA1] =	sst s0  }
0x18: {  	s0 =	sld [smem:$0x3F84];
	_ =	swait.ge [sflag:s4], $0x0  }
0x19: {  	s7 =	sld [smem:$0x3F85]  }
0x1a: {  	s8 =	sadd.s32 $0xFFFFE003, lr  }
0x1b: {  	s9 =	sadd.s32 $0xFFFFFEF7, lr;
	s5 =	simm.s32 $0xFFFFFFFF;
	p2 =	slt.u32 s8, $0xFFFFF086  }
0x1c: {  	p1 =	slt.u32 s9, $0xF7A;
	s5 =	simm.s32 @!p2 $0x0  }
0x1d: {  	s5 =	simm.s32 @p1 $0x1;
	p0 =	seq.s32 s7, s2  }
0x1e: {  	s7 =	smul.u32 @!p0 $0xF7A, s2;
	p2 =	seq.s32 @!p0 s5, $0x0  }
0x1f: {  	s9 =	smul.u32 $0xF7A, s1;
	s8 =	simm.s32 @!p0 $0x1BF5;
	p2 =	por !p2, p0  }
0x20: {  	[sflag:s8] =	ssyncset.s32 @!p0 $0xFFFFF086;
	s6 =	sadd.s32 @!p0 s3, s7;
	s7 =	simm.s32 @!p0 $0x108  }
0x21: {  	s3 =	sadd.s32 s3, s9;
	s6 =	sadd.s32 @!p0 $0x88, s6;
	s7 =	simm.s32 @p2 $0x1082  }
0x22: {  	[simem:s7], [sflag:s8] =	dma.local @!p0 [hbm:s6], $0xF7A  }
0x23: {  	s9 =	sor.u32 $0xD0000000, s2;
	s6 =	simm.s32 $0x108;
	_ =	swait.ge @!p0 [sflag:s8], $0x0  }
0x24: {  	s3 =	sadd.s32 $0x88, s3;
	s6 =	simm.s32 @!p1 $0x1082;
	[sflag:s4] =	ssyncset.s32 $0xFFFFF086  }
0x25: {  	[simem:s6], [sflag:s4] =	dma.local [hbm:s3], $0xF7A  }
0x26: {  	[smem:$0x3F85] =	sst s1;
	(tag) =	ssettag s2;
	_ =	strace s9  }
0x27: {  	s1 =	sld [smem:$0x3F95]  }
0x28: {  	s2 =	sld [smem:$0x3F96]  }
0x29: {  	s4 =	sld [smem:$0x3F98]  }
0x2a: {  	p0 =	seq.s32 s5, $0x0;
	s5 =	sld [smem:$0x3F99]  }
0x2b: {  	s6 =	sld [smem:$0x3F9A]  }
0x2c: {  	s7 =	sld [smem:$0x3F9B]  }
0x2d: {  	s3 =	simm.s32 $0x108;
	s8 =	sld [smem:$0x3F9C]  }
0x2e: {  	s3 =	simm.s32 @!p0 $0x1082;
	s9 =	sld [smem:$0x3F9D]  }
0x2f: {  	lr =	sadd.s32 s0, s3;
	s0 =	sld [smem:$0x3F94]  }
0x30: {  	s3 =	sld [smem:$0x3F97]  }
0x31: {  	[smem:$0x3FA0] =	sst s10  }
0x32: {  	s10 =	sld [smem:$0x3F9E];
	_ =	sdelay $0x3  }
0x33: {  	p0 =	seq.s32 s10, $0x1;
	s10 =	sld [smem:$0x3FA0];
	_ =	sdelay $0x3  }
0x34: {  	[smem:$0x3FA0] =	sst s10  }
0x35: {  	s10 =	sld [smem:$0x3F9F];
	_ =	sdelay $0x3  }
0x36: {  	p1 =	seq.s32 s10, $0x1;
	s10 =	sld [smem:$0x3FA0];
	_ =	sdelay $0x3  }
0x37: {  	[smem:$0x3FA0] =	sst s10  }
0x38: {  	s10 =	sld [smem:$0x3FA1]  }
0x39: {  	_ = 	snop;
	(pc) =	sbr.ind lr, $3  }
0x3a: {  	_ = 	snop  }
0x3b: {  	_ = 	snop  }
0x3c: {  	p2 =	seq.s32 s10, $0x1;
	s10 =	sld [smem:$0x3FA0]  }
0x3d: {  	_ =	shalt  }
0x3e: {  	_ =	shalt  }
0x3f: {  	_ =	shalt  }
0x40: {  	_ =	shalt  }
0x41: {  	_ =	shalt  }
0x42: {  	_ =	shalt  }
0x43: {  	_ =	shalt  }
0x44: {  	_ =	shalt  }
0x45: {  	_ =	shalt  }
0x46: {  	_ =	shalt  }
0x47: {  	_ =	shalt  }
0x48: {  	_ =	shalt  }
0x49: {  	_ =	shalt  }
0x4a: {  	_ =	shalt  }
0x4b: {  	_ =	shalt  }
0x4c: {  	_ =	shalt  }
0x4d: {  	_ =	shalt  }
0x4e: {  	_ =	shalt  }
0x4f: {  	_ =	shalt  }
0x50: {  	_ =	shalt  }
0x51: {  	_ =	shalt  }
0x52: {  	_ =	shalt  }
0x53: {  	_ =	shalt  }
0x54: {  	_ =	shalt  }
0x55: {  	_ =	shalt  }
0x56: {  	_ =	shalt  }
0x57: {  	_ =	shalt  }
0x58: {  	_ =	shalt  }
0x59: {  	_ =	shalt  }
0x5a: {  	_ =	shalt  }
0x5b: {  	_ =	shalt  }
0x5c: {  	_ =	shalt  }
0x5d: {  	_ =	shalt  }
0x5e: {  	_ =	shalt  }
0x5f: {  	_ =	shalt  }
0x60: {  	_ =	shalt  }
0x61: {  	_ =	shalt  }
0x62: {  	_ =	shalt  }
0x63: {  	_ =	shalt  }
0x64: {  	_ =	shalt  }
0x65: {  	_ =	shalt  }
0x66: {  	_ =	shalt  }
0x67: {  	_ =	shalt  }
0x68: {  	_ =	shalt  }
0x69: {  	_ =	shalt  }
0x6a: {  	_ =	shalt  }
0x6b: {  	_ =	shalt  }
0x6c: {  	_ =	shalt  }
0x6d: {  	_ =	shalt  }
0x6e: {  	_ =	shalt  }
0x6f: {  	_ =	shalt  }
0x70: {  	_ =	shalt  }
0x71: {  	_ =	shalt  }
0x72: {  	_ =	shalt  }
0x73: {  	_ =	shalt  }
0x74: {  	_ =	shalt  }
0x75: {  	_ =	shalt  }
0x76: {  	_ =	shalt  }
0x77: {  	_ =	shalt  }
0x78: {  	_ =	shalt  }
0x79: {  	_ =	shalt  }
0x7a: {  	_ =	shalt  }
0x7b: {  	_ =	shalt  }
0x7c: {  	_ =	shalt  }
0x7d: {  	_ =	shalt  }
0x7e: {  	_ =	shalt  }
0x7f: {  	_ =	shalt  }
0x80: {  	_ =	shalt  }
0x81: {  	_ =	shalt  }
0x82: {  	_ =	shalt  }
0x83: {  	_ =	shalt  }
0x84: {  	_ =	shalt  }
0x85: {  	_ =	shalt  }
0x86: {  	_ =	shalt  }
0x87: {  	_ =	shalt  }
.Lfunc_end0:
.L_simem_size_0:
called_computation.11_lowered:
.L_overlay_start_0:
0x88: {  	s2 =	sld [smem:$0x3FD9]  }
0x89: {  	s3 =	sld [smem:$0x3FFE];
	_ =	sdelay $0x1  }
0x8a: {  	s1 =	srdreg.scid  }
0x8b: {  	s0 =	sand.u32 $0x1, s1  }
0x8c: {  	s16 =	sshll.u32 s0, $0xA;
	s2 =	sadd.s32 s3, s2  }
0x8d: {  	s2 =	sadd.s32 s2, s16  }
0x8e: {  	[smem:$0x3FAC] =	sst s2  }
0x8f: {  	_ = 	snop  }
0x90: {  	(tm) =	ssettm $0x1  }
0x91: {  	s17 =	sld [smem:$0x3FFB];
	_ =	sdelay $0x3  }
0x92: {  	_ =	strace s17  }
0x93: {  	s2 =	sld [smem:$0x3FFC];
	_ =	sdelay $0x3  }
0x94: {  	_ =	strace s2  }
0x95: {  	s2 =	sld [smem:$0x3FFD];
	_ =	sdelay $0x3  }
0x96: {  	_ =	strace s2  }
0x97: {  	_ =	strace $0x8FFFFFFF  }
0x98: {  	s18 =	sld [smem:$0x3FDB];
	_ =	sdelay $0x1  }
0x99: {  	s19 =	simm.s32 $_scs_section_size  }
0x9a: {  	s4 =	simm.s32 $_size__tile_overlayer_lowered;
	s5 =	simm.s32 $_tile_overlayer_lowered  }
0x9b: {  	s22 =	simm.s32 $0x1BFF;
	s21 =	sshll.u32 s5, $0x1;
	s2 =	sadd.s32 s19, s18  }
0x9c: {  	s6 =	simm.s32 $0x0;
	s20 =	sshll.u32 s4, $0x1;
	s4 =	sadd.s32 s21, s2  }
0x9d: {  	[timem:s6], [sflag:s22] =	dma.local [hbm:s4], s20  }
0x9e: {  	_ =	swait.ge [sflag:s22], s20  }
0x9f: {  	s3 =	ssub.s32 $0x0, s20;
	[sflag:s22] =	ssyncset.done $0x0  }
0xa0: {  	[sflag:s22] =	ssyncadd.s32 s3;
	_ =	sdelay $0x1  }
0xa1: {  	s23 =	simm.s32 $0x1B8B  }
0xa2: {  	_ =	swait.ge [sflag:s23], $0x1  }
0xa3: {  	[sflag:s23] =	ssyncset.done $0x0  }
0xa4: {  	s25 =	simm.s32 $0x1B8E;
	s24 =	sld [smem:$0x3FFE];
	[sflag:s23] =	ssyncadd.s32 $0xFFFFFFFF  }
0xa5: {  	s26 =	simm.s32 $execute0_lowered;
	[smem:$0x3FD2] =	sst s25  }
0xa6: {  	s4 =	sshll.u32 s26, $0x1;
	_ =	strace $0x80000067;
	[dreg:$0x1] =	wrdreg $0xFFFFFFFF  }
0xa7: {  	s28 =	simm.s32 $_size_execute0_lowered;
	s2 =	sadd.s32 s2, s4;
	[dreg:$0x0] =	wrdreg $0x0  }
0xa8: {  	s4 =	sshll.u32 s28, $0x1;
	[dreg:$0x2] =	wrdreg s2  }
0xa9: {  	[dreg:$0x3] =	wrdreg s4  }
0xaa: {  	[dreg:$0x4] =	wrdreg $0xC0  }
0xab: {  	_ =	task [dreg:s6], $0x5FFFF  }
0xac: {  	[dreg:$0x1] =	wrdreg $0xFFFFFFFF  }
0xad: {  	[dreg:$0x0] =	wrdreg $0x60  }
0xae: {  	[dreg:$0x2] =	wrdreg s24  }
0xaf: {  	[dreg:$0x3] =	wrdreg $0x9  }
0xb0: {  	_ =	task.clear_ibuf [dreg:s6], $0x4FFFF;
	_ =	strace $0x90000067  }
0xb1: {  	s29 =	simm.s32 $0x9;
	_ =	strace $0x80000069  }
0xb2: {  	_ =	swait.ge [sflag:s29], $0x1  }
0xb3: {  	[sflag:s29] =	ssyncadd.s32 $0xFFFFFFFF  }
0xb4: {  	_ =	strace $0x90000069  }
0xb5: {  	_ =	sfence  }
0xb6: {  	s30 =	sld [smem:$0x0];
	_ =	sdelay $0x2  }
0xb7: {  	s31 =	sshll.u32 s1, $0xD;
	s1 =	sshrl.u32 s1, $0x2  }
0xb8: {  	s3 =	sand.u32 $0x4000, s31;
	s1 =	sadd.s32 s1, s30  }
0xb9: {  	s0 =	sor.u32 s3, s0;
	s1 =	sshll.u32 s1, $0x11  }
0xba: {  	s0 =	sor.u32 s1, s0  }
0xbb: {  	s0 =	sadd.s32 $0x8F2B, s0  }
0xbc: {  	[sflag:s0] =	ssyncadd.remote.s32 $0x1  }
0xbd: {  	_ =	sfence.sel $0xFFFF  }
0xbe: {  	[dreg:$0x0] =	wrdreg $0xFFFFFFFF;
	(pc) =	sbr.abs _section_cstart, $3  }
0xbf: {  	[dreg:$0x1] =	wrdreg $0xFFFFFFFF  }
0xc0: {  	_ =	task.clear_ibuf [dreg:s6], $0x2FFFF;
	_ =	strace $0x9FFFFFFF  }
0xc1: {  	(tm) =	ssettm $0x7FFFFFFF  }
tec
execute0_lowered:
.L_overlay_start_1:
0x0: {  	(tag) =	ssettag $0x1  }
0x1: {  	s4 =	rddreg [dreg:$0x0]  }
0x2: {  	s0 =	rddreg [dreg:$0x1];
	s3 =	srdreg.scid  }
0x3: {  	s1 =	stileid.u32;
	s2 =	simm.s32 $0x0;
	s14 =	simm.s32 $0x888  }
0x4: {  	s15 =	simm.s32 $0x0;
	s6 =	sand.u32 $0x1, s3;
	s28 =	sshll.u32 s1, $0x1  }
0x5: {  	[smem:$0x7FF] =	sst s2;
	s3 =	sadd.s32 $0x11400, s4;
	s10 =	smul.u32 $0x2710, s1  }
0x6: {  	s8 =	sadd.s32 $0x7400, s4;
	s7 =	sadd.s32 $0x16400, s4;
	s12 =	smul.u32 $0x4E20, s1  }
0x7: {  	s5 =	sor.u32 s6, s28;
	s29 =	ssub.s32 $0x2, s6;
	s11 =	smul.u32 $0x1388, s6  }
0x8: {  	_ =	strace $0x80000068;
	s5 =	smul.u32 $0x1388, s5;
	s9 =	sshrl.u32 s29, $0x1  }
0x9: {  	s13 =	smul.u32 $0x2710, s6;
	s9 =	ssub.s32 s29, s9;
	s10 =	sadd.s32 s11, s10  }
0xa: {  	s11 =	simm.s32 $0x1;
	s5 =	sadd.s32 $0x1380, s5;
	s6 =	smax.u32 s9, $0x1  }
0xb: {  	s31 =	sshrl.u32 s10, $0x3;
	s9 =	simm.s32 $0x2;
	s30 =	sshrl.u32 s5, $0x3  }
0xc: {  	s10 =	simm.s32 $0x80;
	s5 =	sshll.u32 s5, $0x1;
	s4 =	sadd.s32 s8, s30  }
0xd: {  	s5 =	sadd.s32 s7, s5;
	s7 =	sadd.s32 s12, s7;
	s8 =	sadd.s32 s31, s8  }
0xe: {  	s12 =	simm.s32 $0x880;
	s7 =	sadd.s32 s13, s7;
	s13 =	simm.s32 $0x8  }
.LBB2_1:
0xf: {  	s16 =	sadd.s32 $0x0, s8  }
0x10: {  	[tilespmem:s2], [sflag:$0x2] =	stream.linear.gather [hbm4b:s16+s2], $0x80, $0x38;
	[tilespmem:$0x908] =	vst v63  }
0x11: {  	_ =	swait.ge [sflag:s9], $0x80  }
0x12: {  	[sflag:s9] =	ssyncset.done $0x0  }
0x13: {  	[sflag:s9] =	ssyncadd.s32 $0xFFFFFF80  }
0x14: {  	[tilespmem:s10], [sflag:$0x1] =	stream.indirect.gather [hbm4b:s3+s10], $0x10, s2, s10, $0xb8;
	[tilespmem:$0x908] =	vst v63  }
0x15: {  	_ =	swait.ge [sflag:s11], $0x800  }
0x16: {  	[sflag:s11] =	ssyncset.done $0x0  }
0x17: {  	[sflag:s11] =	ssyncadd.s32 $0xFFFFF800  }
0x18: {  	[hbm4b:s7+s2] =	stream.linear.scatter [tilespmem:s10], [sflag:$0x2], $0x800, $0x38;
	[tilespmem:$0x908] =	vst v63  }
0x19: {  	s17 =	simm.s32 $0x10;
	_ =	swait.ge [sflag:s9], $0x800  }
0x1a: {  	s18 =	simm.s32 $0x20;
	s16 =	sadd.s32 $0x100, s7;
	[sflag:s9] =	ssyncset.done $0x0  }
.LBB2_2:
0x1b: {  	s19 =	sadd.s32 s17, s8  }
0x1c: {  	[sflag:s9] =	ssyncadd.s32 $0xFFFFF800;
	s17 =	smov.u32 s18;
	s20 =	sadd.s32 $0x10, s18  }
0x1d: {  	[tilespmem:s2], [sflag:$0x2] =	stream.linear.gather [hbm4b:s19+s2], $0x80, $0x38;
	[tilespmem:$0x908] =	vst v63  }
0x1e: {  	p0 =	sne.s32 s18, $0x260;
	_ =	swait.ge [sflag:s9], $0x80  }
0x1f: {  	[sflag:s9] =	ssyncset.done $0x0  }
0x20: {  	[sflag:s9] =	ssyncadd.s32 $0xFFFFFF80  }
0x21: {  	[tilespmem:s10], [sflag:$0x1] =	stream.indirect.gather [hbm4b:s3+s10], $0x10, s2, s10, $0xb8;
	[tilespmem:$0x908] =	vst v63  }
0x22: {  	_ =	swait.ge [sflag:s11], $0x800  }
.Ltmp0:
0x23: {  	[sflag:s11] =	ssyncset.done $0x0;
	(pc) =	sbr.rel @p0 .LBB2_2-.Ltmp0, $4  }
0x24: {  	[sflag:s11] =	ssyncadd.s32 $0xFFFFF800  }
0x25: {  	[hbm4b:s16+s2] =	stream.linear.scatter [tilespmem:s10], [sflag:$0x2], $0x800, $0x38;
	[tilespmem:$0x908] =	vst v63  }
0x26: {  	_ =	swait.ge [sflag:s9], $0x800  }
0x27: {  	s18 =	smov.u32 s20;
	s16 =	sadd.s32 $0x100, s16;
	[sflag:s9] =	ssyncset.done $0x0  }
0x28: {  	s17 =	sadd.s32 s17, s8;
	[sflag:s9] =	ssyncadd.s32 $0xFFFFF800  }
0x29: {  	[tilespmem:s2], [sflag:$0x2] =	stream.linear.gather [hbm4b:s17+s2], $0x80, $0x38;
	[tilespmem:$0x908] =	vst v63  }
0x2a: {  	_ =	swait.ge [sflag:s9], $0x80  }
0x2b: {  	[sflag:s9] =	ssyncset.done $0x0  }
0x2c: {  	[sflag:s9] =	ssyncadd.s32 $0xFFFFFF80  }
0x2d: {  	[tilespmem:s10], [sflag:$0x1] =	stream.indirect.gather [hbm4b:s3+s10], $0x10, s2, s10, $0xb8;
	[tilespmem:$0x908] =	vst v63  }
0x2e: {  	_ =	swait.ge [sflag:s11], $0x800  }
0x2f: {  	[sflag:s11] =	ssyncset.done $0x0  }
0x30: {  	[sflag:s11] =	ssyncadd.s32 $0xFFFFF800  }
0x31: {  	[hbm4b:s16+s2] =	stream.linear.scatter [tilespmem:s10], [sflag:$0x2], $0x800, $0x38;
	[tilespmem:$0x908] =	vst v63  }
0x32: {  	_ =	swait.ge [sflag:s9], $0x800  }
0x33: {  	[sflag:s9] =	ssyncset.done $0x0  }
0x34: {  	[sflag:s9] =	ssyncadd.s32 $0xFFFFF800  }
0x35: {  	[tilespmem:s12], [sflag:$0x2] =	stream.linear.gather [hbm4b:s4+s2], $0x8, $0x38;
	[tilespmem:$0x908] =	vst v63  }
0x36: {  	_ =	swait.ge [sflag:s9], $0x8  }
0x37: {  	[sflag:s9] =	ssyncset.done $0x0  }
0x38: {  	[sflag:s9] =	ssyncadd.s32 $0xFFFFFFF8  }
0x39: {  	[tilespmem:s14], [sflag:$0x1] =	stream.indirect.gather [hbm4b:s3+s13], $0x10, s12, s13, $0xb8;
	[tilespmem:$0x908] =	vst v63  }
0x3a: {  	s15 =	sadd.s32 $0x1, s15;
	_ =	swait.ge [sflag:s11], $0x80  }
0x3b: {  	p0 =	sne.s32 s15, s6;
	[sflag:s11] =	ssyncset.done $0x0  }
.Ltmp1:
0x3c: {  	[sflag:s11] =	ssyncadd.s32 $0xFFFFFF80;
	(pc) =	sbr.rel @p0 .LBB2_1-.Ltmp1, $4  }
0x3d: {  	[hbm4b:s5+s2] =	stream.linear.scatter [tilespmem:s14], [sflag:$0x2], $0x80, $0x38;
	[tilespmem:$0x908] =	vst v63  }
0x3e: {  	_ =	swait.ge [sflag:s9], $0x80  }
0x3f: {  	[sflag:s9] =	ssyncset.done $0x0  }
0x40: {  	[sflag:s9] =	ssyncadd.s32 $0xFFFFFF80  }
0x41: {  	_ =	sfence.sel $0x180000  }
0x42: {  	[bflag:$0x0] =	sbarrier.arrive $0xFFFF  }
0x43: {  	p0 =	sne.s32 s1, $0x0;
	_ =	strace $0x90000068  }
0x44: {  	s0 =	sadd.s32 @!p0 $0x100000, s0;
	[bflag:$0x2] =	sbarrier.arrive $0xFFFF  }
0x45: {  	[sflag:s0] =	ssyncadd.tile.s32 @!p0 $0x1;
	_ =	shalt  }
.Lfunc_end2:
_tile_overlayer_lowered:
.L_overlay_start_2:
0x46: {  	(tag) =	ssettag $0x2  }
0x47: {  	s0 =	rddreg [dreg:$0x0];
	s2 =	stileid.u32  }
0x48: {  	s1 =	rddreg [dreg:$0x1];
	p0 =	sne.s32 s2, $0x0  }
0x49: {  	s3 =	rddreg [dreg:$0x2];
	[bflag:$0x3] =	sbarrier.arrive $0xFFFF;
	s2 =	simm.s32 @!p0 $0x1C02  }
0x4a: {  	[timem:s3], [sflag:s2] =	dma.local @!p0 [hbm:s0], s1  }
0x4b: {  	s0 =	simm.s32 @!p0 $0x2  }
0x4c: {  	_ =	swait.ge @!p0 [sflag:s0], s1  }
0x4d: {  	s1 =	ssub.s32 @!p0 $0x0, s1;
	[sflag:s0] =	ssyncset.done @!p0 $0x0  }
0x4e: {  	[sflag:s0] =	ssyncadd.s32 @!p0 s1  }
0x4f: {  	[bflag:$0x3] =	sbarrier.arrive $0xFFFF  }
0x50: {  	_ =	shalt  }

// kernel: kernel.68.cloned.1.call-start
scs
__scs_entry_jumppad:
0x0: {  	(pc) =	sbr.rel $0x88, $3  }
0x1: {  	(tag) =	ssettag $0x0;
	lr =	simm.s32 $0x1  }
0x2: {  	[smem:$0x3F85] =	sst lr;
	_ =	strace $0xD0000000  }
0x3: {  	_ = 	snop  }
0x4: {  	_ = 	snop  }
0x5: {  	_ = 	snop  }
0x6: {  	_ = 	snop  }
0x7: {  	_ = 	snop  }
__scs_overlays_trampoline_lowered:
0x8: {  	[smem:$0x3F94] =	sst s0  }
0x9: {  	[smem:$0x3F95] =	sst s1  }
0xa: {  	[smem:$0x3F96] =	sst s2  }
0xb: {  	[smem:$0x3F97] =	sst s3  }
0xc: {  	[smem:$0x3F98] =	sst s4  }
0xd: {  	[smem:$0x3F99] =	sst s5  }
0xe: {  	[smem:$0x3F9A] =	sst s6  }
0xf: {  	[smem:$0x3F9B] =	sst s7  }
0x10: {  	[smem:$0x3F9C] =	sst s8  }
0x11: {  	[smem:$0x3F9D] =	sst s9;
	s0 =	simm.s32 @!p0 $0x0  }
0x12: {  	s1 =	sld [smem:$0x3F83];
	s0 =	simm.s32 @p0 $0x1  }
0x13: {  	[smem:$0x3F9E] =	sst s0;
	s0 =	simm.s32 @!p1 $0x0  }
0x14: {  	s2 =	sld [smem:$0x3F82];
	s0 =	simm.s32 @p1 $0x1  }
0x15: {  	[smem:$0x3F9F] =	sst s0;
	s0 =	simm.s32 @!p2 $0x0  }
0x16: {  	s3 =	sld [smem:$0x3FDB];
	s0 =	simm.s32 @p2 $0x1  }
0x17: {  	s4 =	simm.s32 $0x1BF5;
	[smem:$0x3FA1] =	sst s0  }
0x18: {  	s0 =	sld [smem:$0x3F84];
	_ =	swait.ge [sflag:s4], $0x0  }
0x19: {  	s7 =	sld [smem:$0x3F85]  }
0x1a: {  	s8 =	sadd.s32 $0xFFFFE003, lr  }
0x1b: {  	s9 =	sadd.s32 $0xFFFFFEF7, lr;
	s5 =	simm.s32 $0xFFFFFFFF;
	p2 =	slt.u32 s8, $0xFFFFF086  }
0x1c: {  	p1 =	slt.u32 s9, $0xF7A;
	s5 =	simm.s32 @!p2 $0x0  }
0x1d: {  	s5 =	simm.s32 @p1 $0x1;
	p0 =	seq.s32 s7, s2  }
0x1e: {  	s7 =	smul.u32 @!p0 $0xF7A, s2;
	p2 =	seq.s32 @!p0 s5, $0x0  }
0x1f: {  	s9 =	smul.u32 $0xF7A, s1;
	s8 =	simm.s32 @!p0 $0x1BF5;
	p2 =	por !p2, p0  }
0x20: {  	[sflag:s8] =	ssyncset.s32 @!p0 $0xFFFFF086;
	s6 =	sadd.s32 @!p0 s3, s7;
	s7 =	simm.s32 @!p0 $0x108  }
0x21: {  	s3 =	sadd.s32 s3, s9;
	s6 =	sadd.s32 @!p0 $0x88, s6;
	s7 =	simm.s32 @p2 $0x1082  }
0x22: {  	[simem:s7], [sflag:s8] =	dma.local @!p0 [hbm:s6], $0xF7A  }
0x23: {  	s9 =	sor.u32 $0xD0000000, s2;
	s6 =	simm.s32 $0x108;
	_ =	swait.ge @!p0 [sflag:s8], $0x0  }
0x24: {  	s3 =	sadd.s32 $0x88, s3;
	s6 =	simm.s32 @!p1 $0x1082;
	[sflag:s4] =	ssyncset.s32 $0xFFFFF086  }
0x25: {  	[simem:s6], [sflag:s4] =	dma.local [hbm:s3], $0xF7A  }
0x26: {  	[smem:$0x3F85] =	sst s1;
	(tag) =	ssettag s2;
	_ =	strace s9  }
0x27: {  	s1 =	sld [smem:$0x3F95]  }
0x28: {  	s2 =	sld [smem:$0x3F96]  }
0x29: {  	s4 =	sld [smem:$0x3F98]  }
0x2a: {  	p0 =	seq.s32 s5, $0x0;
	s5 =	sld [smem:$0x3F99]  }
0x2b: {  	s6 =	sld [smem:$0x3F9A]  }
0x2c: {  	s7 =	sld [smem:$0x3F9B]  }
0x2d: {  	s3 =	simm.s32 $0x108;
	s8 =	sld [smem:$0x3F9C]  }
0x2e: {  	s3 =	simm.s32 @!p0 $0x1082;
	s9 =	sld [smem:$0x3F9D]  }
0x2f: {  	lr =	sadd.s32 s0, s3;
	s0 =	sld [smem:$0x3F94]  }
0x30: {  	s3 =	sld [smem:$0x3F97]  }
0x31: {  	[smem:$0x3FA0] =	sst s10  }
0x32: {  	s10 =	sld [smem:$0x3F9E];
	_ =	sdelay $0x3  }
0x33: {  	p0 =	seq.s32 s10, $0x1;
	s10 =	sld [smem:$0x3FA0];
	_ =	sdelay $0x3  }
0x34: {  	[smem:$0x3FA0] =	sst s10  }
0x35: {  	s10 =	sld [smem:$0x3F9F];
	_ =	sdelay $0x3  }
0x36: {  	p1 =	seq.s32 s10, $0x1;
	s10 =	sld [smem:$0x3FA0];
	_ =	sdelay $0x3  }
0x37: {  	[smem:$0x3FA0] =	sst s10  }
0x38: {  	s10 =	sld [smem:$0x3FA1]  }
0x39: {  	_ = 	snop;
	(pc) =	sbr.ind lr, $3  }
0x3a: {  	_ = 	snop  }
0x3b: {  	_ = 	snop  }
0x3c: {  	p2 =	seq.s32 s10, $0x1;
	s10 =	sld [smem:$0x3FA0]  }
0x3d: {  	_ =	shalt  }
0x3e: {  	_ =	shalt  }
0x3f: {  	_ =	shalt  }
0x40: {  	_ =	shalt  }
0x41: {  	_ =	shalt  }
0x42: {  	_ =	shalt  }
0x43: {  	_ =	shalt  }
0x44: {  	_ =	shalt  }
0x45: {  	_ =	shalt  }
0x46: {  	_ =	shalt  }
0x47: {  	_ =	shalt  }
0x48: {  	_ =	shalt  }
0x49: {  	_ =	shalt  }
0x4a: {  	_ =	shalt  }
0x4b: {  	_ =	shalt  }
0x4c: {  	_ =	shalt  }
0x4d: {  	_ =	shalt  }
0x4e: {  	_ =	shalt  }
0x4f: {  	_ =	shalt  }
0x50: {  	_ =	shalt  }
0x51: {  	_ =	shalt  }
0x52: {  	_ =	shalt  }
0x53: {  	_ =	shalt  }
0x54: {  	_ =	shalt  }
0x55: {  	_ =	shalt  }
0x56: {  	_ =	shalt  }
0x57: {  	_ =	shalt  }
0x58: {  	_ =	shalt  }
0x59: {  	_ =	shalt  }
0x5a: {  	_ =	shalt  }
0x5b: {  	_ =	shalt  }
0x5c: {  	_ =	shalt  }
0x5d: {  	_ =	shalt  }
0x5e: {  	_ =	shalt  }
0x5f: {  	_ =	shalt  }
0x60: {  	_ =	shalt  }
0x61: {  	_ =	shalt  }
0x62: {  	_ =	shalt  }
0x63: {  	_ =	shalt  }
0x64: {  	_ =	shalt  }
0x65: {  	_ =	shalt  }
0x66: {  	_ =	shalt  }
0x67: {  	_ =	shalt  }
0x68: {  	_ =	shalt  }
0x69: {  	_ =	shalt  }
0x6a: {  	_ =	shalt  }
0x6b: {  	_ =	shalt  }
0x6c: {  	_ =	shalt  }
0x6d: {  	_ =	shalt  }
0x6e: {  	_ =	shalt  }
0x6f: {  	_ =	shalt  }
0x70: {  	_ =	shalt  }
0x71: {  	_ =	shalt  }
0x72: {  	_ =	shalt  }
0x73: {  	_ =	shalt  }
0x74: {  	_ =	shalt  }
0x75: {  	_ =	shalt  }
0x76: {  	_ =	shalt  }
0x77: {  	_ =	shalt  }
0x78: {  	_ =	shalt  }
0x79: {  	_ =	shalt  }
0x7a: {  	_ =	shalt  }
0x7b: {  	_ =	shalt  }
0x7c: {  	_ =	shalt  }
0x7d: {  	_ =	shalt  }
0x7e: {  	_ =	shalt  }
0x7f: {  	_ =	shalt  }
0x80: {  	_ =	shalt  }
0x81: {  	_ =	shalt  }
0x82: {  	_ =	shalt  }
0x83: {  	_ =	shalt  }
0x84: {  	_ =	shalt  }
0x85: {  	_ =	shalt  }
0x86: {  	_ =	shalt  }
0x87: {  	_ =	shalt  }
.Lfunc_end0:
.L_simem_size_0:
called_computation.12_lowered:
.L_overlay_start_0:
0x88: {  	s2 =	sld [smem:$0x3FD9]  }
0x89: {  	s3 =	sld [smem:$0x3FFE];
	_ =	sdelay $0x1  }
0x8a: {  	s1 =	srdreg.scid  }
0x8b: {  	s0 =	sand.u32 $0x1, s1  }
0x8c: {  	s16 =	sshll.u32 s0, $0xA;
	s2 =	sadd.s32 s3, s2  }
0x8d: {  	s2 =	sadd.s32 s2, s16  }
0x8e: {  	[smem:$0x3FAC] =	sst s2  }
0x8f: {  	_ = 	snop  }
0x90: {  	(tm) =	ssettm $0x1  }
0x91: {  	s17 =	sld [smem:$0x3FFB];
	_ =	sdelay $0x3  }
0x92: {  	_ =	strace s17  }
0x93: {  	s2 =	sld [smem:$0x3FFC];
	_ =	sdelay $0x3  }
0x94: {  	_ =	strace s2  }
0x95: {  	s2 =	sld [smem:$0x3FFD];
	_ =	sdelay $0x3  }
0x96: {  	_ =	strace s2  }
0x97: {  	_ =	strace $0x8FFFFFFF  }
0x98: {  	s18 =	sld [smem:$0x3FDB];
	_ =	sdelay $0x1  }
0x99: {  	s19 =	simm.s32 $_scs_section_size  }
0x9a: {  	s4 =	simm.s32 $_size__tile_overlayer_lowered;
	s5 =	simm.s32 $_tile_overlayer_lowered  }
0x9b: {  	s22 =	simm.s32 $0x1BFF;
	s21 =	sshll.u32 s5, $0x1;
	s2 =	sadd.s32 s19, s18  }
0x9c: {  	s6 =	simm.s32 $0x0;
	s20 =	sshll.u32 s4, $0x1;
	s4 =	sadd.s32 s21, s2  }
0x9d: {  	[timem:s6], [sflag:s22] =	dma.local [hbm:s4], s20  }
0x9e: {  	_ =	swait.ge [sflag:s22], s20  }
0x9f: {  	s3 =	ssub.s32 $0x0, s20;
	[sflag:s22] =	ssyncset.done $0x0  }
0xa0: {  	[sflag:s22] =	ssyncadd.s32 s3;
	_ =	sdelay $0x1  }
0xa1: {  	s23 =	simm.s32 $0x1B8B  }
0xa2: {  	_ =	swait.ge [sflag:s23], $0x1  }
0xa3: {  	[sflag:s23] =	ssyncset.done $0x0  }
0xa4: {  	s25 =	simm.s32 $0x1B8E;
	s24 =	sld [smem:$0x3FFE];
	[sflag:s23] =	ssyncadd.s32 $0xFFFFFFFF  }
0xa5: {  	s26 =	simm.s32 $execute0_lowered;
	[smem:$0x3FD2] =	sst s25  }
0xa6: {  	s4 =	sshll.u32 s26, $0x1;
	_ =	strace $0x8000006A;
	[dreg:$0x1] =	wrdreg $0xFFFFFFFF  }
0xa7: {  	s28 =	simm.s32 $_size_execute0_lowered;
	s2 =	sadd.s32 s2, s4;
	[dreg:$0x0] =	wrdreg $0x0  }
0xa8: {  	s4 =	sshll.u32 s28, $0x1;
	[dreg:$0x2] =	wrdreg s2  }
0xa9: {  	[dreg:$0x3] =	wrdreg s4  }
0xaa: {  	[dreg:$0x4] =	wrdreg $0xC0  }
0xab: {  	_ =	task [dreg:s6], $0x5FFFF  }
0xac: {  	[dreg:$0x1] =	wrdreg $0xFFFFFFFF  }
0xad: {  	[dreg:$0x0] =	wrdreg $0x60  }
0xae: {  	[dreg:$0x2] =	wrdreg s24  }
0xaf: {  	[dreg:$0x3] =	wrdreg $0x9080  }
0xb0: {  	[dreg:$0x4] =	wrdreg $0x9  }
0xb1: {  	_ =	task.clear_ibuf [dreg:s6], $0x5FFFF;
	_ =	strace $0x9000006A  }
0xb2: {  	s29 =	simm.s32 $0x9;
	_ =	strace $0x8000006C  }
0xb3: {  	_ =	swait.ge [sflag:s29], $0x1  }
0xb4: {  	[sflag:s29] =	ssyncadd.s32 $0xFFFFFFFF  }
0xb5: {  	_ =	strace $0x9000006C  }
0xb6: {  	_ =	sfence  }
0xb7: {  	s30 =	sld [smem:$0x0];
	_ =	sdelay $0x2  }
0xb8: {  	s31 =	sshll.u32 s1, $0xD;
	s1 =	sshrl.u32 s1, $0x2  }
0xb9: {  	s3 =	sand.u32 $0x4000, s31;
	s1 =	sadd.s32 s1, s30  }
0xba: {  	s0 =	sor.u32 s3, s0;
	s1 =	sshll.u32 s1, $0x11  }
0xbb: {  	s0 =	sor.u32 s1, s0  }
0xbc: {  	s0 =	sadd.s32 $0x8F2B, s0  }
0xbd: {  	[sflag:s0] =	ssyncadd.remote.s32 $0x1  }
0xbe: {  	_ =	sfence.sel $0xFFFF  }
0xbf: {  	[dreg:$0x0] =	wrdreg $0xFFFFFFFF;
	(pc) =	sbr.abs _section_cstart, $3  }
0xc0: {  	[dreg:$0x1] =	wrdreg $0xFFFFFFFF  }
0xc1: {  	_ =	task.clear_ibuf [dreg:s6], $0x2FFFF;
	_ =	strace $0x9FFFFFFF  }
0xc2: {  	(tm) =	ssettm $0x7FFFFFFF  }
0xc3: {  	_ =	shalt  }
tec
execute0_lowered:
.L_overlay_start_1:
0x0: {  	(tag) =	ssettag $0x1  }
0x1: {  	s4 =	rddreg [dreg:$0x0]  }
0x2: {  	s1 =	rddreg [dreg:$0x1]  }
0x3: {  	s0 =	rddreg [dreg:$0x2];
	s2 =	simm.s32 $0x0;
	s3 =	srdreg.scid  }
0x4: {  	s8 =	stileid.u32;
	s14 =	simm.s32 $0x888;
	s15 =	simm.s32 $0x8  }
0x5: {  	s16 =	simm.s32 $0x0;
	[smem:$0x7FF] =	sst s2;
	s7 =	smul.u32 $0x1388, s8  }
0x6: {  	s6 =	sand.u32 $0x1, s3;
	s9 =	sadd.s32 $0x11400, s4;
	s30 =	smul.u32 $0x2710, s8  }
0x7: {  	s10 =	sadd.s32 $0xC400, s4;
	s3 =	sadd.s32 $0x8B800, s4;
	s5 =	smul.u32 $0x13880, s6  }
0x8: {  	p0 =	sne.s32 s8, $0x0;
	s11 =	smul.u32 $0x4E20, s6;
	s12 =	ssub.s32 $0x2, s6  }
0x9: {  	_ =	strace $0x8000006B;
	s29 =	smul.u32 $0x27100, s6;
	s25 =	sshrl.u32 s12, $0x1  }
0xa: {  	s13 =	sadd.s32 s7, s5;
	s24 =	sadd.s32 s11, s4;
	s26 =	ssub.s32 s12, s25  }
0xb: {  	s11 =	simm.s32 $0x1;
	s12 =	simm.s32 $0x80;
	s5 =	sadd.s32 $0x1380, s13  }
0xc: {  	s6 =	sadd.s32 $0x5F600, s24;
	s7 =	smax.u32 s26, $0x1;
	s31 =	sshrl.u32 s13, $0x3  }
0xd: {  	s13 =	simm.s32 $0x880;
	s28 =	sshrl.u32 s5, $0x3;
	s5 =	sshll.u32 s5, $0x1  }
0xe: {  	s4 =	sadd.s32 s10, s28;
	s5 =	sadd.s32 s9, s5;
	s9 =	sadd.s32 s29, s9  }
0xf: {  	s8 =	sadd.s32 s30, s9;
	s9 =	sadd.s32 s31, s10;
	s10 =	sshrl.u32 @!p0 s1, $0x3  }
.LBB2_1:
0x10: {  	s17 =	simm.s32 @!p0 $0x1C01  }
0x11: {  	[spmem:s10], [sflag:s17] =	dma.local @!p0 [hbm:s3], $0x4E20  }
0x12: {  	s17 =	simm.s32 @!p0 $0x1  }
0x13: {  	_ =	swait.ge @!p0 [sflag:s17], $0x4E20  }
0x14: {  	[sflag:s17] =	ssyncset.done @!p0 $0x0  }
0x15: {  	[sflag:s17] =	ssyncadd.s32 @!p0 $0xFFFFB1E0  }
0x16: {  	s31 =	sadd.s32 $0x0, s9;
	[bflag:$0x0] =	sbarrier.arrive $0xFFFF  }
0x17: {  	[tilespmem:s2], [sflag:$0x1] =	stream.linear.gather [hbm4b:s31+s2], $0x80, $0x38;
	[tilespmem:$0x3018] =	vst v63  }
0x18: {  	_ =	swait.ge [sflag:s11], $0x80  }
0x19: {  	[sflag:s11] =	ssyncset.done $0x0  }
0x1a: {  	[sflag:s11] =	ssyncadd.s32 $0xFFFFFF80  }
0x1b: {  	[tilespmem:s12], [sflag:$0x1] =	stream.linear.gather [hbm4b:s8+s2], $0x800, $0x38;
	[tilespmem:$0x3018] =	vst v63  }
0x1c: {  	_ =	swait.ge [sflag:s11], $0x800  }
0x1d: {  	[sflag:s11] =	ssyncset.done $0x0  }
0x1e: {  	[sflag:s11] =	ssyncadd.s32 $0xFFFFF800  }
0x1f: {  	[spmem:s1] =	stream.indirect.scatter.add.f32 [tilespmem:s12], [sflag:$0x1], $0x10, s2, s12, $0xb8;
	[tilespmem:$0x3018] =	vst v63  }
0x20: {  	s18 =	simm.s32 $0x10;
	_ =	swait.ge [sflag:s11], $0x800  }
0x21: {  	s19 =	simm.s32 $0x20;
	s17 =	sadd.s32 $0x100, s8;
	[sflag:s11] =	ssyncset.done $0x0  }
.LBB2_2:
0x22: {  	s20 =	sadd.s32 s18, s9  }
0x23: {  	[sflag:s11] =	ssyncadd.s32 $0xFFFFF800;
	s18 =	smov.u32 s19;
	s21 =	sadd.s32 $0x10, s19  }
0x24: {  	[tilespmem:s2], [sflag:$0x1] =	stream.linear.gather [hbm4b:s20+s2], $0x80, $0x38;
	[tilespmem:$0x3018] =	vst v63  }
0x25: {  	p1 =	sne.s32 s19, $0x260;
	_ =	swait.ge [sflag:s11], $0x80  }
0x26: {  	[sflag:s11] =	ssyncset.done $0x0  }
0x27: {  	[sflag:s11] =	ssyncadd.s32 $0xFFFFFF80  }
0x28: {  	[tilespmem:s12], [sflag:$0x1] =	stream.linear.gather [hbm4b:s17+s2], $0x800, $0x38;
	[tilespmem:$0x3018] =	vst v63  }
0x29: {  	_ =	swait.ge [sflag:s11], $0x800  }
.Ltmp0:
0x2a: {  	[sflag:s11] =	ssyncset.done $0x0;
	(pc) =	sbr.rel @p1 .LBB2_2-.Ltmp0, $4  }
0x2b: {  	[sflag:s11] =	ssyncadd.s32 $0xFFFFF800  }
0x2c: {  	[spmem:s1] =	stream.indirect.scatter.add.f32 [tilespmem:s12], [sflag:$0x1], $0x10, s2, s12, $0xb8;
	[tilespmem:$0x3018] =	vst v63  }
0x2d: {  	_ =	swait.ge [sflag:s11], $0x800  }
0x2e: {  	s19 =	smov.u32 s21;
	s17 =	sadd.s32 $0x100, s17;
	[sflag:s11] =	ssyncset.done $0x0  }
0x2f: {  	s18 =	sadd.s32 s18, s9;
	[sflag:s11] =	ssyncadd.s32 $0xFFFFF800  }
0x30: {  	[tilespmem:s2], [sflag:$0x1] =	stream.linear.gather [hbm4b:s18+s2], $0x80, $0x38;
	[tilespmem:$0x3018] =	vst v63  }
0x31: {  	_ =	swait.ge [sflag:s11], $0x80  }
0x32: {  	[sflag:s11] =	ssyncset.done $0x0  }
0x33: {  	[sflag:s11] =	ssyncadd.s32 $0xFFFFFF80  }
0x34: {  	[tilespmem:s12], [sflag:$0x1] =	stream.linear.gather [hbm4b:s17+s2], $0x800, $0x38;
	[tilespmem:$0x3018] =	vst v63  }
0x35: {  	_ =	swait.ge [sflag:s11], $0x800  }
0x36: {  	[sflag:s11] =	ssyncset.done $0x0  }
0x37: {  	[sflag:s11] =	ssyncadd.s32 $0xFFFFF800  }
0x38: {  	[spmem:s1] =	stream.indirect.scatter.add.f32 [tilespmem:s12], [sflag:$0x1], $0x10, s2, s12, $0xb8;
	[tilespmem:$0x3018] =	vst v63  }
0x39: {  	_ =	swait.ge [sflag:s11], $0x800  }
0x3a: {  	[sflag:s11] =	ssyncset.done $0x0  }
0x3b: {  	[sflag:s11] =	ssyncadd.s32 $0xFFFFF800  }
0x3c: {  	[tilespmem:s13], [sflag:$0x1] =	stream.linear.gather [hbm4b:s4+s2], $0x8, $0x38;
	[tilespmem:$0x3018] =	vst v63  }
0x3d: {  	_ =	swait.ge [sflag:s11], $0x8  }
0x3e: {  	[sflag:s11] =	ssyncset.done $0x0  }
0x3f: {  	[sflag:s11] =	ssyncadd.s32 $0xFFFFFFF8  }
0x40: {  	[tilespmem:s14], [sflag:$0x1] =	stream.linear.gather [hbm4b:s5+s2], $0x80, $0x38;
	[tilespmem:$0x3018] =	vst v63  }
0x41: {  	_ =	swait.ge [sflag:s11], $0x80  }
0x42: {  	[sflag:s11] =	ssyncset.done $0x0  }
0x43: {  	[sflag:s11] =	ssyncadd.s32 $0xFFFFFF80  }
0x44: {  	[spmem:s1] =	stream.indirect.scatter.add.f32 [tilespmem:s14], [sflag:$0x1], $0x10, s13, s15, $0xb8;
	[tilespmem:$0x3018] =	vst v63  }
0x45: {  	_ =	swait.ge [sflag:s11], $0x80  }
0x46: {  	[sflag:s11] =	ssyncset.done $0x0  }
0x47: {  	s16 =	sadd.s32 $0x1, s16;
	[sflag:s11] =	ssyncadd.s32 $0xFFFFFF80  }
0x48: {  	p1 =	sne.s32 s16, s7;
	s17 =	simm.s32 @!p0 $0x1C01;
	[bflag:$0x0] =	sbarrier.arrive $0xFFFF  }
0x49: {  	[hbm:s6], [sflag:s17] =	dma.local @!p0 [spmem:s10], $0x4E20  }
.Ltmp1:
0x4a: {  	_ = 	snop;
	(pc) =	sbr.rel @p1 .LBB2_1-.Ltmp1, $4  }
0x4b: {  	s17 =	simm.s32 @!p0 $0x1  }
0x4c: {  	_ =	swait.ge @!p0 [sflag:s17], $0x4E20  }
0x4d: {  	[sflag:s17] =	ssyncset.done @!p0 $0x0  }
0x4e: {  	[sflag:s17] =	ssyncadd.s32 @!p0 $0xFFFFB1E0  }
0x4f: {  	_ =	sfence.sel $0x180000  }
0x50: {  	[bflag:$0x0] =	sbarrier.arrive $0xFFFF  }
0x51: {  	_ =	strace $0x9000006B  }
0x52: {  	s0 =	sadd.s32 @!p0 $0x100000, s0;
	[bflag:$0x2] =	sbarrier.arrive $0xFFFF  }
0x53: {  	[sflag:s0] =	ssyncadd.tile.s32 @!p0 $0x1;
	_ =	shalt  }
.Lfunc_end2:
_tile_overlayer_lowered:
.L_overlay_start_2:
0x54: {  	(tag) =	ssettag $0x2  }
0x55: {  	s0 =	rddreg [dreg:$0x0];
	s2 =	stileid.u32  }
0x56: {  	s1 =	rddreg [dreg:$0x1];
	p0 =	sne.s32 s2, $0x0  }
0x57: {  	s3 =	rddreg [dreg:$0x2];
	[bflag:$0x3] =	sbarrier.arrive $0xFFFF;
	s2 =	simm.s32 @!p0 $0x1C01  }
0x58: {  	[timem:s3], [sflag:s2] =	dma.local @!p0 [hbm:s0], s1  }
0x59: {  	s0 =	simm.s32 @!p0 $0x1  }
0x5a: {  	_ =	swait.ge @!p0 [sflag:s0], s1  }
0x5b: {  	s1 =	ssub.s32 @!p0 $0x0, s1;
	[sflag:s0] =	ssyncset.done @!p0 $0x0  }
0x5c: {  	[sflag:s0] =	ssyncadd.s32 @!p0 s1  }
0x5d: {  	[bflag:$0x3] =	sbarrier.arrive $0xFFFF  }
0x5e: {  	_ =	shalt  }

// kernel: kernel.71.cloned.1.call-start
scs
__scs_entry_jumppad:
0x0: {  	(pc) =	sbr.rel $0x88, $3  }
0x1: {  	(tag) =	ssettag $0x0;
	lr =	simm.s32 $0x1  }
0x2: {  	[smem:$0x3F85] =	sst lr;
	_ =	strace $0xD0000000  }
0x3: {  	_ = 	snop  }
0x4: {  	_ = 	snop  }
0x5: {  	_ = 	snop  }
0x6: {  	_ = 	snop  }
0x7: {  	_ = 	snop  }
__scs_overlays_trampoline_lowered:
0x8: {  	[smem:$0x3F94] =	sst s0  }
0x9: {  	[smem:$0x3F95] =	sst s1  }
0xa: {  	[smem:$0x3F96] =	sst s2  }
0xb: {  	[smem:$0x3F97] =	sst s3  }
0xc: {  	[smem:$0x3F98] =	sst s4  }
0xd: {  	[smem:$0x3F99] =	sst s5  }
0xe: {  	[smem:$0x3F9A] =	sst s6  }
0xf: {  	[smem:$0x3F9B] =	sst s7  }
0x10: {  	[smem:$0x3F9C] =	sst s8  }
0x11: {  	[smem:$0x3F9D] =	sst s9;
	s0 =	simm.s32 @!p0 $0x0  }
0x12: {  	s1 =	sld [smem:$0x3F83];
	s0 =	simm.s32 @p0 $0x1  }
0x13: {  	[smem:$0x3F9E] =	sst s0;
	s0 =	simm.s32 @!p1 $0x0  }
0x14: {  	s2 =	sld [smem:$0x3F82];
	s0 =	simm.s32 @p1 $0x1  }
0x15: {  	[smem:$0x3F9F] =	sst s0;
	s0 =	simm.s32 @!p2 $0x0  }
0x16: {  	s3 =	sld [smem:$0x3FDB];
	s0 =	simm.s32 @p2 $0x1  }
0x17: {  	s4 =	simm.s32 $0x1BF5;
	[smem:$0x3FA1] =	sst s0  }
0x18: {  	s0 =	sld [smem:$0x3F84];
	_ =	swait.ge [sflag:s4], $0x0  }
0x19: {  	s7 =	sld [smem:$0x3F85]  }
0x1a: {  	s8 =	sadd.s32 $0xFFFFE003, lr  }
0x1b: {  	s9 =	sadd.s32 $0xFFFFFEF7, lr;
	s5 =	simm.s32 $0xFFFFFFFF;
	p2 =	slt.u32 s8, $0xFFFFF086  }
0x1c: {  	p1 =	slt.u32 s9, $0xF7A;
	s5 =	simm.s32 @!p2 $0x0  }
0x1d: {  	s5 =	simm.s32 @p1 $0x1;
	p0 =	seq.s32 s7, s2  }
0x1e: {  	s7 =	smul.u32 @!p0 $0xF7A, s2;
	p2 =	seq.s32 @!p0 s5, $0x0  }
0x1f: {  	s9 =	smul.u32 $0xF7A, s1;
	s8 =	simm.s32 @!p0 $0x1BF5;
	p2 =	por !p2, p0  }
0x20: {  	[sflag:s8] =	ssyncset.s32 @!p0 $0xFFFFF086;
	s6 =	sadd.s32 @!p0 s3, s7;
	s7 =	simm.s32 @!p0 $0x108  }
0x21: {  	s3 =	sadd.s32 s3, s9;
	s6 =	sadd.s32 @!p0 $0x88, s6;
	s7 =	simm.s32 @p2 $0x1082  }
0x22: {  	[simem:s7], [sflag:s8] =	dma.local @!p0 [hbm:s6], $0xF7A  }
0x23: {  	s9 =	sor.u32 $0xD0000000, s2;
	s6 =	simm.s32 $0x108;
	_ =	swait.ge @!p0 [sflag:s8], $0x0  }
0x24: {  	s3 =	sadd.s32 $0x88, s3;
	s6 =	simm.s32 @!p1 $0x1082;
	[sflag:s4] =	ssyncset.s32 $0xFFFFF086  }
0x25: {  	[simem:s6], [sflag:s4] =	dma.local [hbm:s3], $0xF7A  }
0x26: {  	[smem:$0x3F85] =	sst s1;
	(tag) =	ssettag s2;
	_ =	strace s9  }
0x27: {  	s1 =	sld [smem:$0x3F95]  }
0x28: {  	s2 =	sld [smem:$0x3F96]  }
0x29: {  	s4 =	sld [smem:$0x3F98]  }
0x2a: {  	p0 =	seq.s32 s5, $0x0;
	s5 =	sld [smem:$0x3F99]  }
0x2b: {  	s6 =	sld [smem:$0x3F9A]  }
0x2c: {  	s7 =	sld [smem:$0x3F9B]  }
0x2d: {  	s3 =	simm.s32 $0x108;
	s8 =	sld [smem:$0x3F9C]  }
0x2e: {  	s3 =	simm.s32 @!p0 $0x1082;
	s9 =	sld [smem:$0x3F9D]  }
0x2f: {  	lr =	sadd.s32 s0, s3;
	s0 =	sld [smem:$0x3F94]  }
0x30: {  	s3 =	sld [smem:$0x3F97]  }
0x31: {  	[smem:$0x3FA0] =	sst s10  }
0x32: {  	s10 =	sld [smem:$0x3F9E];
	_ =	sdelay $0x3  }
0x33: {  	p0 =	seq.s32 s10, $0x1;
	s10 =	sld [smem:$0x3FA0];
	_ =	sdelay $0x3  }
0x34: {  	[smem:$0x3FA0] =	sst s10  }
0x35: {  	s10 =	sld [smem:$0x3F9F];
	_ =	sdelay $0x3  }
0x36: {  	p1 =	seq.s32 s10, $0x1;
	s10 =	sld [smem:$0x3FA0];
	_ =	sdelay $0x3  }
0x37: {  	[smem:$0x3FA0] =	sst s10  }
0x38: {  	s10 =	sld [smem:$0x3FA1]  }
0x39: {  	_ = 	snop;
	(pc) =	sbr.ind lr, $3  }
0x3a: {  	_ = 	snop  }
0x3b: {  	_ = 	snop  }
0x3c: {  	p2 =	seq.s32 s10, $0x1;
	s10 =	sld [smem:$0x3FA0]  }
0x3d: {  	_ =	shalt  }
0x3e: {  	_ =	shalt  }
0x3f: {  	_ =	shalt  }
0x40: {  	_ =	shalt  }
0x41: {  	_ =	shalt  }
0x42: {  	_ =	shalt  }
0x43: {  	_ =	shalt  }
0x44: {  	_ =	shalt  }
0x45: {  	_ =	shalt  }
0x46: {  	_ =	shalt  }
0x47: {  	_ =	shalt  }
0x48: {  	_ =	shalt  }
0x49: {  	_ =	shalt  }
0x4a: {  	_ =	shalt  }
0x4b: {  	_ =	shalt  }
0x4c: {  	_ =	shalt  }
0x4d: {  	_ =	shalt  }
0x4e: {  	_ =	shalt  }
0x4f: {  	_ =	shalt  }
0x50: {  	_ =	shalt  }
0x51: {  	_ =	shalt  }
0x52: {  	_ =	shalt  }
0x53: {  	_ =	shalt  }
0x54: {  	_ =	shalt  }
0x55: {  	_ =	shalt  }
0x56: {  	_ =	shalt  }
0x57: {  	_ =	shalt  }
0x58: {  	_ =	shalt  }
0x59: {  	_ =	shalt  }
0x5a: {  	_ =	shalt  }
0x5b: {  	_ =	shalt  }
0x5c: {  	_ =	shalt  }
0x5d: {  	_ =	shalt  }
0x5e: {  	_ =	shalt  }
0x5f: {  	_ =	shalt  }
0x60: {  	_ =	shalt  }
0x61: {  	_ =	shalt  }
0x62: {  	_ =	shalt  }
0x63: {  	_ =	shalt  }
0x64: {  	_ =	shalt  }
0x65: {  	_ =	shalt  }
0x66: {  	_ =	shalt  }
0x67: {  	_ =	shalt  }
0x68: {  	_ =	shalt  }
0x69: {  	_ =	shalt  }
0x6a: {  	_ =	shalt  }
0x6b: {  	_ =	shalt  }
0x6c: {  	_ =	shalt  }
0x6d: {  	_ =	shalt  }
0x6e: {  	_ =	shalt  }
0x6f: {  	_ =	shalt  }
0x70: {  	_ =	shalt  }
0x71: {  	_ =	shalt  }
0x72: {  	_ =	shalt  }
0x73: {  	_ =	shalt  }
0x74: {  	_ =	shalt  }
0x75: {  	_ =	shalt  }
0x76: {  	_ =	shalt  }
0x77: {  	_ =	shalt  }
0x78: {  	_ =	shalt  }
0x79: {  	_ =	shalt  }
0x7a: {  	_ =	shalt  }
0x7b: {  	_ =	shalt  }
0x7c: {  	_ =	shalt  }
0x7d: {  	_ =	shalt  }
0x7e: {  	_ =	shalt  }
0x7f: {  	_ =	shalt  }
0x80: {  	_ =	shalt  }
0x81: {  	_ =	shalt  }
0x82: {  	_ =	shalt  }
0x83: {  	_ =	shalt  }
0x84: {  	_ =	shalt  }
0x85: {  	_ =	shalt  }
0x86: {  	_ =	shalt  }
0x87: {  	_ =	shalt  }
.Lfunc_end0:
.L_simem_size_0:
called_computation.13_lowered:
.L_overlay_start_0:
0x88: {  	s2 =	sld [smem:$0x3FD9]  }
0x89: {  	s3 =	sld [smem:$0x3FFE];
	_ =	sdelay $0x1  }
0x8a: {  	s1 =	srdreg.scid  }
0x8b: {  	s0 =	sand.u32 $0x1, s1  }
0x8c: {  	s14 =	sshll.u32 s0, $0xA;
	s2 =	sadd.s32 s3, s2  }
0x8d: {  	s2 =	sadd.s32 s2, s14  }
0x8e: {  	[smem:$0x3FAC] =	sst s2  }
0x8f: {  	_ = 	snop  }
0x90: {  	s2 =	sld [smem:$0x3FD0];
	_ =	sdelay $0x2  }
0x91: {  	s15 =	simm.s32 $0xB;
	s4 =	simm.s32 $0x10  }
0x92: {  	[smem:s4], [sflag:s15] =	dma.local [hbm:s2], $0x1  }
0x93: {  	_ =	swait.eq [sflag:s15], $0x1  }
0x94: {  	[sflag:s15] =	ssyncset.done $0x0  }
0x95: {  	[sflag:s15] =	ssyncadd.s32 $0xFFFFFFFF  }
0x96: {  	s16 =	sld [smem:$0x10];
	(tm) =	ssettm $0x1  }
0x97: {  	s17 =	sld [smem:$0x3FFB];
	_ =	sdelay $0x3  }
0x98: {  	_ =	strace s17  }
0x99: {  	s3 =	sld [smem:$0x3FFC];
	_ =	sdelay $0x3  }
0x9a: {  	_ =	strace s3  }
0x9b: {  	s3 =	sld [smem:$0x3FFD];
	_ =	sdelay $0x3  }
0x9c: {  	_ =	strace s3  }
0x9d: {  	_ =	strace $0x8FFFFFFF  }
0x9e: {  	s18 =	sld [smem:$0x3FDB];
	_ =	sdelay $0x1  }
0x9f: {  	s19 =	simm.s32 $_scs_section_size  }
0xa0: {  	s5 =	simm.s32 $_size__tile_overlayer_lowered;
	s6 =	simm.s32 $_tile_overlayer_lowered  }
0xa1: {  	s22 =	simm.s32 $0x1BFF;
	s21 =	sshll.u32 s6, $0x1;
	s3 =	sadd.s32 s19, s18  }
0xa2: {  	s7 =	simm.s32 $0x0;
	s20 =	sshll.u32 s5, $0x1;
	s5 =	sadd.s32 s21, s3  }
0xa3: {  	[timem:s7], [sflag:s22] =	dma.local [hbm:s5], s20  }
0xa4: {  	_ =	swait.ge [sflag:s22], s20  }
0xa5: {  	s4 =	ssub.s32 $0x0, s20;
	[sflag:s22] =	ssyncset.done $0x0  }
0xa6: {  	[sflag:s22] =	ssyncadd.s32 s4;
	_ =	sdelay $0x1  }
0xa7: {  	s23 =	simm.s32 $0x1B8B  }
0xa8: {  	_ =	swait.ge [sflag:s23], $0x1  }
0xa9: {  	[sflag:s23] =	ssyncset.done $0x0  }
0xaa: {  	s25 =	simm.s32 $0x1B8E;
	s24 =	sld [smem:$0x3FFE];
	[sflag:s23] =	ssyncadd.s32 $0xFFFFFFFF  }
0xab: {  	s26 =	simm.s32 $execute0_lowered;
	[smem:$0x3FD2] =	sst s25  }
0xac: {  	s5 =	sshll.u32 s26, $0x1;
	_ =	strace $0x8000006D;
	[dreg:$0x1] =	wrdreg $0xFFFFFFFF  }
0xad: {  	s28 =	simm.s32 $_size_execute0_lowered;
	s3 =	sadd.s32 s3, s5;
	[dreg:$0x0] =	wrdreg $0x0  }
0xae: {  	s5 =	sshll.u32 s28, $0x1;
	[dreg:$0x2] =	wrdreg s3  }
0xaf: {  	[dreg:$0x3] =	wrdreg s5  }
0xb0: {  	[dreg:$0x4] =	wrdreg $0xC0  }
0xb1: {  	_ =	task [dreg:s7], $0x5FFFF  }
0xb2: {  	[dreg:$0x1] =	wrdreg $0xFFFFFFFF  }
0xb3: {  	[dreg:$0x0] =	wrdreg $0x60  }
0xb4: {  	[dreg:$0x2] =	wrdreg s24  }
0xb5: {  	[dreg:$0x3] =	wrdreg s16  }
0xb6: {  	[dreg:$0x4] =	wrdreg $0x9  }
0xb7: {  	_ =	task.clear_ibuf [dreg:s7], $0x5FFFF;
	_ =	strace $0x9000006D  }
0xb8: {  	s29 =	simm.s32 $0x9;
	_ =	strace $0x8000006F  }
0xb9: {  	_ =	swait.ge [sflag:s29], $0x1  }
0xba: {  	[sflag:s29] =	ssyncadd.s32 $0xFFFFFFFF  }
0xbb: {  	_ =	strace $0x9000006F  }
0xbc: {  	_ =	sfence  }
0xbd: {  	s30 =	sld [smem:$0x0];
	_ =	sdelay $0x2  }
0xbe: {  	s31 =	sshll.u32 s1, $0xD;
	s1 =	sshrl.u32 s1, $0x2  }
0xbf: {  	s3 =	sand.u32 $0x4000, s31;
	s1 =	sadd.s32 s1, s30  }
0xc0: {  	s0 =	sor.u32 s3, s0;
	s1 =	sshll.u32 s1, $0x11  }
0xc1: {  	s0 =	sor.u32 s1, s0  }
0xc2: {  	s0 =	sadd.s32 $0x8F2B, s0  }
0xc3: {  	[sflag:s0] =	ssyncadd.remote.s32 $0x1  }
0xc4: {  	_ =	sfence.sel $0xFFFF  }
0xc5: {  	[dreg:$0x0] =	wrdreg $0xFFFFFFFF;
	(pc) =	sbr.abs _section_cstart, $3  }
0xc6: {  	[dreg:$0x1] =	wrdreg $0xFFFFFFFF  }
0xc7: {  	_ =	task.clear_ibuf [dreg:s7], $0x2FFFF;
	_ =	strace $0x9FFFFFFF  }
0xc8: {  	(tm) =	ssettm $0x7FFFFFFF  }
0xc9: {  	_ =	shalt  }
tec
execute0_lowered:
.L_overlay_start_1:
0x0: {  	(tag) =	ssettag $0x1  }
0x1: {  	s1 =	srdreg.scid  }
0x2: {  	s8 =	rddreg [dreg:$0x0];
	s0 =	stileid.u32  }
0x3: {  	s3 =	rddreg [dreg:$0x1];
	s2 =	simm.s32 $0x0;
	s6 =	sand.u32 $0x1, s1  }
0x4: {  	s4 =	sshll.u32 s0, $0x7;
	s1 =	rddreg [dreg:$0x2];
	s5 =	sshll.u32 s6, $0x6  }
0x5: {  	s7 =	simm.s32 $0x1;
	[smem:$0x7FF] =	sst s2;
	s9 =	sor.u32 s5, s4  }
0x6: {  	_ =	strace $0x8000006E;
	s10 =	ssub.s32 $0x2, s6;
	s4 =	sshrl.u32 s9, $0x3  }
0x7: {  	s6 =	simm.s32 $0x40;
	s4 =	sadd.s32 s3, s4;
	s3 =	simm.s32 $0x2  }
0x8: {  	[tilespmem:s2], [sflag:$0x2] =	stream.linear.gather [hbm4b:s4+s2], $0x40, $0x38;
	[tilespmem:$0x440] =	vst v63  }
0x9: {  	s5 =	sadd.s32 $0x7400, s8;
	s11 =	sshrl.u32 s10, $0x1;
	_ =	swait.ge [sflag:s3], $0x40  }
0xa: {  	s9 =	sshll.u32 s9, $0x1;
	s31 =	ssub.s32 s10, s11;
	[sflag:s3] =	ssyncset.done $0x0  }
0xb: {  	s8 =	sadd.s32 s9, s8;
	s9 =	smax.u32 s31, $0x1;
	[sflag:s3] =	ssyncadd.s32 $0xFFFFFFC0  }
0xc: {  	[tilespmem:s6], [sflag:$0x1] =	stream.indirect.gather [hbm4b:s5+s6], $0x10, s2, s6, $0xb8;
	[tilespmem:$0x440] =	vst v63  }
0xd: {  	p0 =	sne.s32 s9, $0x1;
	_ =	swait.ge [sflag:s7], $0x400  }
.Ltmp0:
0xe: {  	[sflag:s7] =	ssyncset.done $0x0;
	(pc) =	sbr.rel @!p0 .LBB2_2-.Ltmp0, $4  }
0xf: {  	s8 =	sadd.s32 $0xC400, s8;
	[sflag:s7] =	ssyncadd.s32 $0xFFFFFC00  }
0x10: {  	[hbm4b:s8+s2] =	stream.linear.scatter [tilespmem:s6], [sflag:$0x2], $0x400, $0x38;
	[tilespmem:$0x440] =	vst v63  }
0x11: {  	_ =	swait.ge [sflag:s3], $0x400  }
0x12: {  	s9 =	sadd.s32 $0xFFFFFFFF, s9;
	[sflag:s3] =	ssyncset.done $0x0  }
.LBB2_1:
0x13: {  	p0 =	sne.s32 s9, $0x1;
	s9 =	sadd.s32 $0xFFFFFFFF, s9;
	[sflag:s3] =	ssyncadd.s32 $0xFFFFFC00  }
0x14: {  	[tilespmem:s2], [sflag:$0x2] =	stream.linear.gather [hbm4b:s4+s2], $0x40, $0x38;
	[tilespmem:$0x440] =	vst v63  }
0x15: {  	_ =	swait.ge [sflag:s3], $0x40  }
0x16: {  	[sflag:s3] =	ssyncset.done $0x0  }
0x17: {  	[sflag:s3] =	ssyncadd.s32 $0xFFFFFFC0  }
0x18: {  	[tilespmem:s6], [sflag:$0x1] =	stream.indirect.gather [hbm4b:s5+s6], $0x10, s2, s6, $0xb8;
	[tilespmem:$0x440] =	vst v63  }
0x19: {  	_ =	swait.ge [sflag:s7], $0x400  }
.Ltmp1:
0x1a: {  	[sflag:s7] =	ssyncset.done $0x0;
	(pc) =	sbr.rel @p0 .LBB2_1-.Ltmp1, $4  }
0x1b: {  	[sflag:s7] =	ssyncadd.s32 $0xFFFFFC00  }
0x1c: {  	[hbm4b:s8+s2] =	stream.linear.scatter [tilespmem:s6], [sflag:$0x2], $0x400, $0x38;
	[tilespmem:$0x440] =	vst v63  }
0x1d: {  	_ =	swait.ge [sflag:s3], $0x400  }
0x1e: {  	[sflag:s3] =	ssyncset.done $0x0  }
.LBB2_2:
0x1f: {  	[sflag:s3] =	ssyncadd.s32 $0xFFFFFC00  }
0x20: {  	_ =	sfence.sel $0x180000  }
0x21: {  	[bflag:$0x0] =	sbarrier.arrive $0xFFFF  }
0x22: {  	p0 =	sne.s32 s0, $0x0;
	_ =	strace $0x9000006E  }
0x23: {  	s0 =	sadd.s32 @!p0 $0x100000, s1;
	[bflag:$0x2] =	sbarrier.arrive $0xFFFF  }
0x24: {  	[sflag:s0] =	ssyncadd.tile.s32 @!p0 $0x1;
	_ =	shalt  }
.Lfunc_end2:
_tile_overlayer_lowered:
.L_overlay_start_2:
0x25: {  	(tag) =	ssettag $0x2  }
0x26: {  	s0 =	rddreg [dreg:$0x0];
	s2 =	stileid.u32  }
0x27: {  	s1 =	rddreg [dreg:$0x1];
	p0 =	sne.s32 s2, $0x0  }
0x28: {  	s3 =	rddreg [dreg:$0x2];
	[bflag:$0x3] =	sbarrier.arrive $0xFFFF;
	s2 =	simm.s32 @!p0 $0x1C02  }
0x29: {  	[timem:s3], [sflag:s2] =	dma.local @!p0 [hbm:s0], s1  }
0x2a: {  	s0 =	simm.s32 @!p0 $0x2  }
0x2b: {  	_ =	swait.ge @!p0 [sflag:s0], s1  }
0x2c: {  	s1 =	ssub.s32 @!p0 $0x0, s1;
	[sflag:s0] =	ssyncset.done @!p0 $0x0  }
0x2d: {  	[sflag:s0] =	ssyncadd.s32 @!p0 s1  }
0x2e: {  	[bflag:$0x3] =	sbarrier.arrive $0xFFFF  }
0x2f: {  	_ =	shalt  }

</sc_bundles>
